<compile_context>
chip_gen: v7x
topology: tpu7x:2x2x1
jax: 0.10.2.dev20260603
libtpu: 0.0.44.dev20260713+nightly
codegen_flags: <defaults>
</compile_context>

<pallas_src>
import numpy as np
import jax
import jax.numpy as jnp
from jax import lax
from jax.experimental import pallas as pl
from jax.experimental.pallas import tpu as pltpu
from jax.experimental.pallas import tpu_sc as plsc

N = 10000
E = 320000
D = 128
H = 64
EPS = 1e-5

NSUB = 16
EPT = E // NSUB
CHUNK = 80
PK = 2 * CHUNK
NCH = EPT // CHUNK
NG = NCH // 2
TILES_IO = 10
RPT = N // TILES_IO
ZR = 8

_t = np.arange(H)
_PERM = (_t // 32) * 32 + (_t % 2) * 16 + (_t % 32) // 2


def _matmul_body(h_ref, w_ref, zlo_ref, zhi_ref):
    z = lax.dot_general(
        h_ref[...], w_ref[...], (((1,), (1,)), ((), ())),
        preferred_element_type=jnp.float32, precision=lax.Precision.HIGHEST)
    zlo_ref[...] = z[:, 0:H].astype(jnp.bfloat16)
    zhi_ref[...] = z[:, H:D].astype(jnp.bfloat16)


def _edge_body(zlo_hbm, zhi_hbm, pidx_hbm, out_hbm,
               acc_sh, zbuf,
               pib0, pib1, pib2, pib3, sci0, sci1,
               zsd0, zsd1, zsd2, zsd3, ct0, ct1,
               sio0, sio1, sio2, sio3, sg0, sg1, sg2, sg3, ssc0, ssc1):
    c = lax.axis_index("c")
    s = lax.axis_index("s")

    pib = (pib0, pib1, pib2, pib3)
    sci = (sci0, sci1)
    zsd = (zsd0, zsd1, zsd2, zsd3)
    ct = (ct0, ct1)
    sio = (sio0, sio1, sio2, sio3)
    sg = (sg0, sg1, sg2, sg3)
    ssc = (ssc0, ssc1)

    def issue_idx(i, b):
        pltpu.async_copy(pidx_hbm.at[pl.ds((s * NCH + i) * PK, PK)],
                         pib[b], sio[b])

    def wait_idx(b):
        pltpu.make_async_copy(pidx_hbm.at[pl.ds(0, PK)], pib[b], sio[b]).wait()

    def issue_gather(b):
        @pl.when(c == 0)
        def _lo():
            pltpu.async_copy(zlo_hbm.at[pib[b]], zsd[b], sg[b])

        @pl.when(c == 1)
        def _hi():
            pltpu.async_copy(zhi_hbm.at[pib[b]], zsd[b], sg[b])

    def wait_gather(b):
        pltpu.make_async_copy(zlo_hbm.at[pib[b]], zsd[b], sg[b]).wait()

    def wait_scatter(b):
        pltpu.make_async_copy(ct[b], acc_sh.at[sci[b]], ssc[b]).wait()

    for u in range(4):
        issue_idx(u, u)

    @pl.when(s < TILES_IO)
    def _zero_acc():
        def zfill(r, carry):
            for k in range(D // 16):
                zbuf[r, pl.ds(16 * k, 16)] = jnp.zeros((16,), jnp.float32)
            return carry

        lax.fori_loop(0, ZR, zfill, 0)

        def zcopy(j, carry):
            pltpu.sync_copy(zbuf, acc_sh.at[pl.ds(s * RPT + j * ZR, ZR)])
            return carry

        lax.fori_loop(0, RPT // ZR, zcopy, 0)

    wait_idx(0)
    issue_gather(0)
    wait_idx(1)
    issue_gather(1)
    plsc.subcore_barrier()

    hi_mask = jnp.full((16,), -65536, dtype=jnp.int32)

    def chunk_step(i, u, main):
        uc = u % 2
        wait_gather(u)

        def drain():
            wait_scatter(uc)

        if isinstance(i, int):
            if i >= 2:
                drain()
        else:
            pl.when(i >= 2)(drain)

        for k in range(CHUNK // 16):
            sci[uc][pl.ds(16 * k, 16)] = pib[u][pl.ds(CHUNK + 16 * k, 16)]

        if main:
            @pl.when(i + 4 < NCH)
            def _next_idx():
                issue_idx(i + 4, u)

            wait_idx((u + 2) % 4)
            issue_gather((u + 2) % 4)

        @plsc.parallel_loop(0, CHUNK, step=1, unroll=4)
        def _rows(r):
            for k2 in range(H // 32):
                ws = plsc.bitcast(
                    zsd[u][r, pl.ds(32 * k2, 32)], jnp.int32)
                wd = plsc.bitcast(
                    zsd[u][CHUNK + r, pl.ds(32 * k2, 32)], jnp.int32)
                sv_lo = lax.bitcast_convert_type(
                    lax.shift_left(ws, 16), jnp.float32)
                sv_hi = lax.bitcast_convert_type(
                    lax.bitwise_and(ws, hi_mask), jnp.float32)
                dv_lo = lax.bitcast_convert_type(
                    lax.shift_left(wd, 16), jnp.float32)
                dv_hi = lax.bitcast_convert_type(
                    lax.bitwise_and(wd, hi_mask), jnp.float32)
                ee_lo = jnp.exp(sv_lo * dv_lo)
                ee_hi = jnp.exp(sv_hi * dv_hi)
                ct[uc][r, pl.ds(32 * k2, 16)] = ee_lo
                ct[uc][r, pl.ds(32 * k2 + 16, 16)] = ee_hi
                ct[uc][r, pl.ds(H + 32 * k2, 16)] = ee_lo * sv_lo
                ct[uc][r, pl.ds(H + 32 * k2 + 16, 16)] = ee_hi * sv_hi

        pltpu.async_copy(ct[uc], acc_sh.at[sci[uc]], ssc[uc], add=True)

    def gloop(g, carry):
        for u in range(4):
            chunk_step(g * 4 + u, u, True)
        return carry

    lax.fori_loop(0, (NCH - 2) // 4, gloop, 0)
    chunk_step(NCH - 2, (NCH - 2) % 4, False)
    chunk_step(NCH - 1, (NCH - 1) % 4, False)
    for uc in range(2):
        wait_scatter(uc)
    plsc.subcore_barrier()

    @pl.when(s < TILES_IO)
    def _dump_acc():
        pltpu.sync_copy(acc_sh.at[pl.ds(s * RPT, RPT)],
                        out_hbm.at[pl.ds(c * N + s * RPT, RPT)])


_edge_kernel = pl.kernel(
    _edge_body,
    out_type=jax.ShapeDtypeStruct((2 * N, D), jnp.float32),
    mesh=plsc.VectorSubcoreMesh(core_axis_name="c", subcore_axis_name="s"),
    scratch_types=[
        pltpu.VMEM_SHARED((N, D), jnp.float32),
        pltpu.VMEM((ZR, D), jnp.float32),
        pltpu.VMEM((PK,), jnp.int32),
        pltpu.VMEM((PK,), jnp.int32),
        pltpu.VMEM((PK,), jnp.int32),
        pltpu.VMEM((PK,), jnp.int32),
        pltpu.VMEM((CHUNK,), jnp.int32),
        pltpu.VMEM((CHUNK,), jnp.int32),
        pltpu.VMEM((PK, H), jnp.bfloat16),
        pltpu.VMEM((PK, H), jnp.bfloat16),
        pltpu.VMEM((PK, H), jnp.bfloat16),
        pltpu.VMEM((PK, H), jnp.bfloat16),
        pltpu.VMEM((CHUNK, D), jnp.float32),
        pltpu.VMEM((CHUNK, D), jnp.float32),
        pltpu.SemaphoreType.DMA,
        pltpu.SemaphoreType.DMA,
        pltpu.SemaphoreType.DMA,
        pltpu.SemaphoreType.DMA,
        pltpu.SemaphoreType.DMA,
        pltpu.SemaphoreType.DMA,
        pltpu.SemaphoreType.DMA,
        pltpu.SemaphoreType.DMA,
        pltpu.SemaphoreType.DMA,
        pltpu.SemaphoreType.DMA,
    ],
    compiler_params=pltpu.CompilerParams(use_tc_tiling_on_sc=False,
                                         needs_layout_passes=False),
)


def _post_body(acc_ref, snorm_ref, gamma_ref, beta_ref, out_ref):
    sn = snorm_ref[...]
    for hh in range(2):
        dnm = acc_ref[hh * N:(hh + 1) * N, 0:H]
        num = acc_ref[hh * N:(hh + 1) * N, H:D]
        dnm = jnp.where(dnm == 0.0, 1.0, dnm)
        hagg = num / dnm * sn
        mu = jnp.mean(hagg, axis=0, keepdims=True)
        xc = hagg - mu
        var = jnp.mean(xc * xc, axis=0, keepdims=True)
        g = gamma_ref[0:1, hh * H:(hh + 1) * H]
        b = beta_ref[0:1, hh * H:(hh + 1) * H]
        y = xc * (g * lax.rsqrt(var + EPS)) + b
        out_ref[:, hh * H:(hh + 1) * H] = jnp.where(y > 0, y, jnp.exp(y) - 1.0)


def kernel(h, edge_index, snorm_n, W_fc, gamma, beta):
    src = edge_index[0].astype(jnp.int32)
    dst = edge_index[1].astype(jnp.int32)
    pidx = jnp.concatenate(
        [src.reshape(-1, CHUNK), dst.reshape(-1, CHUNK)], axis=1).reshape(-1)
    w_perm = W_fc[np.concatenate([_PERM, H + _PERM])]
    z_lo, z_hi = pl.pallas_call(
        _matmul_body,
        out_shape=[jax.ShapeDtypeStruct((N, H), jnp.bfloat16),
                   jax.ShapeDtypeStruct((N, H), jnp.bfloat16)],
    )(h, w_perm)
    acc = _edge_kernel(z_lo, z_hi, pidx)
    out = pl.pallas_call(
        _post_body,
        out_shape=jax.ShapeDtypeStruct((N, D), jnp.float32),
    )(acc, snorm_n, gamma.reshape(1, D), beta.reshape(1, D))
    return out

# --- scband reference (transcript-rebuilt; emitter-appended) ---
"""Pipeline reference for scband-gathead-layer-68101001445814 (READ-ONLY COPY).

The authoritative reference and input builder live on the scoring server;
editing this copy changes nothing except your own understanding.
"""

import jax, jax.numpy as jnp
import numpy as np

N = 10000
E = 320000
D_IN = 128
D_OUT = 128
EPS = 1e-5

def setup_inputs(seed: int = 0) -> dict:
    key = jax.random.key(seed)
    k1, k2, k3, k4, k5, k6 = jax.random.split(key, 6)
    h = jax.random.normal(k1, (N, D_IN), dtype=jnp.float32)
    edge_index = jax.random.randint(k2, (2, E), 0, N, dtype=jnp.int64)
    snorm_n = jax.random.uniform(k3, (N, 1), dtype=jnp.float32)
    # parameters: fc linear (no bias), batchnorm affine params
    W_fc = jax.random.normal(k4, (D_OUT, D_IN), dtype=jnp.float32) / np.sqrt(D_IN)
    gamma = jnp.ones((D_OUT,), dtype=jnp.float32)
    beta = jnp.zeros((D_OUT,), dtype=jnp.float32)
    return {"h": h, "edge_index": edge_index, "snorm_n": snorm_n, "W_fc": W_fc, "gamma": gamma, "beta": beta}

def reference(h, edge_index, snorm_n, W_fc, gamma, beta):
    src = edge_index[0]
    dst = edge_index[1]
    # z = fc(h)
    z = h @ W_fc.T  # [N, D_OUT]
    # edge_self_attention: e = z_src * z_dst (per-channel scores)
    z_src = jnp.take(z, src, axis=0)  # [E, D_OUT]
    z_dst = jnp.take(z, dst, axis=0)  # [E, D_OUT]
    e = z_src * z_dst  # [E, D_OUT]
    # reduce: per-dst-node softmax over incoming edges (per channel), then weighted sum of z_src
    m = jax.ops.segment_max(e, dst, num_segments=N)  # [N, D_OUT]
    e_exp = jnp.exp(e - jnp.take(m, dst, axis=0))  # [E, D_OUT]
    denom = jax.ops.segment_sum(e_exp, dst, num_segments=N)  # [N, D_OUT]
    denom = jnp.where(denom == 0.0, 1.0, denom)
    alpha = e_exp / jnp.take(denom, dst, axis=0)  # [E, D_OUT]
    h_agg = jax.ops.segment_sum(alpha * z_src, dst, num_segments=N)  # [N, D_OUT]
    # graph_norm
    h_out = h_agg * snorm_n
    # batch_norm (training-mode batch statistics, biased variance as in torch BN)
    mu = jnp.mean(h_out, axis=0)
    var = jnp.var(h_out, axis=0)
    h_out = (h_out - mu) / jnp.sqrt(var + EPS) * gamma + beta
    # elu (dropout p=0.0 -> identity)
    h_out = jax.nn.elu(h_out)
    return h_out

if __name__ == "__main__":
    import jax
    _d = setup_inputs()
    print(jax.jit(kernel)(*tuple(_d.values())))

</pallas_src>

<mosaic_0001>
#map = affine_map<(d0, d1) -> (0, 0)>
#map1 = affine_map<(d0, d1) -> (0)>
module attributes {stable_mosaic.version = 14 : i64} {
  func.func @_edge_body(%arg0: i32, %arg1: i32, %arg2: memref<10000x64xbf16, #tpu.memory_space<hbm>>, %arg3: memref<10000x64xbf16, #tpu.memory_space<hbm>>, %arg4: memref<640000xi32, #tpu.memory_space<hbm>>, %arg5: memref<20000x128xf32, #tpu.memory_space<hbm>>, %arg6: memref<10000x128xf32, #tpu.memory_space<vmem_shared>>, %arg7: memref<8x128xf32, #tpu.memory_space<vmem>>, %arg8: memref<160xi32, #tpu.memory_space<vmem>>, %arg9: memref<160xi32, #tpu.memory_space<vmem>>, %arg10: memref<160xi32, #tpu.memory_space<vmem>>, %arg11: memref<160xi32, #tpu.memory_space<vmem>>, %arg12: memref<80xi32, #tpu.memory_space<vmem>>, %arg13: memref<80xi32, #tpu.memory_space<vmem>>, %arg14: memref<160x64xbf16, #tpu.memory_space<vmem>>, %arg15: memref<160x64xbf16, #tpu.memory_space<vmem>>, %arg16: memref<160x64xbf16, #tpu.memory_space<vmem>>, %arg17: memref<160x64xbf16, #tpu.memory_space<vmem>>, %arg18: memref<80x128xf32, #tpu.memory_space<vmem>>, %arg19: memref<80x128xf32, #tpu.memory_space<vmem>>, %arg20: memref<!tpu.dma_semaphore, #tpu.memory_space<semaphore_mem>>, %arg21: memref<!tpu.dma_semaphore, #tpu.memory_space<semaphore_mem>>, %arg22: memref<!tpu.dma_semaphore, #tpu.memory_space<semaphore_mem>>, %arg23: memref<!tpu.dma_semaphore, #tpu.memory_space<semaphore_mem>>, %arg24: memref<!tpu.dma_semaphore, #tpu.memory_space<semaphore_mem>>, %arg25: memref<!tpu.dma_semaphore, #tpu.memory_space<semaphore_mem>>, %arg26: memref<!tpu.dma_semaphore, #tpu.memory_space<semaphore_mem>>, %arg27: memref<!tpu.dma_semaphore, #tpu.memory_space<semaphore_mem>>, %arg28: memref<!tpu.dma_semaphore, #tpu.memory_space<semaphore_mem>>, %arg29: memref<!tpu.dma_semaphore, #tpu.memory_space<semaphore_mem>>) attributes {dimension_semantics = [#tpu.dimension_semantics<core_parallel>, #tpu.dimension_semantics<subcore_parallel>], iteration_bounds = array<i64: 2, 16>, scalar_prefetch = 0 : i64, scratch_operands = 24 : i64, tpu.core_type = #tpu.core_type<sc_vector_subcore>, window_params = [{transform_indices = #map}, {transform_indices = #map}, {transform_indices = #map1}, {transform_indices = #map}]} {
    %mul3A = arith.constant 250 : i32
    %mul3A_0 = arith.muli %arg1, %mul3A : i32
    %add3A = arith.constant 0 : i32
    %add3A_1 = arith.addi %mul3A_0, %add3A : i32
    %mul3A_2 = arith.constant 160 : i32
    %mul3A_3 = arith.muli %add3A_1, %mul3A_2 : i32
    %dma_start3A = tpu.memref_slice %arg4[%mul3A_3] : memref<640000xi32, #tpu.memory_space<hbm>> -> memref<160xi32, #tpu.memory_space<hbm>>
    %dma_start3A_4 = tpu.memref_slice %arg4[%mul3A_3] : memref<640000xi32, #tpu.memory_space<hbm>> -> memref<160xi32, #tpu.memory_space<hbm>>
    tpu.enqueue_dma source(%dma_start3A_4 : memref<160xi32, #tpu.memory_space<hbm>>) target(%arg8 : memref<160xi32, #tpu.memory_space<vmem>>) target_semaphore(%arg20 : memref<!tpu.dma_semaphore, #tpu.memory_space<semaphore_mem>>)
    %mul3A_5 = arith.constant 250 : i32
    %mul3A_6 = arith.muli %arg1, %mul3A_5 : i32
    %add3A_7 = arith.constant 1 : i32
    %add3A_8 = arith.addi %mul3A_6, %add3A_7 : i32
    %mul3A_9 = arith.constant 160 : i32
    %mul3A_10 = arith.muli %add3A_8, %mul3A_9 : i32
    %dma_start3A_11 = tpu.memref_slice %arg4[%mul3A_10] : memref<640000xi32, #tpu.memory_space<hbm>> -> memref<160xi32, #tpu.memory_space<hbm>>
    %dma_start3A_12 = tpu.memref_slice %arg4[%mul3A_10] : memref<640000xi32, #tpu.memory_space<hbm>> -> memref<160xi32, #tpu.memory_space<hbm>>
    tpu.enqueue_dma source(%dma_start3A_12 : memref<160xi32, #tpu.memory_space<hbm>>) target(%arg9 : memref<160xi32, #tpu.memory_space<vmem>>) target_semaphore(%arg21 : memref<!tpu.dma_semaphore, #tpu.memory_space<semaphore_mem>>)
    %mul3A_13 = arith.constant 250 : i32
    %mul3A_14 = arith.muli %arg1, %mul3A_13 : i32
    %add3A_15 = arith.constant 2 : i32
    %add3A_16 = arith.addi %mul3A_14, %add3A_15 : i32
    %mul3A_17 = arith.constant 160 : i32
    %mul3A_18 = arith.muli %add3A_16, %mul3A_17 : i32
    %dma_start3A_19 = tpu.memref_slice %arg4[%mul3A_18] : memref<640000xi32, #tpu.memory_space<hbm>> -> memref<160xi32, #tpu.memory_space<hbm>>
    %dma_start3A_20 = tpu.memref_slice %arg4[%mul3A_18] : memref<640000xi32, #tpu.memory_space<hbm>> -> memref<160xi32, #tpu.memory_space<hbm>>
    tpu.enqueue_dma source(%dma_start3A_20 : memref<160xi32, #tpu.memory_space<hbm>>) target(%arg10 : memref<160xi32, #tpu.memory_space<vmem>>) target_semaphore(%arg22 : memref<!tpu.dma_semaphore, #tpu.memory_space<semaphore_mem>>)
    %mul3A_21 = arith.constant 250 : i32
    %mul3A_22 = arith.muli %arg1, %mul3A_21 : i32
    %add3A_23 = arith.constant 3 : i32
    %add3A_24 = arith.addi %mul3A_22, %add3A_23 : i32
    %mul3A_25 = arith.constant 160 : i32
    %mul3A_26 = arith.muli %add3A_24, %mul3A_25 : i32
    %dma_start3A_27 = tpu.memref_slice %arg4[%mul3A_26] : memref<640000xi32, #tpu.memory_space<hbm>> -> memref<160xi32, #tpu.memory_space<hbm>>
    %dma_start3A_28 = tpu.memref_slice %arg4[%mul3A_26] : memref<640000xi32, #tpu.memory_space<hbm>> -> memref<160xi32, #tpu.memory_space<hbm>>
    tpu.enqueue_dma source(%dma_start3A_28 : memref<160xi32, #tpu.memory_space<hbm>>) target(%arg11 : memref<160xi32, #tpu.memory_space<vmem>>) target_semaphore(%arg23 : memref<!tpu.dma_semaphore, #tpu.memory_space<semaphore_mem>>)
    %lt3A = arith.constant 10 : i32
    %lt3A_29 = arith.cmpi slt, %arg1, %lt3A : i32
    %convert_element_type3A = arith.extui %lt3A_29 : i1 to i32
    %cond3A = arith.constant 0 : i32
    %cond3A_30 = arith.cmpi ne, %convert_element_type3A, %cond3A : i32
    scf.if %cond3A_30 {
      %scan3A_136 = arith.constant 0 : i32
      %scan3A_137 = arith.constant 0 : i32
      %scan3A_138 = arith.constant 8 : i32
      %scan3A_139 = arith.addi %scan3A_137, %scan3A_138 : i32
      %scan3A_140 = arith.constant 1 : i32
      scf.for %scan3A_148 = %scan3A_137 to %scan3A_139 step %scan3A_140  : i32 {
        %broadcast_in_dim3A_149 = arith.constant 0.000000e+00 : f32
        %broadcast_in_dim3A_150 = vector.broadcast %broadcast_in_dim3A_149 : f32 to vector<16xf32>
        %swap3A_151 = arith.index_cast %scan3A_148 : i32 to index
        %swap3A_152 = arith.constant 0 : index
        %swap3A_153 = tpu.vector_load %arg7[%swap3A_151, %swap3A_152] {strides = array<i32>} : memref<8x128xf32, #tpu.memory_space<vmem>>, vector<16xf32>,
        tpu.vector_store %arg7[%swap3A_151, %swap3A_152], %broadcast_in_dim3A_150 {strides = array<i32>} : memref<8x128xf32, #tpu.memory_space<vmem>>, vector<16xf32>,
        %broadcast_in_dim3A_154 = arith.constant 0.000000e+00 : f32
        %broadcast_in_dim3A_155 = vector.broadcast %broadcast_in_dim3A_154 : f32 to vector<16xf32>
        %swap3A_156 = arith.index_cast %scan3A_148 : i32 to index
        %swap3A_157 = arith.constant 16 : index
        %swap3A_158 = tpu.vector_load %arg7[%swap3A_156, %swap3A_157] {strides = array<i32>} : memref<8x128xf32, #tpu.memory_space<vmem>>, vector<16xf32>,
        tpu.vector_store %arg7[%swap3A_156, %swap3A_157], %broadcast_in_dim3A_155 {strides = array<i32>} : memref<8x128xf32, #tpu.memory_space<vmem>>, vector<16xf32>,
        %broadcast_in_dim3A_159 = arith.constant 0.000000e+00 : f32
        %broadcast_in_dim3A_160 = vector.broadcast %broadcast_in_dim3A_159 : f32 to vector<16xf32>
        %swap3A_161 = arith.index_cast %scan3A_148 : i32 to index
        %swap3A_162 = arith.constant 32 : index
        %swap3A_163 = tpu.vector_load %arg7[%swap3A_161, %swap3A_162] {strides = array<i32>} : memref<8x128xf32, #tpu.memory_space<vmem>>, vector<16xf32>,
        tpu.vector_store %arg7[%swap3A_161, %swap3A_162], %broadcast_in_dim3A_160 {strides = array<i32>} : memref<8x128xf32, #tpu.memory_space<vmem>>, vector<16xf32>,
        %broadcast_in_dim3A_164 = arith.constant 0.000000e+00 : f32
        %broadcast_in_dim3A_165 = vector.broadcast %broadcast_in_dim3A_164 : f32 to vector<16xf32>
        %swap3A_166 = arith.index_cast %scan3A_148 : i32 to index
        %swap3A_167 = arith.constant 48 : index
        %swap3A_168 = tpu.vector_load %arg7[%swap3A_166, %swap3A_167] {strides = array<i32>} : memref<8x128xf32, #tpu.memory_space<vmem>>, vector<16xf32>,
        tpu.vector_store %arg7[%swap3A_166, %swap3A_167], %broadcast_in_dim3A_165 {strides = array<i32>} : memref<8x128xf32, #tpu.memory_space<vmem>>, vector<16xf32>,
        %broadcast_in_dim3A_169 = arith.constant 0.000000e+00 : f32
        %broadcast_in_dim3A_170 = vector.broadcast %broadcast_in_dim3A_169 : f32 to vector<16xf32>
        %swap3A_171 = arith.index_cast %scan3A_148 : i32 to index
        %swap3A_172 = arith.constant 64 : index
        %swap3A_173 = tpu.vector_load %arg7[%swap3A_171, %swap3A_172] {strides = array<i32>} : memref<8x128xf32, #tpu.memory_space<vmem>>, vector<16xf32>,
        tpu.vector_store %arg7[%swap3A_171, %swap3A_172], %broadcast_in_dim3A_170 {strides = array<i32>} : memref<8x128xf32, #tpu.memory_space<vmem>>, vector<16xf32>,
        %broadcast_in_dim3A_174 = arith.constant 0.000000e+00 : f32
        %broadcast_in_dim3A_175 = vector.broadcast %broadcast_in_dim3A_174 : f32 to vector<16xf32>
        %swap3A_176 = arith.index_cast %scan3A_148 : i32 to index
        %swap3A_177 = arith.constant 80 : index
        %swap3A_178 = tpu.vector_load %arg7[%swap3A_176, %swap3A_177] {strides = array<i32>} : memref<8x128xf32, #tpu.memory_space<vmem>>, vector<16xf32>,
        tpu.vector_store %arg7[%swap3A_176, %swap3A_177], %broadcast_in_dim3A_175 {strides = array<i32>} : memref<8x128xf32, #tpu.memory_space<vmem>>, vector<16xf32>,
        %broadcast_in_dim3A_179 = arith.constant 0.000000e+00 : f32
        %broadcast_in_dim3A_180 = vector.broadcast %broadcast_in_dim3A_179 : f32 to vector<16xf32>
        %swap3A_181 = arith.index_cast %scan3A_148 : i32 to index
        %swap3A_182 = arith.constant 96 : index
        %swap3A_183 = tpu.vector_load %arg7[%swap3A_181, %swap3A_182] {strides = array<i32>} : memref<8x128xf32, #tpu.memory_space<vmem>>, vector<16xf32>,
        tpu.vector_store %arg7[%swap3A_181, %swap3A_182], %broadcast_in_dim3A_180 {strides = array<i32>} : memref<8x128xf32, #tpu.memory_space<vmem>>, vector<16xf32>,
        %broadcast_in_dim3A_184 = arith.constant 0.000000e+00 : f32
        %broadcast_in_dim3A_185 = vector.broadcast %broadcast_in_dim3A_184 : f32 to vector<16xf32>
        %swap3A_186 = arith.index_cast %scan3A_148 : i32 to index
        %swap3A_187 = arith.constant 112 : index
        %swap3A_188 = tpu.vector_load %arg7[%swap3A_186, %swap3A_187] {strides = array<i32>} : memref<8x128xf32, #tpu.memory_space<vmem>>, vector<16xf32>,
        tpu.vector_store %arg7[%swap3A_186, %swap3A_187], %broadcast_in_dim3A_185 {strides = array<i32>} : memref<8x128xf32, #tpu.memory_space<vmem>>, vector<16xf32>,
      }
      %scan3A_141 = arith.constant 8 : i32
      %scan3A_142 = arith.constant 0 : i32
      %scan3A_143 = arith.constant 0 : i32
      %scan3A_144 = arith.constant 125 : i32
      %scan3A_145 = arith.addi %scan3A_143, %scan3A_144 : i32
      %scan3A_146 = arith.constant 1 : i32
      scf.for %scan3A_148 = %scan3A_143 to %scan3A_145 step %scan3A_146  : i32 {
        %mul3A_149 = arith.constant 1000 : i32
        %mul3A_150 = arith.muli %arg1, %mul3A_149 : i32
        %mul3A_151 = arith.constant 8 : i32
        %mul3A_152 = arith.muli %scan3A_148, %mul3A_151 : i32
        %add3A_153 = arith.addi %mul3A_150, %mul3A_152 : i32
        "tpu.region"() ({
          %run_scoped3A = tpu.sem_alloc : memref<!tpu.dma_semaphore, #tpu.memory_space<semaphore_mem>>
          %dma_start3A_154 = arith.constant 0 : i32
          %dma_start3A_155 = tpu.memref_slice %arg6[%add3A_153, %dma_start3A_154] : memref<10000x128xf32, #tpu.memory_space<vmem_shared>> -> memref<8x128xf32, #tpu.memory_space<vmem_shared>>
          %dma_start3A_156 = arith.constant 0 : i32
          %dma_start3A_157 = tpu.memref_slice %arg6[%add3A_153, %dma_start3A_156] : memref<10000x128xf32, #tpu.memory_space<vmem_shared>> -> memref<8x128xf32, #tpu.memory_space<vmem_shared>>
          tpu.enqueue_dma source(%arg7 : memref<8x128xf32, #tpu.memory_space<vmem>>) target(%dma_start3A_157 : memref<8x128xf32, #tpu.memory_space<vmem_shared>>) target_semaphore(%run_scoped3A : memref<!tpu.dma_semaphore, #tpu.memory_space<semaphore_mem>>)
          %dma_wait3A_158 = arith.constant 0 : i32
          %dma_wait3A_159 = tpu.memref_slice %arg6[%add3A_153, %dma_wait3A_158] : memref<10000x128xf32, #tpu.memory_space<vmem_shared>> -> memref<8x128xf32, #tpu.memory_space<vmem_shared>>
          %dma_wait3A_160 = arith.constant 0 : i32
          %dma_wait3A_161 = tpu.memref_slice %arg6[%add3A_153, %dma_wait3A_160] : memref<10000x128xf32, #tpu.memory_space<vmem_shared>> -> memref<8x128xf32, #tpu.memory_space<vmem_shared>>
          tpu.wait_dma2 semaphore(%run_scoped3A : memref<!tpu.dma_semaphore, #tpu.memory_space<semaphore_mem>>) src(%arg7 : memref<8x128xf32, #tpu.memory_space<vmem>>) dst(%dma_wait3A_161 : memref<8x128xf32, #tpu.memory_space<vmem_shared>>)
          tpu.yield
        }) : () -> ()
      }
      %scan3A_147 = arith.constant 125 : i32
    } else {
    }
    %dma_wait3A = arith.constant 0 : i32
    %dma_wait3A_31 = tpu.memref_slice %arg4[%dma_wait3A] : memref<640000xi32, #tpu.memory_space<hbm>> -> memref<160xi32, #tpu.memory_space<hbm>>
    %dma_wait3A_32 = arith.constant 0 : i32
    %dma_wait3A_33 = tpu.memref_slice %arg4[%dma_wait3A_32] : memref<640000xi32, #tpu.memory_space<hbm>> -> memref<160xi32, #tpu.memory_space<hbm>>
    tpu.wait_dma2 semaphore(%arg20 : memref<!tpu.dma_semaphore, #tpu.memory_space<semaphore_mem>>) src(%dma_wait3A_33 : memref<160xi32, #tpu.memory_space<hbm>>) dst(%arg8 : memref<160xi32, #tpu.memory_space<vmem>>)
    %eq3A = arith.constant 0 : i32
    %eq3A_34 = arith.cmpi eq, %arg0, %eq3A : i32
    %convert_element_type3A_35 = arith.extui %eq3A_34 : i1 to i32
    %cond3A_36 = arith.constant 0 : i32
    %cond3A_37 = arith.cmpi ne, %convert_element_type3A_35, %cond3A_36 : i32
    scf.if %cond3A_37 {
      %dma_start3A_136 = arith.constant 0 : i32
      %dma_start3A_137 = arith.constant 0 : i32
      %dma_start3A_138 = tpu.memref_slice %arg2[%dma_start3A_136, %dma_start3A_137] : memref<10000x64xbf16, #tpu.memory_space<hbm>> -> memref<10000x64xbf16, #tpu.memory_space<hbm>>
      tpu.enqueue_indirect_dma source(%dma_start3A_138 : memref<10000x64xbf16, #tpu.memory_space<hbm>>) target(%arg14 : memref<160x64xbf16, #tpu.memory_space<vmem>>) offsets(%arg8 : memref<160xi32, #tpu.memory_space<vmem>>) semaphore(%arg24 : memref<!tpu.dma_semaphore, #tpu.memory_space<semaphore_mem>>)
    } else {
    }
    %eq3A_38 = arith.constant 1 : i32
    %eq3A_39 = arith.cmpi eq, %arg0, %eq3A_38 : i32
    %convert_element_type3A_40 = arith.extui %eq3A_39 : i1 to i32
    %cond3A_41 = arith.constant 0 : i32
    %cond3A_42 = arith.cmpi ne, %convert_element_type3A_40, %cond3A_41 : i32
    scf.if %cond3A_42 {
      %dma_start3A_136 = arith.constant 0 : i32
      %dma_start3A_137 = arith.constant 0 : i32
      %dma_start3A_138 = tpu.memref_slice %arg3[%dma_start3A_136, %dma_start3A_137] : memref<10000x64xbf16, #tpu.memory_space<hbm>> -> memref<10000x64xbf16, #tpu.memory_space<hbm>>
      tpu.enqueue_indirect_dma source(%dma_start3A_138 : memref<10000x64xbf16, #tpu.memory_space<hbm>>) target(%arg14 : memref<160x64xbf16, #tpu.memory_space<vmem>>) offsets(%arg8 : memref<160xi32, #tpu.memory_space<vmem>>) semaphore(%arg24 : memref<!tpu.dma_semaphore, #tpu.memory_space<semaphore_mem>>)
    } else {
    }
    %dma_wait3A_43 = arith.constant 0 : i32
    %dma_wait3A_44 = tpu.memref_slice %arg4[%dma_wait3A_43] : memref<640000xi32, #tpu.memory_space<hbm>> -> memref<160xi32, #tpu.memory_space<hbm>>
    %dma_wait3A_45 = arith.constant 0 : i32
    %dma_wait3A_46 = tpu.memref_slice %arg4[%dma_wait3A_45] : memref<640000xi32, #tpu.memory_space<hbm>> -> memref<160xi32, #tpu.memory_space<hbm>>
    tpu.wait_dma2 semaphore(%arg21 : memref<!tpu.dma_semaphore, #tpu.memory_space<semaphore_mem>>) src(%dma_wait3A_46 : memref<160xi32, #tpu.memory_space<hbm>>) dst(%arg9 : memref<160xi32, #tpu.memory_space<vmem>>)
    %eq3A_47 = arith.constant 0 : i32
    %eq3A_48 = arith.cmpi eq, %arg0, %eq3A_47 : i32
    %convert_element_type3A_49 = arith.extui %eq3A_48 : i1 to i32
    %cond3A_50 = arith.constant 0 : i32
    %cond3A_51 = arith.cmpi ne, %convert_element_type3A_49, %cond3A_50 : i32
    scf.if %cond3A_51 {
      %dma_start3A_136 = arith.constant 0 : i32
      %dma_start3A_137 = arith.constant 0 : i32
      %dma_start3A_138 = tpu.memref_slice %arg2[%dma_start3A_136, %dma_start3A_137] : memref<10000x64xbf16, #tpu.memory_space<hbm>> -> memref<10000x64xbf16, #tpu.memory_space<hbm>>
      tpu.enqueue_indirect_dma source(%dma_start3A_138 : memref<10000x64xbf16, #tpu.memory_space<hbm>>) target(%arg15 : memref<160x64xbf16, #tpu.memory_space<vmem>>) offsets(%arg9 : memref<160xi32, #tpu.memory_space<vmem>>) semaphore(%arg25 : memref<!tpu.dma_semaphore, #tpu.memory_space<semaphore_mem>>)
    } else {
    }
    %eq3A_52 = arith.constant 1 : i32
    %eq3A_53 = arith.cmpi eq, %arg0, %eq3A_52 : i32
    %convert_element_type3A_54 = arith.extui %eq3A_53 : i1 to i32
    %cond3A_55 = arith.constant 0 : i32
    %cond3A_56 = arith.cmpi ne, %convert_element_type3A_54, %cond3A_55 : i32
    scf.if %cond3A_56 {
      %dma_start3A_136 = arith.constant 0 : i32
      %dma_start3A_137 = arith.constant 0 : i32
      %dma_start3A_138 = tpu.memref_slice %arg3[%dma_start3A_136, %dma_start3A_137] : memref<10000x64xbf16, #tpu.memory_space<hbm>> -> memref<10000x64xbf16, #tpu.memory_space<hbm>>
      tpu.enqueue_indirect_dma source(%dma_start3A_138 : memref<10000x64xbf16, #tpu.memory_space<hbm>>) target(%arg15 : memref<160x64xbf16, #tpu.memory_space<vmem>>) offsets(%arg9 : memref<160xi32, #tpu.memory_space<vmem>>) semaphore(%arg25 : memref<!tpu.dma_semaphore, #tpu.memory_space<semaphore_mem>>)
    } else {
    }
    %barrier3A = arith.constant 0 : index
    tpu.barrier barrier_id(%barrier3A)
    %broadcast_in_dim3A = arith.constant -65536 : i32
    %broadcast_in_dim3A_57 = vector.broadcast %broadcast_in_dim3A : i32 to vector<16xi32>
    %scan3A = arith.constant 0 : i32
    %scan3A_58 = arith.constant 0 : i32
    %scan3A_59 = arith.constant 62 : i32
    %scan3A_60 = arith.addi %scan3A_58, %scan3A_59 : i32
    %scan3A_61 = arith.constant 1 : i32
    scf.for %scan3A_136 = %scan3A_58 to %scan3A_60 step %scan3A_61  : i32 {
      %mul3A_137 = arith.constant 4 : i32
      %mul3A_138 = arith.muli %scan3A_136, %mul3A_137 : i32
      %add3A_139 = arith.constant 0 : i32
      %add3A_140 = arith.addi %mul3A_138, %add3A_139 : i32
      %dma_wait3A_141 = arith.constant 0 : i32
      %dma_wait3A_142 = arith.constant 0 : i32
      %dma_wait3A_143 = tpu.memref_slice %arg2[%dma_wait3A_141, %dma_wait3A_142] : memref<10000x64xbf16, #tpu.memory_space<hbm>> -> memref<10000x64xbf16, #tpu.memory_space<hbm>>
      tpu.wait_indirect_dma semaphore(%arg24 : memref<!tpu.dma_semaphore, #tpu.memory_space<semaphore_mem>>) src(%dma_wait3A_143 : memref<10000x64xbf16, #tpu.memory_space<hbm>>) dst(%arg14 : memref<160x64xbf16, #tpu.memory_space<vmem>>)
      %ge3A = arith.constant 2 : i32
      %ge3A_144 = arith.cmpi sge, %add3A_140, %ge3A : i32
      %convert_element_type3A_145 = arith.extui %ge3A_144 : i1 to i32
      %cond3A_146 = arith.constant 0 : i32
      %cond3A_147 = arith.cmpi ne, %convert_element_type3A_145, %cond3A_146 : i32
      scf.if %cond3A_147 {
        %dma_wait3A_372 = arith.constant 0 : i32
        %dma_wait3A_373 = arith.constant 0 : i32
        %dma_wait3A_374 = tpu.memref_slice %arg6[%dma_wait3A_372, %dma_wait3A_373] : memref<10000x128xf32, #tpu.memory_space<vmem_shared>> -> memref<10000x128xf32, #tpu.memory_space<vmem_shared>>
        tpu.wait_indirect_dma semaphore(%arg28 : memref<!tpu.dma_semaphore, #tpu.memory_space<semaphore_mem>>) src(%arg18 : memref<80x128xf32, #tpu.memory_space<vmem>>) dst(%dma_wait3A_374 : memref<10000x128xf32, #tpu.memory_space<vmem_shared>>)
      } else {
      }
      %get3A_148 = arith.constant 80 : index
      %get3A_149 = tpu.vector_load %arg8[%get3A_148] {strides = array<i32>} : memref<160xi32, #tpu.memory_space<vmem>>, vector<16xi32>,
      %swap3A_150 = arith.constant 0 : index
      %swap3A_151 = tpu.vector_load %arg12[%swap3A_150] {strides = array<i32>} : memref<80xi32, #tpu.memory_space<vmem>>, vector<16xi32>,
      tpu.vector_store %arg12[%swap3A_150], %get3A_149 {strides = array<i32>} : memref<80xi32, #tpu.memory_space<vmem>>, vector<16xi32>,
      %get3A_152 = arith.constant 96 : index
      %get3A_153 = tpu.vector_load %arg8[%get3A_152] {strides = array<i32>} : memref<160xi32, #tpu.memory_space<vmem>>, vector<16xi32>,
      %swap3A_154 = arith.constant 16 : index
      %swap3A_155 = tpu.vector_load %arg12[%swap3A_154] {strides = array<i32>} : memref<80xi32, #tpu.memory_space<vmem>>, vector<16xi32>,
      tpu.vector_store %arg12[%swap3A_154], %get3A_153 {strides = array<i32>} : memref<80xi32, #tpu.memory_space<vmem>>, vector<16xi32>,
      %get3A_156 = arith.constant 112 : index
      %get3A_157 = tpu.vector_load %arg8[%get3A_156] {strides = array<i32>} : memref<160xi32, #tpu.memory_space<vmem>>, vector<16xi32>,
      %swap3A_158 = arith.constant 32 : index
      %swap3A_159 = tpu.vector_load %arg12[%swap3A_158] {strides = array<i32>} : memref<80xi32, #tpu.memory_space<vmem>>, vector<16xi32>,
      tpu.vector_store %arg12[%swap3A_158], %get3A_157 {strides = array<i32>} : memref<80xi32, #tpu.memory_space<vmem>>, vector<16xi32>,
      %get3A_160 = arith.constant 128 : index
      %get3A_161 = tpu.vector_load %arg8[%get3A_160] {strides = array<i32>} : memref<160xi32, #tpu.memory_space<vmem>>, vector<16xi32>,
      %swap3A_162 = arith.constant 48 : index
      %swap3A_163 = tpu.vector_load %arg12[%swap3A_162] {strides = array<i32>} : memref<80xi32, #tpu.memory_space<vmem>>, vector<16xi32>,
      tpu.vector_store %arg12[%swap3A_162], %get3A_161 {strides = array<i32>} : memref<80xi32, #tpu.memory_space<vmem>>, vector<16xi32>,
      %get3A_164 = arith.constant 144 : index
      %get3A_165 = tpu.vector_load %arg8[%get3A_164] {strides = array<i32>} : memref<160xi32, #tpu.memory_space<vmem>>, vector<16xi32>,
      %swap3A_166 = arith.constant 64 : index
      %swap3A_167 = tpu.vector_load %arg12[%swap3A_166] {strides = array<i32>} : memref<80xi32, #tpu.memory_space<vmem>>, vector<16xi32>,
      tpu.vector_store %arg12[%swap3A_166], %get3A_165 {strides = array<i32>} : memref<80xi32, #tpu.memory_space<vmem>>, vector<16xi32>,
      %add3A_168 = arith.constant 4 : i32
      %add3A_169 = arith.addi %add3A_140, %add3A_168 : i32
      %lt3A_170 = arith.constant 250 : i32
      %lt3A_171 = arith.cmpi slt, %add3A_169, %lt3A_170 : i32
      %convert_element_type3A_172 = arith.extui %lt3A_171 : i1 to i32
      %cond3A_173 = arith.constant 0 : i32
      %cond3A_174 = arith.cmpi ne, %convert_element_type3A_172, %cond3A_173 : i32
      scf.if %cond3A_174 {
        %add3A_372 = arith.constant 4 : i32
        %add3A_373 = arith.addi %add3A_140, %add3A_372 : i32
        %mul3A_374 = arith.constant 250 : i32
        %mul3A_375 = arith.muli %arg1, %mul3A_374 : i32
        %add3A_376 = arith.addi %mul3A_375, %add3A_373 : i32
        %mul3A_377 = arith.constant 160 : i32
        %mul3A_378 = arith.muli %add3A_376, %mul3A_377 : i32
        %dma_start3A_379 = tpu.memref_slice %arg4[%mul3A_378] : memref<640000xi32, #tpu.memory_space<hbm>> -> memref<160xi32, #tpu.memory_space<hbm>>
        %dma_start3A_380 = tpu.memref_slice %arg4[%mul3A_378] : memref<640000xi32, #tpu.memory_space<hbm>> -> memref<160xi32, #tpu.memory_space<hbm>>
        tpu.enqueue_dma source(%dma_start3A_380 : memref<160xi32, #tpu.memory_space<hbm>>) target(%arg8 : memref<160xi32, #tpu.memory_space<vmem>>) target_semaphore(%arg20 : memref<!tpu.dma_semaphore, #tpu.memory_space<semaphore_mem>>)
      } else {
      }
      %dma_wait3A_175 = arith.constant 0 : i32
      %dma_wait3A_176 = tpu.memref_slice %arg4[%dma_wait3A_175] : memref<640000xi32, #tpu.memory_space<hbm>> -> memref<160xi32, #tpu.memory_space<hbm>>
      %dma_wait3A_177 = arith.constant 0 : i32
      %dma_wait3A_178 = tpu.memref_slice %arg4[%dma_wait3A_177] : memref<640000xi32, #tpu.memory_space<hbm>> -> memref<160xi32, #tpu.memory_space<hbm>>
      tpu.wait_dma2 semaphore(%arg22 : memref<!tpu.dma_semaphore, #tpu.memory_space<semaphore_mem>>) src(%dma_wait3A_178 : memref<160xi32, #tpu.memory_space<hbm>>) dst(%arg10 : memref<160xi32, #tpu.memory_space<vmem>>)
      %eq3A_179 = arith.constant 0 : i32
      %eq3A_180 = arith.cmpi eq, %arg0, %eq3A_179 : i32
      %convert_element_type3A_181 = arith.extui %eq3A_180 : i1 to i32
      %cond3A_182 = arith.constant 0 : i32
      %cond3A_183 = arith.cmpi ne, %convert_element_type3A_181, %cond3A_182 : i32
      scf.if %cond3A_183 {
        %dma_start3A_372 = arith.constant 0 : i32
        %dma_start3A_373 = arith.constant 0 : i32
        %dma_start3A_374 = tpu.memref_slice %arg2[%dma_start3A_372, %dma_start3A_373] : memref<10000x64xbf16, #tpu.memory_space<hbm>> -> memref<10000x64xbf16, #tpu.memory_space<hbm>>
        tpu.enqueue_indirect_dma source(%dma_start3A_374 : memref<10000x64xbf16, #tpu.memory_space<hbm>>) target(%arg16 : memref<160x64xbf16, #tpu.memory_space<vmem>>) offsets(%arg10 : memref<160xi32, #tpu.memory_space<vmem>>) semaphore(%arg26 : memref<!tpu.dma_semaphore, #tpu.memory_space<semaphore_mem>>)
      } else {
      }
      %eq3A_184 = arith.constant 1 : i32
      %eq3A_185 = arith.cmpi eq, %arg0, %eq3A_184 : i32
      %convert_element_type3A_186 = arith.extui %eq3A_185 : i1 to i32
      %cond3A_187 = arith.constant 0 : i32
      %cond3A_188 = arith.cmpi ne, %convert_element_type3A_186, %cond3A_187 : i32
      scf.if %cond3A_188 {
        %dma_start3A_372 = arith.constant 0 : i32
        %dma_start3A_373 = arith.constant 0 : i32
        %dma_start3A_374 = tpu.memref_slice %arg3[%dma_start3A_372, %dma_start3A_373] : memref<10000x64xbf16, #tpu.memory_space<hbm>> -> memref<10000x64xbf16, #tpu.memory_space<hbm>>
        tpu.enqueue_indirect_dma source(%dma_start3A_374 : memref<10000x64xbf16, #tpu.memory_space<hbm>>) target(%arg16 : memref<160x64xbf16, #tpu.memory_space<vmem>>) offsets(%arg10 : memref<160xi32, #tpu.memory_space<vmem>>) semaphore(%arg26 : memref<!tpu.dma_semaphore, #tpu.memory_space<semaphore_mem>>)
      } else {
      }
      %parallel_loop3A_189 = arith.constant 0 : i32
      %parallel_loop3A_190 = arith.constant 80 : i32
      %parallel_loop3A_191 = arith.constant 1 : i32
      scf.for %parallel_loop3A_372 = %parallel_loop3A_189 to %parallel_loop3A_190 step %parallel_loop3A_191  : i32 {
        %parallel_loop3A_373 = arith.index_cast %parallel_loop3A_372 : i32 to index
        %parallel_loop3A_374 = arith.constant 0 : index
        %parallel_loop3A_375 = tpu.vector_load %arg14[%parallel_loop3A_373, %parallel_loop3A_374] {strides = array<i32>} : memref<160x64xbf16, #tpu.memory_space<vmem>>, vector<32xbf16>,
        %parallel_loop3A_376 = vector.bitcast %parallel_loop3A_375 : vector<32xbf16> to vector<16xi32>
        %parallel_loop3A_377 = arith.constant 80 : i32
        %parallel_loop3A_378 = arith.addi %parallel_loop3A_377, %parallel_loop3A_372 : i32
        %parallel_loop3A_379 = arith.index_cast %parallel_loop3A_378 : i32 to index
        %parallel_loop3A_380 = arith.constant 0 : index
        %parallel_loop3A_381 = tpu.vector_load %arg14[%parallel_loop3A_379, %parallel_loop3A_380] {strides = array<i32>} : memref<160x64xbf16, #tpu.memory_space<vmem>>, vector<32xbf16>,
        %parallel_loop3A_382 = vector.bitcast %parallel_loop3A_381 : vector<32xbf16> to vector<16xi32>
        %parallel_loop3A_383 = arith.constant 16 : i32
        %parallel_loop3A_384 = vector.broadcast %parallel_loop3A_383 : i32 to vector<16xi32>
        %parallel_loop3A_385 = arith.shli %parallel_loop3A_376, %parallel_loop3A_384 : vector<16xi32>
        %parallel_loop3A_386 = tpu.bitcast %parallel_loop3A_385 : vector<16xi32> -> vector<16xf32>
        %parallel_loop3A_387 = arith.andi %parallel_loop3A_376, %broadcast_in_dim3A_57 : vector<16xi32>
        %parallel_loop3A_388 = tpu.bitcast %parallel_loop3A_387 : vector<16xi32> -> vector<16xf32>
        %parallel_loop3A_389 = arith.constant 16 : i32
        %parallel_loop3A_390 = vector.broadcast %parallel_loop3A_389 : i32 to vector<16xi32>
        %parallel_loop3A_391 = arith.shli %parallel_loop3A_382, %parallel_loop3A_390 : vector<16xi32>
        %parallel_loop3A_392 = tpu.bitcast %parallel_loop3A_391 : vector<16xi32> -> vector<16xf32>
        %parallel_loop3A_393 = arith.andi %parallel_loop3A_382, %broadcast_in_dim3A_57 : vector<16xi32>
        %parallel_loop3A_394 = tpu.bitcast %parallel_loop3A_393 : vector<16xi32> -> vector<16xf32>
        %parallel_loop3A_395 = arith.mulf %parallel_loop3A_386, %parallel_loop3A_392 : vector<16xf32>
        %parallel_loop3A_396 = math.exp %parallel_loop3A_395 : vector<16xf32>
        %parallel_loop3A_397 = arith.mulf %parallel_loop3A_388, %parallel_loop3A_394 : vector<16xf32>
        %parallel_loop3A_398 = math.exp %parallel_loop3A_397 : vector<16xf32>
        %parallel_loop3A_399 = arith.index_cast %parallel_loop3A_372 : i32 to index
        %parallel_loop3A_400 = arith.constant 0 : index
        %parallel_loop3A_401 = tpu.vector_load %arg18[%parallel_loop3A_399, %parallel_loop3A_400] {strides = array<i32>} : memref<80x128xf32, #tpu.memory_space<vmem>>, vector<16xf32>,
        tpu.vector_store %arg18[%parallel_loop3A_399, %parallel_loop3A_400], %parallel_loop3A_396 {strides = array<i32>} : memref<80x128xf32, #tpu.memory_space<vmem>>, vector<16xf32>,
        %parallel_loop3A_402 = arith.index_cast %parallel_loop3A_372 : i32 to index
        %parallel_loop3A_403 = arith.constant 16 : index
        %parallel_loop3A_404 = tpu.vector_load %arg18[%parallel_loop3A_402, %parallel_loop3A_403] {strides = array<i32>} : memref<80x128xf32, #tpu.memory_space<vmem>>, vector<16xf32>,
        tpu.vector_store %arg18[%parallel_loop3A_402, %parallel_loop3A_403], %parallel_loop3A_398 {strides = array<i32>} : memref<80x128xf32, #tpu.memory_space<vmem>>, vector<16xf32>,
        %parallel_loop3A_405 = arith.mulf %parallel_loop3A_396, %parallel_loop3A_386 : vector<16xf32>
        %parallel_loop3A_406 = arith.index_cast %parallel_loop3A_372 : i32 to index
        %parallel_loop3A_407 = arith.constant 64 : index
        %parallel_loop3A_408 = tpu.vector_load %arg18[%parallel_loop3A_406, %parallel_loop3A_407] {strides = array<i32>} : memref<80x128xf32, #tpu.memory_space<vmem>>, vector<16xf32>,
        tpu.vector_store %arg18[%parallel_loop3A_406, %parallel_loop3A_407], %parallel_loop3A_405 {strides = array<i32>} : memref<80x128xf32, #tpu.memory_space<vmem>>, vector<16xf32>,
        %parallel_loop3A_409 = arith.mulf %parallel_loop3A_398, %parallel_loop3A_388 : vector<16xf32>
        %parallel_loop3A_410 = arith.index_cast %parallel_loop3A_372 : i32 to index
        %parallel_loop3A_411 = arith.constant 80 : index
        %parallel_loop3A_412 = tpu.vector_load %arg18[%parallel_loop3A_410, %parallel_loop3A_411] {strides = array<i32>} : memref<80x128xf32, #tpu.memory_space<vmem>>, vector<16xf32>,
        tpu.vector_store %arg18[%parallel_loop3A_410, %parallel_loop3A_411], %parallel_loop3A_409 {strides = array<i32>} : memref<80x128xf32, #tpu.memory_space<vmem>>, vector<16xf32>,
        %parallel_loop3A_413 = arith.index_cast %parallel_loop3A_372 : i32 to index
        %parallel_loop3A_414 = arith.constant 32 : index
        %parallel_loop3A_415 = tpu.vector_load %arg14[%parallel_loop3A_413, %parallel_loop3A_414] {strides = array<i32>} : memref<160x64xbf16, #tpu.memory_space<vmem>>, vector<32xbf16>,
        %parallel_loop3A_416 = vector.bitcast %parallel_loop3A_415 : vector<32xbf16> to vector<16xi32>
        %parallel_loop3A_417 = arith.constant 80 : i32
        %parallel_loop3A_418 = arith.addi %parallel_loop3A_417, %parallel_loop3A_372 : i32
        %parallel_loop3A_419 = arith.index_cast %parallel_loop3A_418 : i32 to index
        %parallel_loop3A_420 = arith.constant 32 : index
        %parallel_loop3A_421 = tpu.vector_load %arg14[%parallel_loop3A_419, %parallel_loop3A_420] {strides = array<i32>} : memref<160x64xbf16, #tpu.memory_space<vmem>>, vector<32xbf16>,
        %parallel_loop3A_422 = vector.bitcast %parallel_loop3A_421 : vector<32xbf16> to vector<16xi32>
        %parallel_loop3A_423 = arith.constant 16 : i32
        %parallel_loop3A_424 = vector.broadcast %parallel_loop3A_423 : i32 to vector<16xi32>
        %parallel_loop3A_425 = arith.shli %parallel_loop3A_416, %parallel_loop3A_424 : vector<16xi32>
        %parallel_loop3A_426 = tpu.bitcast %parallel_loop3A_425 : vector<16xi32> -> vector<16xf32>
        %parallel_loop3A_427 = arith.andi %parallel_loop3A_416, %broadcast_in_dim3A_57 : vector<16xi32>
        %parallel_loop3A_428 = tpu.bitcast %parallel_loop3A_427 : vector<16xi32> -> vector<16xf32>
        %parallel_loop3A_429 = arith.constant 16 : i32
        %parallel_loop3A_430 = vector.broadcast %parallel_loop3A_429 : i32 to vector<16xi32>
        %parallel_loop3A_431 = arith.shli %parallel_loop3A_422, %parallel_loop3A_430 : vector<16xi32>
        %parallel_loop3A_432 = tpu.bitcast %parallel_loop3A_431 : vector<16xi32> -> vector<16xf32>
        %parallel_loop3A_433 = arith.andi %parallel_loop3A_422, %broadcast_in_dim3A_57 : vector<16xi32>
        %parallel_loop3A_434 = tpu.bitcast %parallel_loop3A_433 : vector<16xi32> -> vector<16xf32>
        %parallel_loop3A_435 = arith.mulf %parallel_loop3A_426, %parallel_loop3A_432 : vector<16xf32>
        %parallel_loop3A_436 = math.exp %parallel_loop3A_435 : vector<16xf32>
        %parallel_loop3A_437 = arith.mulf %parallel_loop3A_428, %parallel_loop3A_434 : vector<16xf32>
        %parallel_loop3A_438 = math.exp %parallel_loop3A_437 : vector<16xf32>
        %parallel_loop3A_439 = arith.index_cast %parallel_loop3A_372 : i32 to index
        %parallel_loop3A_440 = arith.constant 32 : index
        %parallel_loop3A_441 = tpu.vector_load %arg18[%parallel_loop3A_439, %parallel_loop3A_440] {strides = array<i32>} : memref<80x128xf32, #tpu.memory_space<vmem>>, vector<16xf32>,
        tpu.vector_store %arg18[%parallel_loop3A_439, %parallel_loop3A_440], %parallel_loop3A_436 {strides = array<i32>} : memref<80x128xf32, #tpu.memory_space<vmem>>, vector<16xf32>,
        %parallel_loop3A_442 = arith.index_cast %parallel_loop3A_372 : i32 to index
        %parallel_loop3A_443 = arith.constant 48 : index
        %parallel_loop3A_444 = tpu.vector_load %arg18[%parallel_loop3A_442, %parallel_loop3A_443] {strides = array<i32>} : memref<80x128xf32, #tpu.memory_space<vmem>>, vector<16xf32>,
        tpu.vector_store %arg18[%parallel_loop3A_442, %parallel_loop3A_443], %parallel_loop3A_438 {strides = array<i32>} : memref<80x128xf32, #tpu.memory_space<vmem>>, vector<16xf32>,
        %parallel_loop3A_445 = arith.mulf %parallel_loop3A_436, %parallel_loop3A_426 : vector<16xf32>
        %parallel_loop3A_446 = arith.index_cast %parallel_loop3A_372 : i32 to index
        %parallel_loop3A_447 = arith.constant 96 : index
        %parallel_loop3A_448 = tpu.vector_load %arg18[%parallel_loop3A_446, %parallel_loop3A_447] {strides = array<i32>} : memref<80x128xf32, #tpu.memory_space<vmem>>, vector<16xf32>,
        tpu.vector_store %arg18[%parallel_loop3A_446, %parallel_loop3A_447], %parallel_loop3A_445 {strides = array<i32>} : memref<80x128xf32, #tpu.memory_space<vmem>>, vector<16xf32>,
        %parallel_loop3A_449 = arith.mulf %parallel_loop3A_438, %parallel_loop3A_428 : vector<16xf32>
        %parallel_loop3A_450 = arith.index_cast %parallel_loop3A_372 : i32 to index
        %parallel_loop3A_451 = arith.constant 112 : index
        %parallel_loop3A_452 = tpu.vector_load %arg18[%parallel_loop3A_450, %parallel_loop3A_451] {strides = array<i32>} : memref<80x128xf32, #tpu.memory_space<vmem>>, vector<16xf32>,
        tpu.vector_store %arg18[%parallel_loop3A_450, %parallel_loop3A_451], %parallel_loop3A_449 {strides = array<i32>} : memref<80x128xf32, #tpu.memory_space<vmem>>, vector<16xf32>,
      } {sc.loop_unroll_factor = 4 : i64, sc.parallel_access}
      %dma_start3A_192 = arith.constant 0 : i32
      %dma_start3A_193 = arith.constant 0 : i32
      %dma_start3A_194 = tpu.memref_slice %arg6[%dma_start3A_192, %dma_start3A_193] : memref<10000x128xf32, #tpu.memory_space<vmem_shared>> -> memref<10000x128xf32, #tpu.memory_space<vmem_shared>>
      tpu.enqueue_indirect_dma source(%arg18 : memref<80x128xf32, #tpu.memory_space<vmem>>) target(%dma_start3A_194 : memref<10000x128xf32, #tpu.memory_space<vmem_shared>>) offsets(%arg12 : memref<80xi32, #tpu.memory_space<vmem>>) semaphore(%arg28 : memref<!tpu.dma_semaphore, #tpu.memory_space<semaphore_mem>>) {add = true}
      %mul3A_195 = arith.constant 4 : i32
      %mul3A_196 = arith.muli %scan3A_136, %mul3A_195 : i32
      %add3A_197 = arith.constant 1 : i32
      %add3A_198 = arith.addi %mul3A_196, %add3A_197 : i32
      %dma_wait3A_199 = arith.constant 0 : i32
      %dma_wait3A_200 = arith.constant 0 : i32
      %dma_wait3A_201 = tpu.memref_slice %arg2[%dma_wait3A_199, %dma_wait3A_200] : memref<10000x64xbf16, #tpu.memory_space<hbm>> -> memref<10000x64xbf16, #tpu.memory_space<hbm>>
      tpu.wait_indirect_dma semaphore(%arg25 : memref<!tpu.dma_semaphore, #tpu.memory_space<semaphore_mem>>) src(%dma_wait3A_201 : memref<10000x64xbf16, #tpu.memory_space<hbm>>) dst(%arg15 : memref<160x64xbf16, #tpu.memory_space<vmem>>)
      %ge3A_202 = arith.constant 2 : i32
      %ge3A_203 = arith.cmpi sge, %add3A_198, %ge3A_202 : i32
      %convert_element_type3A_204 = arith.extui %ge3A_203 : i1 to i32
      %cond3A_205 = arith.constant 0 : i32
      %cond3A_206 = arith.cmpi ne, %convert_element_type3A_204, %cond3A_205 : i32
      scf.if %cond3A_206 {
        %dma_wait3A_372 = arith.constant 0 : i32
        %dma_wait3A_373 = arith.constant 0 : i32
        %dma_wait3A_374 = tpu.memref_slice %arg6[%dma_wait3A_372, %dma_wait3A_373] : memref<10000x128xf32, #tpu.memory_space<vmem_shared>> -> memref<10000x128xf32, #tpu.memory_space<vmem_shared>>
        tpu.wait_indirect_dma semaphore(%arg29 : memref<!tpu.dma_semaphore, #tpu.memory_space<semaphore_mem>>) src(%arg19 : memref<80x128xf32, #tpu.memory_space<vmem>>) dst(%dma_wait3A_374 : memref<10000x128xf32, #tpu.memory_space<vmem_shared>>)
      } else {
      }
      %get3A_207 = arith.constant 80 : index
      %get3A_208 = tpu.vector_load %arg9[%get3A_207] {strides = array<i32>} : memref<160xi32, #tpu.memory_space<vmem>>, vector<16xi32>,
      %swap3A_209 = arith.constant 0 : index
      %swap3A_210 = tpu.vector_load %arg13[%swap3A_209] {strides = array<i32>} : memref<80xi32, #tpu.memory_space<vmem>>, vector<16xi32>,
      tpu.vector_store %arg13[%swap3A_209], %get3A_208 {strides = array<i32>} : memref<80xi32, #tpu.memory_space<vmem>>, vector<16xi32>,
      %get3A_211 = arith.constant 96 : index
      %get3A_212 = tpu.vector_load %arg9[%get3A_211] {strides = array<i32>} : memref<160xi32, #tpu.memory_space<vmem>>, vector<16xi32>,
      %swap3A_213 = arith.constant 16 : index
      %swap3A_214 = tpu.vector_load %arg13[%swap3A_213] {strides = array<i32>} : memref<80xi32, #tpu.memory_space<vmem>>, vector<16xi32>,
      tpu.vector_store %arg13[%swap3A_213], %get3A_212 {strides = array<i32>} : memref<80xi32, #tpu.memory_space<vmem>>, vector<16xi32>,
      %get3A_215 = arith.constant 112 : index
      %get3A_216 = tpu.vector_load %arg9[%get3A_215] {strides = array<i32>} : memref<160xi32, #tpu.memory_space<vmem>>, vector<16xi32>,
      %swap3A_217 = arith.constant 32 : index
      %swap3A_218 = tpu.vector_load %arg13[%swap3A_217] {strides = array<i32>} : memref<80xi32, #tpu.memory_space<vmem>>, vector<16xi32>,
      tpu.vector_store %arg13[%swap3A_217], %get3A_216 {strides = array<i32>} : memref<80xi32, #tpu.memory_space<vmem>>, vector<16xi32>,
      %get3A_219 = arith.constant 128 : index
      %get3A_220 = tpu.vector_load %arg9[%get3A_219] {strides = array<i32>} : memref<160xi32, #tpu.memory_space<vmem>>, vector<16xi32>,
      %swap3A_221 = arith.constant 48 : index
      %swap3A_222 = tpu.vector_load %arg13[%swap3A_221] {strides = array<i32>} : memref<80xi32, #tpu.memory_space<vmem>>, vector<16xi32>,
      tpu.vector_store %arg13[%swap3A_221], %get3A_220 {strides = array<i32>} : memref<80xi32, #tpu.memory_space<vmem>>, vector<16xi32>,
      %get3A_223 = arith.constant 144 : index
      %get3A_224 = tpu.vector_load %arg9[%get3A_223] {strides = array<i32>} : memref<160xi32, #tpu.memory_space<vmem>>, vector<16xi32>,
      %swap3A_225 = arith.constant 64 : index
      %swap3A_226 = tpu.vector_load %arg13[%swap3A_225] {strides = array<i32>} : memref<80xi32, #tpu.memory_space<vmem>>, vector<16xi32>,
      tpu.vector_store %arg13[%swap3A_225], %get3A_224 {strides = array<i32>} : memref<80xi32, #tpu.memory_space<vmem>>, vector<16xi32>,
      %add3A_227 = arith.constant 4 : i32
      %add3A_228 = arith.addi %add3A_198, %add3A_227 : i32
      %lt3A_229 = arith.constant 250 : i32
      %lt3A_230 = arith.cmpi slt, %add3A_228, %lt3A_229 : i32
      %convert_element_type3A_231 = arith.extui %lt3A_230 : i1 to i32
      %cond3A_232 = arith.constant 0 : i32
      %cond3A_233 = arith.cmpi ne, %convert_element_type3A_231, %cond3A_232 : i32
      scf.if %cond3A_233 {
        %add3A_372 = arith.constant 4 : i32
        %add3A_373 = arith.addi %add3A_198, %add3A_372 : i32
        %mul3A_374 = arith.constant 250 : i32
        %mul3A_375 = arith.muli %arg1, %mul3A_374 : i32
        %add3A_376 = arith.addi %mul3A_375, %add3A_373 : i32
        %mul3A_377 = arith.constant 160 : i32
        %mul3A_378 = arith.muli %add3A_376, %mul3A_377 : i32
        %dma_start3A_379 = tpu.memref_slice %arg4[%mul3A_378] : memref<640000xi32, #tpu.memory_space<hbm>> -> memref<160xi32, #tpu.memory_space<hbm>>
        %dma_start3A_380 = tpu.memref_slice %arg4[%mul3A_378] : memref<640000xi32, #tpu.memory_space<hbm>> -> memref<160xi32, #tpu.memory_space<hbm>>
        tpu.enqueue_dma source(%dma_start3A_380 : memref<160xi32, #tpu.memory_space<hbm>>) target(%arg9 : memref<160xi32, #tpu.memory_space<vmem>>) target_semaphore(%arg21 : memref<!tpu.dma_semaphore, #tpu.memory_space<semaphore_mem>>)
      } else {
      }
      %dma_wait3A_234 = arith.constant 0 : i32
      %dma_wait3A_235 = tpu.memref_slice %arg4[%dma_wait3A_234] : memref<640000xi32, #tpu.memory_space<hbm>> -> memref<160xi32, #tpu.memory_space<hbm>>
      %dma_wait3A_236 = arith.constant 0 : i32
      %dma_wait3A_237 = tpu.memref_slice %arg4[%dma_wait3A_236] : memref<640000xi32, #tpu.memory_space<hbm>> -> memref<160xi32, #tpu.memory_space<hbm>>
      tpu.wait_dma2 semaphore(%arg23 : memref<!tpu.dma_semaphore, #tpu.memory_space<semaphore_mem>>) src(%dma_wait3A_237 : memref<160xi32, #tpu.memory_space<hbm>>) dst(%arg11 : memref<160xi32, #tpu.memory_space<vmem>>)
      %eq3A_238 = arith.constant 0 : i32
      %eq3A_239 = arith.cmpi eq, %arg0, %eq3A_238 : i32
      %convert_element_type3A_240 = arith.extui %eq3A_239 : i1 to i32
      %cond3A_241 = arith.constant 0 : i32
      %cond3A_242 = arith.cmpi ne, %convert_element_type3A_240, %cond3A_241 : i32
      scf.if %cond3A_242 {
        %dma_start3A_372 = arith.constant 0 : i32
        %dma_start3A_373 = arith.constant 0 : i32
        %dma_start3A_374 = tpu.memref_slice %arg2[%dma_start3A_372, %dma_start3A_373] : memref<10000x64xbf16, #tpu.memory_space<hbm>> -> memref<10000x64xbf16, #tpu.memory_space<hbm>>
        tpu.enqueue_indirect_dma source(%dma_start3A_374 : memref<10000x64xbf16, #tpu.memory_space<hbm>>) target(%arg17 : memref<160x64xbf16, #tpu.memory_space<vmem>>) offsets(%arg11 : memref<160xi32, #tpu.memory_space<vmem>>) semaphore(%arg27 : memref<!tpu.dma_semaphore, #tpu.memory_space<semaphore_mem>>)
      } else {
      }
      %eq3A_243 = arith.constant 1 : i32
      %eq3A_244 = arith.cmpi eq, %arg0, %eq3A_243 : i32
      %convert_element_type3A_245 = arith.extui %eq3A_244 : i1 to i32
      %cond3A_246 = arith.constant 0 : i32
      %cond3A_247 = arith.cmpi ne, %convert_element_type3A_245, %cond3A_246 : i32
      scf.if %cond3A_247 {
        %dma_start3A_372 = arith.constant 0 : i32
        %dma_start3A_373 = arith.constant 0 : i32
        %dma_start3A_374 = tpu.memref_slice %arg3[%dma_start3A_372, %dma_start3A_373] : memref<10000x64xbf16, #tpu.memory_space<hbm>> -> memref<10000x64xbf16, #tpu.memory_space<hbm>>
        tpu.enqueue_indirect_dma source(%dma_start3A_374 : memref<10000x64xbf16, #tpu.memory_space<hbm>>) target(%arg17 : memref<160x64xbf16, #tpu.memory_space<vmem>>) offsets(%arg11 : memref<160xi32, #tpu.memory_space<vmem>>) semaphore(%arg27 : memref<!tpu.dma_semaphore, #tpu.memory_space<semaphore_mem>>)
      } else {
      }
      %parallel_loop3A_248 = arith.constant 0 : i32
      %parallel_loop3A_249 = arith.constant 80 : i32
      %parallel_loop3A_250 = arith.constant 1 : i32
      scf.for %parallel_loop3A_372 = %parallel_loop3A_248 to %parallel_loop3A_249 step %parallel_loop3A_250  : i32 {
        %parallel_loop3A_373 = arith.index_cast %parallel_loop3A_372 : i32 to index
        %parallel_loop3A_374 = arith.constant 0 : index
        %parallel_loop3A_375 = tpu.vector_load %arg15[%parallel_loop3A_373, %parallel_loop3A_374] {strides = array<i32>} : memref<160x64xbf16, #tpu.memory_space<vmem>>, vector<32xbf16>,
        %parallel_loop3A_376 = vector.bitcast %parallel_loop3A_375 : vector<32xbf16> to vector<16xi32>
        %parallel_loop3A_377 = arith.constant 80 : i32
        %parallel_loop3A_378 = arith.addi %parallel_loop3A_377, %parallel_loop3A_372 : i32
        %parallel_loop3A_379 = arith.index_cast %parallel_loop3A_378 : i32 to index
        %parallel_loop3A_380 = arith.constant 0 : index
        %parallel_loop3A_381 = tpu.vector_load %arg15[%parallel_loop3A_379, %parallel_loop3A_380] {strides = array<i32>} : memref<160x64xbf16, #tpu.memory_space<vmem>>, vector<32xbf16>,
        %parallel_loop3A_382 = vector.bitcast %parallel_loop3A_381 : vector<32xbf16> to vector<16xi32>
        %parallel_loop3A_383 = arith.constant 16 : i32
        %parallel_loop3A_384 = vector.broadcast %parallel_loop3A_383 : i32 to vector<16xi32>
        %parallel_loop3A_385 = arith.shli %parallel_loop3A_376, %parallel_loop3A_384 : vector<16xi32>
        %parallel_loop3A_386 = tpu.bitcast %parallel_loop3A_385 : vector<16xi32> -> vector<16xf32>
        %parallel_loop3A_387 = arith.andi %parallel_loop3A_376, %broadcast_in_dim3A_57 : vector<16xi32>
        %parallel_loop3A_388 = tpu.bitcast %parallel_loop3A_387 : vector<16xi32> -> vector<16xf32>
        %parallel_loop3A_389 = arith.constant 16 : i32
        %parallel_loop3A_390 = vector.broadcast %parallel_loop3A_389 : i32 to vector<16xi32>
        %parallel_loop3A_391 = arith.shli %parallel_loop3A_382, %parallel_loop3A_390 : vector<16xi32>
        %parallel_loop3A_392 = tpu.bitcast %parallel_loop3A_391 : vector<16xi32> -> vector<16xf32>
        %parallel_loop3A_393 = arith.andi %parallel_loop3A_382, %broadcast_in_dim3A_57 : vector<16xi32>
        %parallel_loop3A_394 = tpu.bitcast %parallel_loop3A_393 : vector<16xi32> -> vector<16xf32>
        %parallel_loop3A_395 = arith.mulf %parallel_loop3A_386, %parallel_loop3A_392 : vector<16xf32>
        %parallel_loop3A_396 = math.exp %parallel_loop3A_395 : vector<16xf32>
        %parallel_loop3A_397 = arith.mulf %parallel_loop3A_388, %parallel_loop3A_394 : vector<16xf32>
        %parallel_loop3A_398 = math.exp %parallel_loop3A_397 : vector<16xf32>
        %parallel_loop3A_399 = arith.index_cast %parallel_loop3A_372 : i32 to index
        %parallel_loop3A_400 = arith.constant 0 : index
        %parallel_loop3A_401 = tpu.vector_load %arg19[%parallel_loop3A_399, %parallel_loop3A_400] {strides = array<i32>} : memref<80x128xf32, #tpu.memory_space<vmem>>, vector<16xf32>,
        tpu.vector_store %arg19[%parallel_loop3A_399, %parallel_loop3A_400], %parallel_loop3A_396 {strides = array<i32>} : memref<80x128xf32, #tpu.memory_space<vmem>>, vector<16xf32>,
        %parallel_loop3A_402 = arith.index_cast %parallel_loop3A_372 : i32 to index
        %parallel_loop3A_403 = arith.constant 16 : index
        %parallel_loop3A_404 = tpu.vector_load %arg19[%parallel_loop3A_402, %parallel_loop3A_403] {strides = array<i32>} : memref<80x128xf32, #tpu.memory_space<vmem>>, vector<16xf32>,
        tpu.vector_store %arg19[%parallel_loop3A_402, %parallel_loop3A_403], %parallel_loop3A_398 {strides = array<i32>} : memref<80x128xf32, #tpu.memory_space<vmem>>, vector<16xf32>,
        %parallel_loop3A_405 = arith.mulf %parallel_loop3A_396, %parallel_loop3A_386 : vector<16xf32>
        %parallel_loop3A_406 = arith.index_cast %parallel_loop3A_372 : i32 to index
        %parallel_loop3A_407 = arith.constant 64 : index
        %parallel_loop3A_408 = tpu.vector_load %arg19[%parallel_loop3A_406, %parallel_loop3A_407] {strides = array<i32>} : memref<80x128xf32, #tpu.memory_space<vmem>>, vector<16xf32>,
        tpu.vector_store %arg19[%parallel_loop3A_406, %parallel_loop3A_407], %parallel_loop3A_405 {strides = array<i32>} : memref<80x128xf32, #tpu.memory_space<vmem>>, vector<16xf32>,
        %parallel_loop3A_409 = arith.mulf %parallel_loop3A_398, %parallel_loop3A_388 : vector<16xf32>
        %parallel_loop3A_410 = arith.index_cast %parallel_loop3A_372 : i32 to index
        %parallel_loop3A_411 = arith.constant 80 : index
        %parallel_loop3A_412 = tpu.vector_load %arg19[%parallel_loop3A_410, %parallel_loop3A_411] {strides = array<i32>} : memref<80x128xf32, #tpu.memory_space<vmem>>, vector<16xf32>,
        tpu.vector_store %arg19[%parallel_loop3A_410, %parallel_loop3A_411], %parallel_loop3A_409 {strides = array<i32>} : memref<80x128xf32, #tpu.memory_space<vmem>>, vector<16xf32>,
        %parallel_loop3A_413 = arith.index_cast %parallel_loop3A_372 : i32 to index
        %parallel_loop3A_414 = arith.constant 32 : index
        %parallel_loop3A_415 = tpu.vector_load %arg15[%parallel_loop3A_413, %parallel_loop3A_414] {strides = array<i32>} : memref<160x64xbf16, #tpu.memory_space<vmem>>, vector<32xbf16>,
        %parallel_loop3A_416 = vector.bitcast %parallel_loop3A_415 : vector<32xbf16> to vector<16xi32>
        %parallel_loop3A_417 = arith.constant 80 : i32
        %parallel_loop3A_418 = arith.addi %parallel_loop3A_417, %parallel_loop3A_372 : i32
        %parallel_loop3A_419 = arith.index_cast %parallel_loop3A_418 : i32 to index
        %parallel_loop3A_420 = arith.constant 32 : index
        %parallel_loop3A_421 = tpu.vector_load %arg15[%parallel_loop3A_419, %parallel_loop3A_420] {strides = array<i32>} : memref<160x64xbf16, #tpu.memory_space<vmem>>, vector<32xbf16>,
        %parallel_loop3A_422 = vector.bitcast %parallel_loop3A_421 : vector<32xbf16> to vector<16xi32>
        %parallel_loop3A_423 = arith.constant 16 : i32
        %parallel_loop3A_424 = vector.broadcast %parallel_loop3A_423 : i32 to vector<16xi32>
        %parallel_loop3A_425 = arith.shli %parallel_loop3A_416, %parallel_loop3A_424 : vector<16xi32>
        %parallel_loop3A_426 = tpu.bitcast %parallel_loop3A_425 : vector<16xi32> -> vector<16xf32>
        %parallel_loop3A_427 = arith.andi %parallel_loop3A_416, %broadcast_in_dim3A_57 : vector<16xi32>
        %parallel_loop3A_428 = tpu.bitcast %parallel_loop3A_427 : vector<16xi32> -> vector<16xf32>
        %parallel_loop3A_429 = arith.constant 16 : i32
        %parallel_loop3A_430 = vector.broadcast %parallel_loop3A_429 : i32 to vector<16xi32>
        %parallel_loop3A_431 = arith.shli %parallel_loop3A_422, %parallel_loop3A_430 : vector<16xi32>
        %parallel_loop3A_432 = tpu.bitcast %parallel_loop3A_431 : vector<16xi32> -> vector<16xf32>
        %parallel_loop3A_433 = arith.andi %parallel_loop3A_422, %broadcast_in_dim3A_57 : vector<16xi32>
        %parallel_loop3A_434 = tpu.bitcast %parallel_loop3A_433 : vector<16xi32> -> vector<16xf32>
        %parallel_loop3A_435 = arith.mulf %parallel_loop3A_426, %parallel_loop3A_432 : vector<16xf32>
        %parallel_loop3A_436 = math.exp %parallel_loop3A_435 : vector<16xf32>
        %parallel_loop3A_437 = arith.mulf %parallel_loop3A_428, %parallel_loop3A_434 : vector<16xf32>
        %parallel_loop3A_438 = math.exp %parallel_loop3A_437 : vector<16xf32>
        %parallel_loop3A_439 = arith.index_cast %parallel_loop3A_372 : i32 to index
        %parallel_loop3A_440 = arith.constant 32 : index
        %parallel_loop3A_441 = tpu.vector_load %arg19[%parallel_loop3A_439, %parallel_loop3A_440] {strides = array<i32>} : memref<80x128xf32, #tpu.memory_space<vmem>>, vector<16xf32>,
        tpu.vector_store %arg19[%parallel_loop3A_439, %parallel_loop3A_440], %parallel_loop3A_436 {strides = array<i32>} : memref<80x128xf32, #tpu.memory_space<vmem>>, vector<16xf32>,
        %parallel_loop3A_442 = arith.index_cast %parallel_loop3A_372 : i32 to index
        %parallel_loop3A_443 = arith.constant 48 : index
        %parallel_loop3A_444 = tpu.vector_load %arg19[%parallel_loop3A_442, %parallel_loop3A_443] {strides = array<i32>} : memref<80x128xf32, #tpu.memory_space<vmem>>, vector<16xf32>,
        tpu.vector_store %arg19[%parallel_loop3A_442, %parallel_loop3A_443], %parallel_loop3A_438 {strides = array<i32>} : memref<80x128xf32, #tpu.memory_space<vmem>>, vector<16xf32>,
        %parallel_loop3A_445 = arith.mulf %parallel_loop3A_436, %parallel_loop3A_426 : vector<16xf32>
        %parallel_loop3A_446 = arith.index_cast %parallel_loop3A_372 : i32 to index
        %parallel_loop3A_447 = arith.constant 96 : index
        %parallel_loop3A_448 = tpu.vector_load %arg19[%parallel_loop3A_446, %parallel_loop3A_447] {strides = array<i32>} : memref<80x128xf32, #tpu.memory_space<vmem>>, vector<16xf32>,
        tpu.vector_store %arg19[%parallel_loop3A_446, %parallel_loop3A_447], %parallel_loop3A_445 {strides = array<i32>} : memref<80x128xf32, #tpu.memory_space<vmem>>, vector<16xf32>,
        %parallel_loop3A_449 = arith.mulf %parallel_loop3A_438, %parallel_loop3A_428 : vector<16xf32>
        %parallel_loop3A_450 = arith.index_cast %parallel_loop3A_372 : i32 to index
        %parallel_loop3A_451 = arith.constant 112 : index
        %parallel_loop3A_452 = tpu.vector_load %arg19[%parallel_loop3A_450, %parallel_loop3A_451] {strides = array<i32>} : memref<80x128xf32, #tpu.memory_space<vmem>>, vector<16xf32>,
        tpu.vector_store %arg19[%parallel_loop3A_450, %parallel_loop3A_451], %parallel_loop3A_449 {strides = array<i32>} : memref<80x128xf32, #tpu.memory_space<vmem>>, vector<16xf32>,
      } {sc.loop_unroll_factor = 4 : i64, sc.parallel_access}
      %dma_start3A_251 = arith.constant 0 : i32
      %dma_start3A_252 = arith.constant 0 : i32
      %dma_start3A_253 = tpu.memref_slice %arg6[%dma_start3A_251, %dma_start3A_252] : memref<10000x128xf32, #tpu.memory_space<vmem_shared>> -> memref<10000x128xf32, #tpu.memory_space<vmem_shared>>
      tpu.enqueue_indirect_dma source(%arg19 : memref<80x128xf32, #tpu.memory_space<vmem>>) target(%dma_start3A_253 : memref<10000x128xf32, #tpu.memory_space<vmem_shared>>) offsets(%arg13 : memref<80xi32, #tpu.memory_space<vmem>>) semaphore(%arg29 : memref<!tpu.dma_semaphore, #tpu.memory_space<semaphore_mem>>) {add = true}
      %mul3A_254 = arith.constant 4 : i32
      %mul3A_255 = arith.muli %scan3A_136, %mul3A_254 : i32
      %add3A_256 = arith.constant 2 : i32
      %add3A_257 = arith.addi %mul3A_255, %add3A_256 : i32
      %dma_wait3A_258 = arith.constant 0 : i32
      %dma_wait3A_259 = arith.constant 0 : i32
      %dma_wait3A_260 = tpu.memref_slice %arg2[%dma_wait3A_258, %dma_wait3A_259] : memref<10000x64xbf16, #tpu.memory_space<hbm>> -> memref<10000x64xbf16, #tpu.memory_space<hbm>>
      tpu.wait_indirect_dma semaphore(%arg26 : memref<!tpu.dma_semaphore, #tpu.memory_space<semaphore_mem>>) src(%dma_wait3A_260 : memref<10000x64xbf16, #tpu.memory_space<hbm>>) dst(%arg16 : memref<160x64xbf16, #tpu.memory_space<vmem>>)
      %ge3A_261 = arith.constant 2 : i32
      %ge3A_262 = arith.cmpi sge, %add3A_257, %ge3A_261 : i32
      %convert_element_type3A_263 = arith.extui %ge3A_262 : i1 to i32
      %cond3A_264 = arith.constant 0 : i32
      %cond3A_265 = arith.cmpi ne, %convert_element_type3A_263, %cond3A_264 : i32
      scf.if %cond3A_265 {
        %dma_wait3A_372 = arith.constant 0 : i32
        %dma_wait3A_373 = arith.constant 0 : i32
        %dma_wait3A_374 = tpu.memref_slice %arg6[%dma_wait3A_372, %dma_wait3A_373] : memref<10000x128xf32, #tpu.memory_space<vmem_shared>> -> memref<10000x128xf32, #tpu.memory_space<vmem_shared>>
        tpu.wait_indirect_dma semaphore(%arg28 : memref<!tpu.dma_semaphore, #tpu.memory_space<semaphore_mem>>) src(%arg18 : memref<80x128xf32, #tpu.memory_space<vmem>>) dst(%dma_wait3A_374 : memref<10000x128xf32, #tpu.memory_space<vmem_shared>>)
      } else {
      }
      %get3A_266 = arith.constant 80 : index
      %get3A_267 = tpu.vector_load %arg10[%get3A_266] {strides = array<i32>} : memref<160xi32, #tpu.memory_space<vmem>>, vector<16xi32>,
      %swap3A_268 = arith.constant 0 : index
      %swap3A_269 = tpu.vector_load %arg12[%swap3A_268] {strides = array<i32>} : memref<80xi32, #tpu.memory_space<vmem>>, vector<16xi32>,
      tpu.vector_store %arg12[%swap3A_268], %get3A_267 {strides = array<i32>} : memref<80xi32, #tpu.memory_space<vmem>>, vector<16xi32>,
      %get3A_270 = arith.constant 96 : index
      %get3A_271 = tpu.vector_load %arg10[%get3A_270] {strides = array<i32>} : memref<160xi32, #tpu.memory_space<vmem>>, vector<16xi32>,
      %swap3A_272 = arith.constant 16 : index
      %swap3A_273 = tpu.vector_load %arg12[%swap3A_272] {strides = array<i32>} : memref<80xi32, #tpu.memory_space<vmem>>, vector<16xi32>,
      tpu.vector_store %arg12[%swap3A_272], %get3A_271 {strides = array<i32>} : memref<80xi32, #tpu.memory_space<vmem>>, vector<16xi32>,
      %get3A_274 = arith.constant 112 : index
      %get3A_275 = tpu.vector_load %arg10[%get3A_274] {strides = array<i32>} : memref<160xi32, #tpu.memory_space<vmem>>, vector<16xi32>,
      %swap3A_276 = arith.constant 32 : index
      %swap3A_277 = tpu.vector_load %arg12[%swap3A_276] {strides = array<i32>} : memref<80xi32, #tpu.memory_space<vmem>>, vector<16xi32>,
      tpu.vector_store %arg12[%swap3A_276], %get3A_275 {strides = array<i32>} : memref<80xi32, #tpu.memory_space<vmem>>, vector<16xi32>,
      %get3A_278 = arith.constant 128 : index
      %get3A_279 = tpu.vector_load %arg10[%get3A_278] {strides = array<i32>} : memref<160xi32, #tpu.memory_space<vmem>>, vector<16xi32>,
      %swap3A_280 = arith.constant 48 : index
      %swap3A_281 = tpu.vector_load %arg12[%swap3A_280] {strides = array<i32>} : memref<80xi32, #tpu.memory_space<vmem>>, vector<16xi32>,
      tpu.vector_store %arg12[%swap3A_280], %get3A_279 {strides = array<i32>} : memref<80xi32, #tpu.memory_space<vmem>>, vector<16xi32>,
      %get3A_282 = arith.constant 144 : index
      %get3A_283 = tpu.vector_load %arg10[%get3A_282] {strides = array<i32>} : memref<160xi32, #tpu.memory_space<vmem>>, vector<16xi32>,
      %swap3A_284 = arith.constant 64 : index
      %swap3A_285 = tpu.vector_load %arg12[%swap3A_284] {strides = array<i32>} : memref<80xi32, #tpu.memory_space<vmem>>, vector<16xi32>,
      tpu.vector_store %arg12[%swap3A_284], %get3A_283 {strides = array<i32>} : memref<80xi32, #tpu.memory_space<vmem>>, vector<16xi32>,
      %add3A_286 = arith.constant 4 : i32
      %add3A_287 = arith.addi %add3A_257, %add3A_286 : i32
      %lt3A_288 = arith.constant 250 : i32
      %lt3A_289 = arith.cmpi slt, %add3A_287, %lt3A_288 : i32
      %convert_element_type3A_290 = arith.extui %lt3A_289 : i1 to i32
      %cond3A_291 = arith.constant 0 : i32
      %cond3A_292 = arith.cmpi ne, %convert_element_type3A_290, %cond3A_291 : i32
      scf.if %cond3A_292 {
        %add3A_372 = arith.constant 4 : i32
        %add3A_373 = arith.addi %add3A_257, %add3A_372 : i32
        %mul3A_374 = arith.constant 250 : i32
        %mul3A_375 = arith.muli %arg1, %mul3A_374 : i32
        %add3A_376 = arith.addi %mul3A_375, %add3A_373 : i32
        %mul3A_377 = arith.constant 160 : i32
        %mul3A_378 = arith.muli %add3A_376, %mul3A_377 : i32
        %dma_start3A_379 = tpu.memref_slice %arg4[%mul3A_378] : memref<640000xi32, #tpu.memory_space<hbm>> -> memref<160xi32, #tpu.memory_space<hbm>>
        %dma_start3A_380 = tpu.memref_slice %arg4[%mul3A_378] : memref<640000xi32, #tpu.memory_space<hbm>> -> memref<160xi32, #tpu.memory_space<hbm>>
        tpu.enqueue_dma source(%dma_start3A_380 : memref<160xi32, #tpu.memory_space<hbm>>) target(%arg10 : memref<160xi32, #tpu.memory_space<vmem>>) target_semaphore(%arg22 : memref<!tpu.dma_semaphore, #tpu.memory_space<semaphore_mem>>)
      } else {
      }
      %dma_wait3A_293 = arith.constant 0 : i32
      %dma_wait3A_294 = tpu.memref_slice %arg4[%dma_wait3A_293] : memref<640000xi32, #tpu.memory_space<hbm>> -> memref<160xi32, #tpu.memory_space<hbm>>
      %dma_wait3A_295 = arith.constant 0 : i32
      %dma_wait3A_296 = tpu.memref_slice %arg4[%dma_wait3A_295] : memref<640000xi32, #tpu.memory_space<hbm>> -> memref<160xi32, #tpu.memory_space<hbm>>
      tpu.wait_dma2 semaphore(%arg20 : memref<!tpu.dma_semaphore, #tpu.memory_space<semaphore_mem>>) src(%dma_wait3A_296 : memref<160xi32, #tpu.memory_space<hbm>>) dst(%arg8 : memref<160xi32, #tpu.memory_space<vmem>>)
      %eq3A_297 = arith.constant 0 : i32
      %eq3A_298 = arith.cmpi eq, %arg0, %eq3A_297 : i32
      %convert_element_type3A_299 = arith.extui %eq3A_298 : i1 to i32
      %cond3A_300 = arith.constant 0 : i32
      %cond3A_301 = arith.cmpi ne, %convert_element_type3A_299, %cond3A_300 : i32
      scf.if %cond3A_301 {
        %dma_start3A_372 = arith.constant 0 : i32
        %dma_start3A_373 = arith.constant 0 : i32
        %dma_start3A_374 = tpu.memref_slice %arg2[%dma_start3A_372, %dma_start3A_373] : memref<10000x64xbf16, #tpu.memory_space<hbm>> -> memref<10000x64xbf16, #tpu.memory_space<hbm>>
        tpu.enqueue_indirect_dma source(%dma_start3A_374 : memref<10000x64xbf16, #tpu.memory_space<hbm>>) target(%arg14 : memref<160x64xbf16, #tpu.memory_space<vmem>>) offsets(%arg8 : memref<160xi32, #tpu.memory_space<vmem>>) semaphore(%arg24 : memref<!tpu.dma_semaphore, #tpu.memory_space<semaphore_mem>>)
      } else {
      }
      %eq3A_302 = arith.constant 1 : i32
      %eq3A_303 = arith.cmpi eq, %arg0, %eq3A_302 : i32
      %convert_element_type3A_304 = arith.extui %eq3A_303 : i1 to i32
      %cond3A_305 = arith.constant 0 : i32
      %cond3A_306 = arith.cmpi ne, %convert_element_type3A_304, %cond3A_305 : i32
      scf.if %cond3A_306 {
        %dma_start3A_372 = arith.constant 0 : i32
        %dma_start3A_373 = arith.constant 0 : i32
        %dma_start3A_374 = tpu.memref_slice %arg3[%dma_start3A_372, %dma_start3A_373] : memref<10000x64xbf16, #tpu.memory_space<hbm>> -> memref<10000x64xbf16, #tpu.memory_space<hbm>>
        tpu.enqueue_indirect_dma source(%dma_start3A_374 : memref<10000x64xbf16, #tpu.memory_space<hbm>>) target(%arg14 : memref<160x64xbf16, #tpu.memory_space<vmem>>) offsets(%arg8 : memref<160xi32, #tpu.memory_space<vmem>>) semaphore(%arg24 : memref<!tpu.dma_semaphore, #tpu.memory_space<semaphore_mem>>)
      } else {
      }
      %parallel_loop3A_307 = arith.constant 0 : i32
      %parallel_loop3A_308 = arith.constant 80 : i32
      %parallel_loop3A_309 = arith.constant 1 : i32
      scf.for %parallel_loop3A_372 = %parallel_loop3A_307 to %parallel_loop3A_308 step %parallel_loop3A_309  : i32 {
        %parallel_loop3A_373 = arith.index_cast %parallel_loop3A_372 : i32 to index
        %parallel_loop3A_374 = arith.constant 0 : index
        %parallel_loop3A_375 = tpu.vector_load %arg16[%parallel_loop3A_373, %parallel_loop3A_374] {strides = array<i32>} : memref<160x64xbf16, #tpu.memory_space<vmem>>, vector<32xbf16>,
        %parallel_loop3A_376 = vector.bitcast %parallel_loop3A_375 : vector<32xbf16> to vector<16xi32>
        %parallel_loop3A_377 = arith.constant 80 : i32
        %parallel_loop3A_378 = arith.addi %parallel_loop3A_377, %parallel_loop3A_372 : i32
        %parallel_loop3A_379 = arith.index_cast %parallel_loop3A_378 : i32 to index
        %parallel_loop3A_380 = arith.constant 0 : index
        %parallel_loop3A_381 = tpu.vector_load %arg16[%parallel_loop3A_379, %parallel_loop3A_380] {strides = array<i32>} : memref<160x64xbf16, #tpu.memory_space<vmem>>, vector<32xbf16>,
        %parallel_loop3A_382 = vector.bitcast %parallel_loop3A_381 : vector<32xbf16> to vector<16xi32>
        %parallel_loop3A_383 = arith.constant 16 : i32
        %parallel_loop3A_384 = vector.broadcast %parallel_loop3A_383 : i32 to vector<16xi32>
        %parallel_loop3A_385 = arith.shli %parallel_loop3A_376, %parallel_loop3A_384 : vector<16xi32>
        %parallel_loop3A_386 = tpu.bitcast %parallel_loop3A_385 : vector<16xi32> -> vector<16xf32>
        %parallel_loop3A_387 = arith.andi %parallel_loop3A_376, %broadcast_in_dim3A_57 : vector<16xi32>
        %parallel_loop3A_388 = tpu.bitcast %parallel_loop3A_387 : vector<16xi32> -> vector<16xf32>
        %parallel_loop3A_389 = arith.constant 16 : i32
        %parallel_loop3A_390 = vector.broadcast %parallel_loop3A_389 : i32 to vector<16xi32>
        %parallel_loop3A_391 = arith.shli %parallel_loop3A_382, %parallel_loop3A_390 : vector<16xi32>
        %parallel_loop3A_392 = tpu.bitcast %parallel_loop3A_391 : vector<16xi32> -> vector<16xf32>
        %parallel_loop3A_393 = arith.andi %parallel_loop3A_382, %broadcast_in_dim3A_57 : vector<16xi32>
        %parallel_loop3A_394 = tpu.bitcast %parallel_loop3A_393 : vector<16xi32> -> vector<16xf32>
        %parallel_loop3A_395 = arith.mulf %parallel_loop3A_386, %parallel_loop3A_392 : vector<16xf32>
        %parallel_loop3A_396 = math.exp %parallel_loop3A_395 : vector<16xf32>
        %parallel_loop3A_397 = arith.mulf %parallel_loop3A_388, %parallel_loop3A_394 : vector<16xf32>
        %parallel_loop3A_398 = math.exp %parallel_loop3A_397 : vector<16xf32>
        %parallel_loop3A_399 = arith.index_cast %parallel_loop3A_372 : i32 to index
        %parallel_loop3A_400 = arith.constant 0 : index
        %parallel_loop3A_401 = tpu.vector_load %arg18[%parallel_loop3A_399, %parallel_loop3A_400] {strides = array<i32>} : memref<80x128xf32, #tpu.memory_space<vmem>>, vector<16xf32>,
        tpu.vector_store %arg18[%parallel_loop3A_399, %parallel_loop3A_400], %parallel_loop3A_396 {strides = array<i32>} : memref<80x128xf32, #tpu.memory_space<vmem>>, vector<16xf32>,
        %parallel_loop3A_402 = arith.index_cast %parallel_loop3A_372 : i32 to index
        %parallel_loop3A_403 = arith.constant 16 : index
        %parallel_loop3A_404 = tpu.vector_load %arg18[%parallel_loop3A_402, %parallel_loop3A_403] {strides = array<i32>} : memref<80x128xf32, #tpu.memory_space<vmem>>, vector<16xf32>,
        tpu.vector_store %arg18[%parallel_loop3A_402, %parallel_loop3A_403], %parallel_loop3A_398 {strides = array<i32>} : memref<80x128xf32, #tpu.memory_space<vmem>>, vector<16xf32>,
        %parallel_loop3A_405 = arith.mulf %parallel_loop3A_396, %parallel_loop3A_386 : vector<16xf32>
        %parallel_loop3A_406 = arith.index_cast %parallel_loop3A_372 : i32 to index
        %parallel_loop3A_407 = arith.constant 64 : index
        %parallel_loop3A_408 = tpu.vector_load %arg18[%parallel_loop3A_406, %parallel_loop3A_407] {strides = array<i32>} : memref<80x128xf32, #tpu.memory_space<vmem>>, vector<16xf32>,
        tpu.vector_store %arg18[%parallel_loop3A_406, %parallel_loop3A_407], %parallel_loop3A_405 {strides = array<i32>} : memref<80x128xf32, #tpu.memory_space<vmem>>, vector<16xf32>,
        %parallel_loop3A_409 = arith.mulf %parallel_loop3A_398, %parallel_loop3A_388 : vector<16xf32>
        %parallel_loop3A_410 = arith.index_cast %parallel_loop3A_372 : i32 to index
        %parallel_loop3A_411 = arith.constant 80 : index
        %parallel_loop3A_412 = tpu.vector_load %arg18[%parallel_loop3A_410, %parallel_loop3A_411] {strides = array<i32>} : memref<80x128xf32, #tpu.memory_space<vmem>>, vector<16xf32>,
        tpu.vector_store %arg18[%parallel_loop3A_410, %parallel_loop3A_411], %parallel_loop3A_409 {strides = array<i32>} : memref<80x128xf32, #tpu.memory_space<vmem>>, vector<16xf32>,
        %parallel_loop3A_413 = arith.index_cast %parallel_loop3A_372 : i32 to index
        %parallel_loop3A_414 = arith.constant 32 : index
        %parallel_loop3A_415 = tpu.vector_load %arg16[%parallel_loop3A_413, %parallel_loop3A_414] {strides = array<i32>} : memref<160x64xbf16, #tpu.memory_space<vmem>>, vector<32xbf16>,
        %parallel_loop3A_416 = vector.bitcast %parallel_loop3A_415 : vector<32xbf16> to vector<16xi32>
        %parallel_loop3A_417 = arith.constant 80 : i32
        %parallel_loop3A_418 = arith.addi %parallel_loop3A_417, %parallel_loop3A_372 : i32
        %parallel_loop3A_419 = arith.index_cast %parallel_loop3A_418 : i32 to index
        %parallel_loop3A_420 = arith.constant 32 : index
        %parallel_loop3A_421 = tpu.vector_load %arg16[%parallel_loop3A_419, %parallel_loop3A_420] {strides = array<i32>} : memref<160x64xbf16, #tpu.memory_space<vmem>>, vector<32xbf16>,
        %parallel_loop3A_422 = vector.bitcast %parallel_loop3A_421 : vector<32xbf16> to vector<16xi32>
        %parallel_loop3A_423 = arith.constant 16 : i32
        %parallel_loop3A_424 = vector.broadcast %parallel_loop3A_423 : i32 to vector<16xi32>
        %parallel_loop3A_425 = arith.shli %parallel_loop3A_416, %parallel_loop3A_424 : vector<16xi32>
        %parallel_loop3A_426 = tpu.bitcast %parallel_loop3A_425 : vector<16xi32> -> vector<16xf32>
        %parallel_loop3A_427 = arith.andi %parallel_loop3A_416, %broadcast_in_dim3A_57 : vector<16xi32>
        %parallel_loop3A_428 = tpu.bitcast %parallel_loop3A_427 : vector<16xi32> -> vector<16xf32>
        %parallel_loop3A_429 = arith.constant 16 : i32
        %parallel_loop3A_430 = vector.broadcast %parallel_loop3A_429 : i32 to vector<16xi32>
        %parallel_loop3A_431 = arith.shli %parallel_loop3A_422, %parallel_loop3A_430 : vector<16xi32>
        %parallel_loop3A_432 = tpu.bitcast %parallel_loop3A_431 : vector<16xi32> -> vector<16xf32>
        %parallel_loop3A_433 = arith.andi %parallel_loop3A_422, %broadcast_in_dim3A_57 : vector<16xi32>
        %parallel_loop3A_434 = tpu.bitcast %parallel_loop3A_433 : vector<16xi32> -> vector<16xf32>
        %parallel_loop3A_435 = arith.mulf %parallel_loop3A_426, %parallel_loop3A_432 : vector<16xf32>
        %parallel_loop3A_436 = math.exp %parallel_loop3A_435 : vector<16xf32>
        %parallel_loop3A_437 = arith.mulf %parallel_loop3A_428, %parallel_loop3A_434 : vector<16xf32>
        %parallel_loop3A_438 = math.exp %parallel_loop3A_437 : vector<16xf32>
        %parallel_loop3A_439 = arith.index_cast %parallel_loop3A_372 : i32 to index
        %parallel_loop3A_440 = arith.constant 32 : index
        %parallel_loop3A_441 = tpu.vector_load %arg18[%parallel_loop3A_439, %parallel_loop3A_440] {strides = array<i32>} : memref<80x128xf32, #tpu.memory_space<vmem>>, vector<16xf32>,
        tpu.vector_store %arg18[%parallel_loop3A_439, %parallel_loop3A_440], %parallel_loop3A_436 {strides = array<i32>} : memref<80x128xf32, #tpu.memory_space<vmem>>, vector<16xf32>,
        %parallel_loop3A_442 = arith.index_cast %parallel_loop3A_372 : i32 to index
        %parallel_loop3A_443 = arith.constant 48 : index
        %parallel_loop3A_444 = tpu.vector_load %arg18[%parallel_loop3A_442, %parallel_loop3A_443] {strides = array<i32>} : memref<80x128xf32, #tpu.memory_space<vmem>>, vector<16xf32>,
        tpu.vector_store %arg18[%parallel_loop3A_442, %parallel_loop3A_443], %parallel_loop3A_438 {strides = array<i32>} : memref<80x128xf32, #tpu.memory_space<vmem>>, vector<16xf32>,
        %parallel_loop3A_445 = arith.mulf %parallel_loop3A_436, %parallel_loop3A_426 : vector<16xf32>
        %parallel_loop3A_446 = arith.index_cast %parallel_loop3A_372 : i32 to index
        %parallel_loop3A_447 = arith.constant 96 : index
        %parallel_loop3A_448 = tpu.vector_load %arg18[%parallel_loop3A_446, %parallel_loop3A_447] {strides = array<i32>} : memref<80x128xf32, #tpu.memory_space<vmem>>, vector<16xf32>,
        tpu.vector_store %arg18[%parallel_loop3A_446, %parallel_loop3A_447], %parallel_loop3A_445 {strides = array<i32>} : memref<80x128xf32, #tpu.memory_space<vmem>>, vector<16xf32>,
        %parallel_loop3A_449 = arith.mulf %parallel_loop3A_438, %parallel_loop3A_428 : vector<16xf32>
        %parallel_loop3A_450 = arith.index_cast %parallel_loop3A_372 : i32 to index
        %parallel_loop3A_451 = arith.constant 112 : index
        %parallel_loop3A_452 = tpu.vector_load %arg18[%parallel_loop3A_450, %parallel_loop3A_451] {strides = array<i32>} : memref<80x128xf32, #tpu.memory_space<vmem>>, vector<16xf32>,
        tpu.vector_store %arg18[%parallel_loop3A_450, %parallel_loop3A_451], %parallel_loop3A_449 {strides = array<i32>} : memref<80x128xf32, #tpu.memory_space<vmem>>, vector<16xf32>,
      } {sc.loop_unroll_factor = 4 : i64, sc.parallel_access}
      %dma_start3A_310 = arith.constant 0 : i32
      %dma_start3A_311 = arith.constant 0 : i32
      %dma_start3A_312 = tpu.memref_slice %arg6[%dma_start3A_310, %dma_start3A_311] : memref<10000x128xf32, #tpu.memory_space<vmem_shared>> -> memref<10000x128xf32, #tpu.memory_space<vmem_shared>>
      tpu.enqueue_indirect_dma source(%arg18 : memref<80x128xf32, #tpu.memory_space<vmem>>) target(%dma_start3A_312 : memref<10000x128xf32, #tpu.memory_space<vmem_shared>>) offsets(%arg12 : memref<80xi32, #tpu.memory_space<vmem>>) semaphore(%arg28 : memref<!tpu.dma_semaphore, #tpu.memory_space<semaphore_mem>>) {add = true}
      %mul3A_313 = arith.constant 4 : i32
      %mul3A_314 = arith.muli %scan3A_136, %mul3A_313 : i32
      %add3A_315 = arith.constant 3 : i32
      %add3A_316 = arith.addi %mul3A_314, %add3A_315 : i32
      %dma_wait3A_317 = arith.constant 0 : i32
      %dma_wait3A_318 = arith.constant 0 : i32
      %dma_wait3A_319 = tpu.memref_slice %arg2[%dma_wait3A_317, %dma_wait3A_318] : memref<10000x64xbf16, #tpu.memory_space<hbm>> -> memref<10000x64xbf16, #tpu.memory_space<hbm>>
      tpu.wait_indirect_dma semaphore(%arg27 : memref<!tpu.dma_semaphore, #tpu.memory_space<semaphore_mem>>) src(%dma_wait3A_319 : memref<10000x64xbf16, #tpu.memory_space<hbm>>) dst(%arg17 : memref<160x64xbf16, #tpu.memory_space<vmem>>)
      %ge3A_320 = arith.constant 2 : i32
      %ge3A_321 = arith.cmpi sge, %add3A_316, %ge3A_320 : i32
      %convert_element_type3A_322 = arith.extui %ge3A_321 : i1 to i32
      %cond3A_323 = arith.constant 0 : i32
      %cond3A_324 = arith.cmpi ne, %convert_element_type3A_322, %cond3A_323 : i32
      scf.if %cond3A_324 {
        %dma_wait3A_372 = arith.constant 0 : i32
        %dma_wait3A_373 = arith.constant 0 : i32
        %dma_wait3A_374 = tpu.memref_slice %arg6[%dma_wait3A_372, %dma_wait3A_373] : memref<10000x128xf32, #tpu.memory_space<vmem_shared>> -> memref<10000x128xf32, #tpu.memory_space<vmem_shared>>
        tpu.wait_indirect_dma semaphore(%arg29 : memref<!tpu.dma_semaphore, #tpu.memory_space<semaphore_mem>>) src(%arg19 : memref<80x128xf32, #tpu.memory_space<vmem>>) dst(%dma_wait3A_374 : memref<10000x128xf32, #tpu.memory_space<vmem_shared>>)
      } else {
      }
      %get3A_325 = arith.constant 80 : index
      %get3A_326 = tpu.vector_load %arg11[%get3A_325] {strides = array<i32>} : memref<160xi32, #tpu.memory_space<vmem>>, vector<16xi32>,
      %swap3A_327 = arith.constant 0 : index
      %swap3A_328 = tpu.vector_load %arg13[%swap3A_327] {strides = array<i32>} : memref<80xi32, #tpu.memory_space<vmem>>, vector<16xi32>,
      tpu.vector_store %arg13[%swap3A_327], %get3A_326 {strides = array<i32>} : memref<80xi32, #tpu.memory_space<vmem>>, vector<16xi32>,
      %get3A_329 = arith.constant 96 : index
      %get3A_330 = tpu.vector_load %arg11[%get3A_329] {strides = array<i32>} : memref<160xi32, #tpu.memory_space<vmem>>, vector<16xi32>,
      %swap3A_331 = arith.constant 16 : index
      %swap3A_332 = tpu.vector_load %arg13[%swap3A_331] {strides = array<i32>} : memref<80xi32, #tpu.memory_space<vmem>>, vector<16xi32>,
      tpu.vector_store %arg13[%swap3A_331], %get3A_330 {strides = array<i32>} : memref<80xi32, #tpu.memory_space<vmem>>, vector<16xi32>,
      %get3A_333 = arith.constant 112 : index
      %get3A_334 = tpu.vector_load %arg11[%get3A_333] {strides = array<i32>} : memref<160xi32, #tpu.memory_space<vmem>>, vector<16xi32>,
      %swap3A_335 = arith.constant 32 : index
      %swap3A_336 = tpu.vector_load %arg13[%swap3A_335] {strides = array<i32>} : memref<80xi32, #tpu.memory_space<vmem>>, vector<16xi32>,
      tpu.vector_store %arg13[%swap3A_335], %get3A_334 {strides = array<i32>} : memref<80xi32, #tpu.memory_space<vmem>>, vector<16xi32>,
      %get3A_337 = arith.constant 128 : index
      %get3A_338 = tpu.vector_load %arg11[%get3A_337] {strides = array<i32>} : memref<160xi32, #tpu.memory_space<vmem>>, vector<16xi32>,
      %swap3A_339 = arith.constant 48 : index
      %swap3A_340 = tpu.vector_load %arg13[%swap3A_339] {strides = array<i32>} : memref<80xi32, #tpu.memory_space<vmem>>, vector<16xi32>,
      tpu.vector_store %arg13[%swap3A_339], %get3A_338 {strides = array<i32>} : memref<80xi32, #tpu.memory_space<vmem>>, vector<16xi32>,
      %get3A_341 = arith.constant 144 : index
      %get3A_342 = tpu.vector_load %arg11[%get3A_341] {strides = array<i32>} : memref<160xi32, #tpu.memory_space<vmem>>, vector<16xi32>,
      %swap3A_343 = arith.constant 64 : index
      %swap3A_344 = tpu.vector_load %arg13[%swap3A_343] {strides = array<i32>} : memref<80xi32, #tpu.memory_space<vmem>>, vector<16xi32>,
      tpu.vector_store %arg13[%swap3A_343], %get3A_342 {strides = array<i32>} : memref<80xi32, #tpu.memory_space<vmem>>, vector<16xi32>,
      %add3A_345 = arith.constant 4 : i32
      %add3A_346 = arith.addi %add3A_316, %add3A_345 : i32
      %lt3A_347 = arith.constant 250 : i32
      %lt3A_348 = arith.cmpi slt, %add3A_346, %lt3A_347 : i32
      %convert_element_type3A_349 = arith.extui %lt3A_348 : i1 to i32
      %cond3A_350 = arith.constant 0 : i32
      %cond3A_351 = arith.cmpi ne, %convert_element_type3A_349, %cond3A_350 : i32
      scf.if %cond3A_351 {
        %add3A_372 = arith.constant 4 : i32
        %add3A_373 = arith.addi %add3A_316, %add3A_372 : i32
        %mul3A_374 = arith.constant 250 : i32
        %mul3A_375 = arith.muli %arg1, %mul3A_374 : i32
        %add3A_376 = arith.addi %mul3A_375, %add3A_373 : i32
        %mul3A_377 = arith.constant 160 : i32
        %mul3A_378 = arith.muli %add3A_376, %mul3A_377 : i32
        %dma_start3A_379 = tpu.memref_slice %arg4[%mul3A_378] : memref<640000xi32, #tpu.memory_space<hbm>> -> memref<160xi32, #tpu.memory_space<hbm>>
        %dma_start3A_380 = tpu.memref_slice %arg4[%mul3A_378] : memref<640000xi32, #tpu.memory_space<hbm>> -> memref<160xi32, #tpu.memory_space<hbm>>
        tpu.enqueue_dma source(%dma_start3A_380 : memref<160xi32, #tpu.memory_space<hbm>>) target(%arg11 : memref<160xi32, #tpu.memory_space<vmem>>) target_semaphore(%arg23 : memref<!tpu.dma_semaphore, #tpu.memory_space<semaphore_mem>>)
      } else {
      }
      %dma_wait3A_352 = arith.constant 0 : i32
      %dma_wait3A_353 = tpu.memref_slice %arg4[%dma_wait3A_352] : memref<640000xi32, #tpu.memory_space<hbm>> -> memref<160xi32, #tpu.memory_space<hbm>>
      %dma_wait3A_354 = arith.constant 0 : i32
      %dma_wait3A_355 = tpu.memref_slice %arg4[%dma_wait3A_354] : memref<640000xi32, #tpu.memory_space<hbm>> -> memref<160xi32, #tpu.memory_space<hbm>>
      tpu.wait_dma2 semaphore(%arg21 : memref<!tpu.dma_semaphore, #tpu.memory_space<semaphore_mem>>) src(%dma_wait3A_355 : memref<160xi32, #tpu.memory_space<hbm>>) dst(%arg9 : memref<160xi32, #tpu.memory_space<vmem>>)
      %eq3A_356 = arith.constant 0 : i32
      %eq3A_357 = arith.cmpi eq, %arg0, %eq3A_356 : i32
      %convert_element_type3A_358 = arith.extui %eq3A_357 : i1 to i32
      %cond3A_359 = arith.constant 0 : i32
      %cond3A_360 = arith.cmpi ne, %convert_element_type3A_358, %cond3A_359 : i32
      scf.if %cond3A_360 {
        %dma_start3A_372 = arith.constant 0 : i32
        %dma_start3A_373 = arith.constant 0 : i32
        %dma_start3A_374 = tpu.memref_slice %arg2[%dma_start3A_372, %dma_start3A_373] : memref<10000x64xbf16, #tpu.memory_space<hbm>> -> memref<10000x64xbf16, #tpu.memory_space<hbm>>
        tpu.enqueue_indirect_dma source(%dma_start3A_374 : memref<10000x64xbf16, #tpu.memory_space<hbm>>) target(%arg15 : memref<160x64xbf16, #tpu.memory_space<vmem>>) offsets(%arg9 : memref<160xi32, #tpu.memory_space<vmem>>) semaphore(%arg25 : memref<!tpu.dma_semaphore, #tpu.memory_space<semaphore_mem>>)
      } else {
      }
      %eq3A_361 = arith.constant 1 : i32
      %eq3A_362 = arith.cmpi eq, %arg0, %eq3A_361 : i32
      %convert_element_type3A_363 = arith.extui %eq3A_362 : i1 to i32
      %cond3A_364 = arith.constant 0 : i32
      %cond3A_365 = arith.cmpi ne, %convert_element_type3A_363, %cond3A_364 : i32
      scf.if %cond3A_365 {
        %dma_start3A_372 = arith.constant 0 : i32
        %dma_start3A_373 = arith.constant 0 : i32
        %dma_start3A_374 = tpu.memref_slice %arg3[%dma_start3A_372, %dma_start3A_373] : memref<10000x64xbf16, #tpu.memory_space<hbm>> -> memref<10000x64xbf16, #tpu.memory_space<hbm>>
        tpu.enqueue_indirect_dma source(%dma_start3A_374 : memref<10000x64xbf16, #tpu.memory_space<hbm>>) target(%arg15 : memref<160x64xbf16, #tpu.memory_space<vmem>>) offsets(%arg9 : memref<160xi32, #tpu.memory_space<vmem>>) semaphore(%arg25 : memref<!tpu.dma_semaphore, #tpu.memory_space<semaphore_mem>>)
      } else {
      }
      %parallel_loop3A_366 = arith.constant 0 : i32
      %parallel_loop3A_367 = arith.constant 80 : i32
      %parallel_loop3A_368 = arith.constant 1 : i32
      scf.for %parallel_loop3A_372 = %parallel_loop3A_366 to %parallel_loop3A_367 step %parallel_loop3A_368  : i32 {
        %parallel_loop3A_373 = arith.index_cast %parallel_loop3A_372 : i32 to index
        %parallel_loop3A_374 = arith.constant 0 : index
        %parallel_loop3A_375 = tpu.vector_load %arg17[%parallel_loop3A_373, %parallel_loop3A_374] {strides = array<i32>} : memref<160x64xbf16, #tpu.memory_space<vmem>>, vector<32xbf16>,
        %parallel_loop3A_376 = vector.bitcast %parallel_loop3A_375 : vector<32xbf16> to vector<16xi32>
        %parallel_loop3A_377 = arith.constant 80 : i32
        %parallel_loop3A_378 = arith.addi %parallel_loop3A_377, %parallel_loop3A_372 : i32
        %parallel_loop3A_379 = arith.index_cast %parallel_loop3A_378 : i32 to index
        %parallel_loop3A_380 = arith.constant 0 : index
        %parallel_loop3A_381 = tpu.vector_load %arg17[%parallel_loop3A_379, %parallel_loop3A_380] {strides = array<i32>} : memref<160x64xbf16, #tpu.memory_space<vmem>>, vector<32xbf16>,
        %parallel_loop3A_382 = vector.bitcast %parallel_loop3A_381 : vector<32xbf16> to vector<16xi32>
        %parallel_loop3A_383 = arith.constant 16 : i32
        %parallel_loop3A_384 = vector.broadcast %parallel_loop3A_383 : i32 to vector<16xi32>
        %parallel_loop3A_385 = arith.shli %parallel_loop3A_376, %parallel_loop3A_384 : vector<16xi32>
        %parallel_loop3A_386 = tpu.bitcast %parallel_loop3A_385 : vector<16xi32> -> vector<16xf32>
        %parallel_loop3A_387 = arith.andi %parallel_loop3A_376, %broadcast_in_dim3A_57 : vector<16xi32>
        %parallel_loop3A_388 = tpu.bitcast %parallel_loop3A_387 : vector<16xi32> -> vector<16xf32>
        %parallel_loop3A_389 = arith.constant 16 : i32
        %parallel_loop3A_390 = vector.broadcast %parallel_loop3A_389 : i32 to vector<16xi32>
        %parallel_loop3A_391 = arith.shli %parallel_loop3A_382, %parallel_loop3A_390 : vector<16xi32>
        %parallel_loop3A_392 = tpu.bitcast %parallel_loop3A_391 : vector<16xi32> -> vector<16xf32>
        %parallel_loop3A_393 = arith.andi %parallel_loop3A_382, %broadcast_in_dim3A_57 : vector<16xi32>
        %parallel_loop3A_394 = tpu.bitcast %parallel_loop3A_393 : vector<16xi32> -> vector<16xf32>
        %parallel_loop3A_395 = arith.mulf %parallel_loop3A_386, %parallel_loop3A_392 : vector<16xf32>
        %parallel_loop3A_396 = math.exp %parallel_loop3A_395 : vector<16xf32>
        %parallel_loop3A_397 = arith.mulf %parallel_loop3A_388, %parallel_loop3A_394 : vector<16xf32>
        %parallel_loop3A_398 = math.exp %parallel_loop3A_397 : vector<16xf32>
        %parallel_loop3A_399 = arith.index_cast %parallel_loop3A_372 : i32 to index
        %parallel_loop3A_400 = arith.constant 0 : index
        %parallel_loop3A_401 = tpu.vector_load %arg19[%parallel_loop3A_399, %parallel_loop3A_400] {strides = array<i32>} : memref<80x128xf32, #tpu.memory_space<vmem>>, vector<16xf32>,
        tpu.vector_store %arg19[%parallel_loop3A_399, %parallel_loop3A_400], %parallel_loop3A_396 {strides = array<i32>} : memref<80x128xf32, #tpu.memory_space<vmem>>, vector<16xf32>,
        %parallel_loop3A_402 = arith.index_cast %parallel_loop3A_372 : i32 to index
        %parallel_loop3A_403 = arith.constant 16 : index
        %parallel_loop3A_404 = tpu.vector_load %arg19[%parallel_loop3A_402, %parallel_loop3A_403] {strides = array<i32>} : memref<80x128xf32, #tpu.memory_space<vmem>>, vector<16xf32>,
        tpu.vector_store %arg19[%parallel_loop3A_402, %parallel_loop3A_403], %parallel_loop3A_398 {strides = array<i32>} : memref<80x128xf32, #tpu.memory_space<vmem>>, vector<16xf32>,
        %parallel_loop3A_405 = arith.mulf %parallel_loop3A_396, %parallel_loop3A_386 : vector<16xf32>
        %parallel_loop3A_406 = arith.index_cast %parallel_loop3A_372 : i32 to index
        %parallel_loop3A_407 = arith.constant 64 : index
        %parallel_loop3A_408 = tpu.vector_load %arg19[%parallel_loop3A_406, %parallel_loop3A_407] {strides = array<i32>} : memref<80x128xf32, #tpu.memory_space<vmem>>, vector<16xf32>,
        tpu.vector_store %arg19[%parallel_loop3A_406, %parallel_loop3A_407], %parallel_loop3A_405 {strides = array<i32>} : memref<80x128xf32, #tpu.memory_space<vmem>>, vector<16xf32>,
        %parallel_loop3A_409 = arith.mulf %parallel_loop3A_398, %parallel_loop3A_388 : vector<16xf32>
        %parallel_loop3A_410 = arith.index_cast %parallel_loop3A_372 : i32 to index
        %parallel_loop3A_411 = arith.constant 80 : index
        %parallel_loop3A_412 = tpu.vector_load %arg19[%parallel_loop3A_410, %parallel_loop3A_411] {strides = array<i32>} : memref<80x128xf32, #tpu.memory_space<vmem>>, vector<16xf32>,
        tpu.vector_store %arg19[%parallel_loop3A_410, %parallel_loop3A_411], %parallel_loop3A_409 {strides = array<i32>} : memref<80x128xf32, #tpu.memory_space<vmem>>, vector<16xf32>,
        %parallel_loop3A_413 = arith.index_cast %parallel_loop3A_372 : i32 to index
        %parallel_loop3A_414 = arith.constant 32 : index
        %parallel_loop3A_415 = tpu.vector_load %arg17[%parallel_loop3A_413, %parallel_loop3A_414] {strides = array<i32>} : memref<160x64xbf16, #tpu.memory_space<vmem>>, vector<32xbf16>,
        %parallel_loop3A_416 = vector.bitcast %parallel_loop3A_415 : vector<32xbf16> to vector<16xi32>
        %parallel_loop3A_417 = arith.constant 80 : i32
        %parallel_loop3A_418 = arith.addi %parallel_loop3A_417, %parallel_loop3A_372 : i32
        %parallel_loop3A_419 = arith.index_cast %parallel_loop3A_418 : i32 to index
        %parallel_loop3A_420 = arith.constant 32 : index
        %parallel_loop3A_421 = tpu.vector_load %arg17[%parallel_loop3A_419, %parallel_loop3A_420] {strides = array<i32>} : memref<160x64xbf16, #tpu.memory_space<vmem>>, vector<32xbf16>,
        %parallel_loop3A_422 = vector.bitcast %parallel_loop3A_421 : vector<32xbf16> to vector<16xi32>
        %parallel_loop3A_423 = arith.constant 16 : i32
        %parallel_loop3A_424 = vector.broadcast %parallel_loop3A_423 : i32 to vector<16xi32>
        %parallel_loop3A_425 = arith.shli %parallel_loop3A_416, %parallel_loop3A_424 : vector<16xi32>
        %parallel_loop3A_426 = tpu.bitcast %parallel_loop3A_425 : vector<16xi32> -> vector<16xf32>
        %parallel_loop3A_427 = arith.andi %parallel_loop3A_416, %broadcast_in_dim3A_57 : vector<16xi32>
        %parallel_loop3A_428 = tpu.bitcast %parallel_loop3A_427 : vector<16xi32> -> vector<16xf32>
        %parallel_loop3A_429 = arith.constant 16 : i32
        %parallel_loop3A_430 = vector.broadcast %parallel_loop3A_429 : i32 to vector<16xi32>
        %parallel_loop3A_431 = arith.shli %parallel_loop3A_422, %parallel_loop3A_430 : vector<16xi32>
        %parallel_loop3A_432 = tpu.bitcast %parallel_loop3A_431 : vector<16xi32> -> vector<16xf32>
        %parallel_loop3A_433 = arith.andi %parallel_loop3A_422, %broadcast_in_dim3A_57 : vector<16xi32>
        %parallel_loop3A_434 = tpu.bitcast %parallel_loop3A_433 : vector<16xi32> -> vector<16xf32>
        %parallel_loop3A_435 = arith.mulf %parallel_loop3A_426, %parallel_loop3A_432 : vector<16xf32>
        %parallel_loop3A_436 = math.exp %parallel_loop3A_435 : vector<16xf32>
        %parallel_loop3A_437 = arith.mulf %parallel_loop3A_428, %parallel_loop3A_434 : vector<16xf32>
        %parallel_loop3A_438 = math.exp %parallel_loop3A_437 : vector<16xf32>
        %parallel_loop3A_439 = arith.index_cast %parallel_loop3A_372 : i32 to index
        %parallel_loop3A_440 = arith.constant 32 : index
        %parallel_loop3A_441 = tpu.vector_load %arg19[%parallel_loop3A_439, %parallel_loop3A_440] {strides = array<i32>} : memref<80x128xf32, #tpu.memory_space<vmem>>, vector<16xf32>,
        tpu.vector_store %arg19[%parallel_loop3A_439, %parallel_loop3A_440], %parallel_loop3A_436 {strides = array<i32>} : memref<80x128xf32, #tpu.memory_space<vmem>>, vector<16xf32>,
        %parallel_loop3A_442 = arith.index_cast %parallel_loop3A_372 : i32 to index
        %parallel_loop3A_443 = arith.constant 48 : index
        %parallel_loop3A_444 = tpu.vector_load %arg19[%parallel_loop3A_442, %parallel_loop3A_443] {strides = array<i32>} : memref<80x128xf32, #tpu.memory_space<vmem>>, vector<16xf32>,
        tpu.vector_store %arg19[%parallel_loop3A_442, %parallel_loop3A_443], %parallel_loop3A_438 {strides = array<i32>} : memref<80x128xf32, #tpu.memory_space<vmem>>, vector<16xf32>,
        %parallel_loop3A_445 = arith.mulf %parallel_loop3A_436, %parallel_loop3A_426 : vector<16xf32>
        %parallel_loop3A_446 = arith.index_cast %parallel_loop3A_372 : i32 to index
        %parallel_loop3A_447 = arith.constant 96 : index
        %parallel_loop3A_448 = tpu.vector_load %arg19[%parallel_loop3A_446, %parallel_loop3A_447] {strides = array<i32>} : memref<80x128xf32, #tpu.memory_space<vmem>>, vector<16xf32>,
        tpu.vector_store %arg19[%parallel_loop3A_446, %parallel_loop3A_447], %parallel_loop3A_445 {strides = array<i32>} : memref<80x128xf32, #tpu.memory_space<vmem>>, vector<16xf32>,
        %parallel_loop3A_449 = arith.mulf %parallel_loop3A_438, %parallel_loop3A_428 : vector<16xf32>
        %parallel_loop3A_450 = arith.index_cast %parallel_loop3A_372 : i32 to index
        %parallel_loop3A_451 = arith.constant 112 : index
        %parallel_loop3A_452 = tpu.vector_load %arg19[%parallel_loop3A_450, %parallel_loop3A_451] {strides = array<i32>} : memref<80x128xf32, #tpu.memory_space<vmem>>, vector<16xf32>,
        tpu.vector_store %arg19[%parallel_loop3A_450, %parallel_loop3A_451], %parallel_loop3A_449 {strides = array<i32>} : memref<80x128xf32, #tpu.memory_space<vmem>>, vector<16xf32>,
      } {sc.loop_unroll_factor = 4 : i64, sc.parallel_access}
      %dma_start3A_369 = arith.constant 0 : i32
      %dma_start3A_370 = arith.constant 0 : i32
      %dma_start3A_371 = tpu.memref_slice %arg6[%dma_start3A_369, %dma_start3A_370] : memref<10000x128xf32, #tpu.memory_space<vmem_shared>> -> memref<10000x128xf32, #tpu.memory_space<vmem_shared>>
      tpu.enqueue_indirect_dma source(%arg19 : memref<80x128xf32, #tpu.memory_space<vmem>>) target(%dma_start3A_371 : memref<10000x128xf32, #tpu.memory_space<vmem_shared>>) offsets(%arg13 : memref<80xi32, #tpu.memory_space<vmem>>) semaphore(%arg29 : memref<!tpu.dma_semaphore, #tpu.memory_space<semaphore_mem>>) {add = true}
    }
    %scan3A_62 = arith.constant 62 : i32
    %dma_wait3A_63 = arith.constant 0 : i32
    %dma_wait3A_64 = arith.constant 0 : i32
    %dma_wait3A_65 = tpu.memref_slice %arg2[%dma_wait3A_63, %dma_wait3A_64] : memref<10000x64xbf16, #tpu.memory_space<hbm>> -> memref<10000x64xbf16, #tpu.memory_space<hbm>>
    tpu.wait_indirect_dma semaphore(%arg24 : memref<!tpu.dma_semaphore, #tpu.memory_space<semaphore_mem>>) src(%dma_wait3A_65 : memref<10000x64xbf16, #tpu.memory_space<hbm>>) dst(%arg14 : memref<160x64xbf16, #tpu.memory_space<vmem>>)
    %dma_wait3A_66 = arith.constant 0 : i32
    %dma_wait3A_67 = arith.constant 0 : i32
    %dma_wait3A_68 = tpu.memref_slice %arg6[%dma_wait3A_66, %dma_wait3A_67] : memref<10000x128xf32, #tpu.memory_space<vmem_shared>> -> memref<10000x128xf32, #tpu.memory_space<vmem_shared>>
    tpu.wait_indirect_dma semaphore(%arg28 : memref<!tpu.dma_semaphore, #tpu.memory_space<semaphore_mem>>) src(%arg18 : memref<80x128xf32, #tpu.memory_space<vmem>>) dst(%dma_wait3A_68 : memref<10000x128xf32, #tpu.memory_space<vmem_shared>>)
    %get3A = arith.constant 80 : index
    %get3A_69 = tpu.vector_load %arg8[%get3A] {strides = array<i32>} : memref<160xi32, #tpu.memory_space<vmem>>, vector<16xi32>,
    %swap3A = arith.constant 0 : index
    %swap3A_70 = tpu.vector_load %arg12[%swap3A] {strides = array<i32>} : memref<80xi32, #tpu.memory_space<vmem>>, vector<16xi32>,
    tpu.vector_store %arg12[%swap3A], %get3A_69 {strides = array<i32>} : memref<80xi32, #tpu.memory_space<vmem>>, vector<16xi32>,
    %get3A_71 = arith.constant 96 : index
    %get3A_72 = tpu.vector_load %arg8[%get3A_71] {strides = array<i32>} : memref<160xi32, #tpu.memory_space<vmem>>, vector<16xi32>,
    %swap3A_73 = arith.constant 16 : index
    %swap3A_74 = tpu.vector_load %arg12[%swap3A_73] {strides = array<i32>} : memref<80xi32, #tpu.memory_space<vmem>>, vector<16xi32>,
    tpu.vector_store %arg12[%swap3A_73], %get3A_72 {strides = array<i32>} : memref<80xi32, #tpu.memory_space<vmem>>, vector<16xi32>,
    %get3A_75 = arith.constant 112 : index
    %get3A_76 = tpu.vector_load %arg8[%get3A_75] {strides = array<i32>} : memref<160xi32, #tpu.memory_space<vmem>>, vector<16xi32>,
    %swap3A_77 = arith.constant 32 : index
    %swap3A_78 = tpu.vector_load %arg12[%swap3A_77] {strides = array<i32>} : memref<80xi32, #tpu.memory_space<vmem>>, vector<16xi32>,
    tpu.vector_store %arg12[%swap3A_77], %get3A_76 {strides = array<i32>} : memref<80xi32, #tpu.memory_space<vmem>>, vector<16xi32>,
    %get3A_79 = arith.constant 128 : index
    %get3A_80 = tpu.vector_load %arg8[%get3A_79] {strides = array<i32>} : memref<160xi32, #tpu.memory_space<vmem>>, vector<16xi32>,
    %swap3A_81 = arith.constant 48 : index
    %swap3A_82 = tpu.vector_load %arg12[%swap3A_81] {strides = array<i32>} : memref<80xi32, #tpu.memory_space<vmem>>, vector<16xi32>,
    tpu.vector_store %arg12[%swap3A_81], %get3A_80 {strides = array<i32>} : memref<80xi32, #tpu.memory_space<vmem>>, vector<16xi32>,
    %get3A_83 = arith.constant 144 : index
    %get3A_84 = tpu.vector_load %arg8[%get3A_83] {strides = array<i32>} : memref<160xi32, #tpu.memory_space<vmem>>, vector<16xi32>,
    %swap3A_85 = arith.constant 64 : index
    %swap3A_86 = tpu.vector_load %arg12[%swap3A_85] {strides = array<i32>} : memref<80xi32, #tpu.memory_space<vmem>>, vector<16xi32>,
    tpu.vector_store %arg12[%swap3A_85], %get3A_84 {strides = array<i32>} : memref<80xi32, #tpu.memory_space<vmem>>, vector<16xi32>,
    %parallel_loop3A = arith.constant 0 : i32
    %parallel_loop3A_87 = arith.constant 80 : i32
    %parallel_loop3A_88 = arith.constant 1 : i32
    scf.for %parallel_loop3A_136 = %parallel_loop3A to %parallel_loop3A_87 step %parallel_loop3A_88  : i32 {
      %parallel_loop3A_137 = arith.index_cast %parallel_loop3A_136 : i32 to index
      %parallel_loop3A_138 = arith.constant 0 : index
      %parallel_loop3A_139 = tpu.vector_load %arg14[%parallel_loop3A_137, %parallel_loop3A_138] {strides = array<i32>} : memref<160x64xbf16, #tpu.memory_space<vmem>>, vector<32xbf16>,
      %parallel_loop3A_140 = vector.bitcast %parallel_loop3A_139 : vector<32xbf16> to vector<16xi32>
      %parallel_loop3A_141 = arith.constant 80 : i32
      %parallel_loop3A_142 = arith.addi %parallel_loop3A_141, %parallel_loop3A_136 : i32
      %parallel_loop3A_143 = arith.index_cast %parallel_loop3A_142 : i32 to index
      %parallel_loop3A_144 = arith.constant 0 : index
      %parallel_loop3A_145 = tpu.vector_load %arg14[%parallel_loop3A_143, %parallel_loop3A_144] {strides = array<i32>} : memref<160x64xbf16, #tpu.memory_space<vmem>>, vector<32xbf16>,
      %parallel_loop3A_146 = vector.bitcast %parallel_loop3A_145 : vector<32xbf16> to vector<16xi32>
      %parallel_loop3A_147 = arith.constant 16 : i32
      %parallel_loop3A_148 = vector.broadcast %parallel_loop3A_147 : i32 to vector<16xi32>
      %parallel_loop3A_149 = arith.shli %parallel_loop3A_140, %parallel_loop3A_148 : vector<16xi32>
      %parallel_loop3A_150 = tpu.bitcast %parallel_loop3A_149 : vector<16xi32> -> vector<16xf32>
      %parallel_loop3A_151 = arith.andi %parallel_loop3A_140, %broadcast_in_dim3A_57 : vector<16xi32>
      %parallel_loop3A_152 = tpu.bitcast %parallel_loop3A_151 : vector<16xi32> -> vector<16xf32>
      %parallel_loop3A_153 = arith.constant 16 : i32
      %parallel_loop3A_154 = vector.broadcast %parallel_loop3A_153 : i32 to vector<16xi32>
      %parallel_loop3A_155 = arith.shli %parallel_loop3A_146, %parallel_loop3A_154 : vector<16xi32>
      %parallel_loop3A_156 = tpu.bitcast %parallel_loop3A_155 : vector<16xi32> -> vector<16xf32>
      %parallel_loop3A_157 = arith.andi %parallel_loop3A_146, %broadcast_in_dim3A_57 : vector<16xi32>
      %parallel_loop3A_158 = tpu.bitcast %parallel_loop3A_157 : vector<16xi32> -> vector<16xf32>
      %parallel_loop3A_159 = arith.mulf %parallel_loop3A_150, %parallel_loop3A_156 : vector<16xf32>
      %parallel_loop3A_160 = math.exp %parallel_loop3A_159 : vector<16xf32>
      %parallel_loop3A_161 = arith.mulf %parallel_loop3A_152, %parallel_loop3A_158 : vector<16xf32>
      %parallel_loop3A_162 = math.exp %parallel_loop3A_161 : vector<16xf32>
      %parallel_loop3A_163 = arith.index_cast %parallel_loop3A_136 : i32 to index
      %parallel_loop3A_164 = arith.constant 0 : index
      %parallel_loop3A_165 = tpu.vector_load %arg18[%parallel_loop3A_163, %parallel_loop3A_164] {strides = array<i32>} : memref<80x128xf32, #tpu.memory_space<vmem>>, vector<16xf32>,
      tpu.vector_store %arg18[%parallel_loop3A_163, %parallel_loop3A_164], %parallel_loop3A_160 {strides = array<i32>} : memref<80x128xf32, #tpu.memory_space<vmem>>, vector<16xf32>,
      %parallel_loop3A_166 = arith.index_cast %parallel_loop3A_136 : i32 to index
      %parallel_loop3A_167 = arith.constant 16 : index
      %parallel_loop3A_168 = tpu.vector_load %arg18[%parallel_loop3A_166, %parallel_loop3A_167] {strides = array<i32>} : memref<80x128xf32, #tpu.memory_space<vmem>>, vector<16xf32>,
      tpu.vector_store %arg18[%parallel_loop3A_166, %parallel_loop3A_167], %parallel_loop3A_162 {strides = array<i32>} : memref<80x128xf32, #tpu.memory_space<vmem>>, vector<16xf32>,
      %parallel_loop3A_169 = arith.mulf %parallel_loop3A_160, %parallel_loop3A_150 : vector<16xf32>
      %parallel_loop3A_170 = arith.index_cast %parallel_loop3A_136 : i32 to index
      %parallel_loop3A_171 = arith.constant 64 : index
      %parallel_loop3A_172 = tpu.vector_load %arg18[%parallel_loop3A_170, %parallel_loop3A_171] {strides = array<i32>} : memref<80x128xf32, #tpu.memory_space<vmem>>, vector<16xf32>,
      tpu.vector_store %arg18[%parallel_loop3A_170, %parallel_loop3A_171], %parallel_loop3A_169 {strides = array<i32>} : memref<80x128xf32, #tpu.memory_space<vmem>>, vector<16xf32>,
      %parallel_loop3A_173 = arith.mulf %parallel_loop3A_162, %parallel_loop3A_152 : vector<16xf32>
      %parallel_loop3A_174 = arith.index_cast %parallel_loop3A_136 : i32 to index
      %parallel_loop3A_175 = arith.constant 80 : index
      %parallel_loop3A_176 = tpu.vector_load %arg18[%parallel_loop3A_174, %parallel_loop3A_175] {strides = array<i32>} : memref<80x128xf32, #tpu.memory_space<vmem>>, vector<16xf32>,
      tpu.vector_store %arg18[%parallel_loop3A_174, %parallel_loop3A_175], %parallel_loop3A_173 {strides = array<i32>} : memref<80x128xf32, #tpu.memory_space<vmem>>, vector<16xf32>,
      %parallel_loop3A_177 = arith.index_cast %parallel_loop3A_136 : i32 to index
      %parallel_loop3A_178 = arith.constant 32 : index
      %parallel_loop3A_179 = tpu.vector_load %arg14[%parallel_loop3A_177, %parallel_loop3A_178] {strides = array<i32>} : memref<160x64xbf16, #tpu.memory_space<vmem>>, vector<32xbf16>,
      %parallel_loop3A_180 = vector.bitcast %parallel_loop3A_179 : vector<32xbf16> to vector<16xi32>
      %parallel_loop3A_181 = arith.constant 80 : i32
      %parallel_loop3A_182 = arith.addi %parallel_loop3A_181, %parallel_loop3A_136 : i32
      %parallel_loop3A_183 = arith.index_cast %parallel_loop3A_182 : i32 to index
      %parallel_loop3A_184 = arith.constant 32 : index
      %parallel_loop3A_185 = tpu.vector_load %arg14[%parallel_loop3A_183, %parallel_loop3A_184] {strides = array<i32>} : memref<160x64xbf16, #tpu.memory_space<vmem>>, vector<32xbf16>,
      %parallel_loop3A_186 = vector.bitcast %parallel_loop3A_185 : vector<32xbf16> to vector<16xi32>
      %parallel_loop3A_187 = arith.constant 16 : i32
      %parallel_loop3A_188 = vector.broadcast %parallel_loop3A_187 : i32 to vector<16xi32>
      %parallel_loop3A_189 = arith.shli %parallel_loop3A_180, %parallel_loop3A_188 : vector<16xi32>
      %parallel_loop3A_190 = tpu.bitcast %parallel_loop3A_189 : vector<16xi32> -> vector<16xf32>
      %parallel_loop3A_191 = arith.andi %parallel_loop3A_180, %broadcast_in_dim3A_57 : vector<16xi32>
      %parallel_loop3A_192 = tpu.bitcast %parallel_loop3A_191 : vector<16xi32> -> vector<16xf32>
      %parallel_loop3A_193 = arith.constant 16 : i32
      %parallel_loop3A_194 = vector.broadcast %parallel_loop3A_193 : i32 to vector<16xi32>
      %parallel_loop3A_195 = arith.shli %parallel_loop3A_186, %parallel_loop3A_194 : vector<16xi32>
      %parallel_loop3A_196 = tpu.bitcast %parallel_loop3A_195 : vector<16xi32> -> vector<16xf32>
      %parallel_loop3A_197 = arith.andi %parallel_loop3A_186, %broadcast_in_dim3A_57 : vector<16xi32>
      %parallel_loop3A_198 = tpu.bitcast %parallel_loop3A_197 : vector<16xi32> -> vector<16xf32>
      %parallel_loop3A_199 = arith.mulf %parallel_loop3A_190, %parallel_loop3A_196 : vector<16xf32>
      %parallel_loop3A_200 = math.exp %parallel_loop3A_199 : vector<16xf32>
      %parallel_loop3A_201 = arith.mulf %parallel_loop3A_192, %parallel_loop3A_198 : vector<16xf32>
      %parallel_loop3A_202 = math.exp %parallel_loop3A_201 : vector<16xf32>
      %parallel_loop3A_203 = arith.index_cast %parallel_loop3A_136 : i32 to index
      %parallel_loop3A_204 = arith.constant 32 : index
      %parallel_loop3A_205 = tpu.vector_load %arg18[%parallel_loop3A_203, %parallel_loop3A_204] {strides = array<i32>} : memref<80x128xf32, #tpu.memory_space<vmem>>, vector<16xf32>,
      tpu.vector_store %arg18[%parallel_loop3A_203, %parallel_loop3A_204], %parallel_loop3A_200 {strides = array<i32>} : memref<80x128xf32, #tpu.memory_space<vmem>>, vector<16xf32>,
      %parallel_loop3A_206 = arith.index_cast %parallel_loop3A_136 : i32 to index
      %parallel_loop3A_207 = arith.constant 48 : index
      %parallel_loop3A_208 = tpu.vector_load %arg18[%parallel_loop3A_206, %parallel_loop3A_207] {strides = array<i32>} : memref<80x128xf32, #tpu.memory_space<vmem>>, vector<16xf32>,
      tpu.vector_store %arg18[%parallel_loop3A_206, %parallel_loop3A_207], %parallel_loop3A_202 {strides = array<i32>} : memref<80x128xf32, #tpu.memory_space<vmem>>, vector<16xf32>,
      %parallel_loop3A_209 = arith.mulf %parallel_loop3A_200, %parallel_loop3A_190 : vector<16xf32>
      %parallel_loop3A_210 = arith.index_cast %parallel_loop3A_136 : i32 to index
      %parallel_loop3A_211 = arith.constant 96 : index
      %parallel_loop3A_212 = tpu.vector_load %arg18[%parallel_loop3A_210, %parallel_loop3A_211] {strides = array<i32>} : memref<80x128xf32, #tpu.memory_space<vmem>>, vector<16xf32>,
      tpu.vector_store %arg18[%parallel_loop3A_210, %parallel_loop3A_211], %parallel_loop3A_209 {strides = array<i32>} : memref<80x128xf32, #tpu.memory_space<vmem>>, vector<16xf32>,
      %parallel_loop3A_213 = arith.mulf %parallel_loop3A_202, %parallel_loop3A_192 : vector<16xf32>
      %parallel_loop3A_214 = arith.index_cast %parallel_loop3A_136 : i32 to index
      %parallel_loop3A_215 = arith.constant 112 : index
      %parallel_loop3A_216 = tpu.vector_load %arg18[%parallel_loop3A_214, %parallel_loop3A_215] {strides = array<i32>} : memref<80x128xf32, #tpu.memory_space<vmem>>, vector<16xf32>,
      tpu.vector_store %arg18[%parallel_loop3A_214, %parallel_loop3A_215], %parallel_loop3A_213 {strides = array<i32>} : memref<80x128xf32, #tpu.memory_space<vmem>>, vector<16xf32>,
    } {sc.loop_unroll_factor = 4 : i64, sc.parallel_access}
    %dma_start3A_89 = arith.constant 0 : i32
    %dma_start3A_90 = arith.constant 0 : i32
    %dma_start3A_91 = tpu.memref_slice %arg6[%dma_start3A_89, %dma_start3A_90] : memref<10000x128xf32, #tpu.memory_space<vmem_shared>> -> memref<10000x128xf32, #tpu.memory_space<vmem_shared>>
    tpu.enqueue_indirect_dma source(%arg18 : memref<80x128xf32, #tpu.memory_space<vmem>>) target(%dma_start3A_91 : memref<10000x128xf32, #tpu.memory_space<vmem_shared>>) offsets(%arg12 : memref<80xi32, #tpu.memory_space<vmem>>) semaphore(%arg28 : memref<!tpu.dma_semaphore, #tpu.memory_space<semaphore_mem>>) {add = true}
    %dma_wait3A_92 = arith.constant 0 : i32
    %dma_wait3A_93 = arith.constant 0 : i32
    %dma_wait3A_94 = tpu.memref_slice %arg2[%dma_wait3A_92, %dma_wait3A_93] : memref<10000x64xbf16, #tpu.memory_space<hbm>> -> memref<10000x64xbf16, #tpu.memory_space<hbm>>
    tpu.wait_indirect_dma semaphore(%arg25 : memref<!tpu.dma_semaphore, #tpu.memory_space<semaphore_mem>>) src(%dma_wait3A_94 : memref<10000x64xbf16, #tpu.memory_space<hbm>>) dst(%arg15 : memref<160x64xbf16, #tpu.memory_space<vmem>>)
    %dma_wait3A_95 = arith.constant 0 : i32
    %dma_wait3A_96 = arith.constant 0 : i32
    %dma_wait3A_97 = tpu.memref_slice %arg6[%dma_wait3A_95, %dma_wait3A_96] : memref<10000x128xf32, #tpu.memory_space<vmem_shared>> -> memref<10000x128xf32, #tpu.memory_space<vmem_shared>>
    tpu.wait_indirect_dma semaphore(%arg29 : memref<!tpu.dma_semaphore, #tpu.memory_space<semaphore_mem>>) src(%arg19 : memref<80x128xf32, #tpu.memory_space<vmem>>) dst(%dma_wait3A_97 : memref<10000x128xf32, #tpu.memory_space<vmem_shared>>)
    %get3A_98 = arith.constant 80 : index
    %get3A_99 = tpu.vector_load %arg9[%get3A_98] {strides = array<i32>} : memref<160xi32, #tpu.memory_space<vmem>>, vector<16xi32>,
    %swap3A_100 = arith.constant 0 : index
    %swap3A_101 = tpu.vector_load %arg13[%swap3A_100] {strides = array<i32>} : memref<80xi32, #tpu.memory_space<vmem>>, vector<16xi32>,
    tpu.vector_store %arg13[%swap3A_100], %get3A_99 {strides = array<i32>} : memref<80xi32, #tpu.memory_space<vmem>>, vector<16xi32>,
    %get3A_102 = arith.constant 96 : index
    %get3A_103 = tpu.vector_load %arg9[%get3A_102] {strides = array<i32>} : memref<160xi32, #tpu.memory_space<vmem>>, vector<16xi32>,
    %swap3A_104 = arith.constant 16 : index
    %swap3A_105 = tpu.vector_load %arg13[%swap3A_104] {strides = array<i32>} : memref<80xi32, #tpu.memory_space<vmem>>, vector<16xi32>,
    tpu.vector_store %arg13[%swap3A_104], %get3A_103 {strides = array<i32>} : memref<80xi32, #tpu.memory_space<vmem>>, vector<16xi32>,
    %get3A_106 = arith.constant 112 : index
    %get3A_107 = tpu.vector_load %arg9[%get3A_106] {strides = array<i32>} : memref<160xi32, #tpu.memory_space<vmem>>, vector<16xi32>,
    %swap3A_108 = arith.constant 32 : index
    %swap3A_109 = tpu.vector_load %arg13[%swap3A_108] {strides = array<i32>} : memref<80xi32, #tpu.memory_space<vmem>>, vector<16xi32>,
    tpu.vector_store %arg13[%swap3A_108], %get3A_107 {strides = array<i32>} : memref<80xi32, #tpu.memory_space<vmem>>, vector<16xi32>,
    %get3A_110 = arith.constant 128 : index
    %get3A_111 = tpu.vector_load %arg9[%get3A_110] {strides = array<i32>} : memref<160xi32, #tpu.memory_space<vmem>>, vector<16xi32>,
    %swap3A_112 = arith.constant 48 : index
    %swap3A_113 = tpu.vector_load %arg13[%swap3A_112] {strides = array<i32>} : memref<80xi32, #tpu.memory_space<vmem>>, vector<16xi32>,
    tpu.vector_store %arg13[%swap3A_112], %get3A_111 {strides = array<i32>} : memref<80xi32, #tpu.memory_space<vmem>>, vector<16xi32>,
    %get3A_114 = arith.constant 144 : index
    %get3A_115 = tpu.vector_load %arg9[%get3A_114] {strides = array<i32>} : memref<160xi32, #tpu.memory_space<vmem>>, vector<16xi32>,
    %swap3A_116 = arith.constant 64 : index
    %swap3A_117 = tpu.vector_load %arg13[%swap3A_116] {strides = array<i32>} : memref<80xi32, #tpu.memory_space<vmem>>, vector<16xi32>,
    tpu.vector_store %arg13[%swap3A_116], %get3A_115 {strides = array<i32>} : memref<80xi32, #tpu.memory_space<vmem>>, vector<16xi32>,
    %parallel_loop3A_118 = arith.constant 0 : i32
    %parallel_loop3A_119 = arith.constant 80 : i32
    %parallel_loop3A_120 = arith.constant 1 : i32
    scf.for %parallel_loop3A_136 = %parallel_loop3A_118 to %parallel_loop3A_119 step %parallel_loop3A_120  : i32 {
      %parallel_loop3A_137 = arith.index_cast %parallel_loop3A_136 : i32 to index
      %parallel_loop3A_138 = arith.constant 0 : index
      %parallel_loop3A_139 = tpu.vector_load %arg15[%parallel_loop3A_137, %parallel_loop3A_138] {strides = array<i32>} : memref<160x64xbf16, #tpu.memory_space<vmem>>, vector<32xbf16>,
      %parallel_loop3A_140 = vector.bitcast %parallel_loop3A_139 : vector<32xbf16> to vector<16xi32>
      %parallel_loop3A_141 = arith.constant 80 : i32
      %parallel_loop3A_142 = arith.addi %parallel_loop3A_141, %parallel_loop3A_136 : i32
      %parallel_loop3A_143 = arith.index_cast %parallel_loop3A_142 : i32 to index
      %parallel_loop3A_144 = arith.constant 0 : index
      %parallel_loop3A_145 = tpu.vector_load %arg15[%parallel_loop3A_143, %parallel_loop3A_144] {strides = array<i32>} : memref<160x64xbf16, #tpu.memory_space<vmem>>, vector<32xbf16>,
      %parallel_loop3A_146 = vector.bitcast %parallel_loop3A_145 : vector<32xbf16> to vector<16xi32>
      %parallel_loop3A_147 = arith.constant 16 : i32
      %parallel_loop3A_148 = vector.broadcast %parallel_loop3A_147 : i32 to vector<16xi32>
      %parallel_loop3A_149 = arith.shli %parallel_loop3A_140, %parallel_loop3A_148 : vector<16xi32>
      %parallel_loop3A_150 = tpu.bitcast %parallel_loop3A_149 : vector<16xi32> -> vector<16xf32>
      %parallel_loop3A_151 = arith.andi %parallel_loop3A_140, %broadcast_in_dim3A_57 : vector<16xi32>
      %parallel_loop3A_152 = tpu.bitcast %parallel_loop3A_151 : vector<16xi32> -> vector<16xf32>
      %parallel_loop3A_153 = arith.constant 16 : i32
      %parallel_loop3A_154 = vector.broadcast %parallel_loop3A_153 : i32 to vector<16xi32>
      %parallel_loop3A_155 = arith.shli %parallel_loop3A_146, %parallel_loop3A_154 : vector<16xi32>
      %parallel_loop3A_156 = tpu.bitcast %parallel_loop3A_155 : vector<16xi32> -> vector<16xf32>
      %parallel_loop3A_157 = arith.andi %parallel_loop3A_146, %broadcast_in_dim3A_57 : vector<16xi32>
      %parallel_loop3A_158 = tpu.bitcast %parallel_loop3A_157 : vector<16xi32> -> vector<16xf32>
      %parallel_loop3A_159 = arith.mulf %parallel_loop3A_150, %parallel_loop3A_156 : vector<16xf32>
      %parallel_loop3A_160 = math.exp %parallel_loop3A_159 : vector<16xf32>
      %parallel_loop3A_161 = arith.mulf %parallel_loop3A_152, %parallel_loop3A_158 : vector<16xf32>
      %parallel_loop3A_162 = math.exp %parallel_loop3A_161 : vector<16xf32>
      %parallel_loop3A_163 = arith.index_cast %parallel_loop3A_136 : i32 to index
      %parallel_loop3A_164 = arith.constant 0 : index
      %parallel_loop3A_165 = tpu.vector_load %arg19[%parallel_loop3A_163, %parallel_loop3A_164] {strides = array<i32>} : memref<80x128xf32, #tpu.memory_space<vmem>>, vector<16xf32>,
      tpu.vector_store %arg19[%parallel_loop3A_163, %parallel_loop3A_164], %parallel_loop3A_160 {strides = array<i32>} : memref<80x128xf32, #tpu.memory_space<vmem>>, vector<16xf32>,
      %parallel_loop3A_166 = arith.index_cast %parallel_loop3A_136 : i32 to index
      %parallel_loop3A_167 = arith.constant 16 : index
      %parallel_loop3A_168 = tpu.vector_load %arg19[%parallel_loop3A_166, %parallel_loop3A_167] {strides = array<i32>} : memref<80x128xf32, #tpu.memory_space<vmem>>, vector<16xf32>,
      tpu.vector_store %arg19[%parallel_loop3A_166, %parallel_loop3A_167], %parallel_loop3A_162 {strides = array<i32>} : memref<80x128xf32, #tpu.memory_space<vmem>>, vector<16xf32>,
      %parallel_loop3A_169 = arith.mulf %parallel_loop3A_160, %parallel_loop3A_150 : vector<16xf32>
      %parallel_loop3A_170 = arith.index_cast %parallel_loop3A_136 : i32 to index
      %parallel_loop3A_171 = arith.constant 64 : index
      %parallel_loop3A_172 = tpu.vector_load %arg19[%parallel_loop3A_170, %parallel_loop3A_171] {strides = array<i32>} : memref<80x128xf32, #tpu.memory_space<vmem>>, vector<16xf32>,
      tpu.vector_store %arg19[%parallel_loop3A_170, %parallel_loop3A_171], %parallel_loop3A_169 {strides = array<i32>} : memref<80x128xf32, #tpu.memory_space<vmem>>, vector<16xf32>,
      %parallel_loop3A_173 = arith.mulf %parallel_loop3A_162, %parallel_loop3A_152 : vector<16xf32>
      %parallel_loop3A_174 = arith.index_cast %parallel_loop3A_136 : i32 to index
      %parallel_loop3A_175 = arith.constant 80 : index
      %parallel_loop3A_176 = tpu.vector_load %arg19[%parallel_loop3A_174, %parallel_loop3A_175] {strides = array<i32>} : memref<80x128xf32, #tpu.memory_space<vmem>>, vector<16xf32>,
      tpu.vector_store %arg19[%parallel_loop3A_174, %parallel_loop3A_175], %parallel_loop3A_173 {strides = array<i32>} : memref<80x128xf32, #tpu.memory_space<vmem>>, vector<16xf32>,
      %parallel_loop3A_177 = arith.index_cast %parallel_loop3A_136 : i32 to index
      %parallel_loop3A_178 = arith.constant 32 : index
      %parallel_loop3A_179 = tpu.vector_load %arg15[%parallel_loop3A_177, %parallel_loop3A_178] {strides = array<i32>} : memref<160x64xbf16, #tpu.memory_space<vmem>>, vector<32xbf16>,
      %parallel_loop3A_180 = vector.bitcast %parallel_loop3A_179 : vector<32xbf16> to vector<16xi32>
      %parallel_loop3A_181 = arith.constant 80 : i32
      %parallel_loop3A_182 = arith.addi %parallel_loop3A_181, %parallel_loop3A_136 : i32
      %parallel_loop3A_183 = arith.index_cast %parallel_loop3A_182 : i32 to index
      %parallel_loop3A_184 = arith.constant 32 : index
      %parallel_loop3A_185 = tpu.vector_load %arg15[%parallel_loop3A_183, %parallel_loop3A_184] {strides = array<i32>} : memref<160x64xbf16, #tpu.memory_space<vmem>>, vector<32xbf16>,
      %parallel_loop3A_186 = vector.bitcast %parallel_loop3A_185 : vector<32xbf16> to vector<16xi32>
      %parallel_loop3A_187 = arith.constant 16 : i32
      %parallel_loop3A_188 = vector.broadcast %parallel_loop3A_187 : i32 to vector<16xi32>
      %parallel_loop3A_189 = arith.shli %parallel_loop3A_180, %parallel_loop3A_188 : vector<16xi32>
      %parallel_loop3A_190 = tpu.bitcast %parallel_loop3A_189 : vector<16xi32> -> vector<16xf32>
      %parallel_loop3A_191 = arith.andi %parallel_loop3A_180, %broadcast_in_dim3A_57 : vector<16xi32>
      %parallel_loop3A_192 = tpu.bitcast %parallel_loop3A_191 : vector<16xi32> -> vector<16xf32>
      %parallel_loop3A_193 = arith.constant 16 : i32
      %parallel_loop3A_194 = vector.broadcast %parallel_loop3A_193 : i32 to vector<16xi32>
      %parallel_loop3A_195 = arith.shli %parallel_loop3A_186, %parallel_loop3A_194 : vector<16xi32>
      %parallel_loop3A_196 = tpu.bitcast %parallel_loop3A_195 : vector<16xi32> -> vector<16xf32>
      %parallel_loop3A_197 = arith.andi %parallel_loop3A_186, %broadcast_in_dim3A_57 : vector<16xi32>
      %parallel_loop3A_198 = tpu.bitcast %parallel_loop3A_197 : vector<16xi32> -> vector<16xf32>
      %parallel_loop3A_199 = arith.mulf %parallel_loop3A_190, %parallel_loop3A_196 : vector<16xf32>
      %parallel_loop3A_200 = math.exp %parallel_loop3A_199 : vector<16xf32>
      %parallel_loop3A_201 = arith.mulf %parallel_loop3A_192, %parallel_loop3A_198 : vector<16xf32>
      %parallel_loop3A_202 = math.exp %parallel_loop3A_201 : vector<16xf32>
      %parallel_loop3A_203 = arith.index_cast %parallel_loop3A_136 : i32 to index
      %parallel_loop3A_204 = arith.constant 32 : index
      %parallel_loop3A_205 = tpu.vector_load %arg19[%parallel_loop3A_203, %parallel_loop3A_204] {strides = array<i32>} : memref<80x128xf32, #tpu.memory_space<vmem>>, vector<16xf32>,
      tpu.vector_store %arg19[%parallel_loop3A_203, %parallel_loop3A_204], %parallel_loop3A_200 {strides = array<i32>} : memref<80x128xf32, #tpu.memory_space<vmem>>, vector<16xf32>,
      %parallel_loop3A_206 = arith.index_cast %parallel_loop3A_136 : i32 to index
      %parallel_loop3A_207 = arith.constant 48 : index
      %parallel_loop3A_208 = tpu.vector_load %arg19[%parallel_loop3A_206, %parallel_loop3A_207] {strides = array<i32>} : memref<80x128xf32, #tpu.memory_space<vmem>>, vector<16xf32>,
      tpu.vector_store %arg19[%parallel_loop3A_206, %parallel_loop3A_207], %parallel_loop3A_202 {strides = array<i32>} : memref<80x128xf32, #tpu.memory_space<vmem>>, vector<16xf32>,
      %parallel_loop3A_209 = arith.mulf %parallel_loop3A_200, %parallel_loop3A_190 : vector<16xf32>
      %parallel_loop3A_210 = arith.index_cast %parallel_loop3A_136 : i32 to index
      %parallel_loop3A_211 = arith.constant 96 : index
      %parallel_loop3A_212 = tpu.vector_load %arg19[%parallel_loop3A_210, %parallel_loop3A_211] {strides = array<i32>} : memref<80x128xf32, #tpu.memory_space<vmem>>, vector<16xf32>,
      tpu.vector_store %arg19[%parallel_loop3A_210, %parallel_loop3A_211], %parallel_loop3A_209 {strides = array<i32>} : memref<80x128xf32, #tpu.memory_space<vmem>>, vector<16xf32>,
      %parallel_loop3A_213 = arith.mulf %parallel_loop3A_202, %parallel_loop3A_192 : vector<16xf32>
      %parallel_loop3A_214 = arith.index_cast %parallel_loop3A_136 : i32 to index
      %parallel_loop3A_215 = arith.constant 112 : index
      %parallel_loop3A_216 = tpu.vector_load %arg19[%parallel_loop3A_214, %parallel_loop3A_215] {strides = array<i32>} : memref<80x128xf32, #tpu.memory_space<vmem>>, vector<16xf32>,
      tpu.vector_store %arg19[%parallel_loop3A_214, %parallel_loop3A_215], %parallel_loop3A_213 {strides = array<i32>} : memref<80x128xf32, #tpu.memory_space<vmem>>, vector<16xf32>,
    } {sc.loop_unroll_factor = 4 : i64, sc.parallel_access}
    %dma_start3A_121 = arith.constant 0 : i32
    %dma_start3A_122 = arith.constant 0 : i32
    %dma_start3A_123 = tpu.memref_slice %arg6[%dma_start3A_121, %dma_start3A_122] : memref<10000x128xf32, #tpu.memory_space<vmem_shared>> -> memref<10000x128xf32, #tpu.memory_space<vmem_shared>>
    tpu.enqueue_indirect_dma source(%arg19 : memref<80x128xf32, #tpu.memory_space<vmem>>) target(%dma_start3A_123 : memref<10000x128xf32, #tpu.memory_space<vmem_shared>>) offsets(%arg13 : memref<80xi32, #tpu.memory_space<vmem>>) semaphore(%arg29 : memref<!tpu.dma_semaphore, #tpu.memory_space<semaphore_mem>>) {add = true}
    %dma_wait3A_124 = arith.constant 0 : i32
    %dma_wait3A_125 = arith.constant 0 : i32
    %dma_wait3A_126 = tpu.memref_slice %arg6[%dma_wait3A_124, %dma_wait3A_125] : memref<10000x128xf32, #tpu.memory_space<vmem_shared>> -> memref<10000x128xf32, #tpu.memory_space<vmem_shared>>
    tpu.wait_indirect_dma semaphore(%arg28 : memref<!tpu.dma_semaphore, #tpu.memory_space<semaphore_mem>>) src(%arg18 : memref<80x128xf32, #tpu.memory_space<vmem>>) dst(%dma_wait3A_126 : memref<10000x128xf32, #tpu.memory_space<vmem_shared>>)
    %dma_wait3A_127 = arith.constant 0 : i32
    %dma_wait3A_128 = arith.constant 0 : i32
    %dma_wait3A_129 = tpu.memref_slice %arg6[%dma_wait3A_127, %dma_wait3A_128] : memref<10000x128xf32, #tpu.memory_space<vmem_shared>> -> memref<10000x128xf32, #tpu.memory_space<vmem_shared>>
    tpu.wait_indirect_dma semaphore(%arg29 : memref<!tpu.dma_semaphore, #tpu.memory_space<semaphore_mem>>) src(%arg19 : memref<80x128xf32, #tpu.memory_space<vmem>>) dst(%dma_wait3A_129 : memref<10000x128xf32, #tpu.memory_space<vmem_shared>>)
    %barrier3A_130 = arith.constant 0 : index
    tpu.barrier barrier_id(%barrier3A_130)
    %lt3A_131 = arith.constant 10 : i32
    %lt3A_132 = arith.cmpi slt, %arg1, %lt3A_131 : i32
    %convert_element_type3A_133 = arith.extui %lt3A_132 : i1 to i32
    %cond3A_134 = arith.constant 0 : i32
    %cond3A_135 = arith.cmpi ne, %convert_element_type3A_133, %cond3A_134 : i32
    scf.if %cond3A_135 {
      %mul3A_136 = arith.constant 1000 : i32
      %mul3A_137 = arith.muli %arg1, %mul3A_136 : i32
      %mul3A_138 = arith.constant 10000 : i32
      %mul3A_139 = arith.muli %arg0, %mul3A_138 : i32
      %mul3A_140 = arith.constant 1000 : i32
      %mul3A_141 = arith.muli %arg1, %mul3A_140 : i32
      %add3A_142 = arith.addi %mul3A_139, %mul3A_141 : i32
      "tpu.region"() ({
        %run_scoped3A = tpu.sem_alloc : memref<!tpu.dma_semaphore, #tpu.memory_space<semaphore_mem>>
        %dma_start3A_143 = arith.constant 0 : i32
        %dma_start3A_144 = tpu.memref_slice %arg5[%add3A_142, %dma_start3A_143] : memref<20000x128xf32, #tpu.memory_space<hbm>> -> memref<1000x128xf32, #tpu.memory_space<hbm>>
        %dma_start3A_145 = arith.constant 0 : i32
        %dma_start3A_146 = tpu.memref_slice %arg6[%mul3A_137, %dma_start3A_145] : memref<10000x128xf32, #tpu.memory_space<vmem_shared>> -> memref<1000x128xf32, #tpu.memory_space<vmem_shared>>
        tpu.enqueue_dma source(%dma_start3A_146 : memref<1000x128xf32, #tpu.memory_space<vmem_shared>>) target(%dma_start3A_144 : memref<1000x128xf32, #tpu.memory_space<hbm>>) target_semaphore(%run_scoped3A : memref<!tpu.dma_semaphore, #tpu.memory_space<semaphore_mem>>)
        %dma_wait3A_147 = arith.constant 0 : i32
        %dma_wait3A_148 = tpu.memref_slice %arg5[%add3A_142, %dma_wait3A_147] : memref<20000x128xf32, #tpu.memory_space<hbm>> -> memref<1000x128xf32, #tpu.memory_space<hbm>>
        %dma_wait3A_149 = arith.constant 0 : i32
        %dma_wait3A_150 = tpu.memref_slice %arg6[%mul3A_137, %dma_wait3A_149] : memref<10000x128xf32, #tpu.memory_space<vmem_shared>> -> memref<1000x128xf32, #tpu.memory_space<vmem_shared>>
        tpu.wait_dma2 semaphore(%run_scoped3A : memref<!tpu.dma_semaphore, #tpu.memory_space<semaphore_mem>>) src(%dma_wait3A_150 : memref<1000x128xf32, #tpu.memory_space<vmem_shared>>) dst(%dma_wait3A_148 : memref<1000x128xf32, #tpu.memory_space<hbm>>)
        tpu.yield
      }) : () -> ()
    } else {
    }
    return
  }
}

module attributes {stable_mosaic.version = 14 : i64} {
  func.func @_matmul_body(%arg0: memref<10000x128xf32, #tpu.memory_space<vmem>>, %arg1: memref<128x128xf32, #tpu.memory_space<vmem>>, %arg2: memref<10000x64xbf16, #tpu.memory_space<vmem>>, %arg3: memref<10000x64xbf16, #tpu.memory_space<vmem>>) attributes {dimension_semantics = [], scalar_prefetch = 0 : i64, scratch_operands = 0 : i64, tpu.core_type = #tpu.core_type<tc>} {
    %get3A = arith.constant 0 : index
    %get3A_0 = arith.constant 0 : index
    %get3A_1 = vector.load %arg0[%get3A, %get3A_0] : memref<10000x128xf32, #tpu.memory_space<vmem>>, vector<10000x128xf32>
    %get3A_2 = arith.constant 0 : index
    %get3A_3 = arith.constant 0 : index
    %get3A_4 = vector.load %arg1[%get3A_2, %get3A_3] : memref<128x128xf32, #tpu.memory_space<vmem>>, vector<128x128xf32>
    %dot_general3A = arith.constant dense<0.000000e+00> : vector<10000x128xf32>
    %dot_general3A_5 = tpu.matmul %get3A_1, %get3A_4, %dot_general3A {dimension_numbers = #tpu.dot_dimension_numbers<[1], [1], [0], [0], [0, 0, 1, 0], [], []>, precision = #tpu.contract_precision<fp32>, transpose_lhs_hint = false} : vector<10000x128xf32>, vector<128x128xf32>, vector<10000x128xf32> -> vector<10000x128xf32>
    %slice3A = vector.extract_strided_slice %dot_general3A_5 {offsets = [0, 0], sizes = [10000, 64], strides = [1, 1]} : vector<10000x128xf32> to vector<10000x64xf32>
    %convert_element_type3A = arith.truncf %slice3A : vector<10000x64xf32> to vector<10000x64xbf16>
    %swap3A = arith.constant 0 : index
    %swap3A_6 = arith.constant 0 : index
    %swap3A_7 = vector.load %arg2[%swap3A, %swap3A_6] : memref<10000x64xbf16, #tpu.memory_space<vmem>>, vector<10000x64xbf16>
    tpu.vector_store %arg2[%swap3A, %swap3A_6], %convert_element_type3A {strides = array<i32>} : memref<10000x64xbf16, #tpu.memory_space<vmem>>, vector<10000x64xbf16>,
    %slice3A_8 = vector.extract_strided_slice %dot_general3A_5 {offsets = [0, 64], sizes = [10000, 64], strides = [1, 1]} : vector<10000x128xf32> to vector<10000x64xf32>
    %convert_element_type3A_9 = arith.truncf %slice3A_8 : vector<10000x64xf32> to vector<10000x64xbf16>
    %swap3A_10 = arith.constant 0 : index
    %swap3A_11 = arith.constant 0 : index
    %swap3A_12 = vector.load %arg3[%swap3A_10, %swap3A_11] : memref<10000x64xbf16, #tpu.memory_space<vmem>>, vector<10000x64xbf16>
    tpu.vector_store %arg3[%swap3A_10, %swap3A_11], %convert_element_type3A_9 {strides = array<i32>} : memref<10000x64xbf16, #tpu.memory_space<vmem>>, vector<10000x64xbf16>,
    return
  }
}

module attributes {stable_mosaic.version = 14 : i64} {
  func.func @_post_body(%arg0: memref<20000x128xf32, #tpu.memory_space<vmem>>, %arg1: memref<10000x1xf32, #tpu.memory_space<vmem>>, %arg2: memref<1x128xf32, #tpu.memory_space<vmem>>, %arg3: memref<1x128xf32, #tpu.memory_space<vmem>>, %arg4: memref<10000x128xf32, #tpu.memory_space<vmem>>) attributes {dimension_semantics = [], scalar_prefetch = 0 : i64, scratch_operands = 0 : i64, tpu.core_type = #tpu.core_type<tc>} {
    %get3A = arith.constant 0 : index
    %get3A_0 = arith.constant 0 : index
    %get3A_1 = vector.load %arg1[%get3A, %get3A_0] : memref<10000x1xf32, #tpu.memory_space<vmem>>, vector<10000x1xf32>
    %get3A_2 = arith.constant 0 : index
    %get3A_3 = arith.constant 0 : index
    %get3A_4 = vector.load %arg0[%get3A_2, %get3A_3] : memref<20000x128xf32, #tpu.memory_space<vmem>>, vector<10000x64xf32>
    %get3A_5 = arith.constant 0 : index
    %get3A_6 = arith.constant 64 : index
    %get3A_7 = vector.load %arg0[%get3A_5, %get3A_6] : memref<20000x128xf32, #tpu.memory_space<vmem>>, vector<10000x64xf32>
    %eq3A = arith.constant 0.000000e+00 : f32
    %eq3A_8 = vector.broadcast %eq3A : f32 to vector<10000x64xf32>
    %eq3A_9 = arith.cmpf oeq, %get3A_4, %eq3A_8 : vector<10000x64xf32>
    %jit3A = arith.constant 1.000000e+00 : f32
    %broadcast_in_dim3A = vector.broadcast %jit3A : f32 to vector<10000x64xf32>
    %select_n3A = arith.select %eq3A_9, %broadcast_in_dim3A, %get3A_4 : vector<10000x64xi1>, vector<10000x64xf32>
    %div3A = arith.divf %get3A_7, %select_n3A : vector<10000x64xf32>
    %mul3A = vector.broadcast %get3A_1 : vector<10000x1xf32> to vector<10000x64xf32>
    %mul3A_10 = arith.mulf %div3A, %mul3A : vector<10000x64xf32>
    %reduce_sum3A = arith.constant dense<0.000000e+00> : vector<64xf32>
    %reduce_sum3A_11 = vector.multi_reduction <add>, %mul3A_10, %reduce_sum3A [0] : vector<10000x64xf32> to vector<64xf32>
    %broadcast_in_dim3A_12 = vector.shape_cast %reduce_sum3A_11 : vector<64xf32> to vector<1x64xf32>
    %div3A_13 = arith.constant 1.000000e+04 : f32
    %div3A_14 = vector.broadcast %div3A_13 : f32 to vector<1x64xf32>
    %div3A_15 = arith.divf %broadcast_in_dim3A_12, %div3A_14 : vector<1x64xf32>
    %sub3A = vector.broadcast %div3A_15 : vector<1x64xf32> to vector<10000x64xf32>
    %sub3A_16 = arith.subf %mul3A_10, %sub3A : vector<10000x64xf32>
    %mul3A_17 = arith.mulf %sub3A_16, %sub3A_16 : vector<10000x64xf32>
    %reduce_sum3A_18 = arith.constant dense<0.000000e+00> : vector<64xf32>
    %reduce_sum3A_19 = vector.multi_reduction <add>, %mul3A_17, %reduce_sum3A_18 [0] : vector<10000x64xf32> to vector<64xf32>
    %broadcast_in_dim3A_20 = vector.shape_cast %reduce_sum3A_19 : vector<64xf32> to vector<1x64xf32>
    %div3A_21 = arith.constant 1.000000e+04 : f32
    %div3A_22 = vector.broadcast %div3A_21 : f32 to vector<1x64xf32>
    %div3A_23 = arith.divf %broadcast_in_dim3A_20, %div3A_22 : vector<1x64xf32>
    %get3A_24 = arith.constant 0 : index
    %get3A_25 = arith.constant 0 : index
    %get3A_26 = vector.load %arg2[%get3A_24, %get3A_25] : memref<1x128xf32, #tpu.memory_space<vmem>>, vector<1x64xf32>
    %get3A_27 = arith.constant 0 : index
    %get3A_28 = arith.constant 0 : index
    %get3A_29 = vector.load %arg3[%get3A_27, %get3A_28] : memref<1x128xf32, #tpu.memory_space<vmem>>, vector<1x64xf32>
    %add3A = arith.constant 9.99999974E-6 : f32
    %add3A_30 = vector.broadcast %add3A : f32 to vector<1x64xf32>
    %add3A_31 = arith.addf %div3A_23, %add3A_30 : vector<1x64xf32>
    %rsqrt3A = math.rsqrt %add3A_31 : vector<1x64xf32>
    %mul3A_32 = arith.mulf %get3A_26, %rsqrt3A : vector<1x64xf32>
    %mul3A_33 = vector.broadcast %mul3A_32 : vector<1x64xf32> to vector<10000x64xf32>
    %mul3A_34 = arith.mulf %sub3A_16, %mul3A_33 : vector<10000x64xf32>
    %add3A_35 = vector.broadcast %get3A_29 : vector<1x64xf32> to vector<10000x64xf32>
    %add3A_36 = arith.addf %mul3A_34, %add3A_35 : vector<10000x64xf32>
    %gt3A = arith.constant 0.000000e+00 : f32
    %gt3A_37 = vector.broadcast %gt3A : f32 to vector<10000x64xf32>
    %gt3A_38 = arith.cmpf ogt, %add3A_36, %gt3A_37 : vector<10000x64xf32>
    %exp3A = math.exp %add3A_36 : vector<10000x64xf32>
    %sub3A_39 = arith.constant 1.000000e+00 : f32
    %sub3A_40 = vector.broadcast %sub3A_39 : f32 to vector<10000x64xf32>
    %sub3A_41 = arith.subf %exp3A, %sub3A_40 : vector<10000x64xf32>
    %select_n3A_42 = arith.select %gt3A_38, %add3A_36, %sub3A_41 : vector<10000x64xi1>, vector<10000x64xf32>
    %swap3A = arith.constant 0 : index
    %swap3A_43 = arith.constant 0 : index
    %swap3A_44 = vector.load %arg4[%swap3A, %swap3A_43] : memref<10000x128xf32, #tpu.memory_space<vmem>>, vector<10000x64xf32>
    tpu.vector_store %arg4[%swap3A, %swap3A_43], %select_n3A_42 {strides = array<i32>} : memref<10000x128xf32, #tpu.memory_space<vmem>>, vector<10000x64xf32>,
    %get3A_45 = arith.constant 10000 : index
    %get3A_46 = arith.constant 0 : index
    %get3A_47 = vector.load %arg0[%get3A_45, %get3A_46] : memref<20000x128xf32, #tpu.memory_space<vmem>>, vector<10000x64xf32>
    %get3A_48 = arith.constant 10000 : index
    %get3A_49 = arith.constant 64 : index
    %get3A_50 = vector.load %arg0[%get3A_48, %get3A_49] : memref<20000x128xf32, #tpu.memory_space<vmem>>, vector<10000x64xf32>
    %eq3A_51 = arith.constant 0.000000e+00 : f32
    %eq3A_52 = vector.broadcast %eq3A_51 : f32 to vector<10000x64xf32>
    %eq3A_53 = arith.cmpf oeq, %get3A_47, %eq3A_52 : vector<10000x64xf32>
    %jit3A_54 = arith.constant 1.000000e+00 : f32
    %broadcast_in_dim3A_55 = vector.broadcast %jit3A_54 : f32 to vector<10000x64xf32>
    %select_n3A_56 = arith.select %eq3A_53, %broadcast_in_dim3A_55, %get3A_47 : vector<10000x64xi1>, vector<10000x64xf32>
    %div3A_57 = arith.divf %get3A_50, %select_n3A_56 : vector<10000x64xf32>
    %mul3A_58 = vector.broadcast %get3A_1 : vector<10000x1xf32> to vector<10000x64xf32>
    %mul3A_59 = arith.mulf %div3A_57, %mul3A_58 : vector<10000x64xf32>
    %reduce_sum3A_60 = arith.constant dense<0.000000e+00> : vector<64xf32>
    %reduce_sum3A_61 = vector.multi_reduction <add>, %mul3A_59, %reduce_sum3A_60 [0] : vector<10000x64xf32> to vector<64xf32>
    %broadcast_in_dim3A_62 = vector.shape_cast %reduce_sum3A_61 : vector<64xf32> to vector<1x64xf32>
    %div3A_63 = arith.constant 1.000000e+04 : f32
    %div3A_64 = vector.broadcast %div3A_63 : f32 to vector<1x64xf32>
    %div3A_65 = arith.divf %broadcast_in_dim3A_62, %div3A_64 : vector<1x64xf32>
    %sub3A_66 = vector.broadcast %div3A_65 : vector<1x64xf32> to vector<10000x64xf32>
    %sub3A_67 = arith.subf %mul3A_59, %sub3A_66 : vector<10000x64xf32>
    %mul3A_68 = arith.mulf %sub3A_67, %sub3A_67 : vector<10000x64xf32>
    %reduce_sum3A_69 = arith.constant dense<0.000000e+00> : vector<64xf32>
    %reduce_sum3A_70 = vector.multi_reduction <add>, %mul3A_68, %reduce_sum3A_69 [0] : vector<10000x64xf32> to vector<64xf32>
    %broadcast_in_dim3A_71 = vector.shape_cast %reduce_sum3A_70 : vector<64xf32> to vector<1x64xf32>
    %div3A_72 = arith.constant 1.000000e+04 : f32
    %div3A_73 = vector.broadcast %div3A_72 : f32 to vector<1x64xf32>
    %div3A_74 = arith.divf %broadcast_in_dim3A_71, %div3A_73 : vector<1x64xf32>
    %get3A_75 = arith.constant 0 : index
    %get3A_76 = arith.constant 64 : index
    %get3A_77 = vector.load %arg2[%get3A_75, %get3A_76] : memref<1x128xf32, #tpu.memory_space<vmem>>, vector<1x64xf32>
    %get3A_78 = arith.constant 0 : index
    %get3A_79 = arith.constant 64 : index
    %get3A_80 = vector.load %arg3[%get3A_78, %get3A_79] : memref<1x128xf32, #tpu.memory_space<vmem>>, vector<1x64xf32>
    %add3A_81 = arith.constant 9.99999974E-6 : f32
    %add3A_82 = vector.broadcast %add3A_81 : f32 to vector<1x64xf32>
    %add3A_83 = arith.addf %div3A_74, %add3A_82 : vector<1x64xf32>
    %rsqrt3A_84 = math.rsqrt %add3A_83 : vector<1x64xf32>
    %mul3A_85 = arith.mulf %get3A_77, %rsqrt3A_84 : vector<1x64xf32>
    %mul3A_86 = vector.broadcast %mul3A_85 : vector<1x64xf32> to vector<10000x64xf32>
    %mul3A_87 = arith.mulf %sub3A_67, %mul3A_86 : vector<10000x64xf32>
    %add3A_88 = vector.broadcast %get3A_80 : vector<1x64xf32> to vector<10000x64xf32>
    %add3A_89 = arith.addf %mul3A_87, %add3A_88 : vector<10000x64xf32>
    %gt3A_90 = arith.constant 0.000000e+00 : f32
    %gt3A_91 = vector.broadcast %gt3A_90 : f32 to vector<10000x64xf32>
    %gt3A_92 = arith.cmpf ogt, %add3A_89, %gt3A_91 : vector<10000x64xf32>
    %exp3A_93 = math.exp %add3A_89 : vector<10000x64xf32>
    %sub3A_94 = arith.constant 1.000000e+00 : f32
    %sub3A_95 = vector.broadcast %sub3A_94 : f32 to vector<10000x64xf32>
    %sub3A_96 = arith.subf %exp3A_93, %sub3A_95 : vector<10000x64xf32>
    %select_n3A_97 = arith.select %gt3A_92, %add3A_89, %sub3A_96 : vector<10000x64xi1>, vector<10000x64xf32>
    %swap3A_98 = arith.constant 0 : index
    %swap3A_99 = arith.constant 64 : index
    %swap3A_100 = vector.load %arg4[%swap3A_98, %swap3A_99] : memref<10000x128xf32, #tpu.memory_space<vmem>>, vector<10000x64xf32>
    tpu.vector_store %arg4[%swap3A_98, %swap3A_99], %select_n3A_97 {strides = array<i32>} : memref<10000x128xf32, #tpu.memory_space<vmem>>, vector<10000x64xf32>,
    return
  }
}

</mosaic_0001>

<sc_bundles>
// kernel: kernel.5.cloned.1.call-start
scs
__scs_entry_jumppad:
0x0: {  	(pc) =	sbr.rel $0x88, $3  }
0x1: {  	(tag) =	ssettag $0x0;
	lr =	simm.s32 $0x1  }
0x2: {  	[smem:$0x3F9B] =	sst lr;
	_ =	strace $0xD0000000  }
0x3: {  	_ = 	snop  }
0x4: {  	_ = 	snop  }
0x5: {  	_ = 	snop  }
0x6: {  	_ = 	snop  }
0x7: {  	_ = 	snop  }
__scs_overlays_trampoline_lowered:
0x8: {  	[smem:$0x3FAA] =	sst s0  }
0x9: {  	[smem:$0x3FAB] =	sst s1  }
0xa: {  	[smem:$0x3FAC] =	sst s2  }
0xb: {  	[smem:$0x3FAD] =	sst s3  }
0xc: {  	[smem:$0x3FAE] =	sst s4  }
0xd: {  	[smem:$0x3FAF] =	sst s5  }
0xe: {  	[smem:$0x3FB0] =	sst s6  }
0xf: {  	[smem:$0x3FB1] =	sst s7  }
0x10: {  	[smem:$0x3FB2] =	sst s8  }
0x11: {  	[smem:$0x3FB3] =	sst s9;
	s0 =	simm.s32 @!p0 $0x0  }
0x12: {  	s1 =	sld [smem:$0x3F99];
	s0 =	simm.s32 @p0 $0x1  }
0x13: {  	[smem:$0x3FB4] =	sst s0;
	s0 =	simm.s32 @!p1 $0x0  }
0x14: {  	s2 =	sld [smem:$0x3F98];
	s0 =	simm.s32 @p1 $0x1  }
0x15: {  	[smem:$0x3FB5] =	sst s0;
	s0 =	simm.s32 @!p2 $0x0  }
0x16: {  	s3 =	sld [smem:$0x3FDB];
	s0 =	simm.s32 @p2 $0x1  }
0x17: {  	s4 =	simm.s32 $0x1BF5;
	[smem:$0x3FB7] =	sst s0  }
0x18: {  	s0 =	sld [smem:$0x3F9A];
	_ =	swait.ge [sflag:s4], $0x0  }
0x19: {  	s7 =	sld [smem:$0x3F9B]  }
0x1a: {  	s8 =	sadd.s32 $0xFFFFE003, lr  }
0x1b: {  	s9 =	sadd.s32 $0xFFFFFEF7, lr;
	s5 =	simm.s32 $0xFFFFFFFF;
	p2 =	slt.u32 s8, $0xFFFFF086  }
0x1c: {  	p1 =	slt.u32 s9, $0xF7A;
	s5 =	simm.s32 @!p2 $0x0  }
0x1d: {  	s5 =	simm.s32 @p1 $0x1;
	p0 =	seq.s32 s7, s2  }
0x1e: {  	s7 =	smul.u32 @!p0 $0xF7A, s2;
	p2 =	seq.s32 @!p0 s5, $0x0  }
0x1f: {  	s9 =	smul.u32 $0xF7A, s1;
	s8 =	simm.s32 @!p0 $0x1BF5;
	p2 =	por !p2, p0  }
0x20: {  	[sflag:s8] =	ssyncset.s32 @!p0 $0xFFFFF086;
	s6 =	sadd.s32 @!p0 s3, s7;
	s7 =	simm.s32 @!p0 $0x108  }
0x21: {  	s3 =	sadd.s32 s3, s9;
	s6 =	sadd.s32 @!p0 $0x88, s6;
	s7 =	simm.s32 @p2 $0x1082  }
0x22: {  	[simem:s7], [sflag:s8] =	dma.local @!p0 [hbm:s6], $0xF7A  }
0x23: {  	s9 =	sor.u32 $0xD0000000, s2;
	s6 =	simm.s32 $0x108;
	_ =	swait.ge @!p0 [sflag:s8], $0x0  }
0x24: {  	s3 =	sadd.s32 $0x88, s3;
	s6 =	simm.s32 @!p1 $0x1082;
	[sflag:s4] =	ssyncset.s32 $0xFFFFF086  }
0x25: {  	[simem:s6], [sflag:s4] =	dma.local [hbm:s3], $0xF7A  }
0x26: {  	[smem:$0x3F9B] =	sst s1;
	(tag) =	ssettag s2;
	_ =	strace s9  }
0x27: {  	s1 =	sld [smem:$0x3FAB]  }
0x28: {  	s2 =	sld [smem:$0x3FAC]  }
0x29: {  	s4 =	sld [smem:$0x3FAE]  }
0x2a: {  	p0 =	seq.s32 s5, $0x0;
	s5 =	sld [smem:$0x3FAF]  }
0x2b: {  	s6 =	sld [smem:$0x3FB0]  }
0x2c: {  	s7 =	sld [smem:$0x3FB1]  }
0x2d: {  	s3 =	simm.s32 $0x108;
	s8 =	sld [smem:$0x3FB2]  }
0x2e: {  	s3 =	simm.s32 @!p0 $0x1082;
	s9 =	sld [smem:$0x3FB3]  }
0x2f: {  	lr =	sadd.s32 s0, s3;
	s0 =	sld [smem:$0x3FAA]  }
0x30: {  	s3 =	sld [smem:$0x3FAD]  }
0x31: {  	[smem:$0x3FB6] =	sst s10  }
0x32: {  	s10 =	sld [smem:$0x3FB4];
	_ =	sdelay $0x3  }
0x33: {  	p0 =	seq.s32 s10, $0x1;
	s10 =	sld [smem:$0x3FB6];
	_ =	sdelay $0x3  }
0x34: {  	[smem:$0x3FB6] =	sst s10  }
0x35: {  	s10 =	sld [smem:$0x3FB5];
	_ =	sdelay $0x3  }
0x36: {  	p1 =	seq.s32 s10, $0x1;
	s10 =	sld [smem:$0x3FB6];
	_ =	sdelay $0x3  }
0x37: {  	[smem:$0x3FB6] =	sst s10  }
0x38: {  	s10 =	sld [smem:$0x3FB7]  }
0x39: {  	_ = 	snop;
	(pc) =	sbr.ind lr, $3  }
0x3a: {  	_ = 	snop  }
0x3b: {  	_ = 	snop  }
0x3c: {  	p2 =	seq.s32 s10, $0x1;
	s10 =	sld [smem:$0x3FB6]  }
0x3d: {  	_ =	shalt  }
0x3e: {  	_ =	shalt  }
0x3f: {  	_ =	shalt  }
0x40: {  	_ =	shalt  }
0x41: {  	_ =	shalt  }
0x42: {  	_ =	shalt  }
0x43: {  	_ =	shalt  }
0x44: {  	_ =	shalt  }
0x45: {  	_ =	shalt  }
0x46: {  	_ =	shalt  }
0x47: {  	_ =	shalt  }
0x48: {  	_ =	shalt  }
0x49: {  	_ =	shalt  }
0x4a: {  	_ =	shalt  }
0x4b: {  	_ =	shalt  }
0x4c: {  	_ =	shalt  }
0x4d: {  	_ =	shalt  }
0x4e: {  	_ =	shalt  }
0x4f: {  	_ =	shalt  }
0x50: {  	_ =	shalt  }
0x51: {  	_ =	shalt  }
0x52: {  	_ =	shalt  }
0x53: {  	_ =	shalt  }
0x54: {  	_ =	shalt  }
0x55: {  	_ =	shalt  }
0x56: {  	_ =	shalt  }
0x57: {  	_ =	shalt  }
0x58: {  	_ =	shalt  }
0x59: {  	_ =	shalt  }
0x5a: {  	_ =	shalt  }
0x5b: {  	_ =	shalt  }
0x5c: {  	_ =	shalt  }
0x5d: {  	_ =	shalt  }
0x5e: {  	_ =	shalt  }
0x5f: {  	_ =	shalt  }
0x60: {  	_ =	shalt  }
0x61: {  	_ =	shalt  }
0x62: {  	_ =	shalt  }
0x63: {  	_ =	shalt  }
0x64: {  	_ =	shalt  }
0x65: {  	_ =	shalt  }
0x66: {  	_ =	shalt  }
0x67: {  	_ =	shalt  }
0x68: {  	_ =	shalt  }
0x69: {  	_ =	shalt  }
0x6a: {  	_ =	shalt  }
0x6b: {  	_ =	shalt  }
0x6c: {  	_ =	shalt  }
0x6d: {  	_ =	shalt  }
0x6e: {  	_ =	shalt  }
0x6f: {  	_ =	shalt  }
0x70: {  	_ =	shalt  }
0x71: {  	_ =	shalt  }
0x72: {  	_ =	shalt  }
0x73: {  	_ =	shalt  }
0x74: {  	_ =	shalt  }
0x75: {  	_ =	shalt  }
0x76: {  	_ =	shalt  }
0x77: {  	_ =	shalt  }
0x78: {  	_ =	shalt  }
0x79: {  	_ =	shalt  }
0x7a: {  	_ =	shalt  }
0x7b: {  	_ =	shalt  }
0x7c: {  	_ =	shalt  }
0x7d: {  	_ =	shalt  }
0x7e: {  	_ =	shalt  }
0x7f: {  	_ =	shalt  }
0x80: {  	_ =	shalt  }
0x81: {  	_ =	shalt  }
0x82: {  	_ =	shalt  }
0x83: {  	_ =	shalt  }
0x84: {  	_ =	shalt  }
0x85: {  	_ =	shalt  }
0x86: {  	_ =	shalt  }
0x87: {  	_ =	shalt  }
.Lfunc_end0:
.L_simem_size_0:
called_computation_lowered:
.L_overlay_start_0:
0x88: {  	s2 =	sld [smem:$0x3FD9]  }
0x89: {  	s3 =	sld [smem:$0x3FFE];
	_ =	sdelay $0x1  }
0x8a: {  	s1 =	srdreg.scid  }
0x8b: {  	s0 =	sand.u32 $0x1, s1  }
0x8c: {  	s17 =	sshll.u32 s0, $0xA;
	s2 =	sadd.s32 s3, s2  }
0x8d: {  	s2 =	sadd.s32 s2, s17  }
0x8e: {  	[smem:$0x3FC2] =	sst s2  }
0x8f: {  	_ = 	snop  }
0x90: {  	s2 =	sld [smem:$0x3FD0];
	(tm) =	ssettm $0x1  }
0x91: {  	s18 =	sld [smem:$0x3FFB];
	_ =	sdelay $0x3  }
0x92: {  	_ =	strace s18  }
0x93: {  	s3 =	sld [smem:$0x3FFC];
	_ =	sdelay $0x3  }
0x94: {  	_ =	strace s3  }
0x95: {  	s3 =	sld [smem:$0x3FFD];
	_ =	sdelay $0x3  }
0x96: {  	_ =	strace s3  }
0x97: {  	_ =	strace $0x8FFFFFFF  }
0x98: {  	s19 =	sld [smem:$0x3FDB];
	_ =	sdelay $0x1  }
0x99: {  	s4 =	simm.s32 $_scs_section_size  }
0x9a: {  	s5 =	simm.s32 $_size__tile_overlayer_lowered;
	s6 =	simm.s32 $_tile_overlayer_lowered  }
0x9b: {  	s22 =	simm.s32 $0x1BFF;
	s21 =	sshll.u32 s6, $0x1;
	s3 =	sadd.s32 s4, s19  }
0x9c: {  	s7 =	simm.s32 $0x0;
	s20 =	sshll.u32 s5, $0x1;
	s5 =	sadd.s32 s21, s3  }
0x9d: {  	[timem:s7], [sflag:s22] =	dma.local [hbm:s5], s20  }
0x9e: {  	_ =	swait.ge [sflag:s22], s20  }
0x9f: {  	s4 =	ssub.s32 $0x0, s20;
	[sflag:s22] =	ssyncset.done $0x0  }
0xa0: {  	[sflag:s22] =	ssyncadd.s32 s4;
	_ =	sdelay $0x1  }
0xa1: {  	s23 =	simm.s32 $0x1B8B  }
0xa2: {  	_ =	swait.ge [sflag:s23], $0x1  }
0xa3: {  	[sflag:s23] =	ssyncset.done $0x0  }
0xa4: {  	s25 =	simm.s32 $0x1B8E;
	s24 =	sld [smem:$0x3FFE];
	[sflag:s23] =	ssyncadd.s32 $0xFFFFFFFF  }
0xa5: {  	s26 =	simm.s32 $execute0_lowered;
	[smem:$0x3FD2] =	sst s25  }
0xa6: {  	s5 =	sshll.u32 s26, $0x1;
	_ =	strace $0x80000046;
	[dreg:$0x1] =	wrdreg $0xFFFFFFFF  }
0xa7: {  	s28 =	simm.s32 $_size_execute0_lowered;
	s3 =	sadd.s32 s3, s5;
	[dreg:$0x0] =	wrdreg $0x0  }
0xa8: {  	s5 =	sshll.u32 s28, $0x1;
	[dreg:$0x2] =	wrdreg s3  }
0xa9: {  	[dreg:$0x3] =	wrdreg s5  }
0xaa: {  	[dreg:$0x4] =	wrdreg $0xC0  }
0xab: {  	_ =	task [dreg:s7], $0x5FFFF  }
0xac: {  	[dreg:$0x1] =	wrdreg $0xFFFFFFFF  }
0xad: {  	[dreg:$0x0] =	wrdreg $0x60  }
0xae: {  	[dreg:$0x2] =	wrdreg s24  }
0xaf: {  	[dreg:$0x3] =	wrdreg s2  }
0xb0: {  	[dreg:$0x4] =	wrdreg $0x0  }
0xb1: {  	[dreg:$0x5] =	wrdreg $0x9  }
0xb2: {  	_ =	task.clear_ibuf [dreg:s7], $0x6FFFF;
	_ =	strace $0x90000046  }
0xb3: {  	s29 =	simm.s32 $0x9;
	_ =	strace $0x80000048  }
0xb4: {  	_ =	swait.ge [sflag:s29], $0x1  }
0xb5: {  	[sflag:s29] =	ssyncadd.s32 $0xFFFFFFFF  }
0xb6: {  	_ =	strace $0x90000048  }
0xb7: {  	_ =	sfence  }
0xb8: {  	s30 =	sld [smem:$0x0];
	_ =	sdelay $0x2  }
0xb9: {  	s31 =	sshll.u32 s1, $0xD;
	s1 =	sshrl.u32 s1, $0x2  }
0xba: {  	s3 =	sand.u32 $0x4000, s31;
	s1 =	sadd.s32 s1, s30  }
0xbb: {  	s0 =	sor.u32 s3, s0;
	s1 =	sshll.u32 s1, $0x11  }
0xbc: {  	s0 =	sor.u32 s1, s0  }
0xbd: {  	s0 =	sadd.s32 $0x8F2B, s0  }
0xbe: {  	[sflag:s0] =	ssyncadd.remote.s32 $0x1  }
0xbf: {  	_ =	sfence.sel $0xFFFF  }
0xc0: {  	[dreg:$0x0] =	wrdreg $0xFFFFFFFF;
	(pc) =	sbr.abs _section_cstart, $3  }
0xc1: {  	[dreg:$0x1] =	wrdreg $0xFFFFFFFF  }
0xc2: {  	_ =	task.clear_ibuf [dreg:s7], $0x2FFFF;
	_ =	strace $0x9FFFFFFF  }
0xc3: {  	(tm) =	ssettm $0x7FFFFFFF  }
tec
execute0_lowered:
.L_overlay_start_1:
0x0: {  	(tag) =	ssettag $0x1  }
0x1: {  	s0 =	rddreg [dreg:$0x0]  }
0x2: {  	s1 =	srdreg.scid;
	s11 =	stileid.u32  }
0x3: {  	s2 =	rddreg [dreg:$0x1];
	s6 =	smul.u32 $0x3E80, s11  }
0x4: {  	s3 =	rddreg [dreg:$0x2];
	s4 =	simm.s32 $0x0;
	s18 =	smul.u32 $0x9C40, s11  }
0x5: {  	s17 =	simm.s32 $0x13C80;
	s29 =	simm.s32 $0x5;
	s9 =	smul.u32 $0x1388, s11  }
0x6: {  	s30 =	simm.s32 $0x3;
	s14 =	simm.s32 $0x13F50;
	s19 =	smul.u32 $0x7D000, s11  }
0x7: {  	s15 =	simm.s32 $0x1B7A0;
	s1 =	sand.u32 $0x1, s1;
	s10 =	smul.u32 $0xFA, s11  }
0x8: {  	s31 =	simm.s32 $0x7;
	[smem:$0x7FF] =	sst s4;
	s5 =	smul.u32 $0x27100, s1  }
0x9: {  	_ =	strace $0x80000047;
	s7 =	ssub.s32 $0x2, s1;
	p0 =	seq.s32 s1, $0x0  }
0xa: {  	s1 =	simm.s32 $0xB000;
	s8 =	sshrl.u32 s7, $0x1;
	s9 =	sadd.s32 s2, s9  }
0xb: {  	s22 =	sshrl.u32 s19, $0x2;
	s23 =	sadd.s32 $0x4, s10;
	s24 =	sadd.s32 $0x5, s10  }
0xc: {  	s25 =	sadd.s32 $0x6, s10;
	s26 =	sadd.s32 $0x7, s10;
	[dreg:$0x4] =	wrdreg s9  }
0xd: {  	s1 =	simm.s32 @!p0 $0x1200;
	p0 =	sgt.u32 s11, $0x9;
	[dreg:$0x8] =	wrdreg s23  }
0xe: {  	s19 =	simm.s32 $0x8;
	s10 =	simm.s32 $0x0;
	[dreg:$0x9] =	wrdreg s24  }
0xf: {  	s5 =	sadd.s32 s6, s5;
	s6 =	sshrl.u32 s18, $0x3;
	[dreg:$0xa] =	wrdreg s25  }
0x10: {  	s7 =	ssub.s32 s7, s8;
	s9 =	sadd.s32 s22, s3;
	[dreg:$0xb] =	wrdreg s26  }
0x11: {  	s16 =	sadd.s32 s1, s0;
	s18 =	simm.s32 $0x13D20;
	s22 =	simm.s32 $0xB  }
0x12: {  	s23 =	simm.s32 $0x1;
	s6 =	sadd.s32 s2, s6;
	s28 =	smax.u32 s7, $0x1  }
0x13: {  	s24 =	simm.s32 $0xA0;
	s20 =	sadd.s32 $0x14, s6;
	[dreg:$0xd] =	wrdreg s28  }
0x14: {  	s26 =	simm.s32 $0x2;
	s21 =	sadd.s32 $0x28, s6;
	[dreg:$0x5] =	wrdreg s20  }
0x15: {  	s5 =	sadd.s32 s5, s0;
	s6 =	sadd.s32 $0x3C, s6;
	[dreg:$0x6] =	wrdreg s21  }
0x16: {  	s1 =	simm.s32 $0x50;
	s5 =	sadd.s32 $0x14E00, s5;
	[dreg:$0x7] =	wrdreg s6  }
0x17: {  	s8 =	simm.s32 $0x9;
	s7 =	simm.s32 $0x4;
	[dreg:$0xc] =	wrdreg s5  }
0x18: {  	v0 =	vimm.f32 $0.0e+00;
	s21 =	simm.s32 $0x13880;
	s6 =	simm.s32 $0x6;
	s20 =	simm.s32 $0xA  }
.LBB2_1:
0x19: {  	s0 =	rddreg [dreg:$0x4]  }
0x1a: {  	[tilespmem:s17], [sflag:$0x1] =	stream.linear.gather [hbm4b:s0+s4], $0xA0, $0x38;
	[tilespmem:$0x1DFA0] =	vst v63  }
0x1b: {  	s12 =	rddreg [dreg:$0x5]  }
0x1c: {  	[tilespmem:s18], [sflag:$0x2] =	stream.linear.gather [hbm4b:s12+s4], $0xA0, $0x38;
	[tilespmem:$0x1DFA0] =	vst v63  }
.Ltmp0:
0x1d: {  	_ = 	snop;
	(pc) =	sbr.rel @p0 .LBB2_5-.Ltmp0, $4  }
0x1e: {  	s13 =	rddreg [dreg:$0x6];
	s5 =	simm.s32 $0x13DC0  }
0x1f: {  	[tilespmem:s5], [sflag:$0x3] =	stream.linear.gather [hbm4b:s13+s4], $0xA0, $0x38;
	[tilespmem:$0x1DFA0] =	vst v63  }
0x20: {  	s25 =	rddreg [dreg:$0x7];
	s28 =	simm.s32 $0x13E60  }
0x21: {  	[tilespmem:s28], [sflag:$0x4] =	stream.linear.gather [hbm4b:s25+s4], $0xA0, $0x38;
	[tilespmem:$0x1DFA0] =	vst v63  }
0x22: {  	[tilespmem:$0x13880] =	vst v0  }
0x23: {  	[tilespmem:$0x13890] =	vst v0  }
0x24: {  	[tilespmem:$0x138A0] =	vst v0  }
0x25: {  	[tilespmem:$0x138B0] =	vst v0  }
0x26: {  	[tilespmem:$0x138C0] =	vst v0  }
0x27: {  	[tilespmem:$0x138D0] =	vst v0  }
0x28: {  	[tilespmem:$0x138E0] =	vst v0  }
0x29: {  	[tilespmem:$0x138F0] =	vst v0  }
0x2a: {  	[tilespmem:$0x13900] =	vst v0  }
0x2b: {  	[tilespmem:$0x13910] =	vst v0  }
0x2c: {  	[tilespmem:$0x13920] =	vst v0  }
0x2d: {  	[tilespmem:$0x13930] =	vst v0  }
0x2e: {  	[tilespmem:$0x13940] =	vst v0  }
0x2f: {  	[tilespmem:$0x13950] =	vst v0  }
0x30: {  	[tilespmem:$0x13960] =	vst v0  }
0x31: {  	[tilespmem:$0x13970] =	vst v0  }
0x32: {  	[tilespmem:$0x13980] =	vst v0  }
0x33: {  	[tilespmem:$0x13990] =	vst v0  }
0x34: {  	[tilespmem:$0x139A0] =	vst v0  }
0x35: {  	[tilespmem:$0x139B0] =	vst v0  }
0x36: {  	[tilespmem:$0x139C0] =	vst v0  }
0x37: {  	[tilespmem:$0x139D0] =	vst v0  }
0x38: {  	[tilespmem:$0x139E0] =	vst v0  }
0x39: {  	[tilespmem:$0x139F0] =	vst v0  }
0x3a: {  	[tilespmem:$0x13A00] =	vst v0  }
0x3b: {  	[tilespmem:$0x13A10] =	vst v0  }
0x3c: {  	[tilespmem:$0x13A20] =	vst v0  }
0x3d: {  	[tilespmem:$0x13A30] =	vst v0  }
0x3e: {  	[tilespmem:$0x13A40] =	vst v0  }
0x3f: {  	[tilespmem:$0x13A50] =	vst v0  }
0x40: {  	[tilespmem:$0x13A60] =	vst v0  }
0x41: {  	[tilespmem:$0x13A70] =	vst v0  }
0x42: {  	[tilespmem:$0x13A80] =	vst v0  }
0x43: {  	[tilespmem:$0x13A90] =	vst v0  }
0x44: {  	[tilespmem:$0x13AA0] =	vst v0  }
0x45: {  	[tilespmem:$0x13AB0] =	vst v0  }
0x46: {  	[tilespmem:$0x13AC0] =	vst v0  }
0x47: {  	[tilespmem:$0x13AD0] =	vst v0  }
0x48: {  	[tilespmem:$0x13AE0] =	vst v0  }
0x49: {  	[tilespmem:$0x13AF0] =	vst v0  }
0x4a: {  	[tilespmem:$0x13B00] =	vst v0  }
0x4b: {  	[tilespmem:$0x13B10] =	vst v0  }
0x4c: {  	[tilespmem:$0x13B20] =	vst v0  }
0x4d: {  	[tilespmem:$0x13B30] =	vst v0  }
0x4e: {  	[tilespmem:$0x13B40] =	vst v0  }
0x4f: {  	[tilespmem:$0x13B50] =	vst v0  }
0x50: {  	[tilespmem:$0x13B60] =	vst v0  }
0x51: {  	[tilespmem:$0x13B70] =	vst v0  }
0x52: {  	[tilespmem:$0x13B80] =	vst v0  }
0x53: {  	[tilespmem:$0x13B90] =	vst v0  }
0x54: {  	[tilespmem:$0x13BA0] =	vst v0  }
0x55: {  	[tilespmem:$0x13BB0] =	vst v0  }
0x56: {  	[tilespmem:$0x13BC0] =	vst v0  }
0x57: {  	[tilespmem:$0x13BD0] =	vst v0  }
0x58: {  	[tilespmem:$0x13BE0] =	vst v0  }
0x59: {  	[tilespmem:$0x13BF0] =	vst v0  }
0x5a: {  	[tilespmem:$0x13C00] =	vst v0  }
0x5b: {  	[tilespmem:$0x13C10] =	vst v0  }
0x5c: {  	[tilespmem:$0x13C20] =	vst v0  }
0x5d: {  	[tilespmem:$0x13C30] =	vst v0  }
0x5e: {  	[tilespmem:$0x13C40] =	vst v0  }
0x5f: {  	[tilespmem:$0x13C50] =	vst v0  }
0x60: {  	[tilespmem:$0x13C60] =	vst v0  }
0x61: {  	[tilespmem:$0x13C70] =	vst v0;
	s0 =	sadd.s32 $0x0, s9  }
0x62: {  	[spmem:s0] =	stream.linear.scatter [tilespmem:s21], [sflag:$0xB], $0x400, $0x38;
	[tilespmem:$0x1DFA0] =	vst v63  }
0x63: {  	s0 =	simm.s32 $0x1000;
	_ =	swait.ge [sflag:s22], $0x400  }
.LBB2_3:
0x64: {  	s5 =	sshra.s32 s0, $0x2;
	[sflag:s22] =	ssyncset.done $0x0;
	p1 =	sne.s32 s0, $0x7C000  }
.Ltmp1:
0x65: {  	s5 =	sadd.s32 s5, s9;
	[sflag:s22] =	ssyncadd.s32 $0xFFFFFC00;
	(pc) =	sbr.rel @p1 .LBB2_3-.Ltmp1, $3  }
0x66: {  	[spmem:s5] =	stream.linear.scatter [tilespmem:s21], [sflag:$0xB], $0x400, $0x38;
	[tilespmem:$0x1DFA0] =	vst v63  }
0x67: {  	s0 =	sadd.s32 $0x1000, s0;
	_ =	sdelay $0x1  }
0x68: {  	_ =	swait.ge [sflag:s22], $0x400  }
0x69: {  	[sflag:s22] =	ssyncset.done $0x0  }
0x6a: {  	[sflag:s22] =	ssyncadd.s32 $0xFFFFFC00  }
.LBB2_5:
0x6b: {  	[dreg:$0xe] =	wrdreg s10  }
0x6c: {  	_ =	swait.ge [sflag:s23], $0xA0  }
0x6d: {  	[sflag:s23] =	ssyncset.done $0x0  }
0x6e: {  	s0 =	simm.s32 $0x13FA0;
	[sflag:s23] =	ssyncadd.s32 $0xFFFFFF60  }
0x6f: {  	[tilespmem:s0], [sflag:$0x5] =	stream.indirect.gather [hbm4b:s16+s24], $0x20, s17, s24, $0xb8;
	[tilespmem:$0x1DFA0] =	vst v63  }
0x70: {  	_ =	swait.ge [sflag:s26], $0xA0  }
0x71: {  	[sflag:s26] =	ssyncset.done $0x0  }
0x72: {  	s28 =	simm.s32 $0x153A0;
	[sflag:s26] =	ssyncadd.s32 $0xFFFFFF60  }
0x73: {  	[tilespmem:s28], [sflag:$0x6] =	stream.indirect.gather [hbm4b:s16+s24], $0x20, s18, s24, $0xb8;
	[tilespmem:$0x1DFA0] =	vst v63  }
0x74: {  	s25 =	simm.s32 $0x0;
	[bflag:$0x0] =	sbarrier.arrive $0xFFFF  }
.LBB2_6:
0x75: {  	_ =	swait.ge [sflag:s29], $0x1400  }
0x76: {  	p1 =	seq.s32 s25, $0x0;
	[sflag:s29] =	ssyncset.done $0x0  }
0x77: {  	s0 =	simm.s32 @!p1 $0x9;
	[sflag:s29] =	ssyncadd.s32 $0xFFFFEC00  }
0x78: {  	_ =	swait.ge @!p1 [sflag:s0], $0x2800  }
0x79: {  	[sflag:s0] =	ssyncset.done @!p1 $0x0  }
0x7a: {  	[sflag:s0] =	ssyncadd.s32 @!p1 $0xFFFFD800  }
0x7b: {  	v1 =	vld [tilespmem:$0x13CD0]  }
0x7c: {  	v2 =	vld [tilespmem:$0x13CE0]  }
0x7d: {  	v3 =	vld [tilespmem:$0x13CF0]  }
0x7e: {  	v4 =	vld [tilespmem:$0x13D00]  }
0x7f: {  	v5 =	vld [tilespmem:$0x13D10]  }
0x80: {  	s28 =	sshll.u32 s25, $0x2;
	s11 =	rddreg [dreg:$0x8];
	[tilespmem:$0x13F00] =	vst v1  }
0x81: {  	s0 =	sadd.s32 s28, s11;
	[tilespmem:$0x13F10] =	vst v2  }
0x82: {  	s0 =	smul.u32 $0x14, s0;
	[tilespmem:$0x13F20] =	vst v3  }
0x83: {  	[tilespmem:$0x13F30] =	vst v4  }
0x84: {  	s0 =	sadd.s32 s2, s0;
	[tilespmem:$0x13F40] =	vst v5  }
0x85: {  	[tilespmem:s17], [sflag:$0x1] =	stream.linear.gather [hbm4b:s0+s4], $0xA0, $0x38;
	[tilespmem:$0x1DFA0] =	vst v63  }
0x86: {  	_ =	swait.ge [sflag:s30], $0xA0  }
0x87: {  	s12 =	simm.s32 $0x13DC0;
	[sflag:s30] =	ssyncset.done $0x0  }
0x88: {  	s5 =	simm.s32 $0x167A0;
	s13 =	simm.s32 $0x14A10;
	[sflag:s30] =	ssyncadd.s32 $0xFFFFFF60  }
0x89: {  	[tilespmem:s5], [sflag:$0x7] =	stream.indirect.gather [hbm4b:s16+s24], $0x20, s12, s24, $0xb8;
	[tilespmem:$0x1DFA0] =	vst v63  }
0x8a: {  	v2 =	vld [tilespmem:s13+$0xFFFFF590]  }
0x8b: {  	v4 =	vld [tilespmem:s13+$0xFFFFFFD0]  }
0x8c: {  	v5 =	vld [tilespmem:s13+$0xFFFFFFB0]  }
0x8d: {  	v6 =	vld [tilespmem:s13+$0xFFFFF5B0]  }
0x8e: {  	v7 =	vld [tilespmem:s13+$0xFFFFFF90]  }
0x8f: {  	v8 =	vld [tilespmem:s13+$0xFFFFF5D0];
	_ =	sdelay $0x2  }
0x90: {  	v10 =	vand.u32 $0xFFFF0000, v2;
	v12 =	vshll.u32 v5, $0x10;
	v13 =	vshll.u32 v6, $0x10  }
0x91: {  	v1 =	vld [tilespmem:s13+$0xFFFFFFF0];
	v14 =	vand.u32 $0xFFFF0000, v4;
	v15 =	vand.u32 $0xFFFF0000, v7;
	v12 =	vmul.f32 v12, v13  }
0x92: {  	v3 =	vld [tilespmem:s13+$0xFFFFF5F0];
	v5 =	vand.u32 $0xFFFF0000, v5;
	v16 =	vand.u32 $0xFFFF0000, v8;
	v15 =	vmul.f32 v15, v10  }
0x93: {  	v6 =	vand.u32 $0xFFFF0000, v6;
	v14 =	vmul.f32 v14, v16;
	v12 =	vmul.f32 $1.442695020e+00, v12  }
0x94: {  	v7 =	vshll.u32 v7, $0x10;
	v5 =	vmul.f32 v5, v6;
	v15 =	vmul.f32 $1.442695020e+00, v15  }
0x95: {  	v2 =	vshll.u32 v2, $0x10;
	(erf) = vpow2.f32 v12;
	v12 =	vmul.f32 $1.442695020e+00, v14  }
0x96: {  	v9 =	vshll.u32 v1, $0x10;
	v7 =	vmul.f32 v7, v2;
	(erf) = vpow2.f32 v15  }
0x97: {  	v11 =	vshll.u32 v3, $0x10;
	v5 =	vmul.f32 $1.442695020e+00, v5;
	(erf) = vpow2.f32 v12  }
0x98: {  	v1 =	vand.u32 $0xFFFF0000, v1;
	v9 =	vmul.f32 v9, v11  }
0x99: {  	v3 =	vand.u32 $0xFFFF0000, v3;
	v7 =	vmul.f32 $1.442695020e+00, v7;
	(erf) = vpow2.f32 v5  }
0x9a: {  	v1 =	vmul.f32 v1, v3;
	v5 =	vmul.f32 $1.442695020e+00, v9  }
0x9b: {  	(erf) = vpow2.f32 v7  }
0x9c: {  	s12 =	simm.s32 $0x14A90;
	v1 =	vmul.f32 $1.442695020e+00, v1;
	(erf) = vpow2.f32 v5  }
0x9d: {  	v17 =	vld [tilespmem:s12+$0xFFFFF5B0]  }
0x9e: {  	v5 =	vld [tilespmem:s12+$0xFFFFFFF0];
	v7 =	vpop (erf)  }
0x9f: {  	s11 =	simm.s32 $0x190A0;
	v19 =	vld [tilespmem:s12+$0xFFFFFF90];
	v4 =	vshll.u32 v4, $0x10;
	v12 =	vpop (erf)  }
0xa0: {  	v8 =	vshll.u32 v8, $0x10;
	v14 =	vld [tilespmem:s12+$0xFFFFF5F0];
	(erf) = vpow2.f32 v1;
	v13 =	vmul.f32 v13, v7;
	v1 =	vpop (erf);
	[tilespmem:s11+$0xFFFFFF10] =	vst v12  }
0xa1: {  	v4 =	vmul.f32 v4, v8;
	v9 =	vld [tilespmem:s12+$0xFFFFF590];
	[tilespmem:s11+$0x10] =	vst v1  }
0xa2: {  	v15 =	vld [tilespmem:s12+$0xFFFFFFB0];
	v10 =	vmul.f32 v10, v12;
	v12 =	vpop (erf);
	[tilespmem:s11+$0xFFFFFFC0] =	vst v13  }
0xa3: {  	v21 =	vshll.u32 v17, $0x10;
	v4 =	vmul.f32 $1.442695020e+00, v4;
	v20 =	vshll.u32 v5, $0x10;
	[tilespmem:s11+$0xFFFFFF90] =	vst v12  }
0xa4: {  	v1 =	vmul.f32 v16, v1;
	v16 =	vld [tilespmem:s12+$0xFFFFFFD0];
	v18 =	vpop (erf);
	v6 =	vmul.f32 v6, v12;
	[tilespmem:s11+$0xFFFFFF50] =	vst v10;
	v10 =	vand.u32 $0xFFFF0000, v17  }
0xa5: {  	v13 =	vld [tilespmem:s12+$0xFFFFF5D0];
	v17 =	vand.u32 $0xFFFF0000, v19;
	v2 =	vmul.f32 v2, v18;
	v12 =	vpop (erf);
	(erf) = vpow2.f32 v4;
	[tilespmem:s11+$0xFFFFFF00] =	vst v18  }
0xa6: {  	v18 =	vshll.u32 v14, $0x10;
	v4 =	vmul.f32 v11, v12;
	v11 =	vand.u32 $0xFFFF0000, v9;
	[tilespmem:s11+$0xFFFFFFD0] =	vst v6  }
0xa7: {  	v6 =	vshll.u32 v19, $0x10;
	v9 =	vshll.u32 v9, $0x10;
	[tilespmem:s11+$0xFFFFFF40] =	vst v2;
	v2 =	vshll.u32 v15, $0x10  }
0xa8: {  	[tilespmem:s11+$0xFFFFFF80] =	vst v7;
	v15 =	vand.u32 $0xFFFF0000, v15;
	v17 =	vmul.f32 v17, v11;
	v6 =	vmul.f32 v6, v9  }
0xa9: {  	[tilespmem:s11+$0x80] =	vst v12;
	v2 =	vmul.f32 v2, v21;
	v7 =	vand.u32 $0xFFFF0000, v16;
	v15 =	vmul.f32 v15, v10;
	v23 =	vld [tilespmem:s13+$0xFFFFF5A0]  }
0xaa: {  	v12 =	vand.u32 $0xFFFF0000, v13;
	v24 =	vld [tilespmem:s13+$0xFFFFFFA0];
	[tilespmem:s11+$0xC0] =	vst v4;
	v4 =	vmul.f32 v20, v18;
	v17 =	vmul.f32 $1.442695020e+00, v17  }
0xab: {  	v7 =	vmul.f32 v7, v12;
	v22 =	vpop (erf);
	v2 =	vmul.f32 $1.442695020e+00, v2  }
0xac: {  	v6 =	vmul.f32 $1.442695020e+00, v6;
	v3 =	vmul.f32 v3, v22  }
0xad: {  	v25 =	vand.u32 $0xFFFF0000, v14;
	v19 =	vld [tilespmem:s13+$0xFFFFF5C0];
	[tilespmem:s11+$0x90] =	vst v22;
	v7 =	vmul.f32 $1.442695020e+00, v7;
	(erf) = vpow2.f32 v2  }
0xae: {  	v2 =	vand.u32 $0xFFFF0000, v5;
	v5 =	vld [tilespmem:s13+$0xFFFFFFC0];
	[tilespmem:s11+$0xD0] =	vst v3;
	v3 =	vmul.f32 $1.442695020e+00, v15;
	v22 =	vand.u32 $0xFFFF0000, v23  }
0xaf: {  	[tilespmem:s11+$0x50] =	vst v1;
	(erf) = vpow2.f32 v17;
	v1 =	vand.u32 $0xFFFF0000, v24;
	v2 =	vmul.f32 v2, v25  }
0xb0: {  	v15 =	vpop (erf);
	v17 =	vld [tilespmem:s13+$0x0];
	(erf) = vpow2.f32 v7;
	v1 =	vmul.f32 v1, v22  }
0xb1: {  	v26 =	vshll.u32 v23, $0x10;
	v7 =	vld [tilespmem:s13+$0xFFFFF600];
	v8 =	vmul.f32 v8, v15;
	(erf) = vpow2.f32 v3  }
0xb2: {  	[tilespmem:s11+$0x0] =	vst v15;
	v15 =	vand.u32 $0xFFFF0000, v19;
	v2 =	vmul.f32 $1.442695020e+00, v2;
	(erf) = vpow2.f32 v6  }
0xb3: {  	v1 =	vmul.f32 $1.442695020e+00, v1;
	[tilespmem:s11+$0x40] =	vst v8;
	v3 =	vand.u32 $0xFFFF0000, v5;
	v8 =	vshll.u32 v24, $0x10  }
0xb4: {  	v6 =	vld [tilespmem:s13+$0xFFFFFFE0];
	v3 =	vmul.f32 v3, v15;
	v8 =	vmul.f32 v8, v26  }
0xb5: {  	v14 =	vld [tilespmem:s13+$0xFFFFF5E0];
	(erf) = vpow2.f32 v1;
	v1 =	vmul.f32 $1.442695020e+00, v4  }
0xb6: {  	v20 =	vshll.u32 v17, $0x10;
	v33 =	vshll.u32 v7, $0x10;
	v17 =	vand.u32 $0xFFFF0000, v17  }
0xb7: {  	v28 =	vand.u32 $0xFFFF0000, v7;
	v3 =	vmul.f32 $1.442695020e+00, v3;
	v20 =	vmul.f32 v20, v33  }
0xb8: {  	v23 =	vmul.f32 $1.442695020e+00, v8;
	v7 =	vmul.f32 v17, v28;
	v4 =	vpop (erf)  }
0xb9: {  	s10 =	simm.s32 $0x192A0;
	v24 =	vpop (erf);
	(erf) = vpow2.f32 v1;
	v20 =	vmul.f32 $1.442695020e+00, v20;
	v1 =	vand.u32 $0xFFFF0000, v6  }
0xba: {  	[tilespmem:s10+$0xFFFFFF80] =	vst v4;
	v11 =	vmul.f32 v11, v24;
	v8 =	vand.u32 $0xFFFF0000, v14;
	v17 =	vpop (erf);
	(erf) = vpow2.f32 v3  }
0xbb: {  	[tilespmem:s10+$0xFFFFFF10] =	vst v24;
	v3 =	vmul.f32 v21, v4;
	v1 =	vmul.f32 v1, v8  }
0xbc: {  	s13 =	simm.s32 $0x14B10;
	v6 =	vshll.u32 v6, $0x10;
	[tilespmem:s10+$0x10] =	vst v17;
	v21 =	vpop (erf);
	(erf) = vpow2.f32 v23;
	v12 =	vmul.f32 v12, v17  }
0xbd: {  	v27 =	vld [tilespmem:s13+$0xFFFFF5D0];
	v14 =	vshll.u32 v14, $0x10;
	v23 =	vpop (erf);
	[tilespmem:s10+$0xFFFFFFC0] =	vst v3;
	v3 =	vmul.f32 $1.442695020e+00, v7;
	v10 =	vmul.f32 v10, v21  }
0xbe: {  	v24 =	vld [tilespmem:s13+$0xFFFFFFF0];
	v9 =	vmul.f32 v9, v23;
	[tilespmem:s10+$0x50] =	vst v12;
	v12 =	vmul.f32 v6, v14;
	v6 =	vshll.u32 v13, $0x10  }
0xbf: {  	v17 =	vld [tilespmem:s13+$0xFFFFF590];
	[tilespmem:s10+$0xFFFFFF90] =	vst v21;
	v1 =	vmul.f32 $1.442695020e+00, v1;
	v13 =	vshll.u32 v19, $0x10;
	(erf) = vpow2.f32 v3  }
0xc0: {  	v29 =	vld [tilespmem:s13+$0xFFFFFFB0];
	[tilespmem:s10+$0xFFFFFF50] =	vst v11;
	v3 =	vshll.u32 v5, $0x10;
	v5 =	vpop (erf);
	(erf) = vpow2.f32 v20;
	v12 =	vmul.f32 $1.442695020e+00, v12  }
0xc1: {  	v7 =	vshll.u32 v16, $0x10;
	v21 =	vld [tilespmem:s13+$0xFFFFF5F0];
	[tilespmem:s11+$0xFFFFFF30] =	vst v5;
	v5 =	vmul.f32 v22, v5;
	v30 =	vmul.f32 v3, v13  }
0xc2: {  	v11 =	vshll.u32 v27, $0x10;
	[tilespmem:s10+$0xFFFFFF00] =	vst v23;
	v23 =	vld [tilespmem:s13+$0xFFFFFFD0];
	(erf) = vpow2.f32 v2;
	v2 =	vmul.f32 v7, v6  }
0xc3: {  	v31 =	vld [tilespmem:s13+$0xFFFFFF90];
	[tilespmem:s10+$0xFFFFFFD0] =	vst v10;
	v19 =	vshll.u32 v24, $0x10;
	v20 =	vand.u32 $0xFFFF0000, v24;
	v4 =	vpop (erf);
	(erf) = vpow2.f32 v1  }
0xc4: {  	v7 =	vand.u32 $0xFFFF0000, v17;
	[tilespmem:s11+$0xFFFFFF70] =	vst v5;
	v5 =	vmul.f32 $1.442695020e+00, v30;
	v24 =	vmul.f32 $1.442695020e+00, v2;
	v16 =	vpop (erf)  }
0xc5: {  	[tilespmem:s10+$0xFFFFFF40] =	vst v9;
	v30 =	vshll.u32 v29, $0x10;
	v9 =	vmul.f32 v18, v4;
	v18 =	vld [tilespmem:s13+$0xFFFFF5B0];
	v10 =	vmul.f32 v15, v16  }
0xc6: {  	v2 =	vshll.u32 v21, $0x10;
	v1 =	vand.u32 $0xFFFF0000, v21;
	[tilespmem:s10+$0x80] =	vst v4;
	(erf) = vpow2.f32 v12  }
0xc7: {  	v3 =	vld [tilespmem:s12+$0xFFFFF5C0];
	v22 =	vand.u32 $0xFFFF0000, v23;
	v4 =	vshll.u32 v23, $0x10;
	v21 =	vpop (erf);
	(erf) = vpow2.f32 v24;
	[tilespmem:s10+$0xC0] =	vst v9  }
0xc8: {  	v12 =	vand.u32 $0xFFFF0000, v27;
	v23 =	vld [tilespmem:s12+$0xFFFFFFC0];
	[tilespmem:s11+$0xFFFFFF20] =	vst v21;
	(erf) = vpow2.f32 v5;
	v5 =	vand.u32 $0xFFFF0000, v31  }
0xc9: {  	v27 =	vand.u32 $0xFFFF0000, v29;
	v29 =	vshll.u32 v31, $0x10;
	[tilespmem:s11+$0xFFFFFFF0] =	vst v10;
	v31 =	vmul.f32 v5, v7;
	v10 =	vpop (erf)  }
0xca: {  	v15 =	vshll.u32 v18, $0x10;
	v9 =	vand.u32 $0xFFFF0000, v18;
	v18 =	vmul.f32 v26, v21;
	v21 =	vpop (erf);
	[tilespmem:s11+$0xB0] =	vst v10  }
0xcb: {  	v27 =	vmul.f32 v27, v9;
	v32 =	vmul.f32 v30, v15;
	v26 =	vpop (erf);
	[tilespmem:s11+$0xA0] =	vst v21  }
0xcc: {  	v5 =	vand.u32 $0xFFFF0000, v3;
	v28 =	vmul.f32 v28, v10;
	v30 =	vmul.f32 v25, v26;
	v24 =	vpop (erf);
	v25 =	vld [tilespmem:s12+$0xFFFFF5A0];
	[tilespmem:s10+$0x90] =	vst v26  }
0xcd: {  	s0 =	simm.s32 $0x192A0;
	s5 =	simm.s32 $0x8;
	v10 =	vshll.u32 v23, $0x10;
	v21 =	vmul.f32 v33, v21;
	v32 =	vmul.f32 $1.442695020e+00, v32;
	v26 =	vld [tilespmem:s12+$0xFFFFFFA0];
	[tilespmem:s11+$0x30] =	vst v24  }
.LBB2_7:
0xce: {  	s5 =	sadd.s32 $0x4, s5;
	v31 =	vmul.f32 $1.442695020e+00, v31;
	v19 =	vmul.f32 v19, v2;
	v23 =	vand.u32 $0xFFFF0000, v23;
	[tilespmem:s10+$0xD0] =	vst v30;
	s0 =	sadd.s32 $0x200, s0  }
0xcf: {  	v17 =	vshll.u32 v17, $0x10;
	v20 =	vmul.f32 v20, v1;
	p2 =	slt.u32 s5, $0x4C;
	(erf) = vpow2.f32 v32;
	[tilespmem:s11+$0xF0] =	vst v28;
	v28 =	vpop (erf)  }
0xd0: {  	v22 =	vmul.f32 v22, v12;
	v29 =	vmul.f32 v29, v17;
	[tilespmem:s11+$0xFFFFFF60] =	vst v18  }
0xd1: {  	v27 =	vmul.f32 $1.442695020e+00, v27;
	v14 =	vmul.f32 v14, v28;
	v18 =	vshll.u32 v25, $0x10;
	v30 =	vpop (erf);
	[tilespmem:s11+$0x20] =	vst v28  }
0xd2: {  	v22 =	vmul.f32 $1.442695020e+00, v22;
	v25 =	vand.u32 $0xFFFF0000, v25;
	v28 =	vand.u32 $0xFFFF0000, v26;
	[tilespmem:s10+$0x0] =	vst v30;
	v32 =	vld [tilespmem:s12+$0xFFFFF600]  }
0xd3: {  	v26 =	vshll.u32 v26, $0x10;
	v30 =	vmul.f32 v6, v30;
	(erf) = vpow2.f32 v31;
	v31 =	vld [tilespmem:s12+$0x0];
	[tilespmem:s11+$0xFFFFFFB0] =	vst v16;
	v16 =	vpop (erf)  }
0xd4: {  	v8 =	vmul.f32 v8, v24;
	v6 =	vmov v11;
	(erf) = vpow2.f32 v22;
	[tilespmem:s11+$0xFFFFFFA0] =	vst v16  }
0xd5: {  	v11 =	vmul.f32 $1.442695020e+00, v29;
	v28 =	vmul.f32 v28, v25;
	[tilespmem:s10+$0x40] =	vst v30  }
0xd6: {  	v13 =	vmul.f32 v13, v16;
	(erf) = vpow2.f32 v27;
	v24 =	vld [tilespmem:s12+$0xFFFFF5E0];
	[tilespmem:s11+$0xE0] =	vst v21  }
0xd7: {  	(erf) = vpow2.f32 v11;
	v11 =	vmul.f32 $1.442695020e+00, v28;
	v16 =	vld [tilespmem:s12+$0xFFFFFFE0];
	[tilespmem:s11+$0x70] =	vst v8;
	s12 =	smov.u32 s13  }
0xd8: {  	v8 =	vmul.f32 v23, v5;
	v22 =	vpop (erf);
	v23 =	vand.u32 $0xFFFF0000, v31;
	[tilespmem:s11+$0xFFFFFFE0] =	vst v13  }
0xd9: {  	v13 =	vmul.f32 v26, v18;
	v26 =	vshll.u32 v31, $0x10;
	(erf) = vpow2.f32 v11;
	[tilespmem:s11+$0x60] =	vst v14;
	s11 =	smov.u32 s10;
	s10 =	smov.u32 s0  }
0xda: {  	v21 =	vshll.u32 v32, $0x10;
	v11 =	vmul.f32 $1.442695020e+00, v19;
	v14 =	vmul.f32 $1.442695020e+00, v8  }
0xdb: {  	v19 =	vmul.f32 v26, v21;
	v13 =	vmul.f32 $1.442695020e+00, v13  }
0xdc: {  	v26 =	vand.u32 $0xFFFF0000, v32;
	v8 =	vpop (erf);
	(erf) = vpow2.f32 v11;
	v11 =	vand.u32 $0xFFFF0000, v16  }
0xdd: {  	v23 =	vmul.f32 v23, v26;
	[tilespmem:s0+$0xFFFFFF10] =	vst v8;
	v27 =	vmul.f32 v7, v8;
	v7 =	vpop (erf);
	v8 =	vand.u32 $0xFFFF0000, v24  }
0xde: {  	v16 =	vshll.u32 v16, $0x10;
	v11 =	vmul.f32 v11, v8;
	(erf) = vpow2.f32 v14  }
0xdf: {  	v14 =	vmul.f32 v15, v22;
	[tilespmem:s0+$0x10] =	vst v7;
	v15 =	vpop (erf);
	(erf) = vpow2.f32 v13  }
0xe0: {  	s13 =	sadd.s32 $0x80, s13;
	v19 =	vmul.f32 $1.442695020e+00, v19;
	v7 =	vmul.f32 v12, v7;
	[tilespmem:s0+$0xFFFFFF90] =	vst v15;
	v12 =	vpop (erf)  }
0xe1: {  	v23 =	vmul.f32 $1.442695020e+00, v23;
	v28 =	vld [tilespmem:s13+$0xFFFFFFF0];
	v29 =	vmul.f32 v17, v12;
	[tilespmem:s0+$0xFFFFFFC0] =	vst v14;
	v14 =	vshll.u32 v24, $0x10  }
0xe2: {  	v9 =	vmul.f32 v9, v15;
	v17 =	vld [tilespmem:s13+$0xFFFFF590];
	[tilespmem:s0+$0x50] =	vst v7;
	v7 =	vmul.f32 v16, v14;
	v15 =	vpop (erf)  }
0xe3: {  	v13 =	vshll.u32 v3, $0x10;
	[tilespmem:s0+$0xFFFFFF00] =	vst v12;
	v12 =	vmul.f32 $1.442695020e+00, v20;
	(erf) = vpow2.f32 v23  }
0xe4: {  	v11 =	vmul.f32 $1.442695020e+00, v11;
	v3 =	vld [tilespmem:s13+$0xFFFFF5F0];
	[tilespmem:s0+$0xFFFFFF80] =	vst v22;
	(erf) = vpow2.f32 v19  }
0xe5: {  	v22 =	vld [tilespmem:s13+$0xFFFFFFD0];
	v16 =	vpop (erf);
	(erf) = vpow2.f32 v12;
	[tilespmem:s11+$0xFFFFFF30] =	vst v15;
	v12 =	vmul.f32 $1.442695020e+00, v7  }
0xe6: {  	v4 =	vmul.f32 v4, v6;
	v23 =	vld [tilespmem:s13+$0xFFFFF5D0];
	v19 =	vshll.u32 v28, $0x10;
	[tilespmem:s0+$0x80] =	vst v16;
	(erf) = vpow2.f32 v11  }
0xe7: {  	v15 =	vmul.f32 v25, v15;
	v20 =	vand.u32 $0xFFFF0000, v28;
	v11 =	vmul.f32 v2, v16;
	v24 =	vld [tilespmem:s13+$0xFFFFFFB0];
	[tilespmem:s0+$0xFFFFFF40] =	vst v29;
	v16 =	vpop (erf)  }
0xe8: {  	v10 =	vmul.f32 v10, v13;
	v7 =	vand.u32 $0xFFFF0000, v17;
	v25 =	vld [tilespmem:s13+$0xFFFFF5B0];
	[tilespmem:s0+$0xFFFFFF50] =	vst v27;
	v27 =	vmul.f32 $1.442695020e+00, v4;
	v28 =	vpop (erf)  }
0xe9: {  	v5 =	vmul.f32 v5, v16;
	v30 =	vld [tilespmem:s13+$0xFFFFFF90];
	v2 =	vshll.u32 v3, $0x10;
	v32 =	vand.u32 $0xFFFF0000, v3;
	[tilespmem:s0+$0xFFFFFFD0] =	vst v9  }
0xea: {  	v4 =	vshll.u32 v22, $0x10;
	v22 =	vand.u32 $0xFFFF0000, v22;
	v3 =	vld [tilespmem:s12+$0xFFFFF5C0];
	[tilespmem:s0+$0xC0] =	vst v11;
	(erf) = vpow2.f32 v12  }
0xeb: {  	v10 =	vmul.f32 $1.442695020e+00, v10;
	v11 =	vshll.u32 v23, $0x10;
	v12 =	vand.u32 $0xFFFF0000, v23;
	v23 =	vld [tilespmem:s12+$0xFFFFFFC0];
	[tilespmem:s11+$0xFFFFFF70] =	vst v15  }
0xec: {  	v31 =	vshll.u32 v24, $0x10;
	v24 =	vand.u32 $0xFFFF0000, v24;
	(erf) = vpow2.f32 v27;
	[tilespmem:s11+$0xFFFFFFF0] =	vst v5;
	v33 =	vpop (erf)  }
.Ltmp2:
0xed: {  	v18 =	vmul.f32 v18, v28;
	v15 =	vshll.u32 v25, $0x10;
	v9 =	vand.u32 $0xFFFF0000, v25;
	[tilespmem:s11+$0xFFFFFF20] =	vst v28;
	v34 =	vpop (erf);
	(pc) =	sbr.rel @p2 .LBB2_7-.Ltmp2, $4  }
0xee: {  	v29 =	vshll.u32 v30, $0x10;
	v27 =	vmul.f32 v24, v9;
	v28 =	vpop (erf);
	[tilespmem:s11+$0xB0] =	vst v33;
	(erf) = vpow2.f32 v10  }
0xef: {  	v5 =	vand.u32 $0xFFFF0000, v30;
	v10 =	vmul.f32 v31, v15;
	v30 =	vmul.f32 v1, v28;
	[tilespmem:s11+$0xA0] =	vst v34;
	v24 =	vpop (erf)  }
0xf0: {  	v31 =	vmul.f32 v5, v7;
	v5 =	vand.u32 $0xFFFF0000, v3;
	v1 =	vmovc v32;
	v25 =	vld [tilespmem:s12+$0xFFFFF5A0];
	[tilespmem:s0+$0x90] =	vst v28;
	v28 =	vmul.f32 v26, v33  }
0xf1: {  	v21 =	vmul.f32 v21, v34;
	v32 =	vmul.f32 $1.442695020e+00, v10;
	v10 =	vshll.u32 v23, $0x10;
	v26 =	vld [tilespmem:s12+$0xFFFFFFA0];
	[tilespmem:s11+$0x30] =	vst v24  }
0xf2: {  	v31 =	vmul.f32 $1.442695020e+00, v31  }
0xf3: {  	v19 =	vmul.f32 v19, v2;
	v20 =	vmul.f32 v20, v1  }
0xf4: {  	v22 =	vmul.f32 v22, v12;
	v27 =	vmul.f32 $1.442695020e+00, v27  }
0xf5: {  	v17 =	vshll.u32 v17, $0x10;
	v8 =	vmul.f32 v8, v24;
	v4 =	vmul.f32 v4, v11  }
0xf6: {  	(erf) = vpow2.f32 v32;
	v59 =	vpop (erf);
	v29 =	vmul.f32 v29, v17  }
0xf7: {  	v14 =	vmul.f32 v14, v59;
	v22 =	vmul.f32 $1.442695020e+00, v22  }
0xf8: {  	(erf) = vpow2.f32 v31;
	v19 =	vmul.f32 $1.442695020e+00, v19  }
0xf9: {  	[tilespmem:s10+$0xD0] =	vst v30;
	v20 =	vmul.f32 $1.442695020e+00, v20;
	v4 =	vmul.f32 $1.442695020e+00, v4;
	v33 =	vpop (erf);
	v30 =	vand.u32 $0xFFFF0000, v25  }
0xfa: {  	v60 =	vld [tilespmem:s12+$0x0];
	v29 =	vmul.f32 $1.442695020e+00, v29;
	v6 =	vmul.f32 v6, v33;
	v31 =	vand.u32 $0xFFFF0000, v26  }
0xfb: {  	[tilespmem:s10+$0x0] =	vst v33;
	(erf) = vpow2.f32 v22;
	v22 =	vand.u32 $0xFFFF0000, v23;
	v23 =	vld [tilespmem:s12+$0xFFFFF600];
	v31 =	vmul.f32 v31, v30  }
0xfc: {  	v26 =	vshll.u32 v26, $0x10;
	v24 =	vpop (erf);
	(erf) = vpow2.f32 v27;
	v22 =	vmul.f32 v22, v5;
	[tilespmem:s10+$0x40] =	vst v6  }
0xfd: {  	v6 =	vshll.u32 v25, $0x10;
	v13 =	vmul.f32 v13, v24;
	(erf) = vpow2.f32 v29;
	v25 =	vld [tilespmem:s12+$0xFFFFF5E0]  }
0xfe: {  	[tilespmem:s11+$0xF0] =	vst v28;
	v27 =	vmul.f32 $1.442695020e+00, v31;
	v29 =	vld [tilespmem:s12+$0xFFFFFFE0];
	v26 =	vmul.f32 v26, v6  }
0xff: {  	[tilespmem:s11+$0xFFFFFF60] =	vst v18;
	v18 =	vand.u32 $0xFFFF0000, v60;
	v31 =	vshll.u32 v60, $0x10;
	v22 =	vmul.f32 $1.442695020e+00, v22  }
0x100: {  	[tilespmem:s11+$0xFFFFFFB0] =	vst v16;
	(erf) = vpow2.f32 v27;
	v27 =	vshll.u32 v23, $0x10;
	v26 =	vmul.f32 $1.442695020e+00, v26  }
0x101: {  	[tilespmem:s11+$0xE0] =	vst v21;
	v23 =	vand.u32 $0xFFFF0000, v23;
	v28 =	vmul.f32 v31, v27;
	(erf) = vpow2.f32 v19  }
0x102: {  	[tilespmem:s11+$0x70] =	vst v8;
	v19 =	vpop (erf);
	v18 =	vmul.f32 v18, v23;
	(erf) = vpow2.f32 v22  }
0x103: {  	[tilespmem:s11+$0x60] =	vst v14;
	v15 =	vmul.f32 v15, v19;
	v31 =	vand.u32 $0xFFFF0000, v29;
	v61 =	vand.u32 $0xFFFF0000, v25  }
0x104: {  	[tilespmem:s11+$0xFFFFFFA0] =	vst v24;
	v16 =	vpop (erf);
	v21 =	vshll.u32 v29, $0x10;
	(erf) = vpow2.f32 v26;
	v8 =	vmul.f32 $1.442695020e+00, v28  }
0x105: {  	s0 =	sadd.s32 $0x200, s0;
	[tilespmem:s11+$0xFFFFFFE0] =	vst v13;
	v22 =	vshll.u32 v25, $0x10;
	v18 =	vmul.f32 $1.442695020e+00, v18;
	v31 =	vmul.f32 v31, v61  }
0x106: {  	[tilespmem:s0+$0xFFFFFF80] =	vst v19;
	v7 =	vmul.f32 v7, v16;
	v13 =	vmul.f32 v21, v22  }
0x107: {  	[tilespmem:s0+$0xFFFFFF10] =	vst v16;
	v24 =	vpop (erf);
	(erf) = vpow2.f32 v18;
	v14 =	vmul.f32 $1.442695020e+00, v31  }
0x108: {  	[tilespmem:s0+$0xFFFFFFC0] =	vst v15;
	v12 =	vmul.f32 v12, v24;
	(erf) = vpow2.f32 v8  }
0x109: {  	[tilespmem:s0+$0xFFFFFF50] =	vst v7;
	v13 =	vmul.f32 $1.442695020e+00, v13;
	v8 =	vpop (erf);
	(erf) = vpow2.f32 v20  }
0x10a: {  	[tilespmem:s0+$0xFFFFFF90] =	vst v8;
	(erf) = vpow2.f32 v14;
	v8 =	vmul.f32 v9, v8  }
0x10b: {  	[tilespmem:s0+$0x50] =	vst v12;
	v14 =	vpop (erf);
	(erf) = vpow2.f32 v13  }
0x10c: {  	[tilespmem:s0+$0xFFFFFFD0] =	vst v8;
	v12 =	vpop (erf);
	(erf) = vpow2.f32 v4  }
0x10d: {  	v13 =	vmul.f32 v17, v14;
	[tilespmem:s0+$0xFFFFFF00] =	vst v14;
	v4 =	vpop (erf)  }
0x10e: {  	[tilespmem:s10+$0xFFFFFF30] =	vst v12;
	v14 =	vpop (erf)  }
0x10f: {  	[tilespmem:s0+$0xFFFFFF40] =	vst v13;
	v15 =	vpop (erf)  }
0x110: {  	v3 =	vshll.u32 v3, $0x10;
	v2 =	vmul.f32 v2, v4;
	[tilespmem:s0+$0x80] =	vst v4;
	v4 =	vmul.f32 v30, v12;
	v12 =	vld [tilespmem:s13+$0xFFFFF5C0];
	v7 =	vpop (erf)  }
0x111: {  	v10 =	vmul.f32 v10, v3;
	[tilespmem:s0+$0x10] =	vst v24;
	v13 =	vld [tilespmem:s13+$0xFFFFF5A0];
	v9 =	vpop (erf)  }
0x112: {  	v16 =	vld [tilespmem:s13+$0xFFFFFFA0];
	v5 =	vmul.f32 v5, v14;
	[tilespmem:s0+$0xC0] =	vst v2;
	v8 =	vpop (erf)  }
0x113: {  	v10 =	vmul.f32 $1.442695020e+00, v10;
	[tilespmem:s10+$0xFFFFFF70] =	vst v4;
	v17 =	vpop (erf)  }
0x114: {  	v2 =	vld [tilespmem:s13+$0xFFFFFFC0];
	v6 =	vmul.f32 v6, v15;
	[tilespmem:s10+$0xFFFFFFF0] =	vst v5;
	v1 =	vmul.f32 v1, v8;
	v18 =	vpop (erf)  }
0x115: {  	(erf) = vpow2.f32 v10;
	v10 =	vmul.f32 v23, v7;
	[tilespmem:s0+$0x90] =	vst v8;
	v8 =	vpop (erf)  }
0x116: {  	v21 =	vmul.f32 v27, v9;
	[tilespmem:s0+$0xD0] =	vst v1;
	v1 =	vmul.f32 v11, v8  }
0x117: {  	v20 =	vand.u32 $0xFFFF0000, v12;
	v19 =	vand.u32 $0xFFFF0000, v16;
	v11 =	vand.u32 $0xFFFF0000, v13;
	[tilespmem:s0+$0x0] =	vst v8;
	v8 =	vld [tilespmem:s13+$0x0]  }
0x118: {  	v4 =	vshll.u32 v13, $0x10;
	v5 =	vshll.u32 v16, $0x10;
	v23 =	vld [tilespmem:s13+$0xFFFFF600];
	v19 =	vmul.f32 v19, v11;
	[tilespmem:s0+$0x40] =	vst v1  }
0x119: {  	[tilespmem:s11+$0x20] =	vst v59;
	v5 =	vmul.f32 v5, v4;
	v13 =	vmul.f32 v22, v18;
	v1 =	vand.u32 $0xFFFF0000, v2;
	v22 =	vld [tilespmem:s13+$0xFFFFF5E0]  }
0x11a: {  	[tilespmem:s10+$0xFFFFFFB0] =	vst v14;
	v16 =	vmul.f32 $1.442695020e+00, v19;
	v19 =	vld [tilespmem:s13+$0xFFFFFFE0];
	v1 =	vmul.f32 v1, v20  }
0x11b: {  	[tilespmem:s10+$0xFFFFFF20] =	vst v15;
	v15 =	vmul.f32 v61, v17;
	v5 =	vmul.f32 $1.442695020e+00, v5  }
0x11c: {  	[tilespmem:s10+$0xB0] =	vst v7;
	(erf) = vpow2.f32 v16;
	v1 =	vmul.f32 $1.442695020e+00, v1  }
0x11d: {  	[tilespmem:s10+$0xA0] =	vst v9;
	v7 =	vand.u32 $0xFFFF0000, v8;
	v8 =	vshll.u32 v8, $0x10;
	v9 =	vand.u32 $0xFFFF0000, v23  }
0x11e: {  	[tilespmem:s10+$0xFFFFFF60] =	vst v6;
	v16 =	vshll.u32 v23, $0x10;
	v7 =	vmul.f32 v7, v9;
	(erf) = vpow2.f32 v1  }
0x11f: {  	[tilespmem:s10+$0xF0] =	vst v10;
	v1 =	vmul.f32 v8, v16;
	v8 =	vand.u32 $0xFFFF0000, v19;
	v10 =	vand.u32 $0xFFFF0000, v22  }
0x120: {  	[tilespmem:s10+$0x30] =	vst v17;
	v7 =	vmul.f32 $1.442695020e+00, v7;
	(erf) = vpow2.f32 v5;
	v14 =	vshll.u32 v22, $0x10  }
0x121: {  	[tilespmem:s10+$0xE0] =	vst v21;
	v6 =	vmul.f32 v8, v10;
	v8 =	vshll.u32 v19, $0x10;
	v1 =	vmul.f32 $1.442695020e+00, v1  }
0x122: {  	[tilespmem:s10+$0x20] =	vst v18;
	(erf) = vpow2.f32 v7;
	v7 =	vmul.f32 v8, v14  }
0x123: {  	[tilespmem:s10+$0x70] =	vst v15;
	v5 =	vpop (erf);
	v6 =	vmul.f32 $1.442695020e+00, v6;
	(erf) = vpow2.f32 v1  }
0x124: {  	v2 =	vshll.u32 v2, $0x10;
	[tilespmem:s10+$0x60] =	vst v13;
	v1 =	vmul.f32 v3, v5;
	v3 =	vshll.u32 v12, $0x10  }
0x125: {  	[tilespmem:s10+$0xFFFFFFA0] =	vst v5;
	v2 =	vmul.f32 v2, v3;
	(erf) = vpow2.f32 v6;
	v5 =	vpop (erf)  }
0x126: {  	[tilespmem:s10+$0xFFFFFFE0] =	vst v1;
	v1 =	vmul.f32 v11, v5  }
0x127: {  	v6 =	vmul.f32 $1.442695020e+00, v7;
	v2 =	vmul.f32 $1.442695020e+00, v2;
	[tilespmem:s0+$0xFFFFFF30] =	vst v5;
	v7 =	vpop (erf)  }
0x128: {  	v5 =	vmul.f32 v20, v7;
	[tilespmem:s0+$0xFFFFFF70] =	vst v1  }
0x129: {  	(erf) = vpow2.f32 v6;
	[tilespmem:s0+$0xFFFFFFB0] =	vst v7  }
0x12a: {  	(erf) = vpow2.f32 v2;
	v1 =	vpop (erf);
	[tilespmem:s0+$0xFFFFFFF0] =	vst v5  }
0x12b: {  	v2 =	vpop (erf);
	[tilespmem:s0+$0xFFFFFF20] =	vst v1  }
0x12c: {  	v1 =	vmul.f32 v4, v1;
	v5 =	vpop (erf);
	[tilespmem:s0+$0xB0] =	vst v2  }
0x12d: {  	[tilespmem:s0+$0xA0] =	vst v5  }
0x12e: {  	v2 =	vmul.f32 v9, v2;
	v6 =	vpop (erf);
	[tilespmem:s0+$0xFFFFFF60] =	vst v1  }
0x12f: {  	v1 =	vmul.f32 v16, v5;
	[tilespmem:s0+$0x30] =	vst v6  }
0x130: {  	[tilespmem:s0+$0xF0] =	vst v2;
	v5 =	vmul.f32 v10, v6  }
0x131: {  	[tilespmem:s0+$0xE0] =	vst v1  }
0x132: {  	v2 =	vpop (erf);
	[tilespmem:s0+$0x70] =	vst v5  }
0x133: {  	[tilespmem:s0+$0x20] =	vst v2;
	v4 =	vpop (erf);
	v1 =	vmul.f32 v14, v2  }
0x134: {  	[tilespmem:s0+$0xFFFFFFA0] =	vst v4;
	v3 =	vmul.f32 v3, v4  }
0x135: {  	[tilespmem:s0+$0x60] =	vst v1  }
0x136: {  	s5 =	simm.s32 $0x18FA0;
	s13 =	simm.s32 $0x13F00;
	[tilespmem:s0+$0xFFFFFFE0] =	vst v3  }
0x137: {  	[spmem:s3] =	stream.indirect.scatter.add.f32 [tilespmem:s5], [sflag:$0x9], $0x80, s13, s1, $0xb8;
	[tilespmem:$0x1DFA0] =	vst v63  }
0x138: {  	_ =	swait.ge [sflag:s6], $0x1400  }
0x139: {  	[sflag:s6] =	ssyncset.done $0x0  }
0x13a: {  	s0 =	simm.s32 @!p1 $0xA;
	[sflag:s6] =	ssyncadd.s32 $0xFFFFEC00  }
0x13b: {  	_ =	swait.ge @!p1 [sflag:s0], $0x2800  }
0x13c: {  	[sflag:s0] =	ssyncset.done @!p1 $0x0  }
0x13d: {  	[sflag:s0] =	ssyncadd.s32 @!p1 $0xFFFFD800  }
0x13e: {  	v1 =	vld [tilespmem:$0x13D70]  }
0x13f: {  	v2 =	vld [tilespmem:$0x13D80]  }
0x140: {  	v3 =	vld [tilespmem:$0x13D90]  }
0x141: {  	v4 =	vld [tilespmem:$0x13DA0]  }
0x142: {  	v5 =	vld [tilespmem:$0x13DB0]  }
0x143: {  	s10 =	rddreg [dreg:$0x9];
	[tilespmem:$0x13F50] =	vst v1  }
0x144: {  	s0 =	sadd.s32 s28, s10;
	[tilespmem:$0x13F60] =	vst v2  }
0x145: {  	s0 =	smul.u32 $0x14, s0;
	[tilespmem:$0x13F70] =	vst v3  }
0x146: {  	[tilespmem:$0x13F80] =	vst v4  }
0x147: {  	s0 =	sadd.s32 s2, s0;
	[tilespmem:$0x13F90] =	vst v5  }
0x148: {  	[tilespmem:s18], [sflag:$0x2] =	stream.linear.gather [hbm4b:s0+s4], $0xA0, $0x38;
	[tilespmem:$0x1DFA0] =	vst v63  }
0x149: {  	_ =	swait.ge [sflag:s7], $0xA0  }
0x14a: {  	s12 =	simm.s32 $0x17BA0;
	[sflag:s7] =	ssyncset.done $0x0  }
0x14b: {  	s11 =	simm.s32 $0x13E60;
	s13 =	simm.s32 $0x15E10;
	[sflag:s7] =	ssyncadd.s32 $0xFFFFFF60  }
0x14c: {  	[tilespmem:s12], [sflag:$0x8] =	stream.indirect.gather [hbm4b:s16+s24], $0x20, s11, s24, $0xb8;
	[tilespmem:$0x1DFA0] =	vst v63  }
0x14d: {  	v1 =	vld [tilespmem:s13+$0xFFFFFFF0]  }
0x14e: {  	v2 =	vld [tilespmem:s13+$0xFFFFF590]  }
0x14f: {  	v4 =	vld [tilespmem:s13+$0xFFFFFFD0]  }
0x150: {  	v5 =	vld [tilespmem:s13+$0xFFFFFFB0]  }
0x151: {  	v6 =	vld [tilespmem:s13+$0xFFFFF5B0]  }
0x152: {  	v7 =	vld [tilespmem:s13+$0xFFFFFF90];
	_ =	sdelay $0x1  }
0x153: {  	v8 =	vld [tilespmem:s13+$0xFFFFF5D0]  }
0x154: {  	v3 =	vld [tilespmem:s13+$0xFFFFF5F0]  }
0x155: {  	v9 =	vshll.u32 v1, $0x10;
	v10 =	vand.u32 $0xFFFF0000, v2;
	v12 =	vshll.u32 v5, $0x10  }
0x156: {  	v13 =	vshll.u32 v6, $0x10;
	v14 =	vand.u32 $0xFFFF0000, v4;
	v15 =	vand.u32 $0xFFFF0000, v7  }
0x157: {  	v5 =	vand.u32 $0xFFFF0000, v5;
	v6 =	vand.u32 $0xFFFF0000, v6;
	v12 =	vmul.f32 v12, v13  }
0x158: {  	v16 =	vand.u32 $0xFFFF0000, v8;
	v15 =	vmul.f32 v15, v10;
	v5 =	vmul.f32 v5, v6  }
0x159: {  	v11 =	vshll.u32 v3, $0x10;
	v14 =	vmul.f32 v14, v16;
	v12 =	vmul.f32 $1.442695020e+00, v12  }
0x15a: {  	v7 =	vshll.u32 v7, $0x10;
	v9 =	vmul.f32 v9, v11;
	v15 =	vmul.f32 $1.442695020e+00, v15  }
0x15b: {  	v2 =	vshll.u32 v2, $0x10;
	(erf) = vpow2.f32 v12;
	v12 =	vmul.f32 $1.442695020e+00, v14  }
0x15c: {  	v7 =	vmul.f32 v7, v2;
	(erf) = vpow2.f32 v15  }
0x15d: {  	v5 =	vmul.f32 $1.442695020e+00, v5;
	(erf) = vpow2.f32 v12  }
0x15e: {  	v1 =	vand.u32 $0xFFFF0000, v1;
	v7 =	vmul.f32 $1.442695020e+00, v7  }
0x15f: {  	v3 =	vand.u32 $0xFFFF0000, v3;
	(erf) = vpow2.f32 v5;
	v5 =	vmul.f32 $1.442695020e+00, v9  }
0x160: {  	v1 =	vmul.f32 v1, v3;
	(erf) = vpow2.f32 v7  }
0x161: {  	(erf) = vpow2.f32 v5  }
0x162: {  	s12 =	simm.s32 $0x15E90;
	v1 =	vmul.f32 $1.442695020e+00, v1  }
0x163: {  	v17 =	vld [tilespmem:s12+$0xFFFFF5B0]  }
0x164: {  	s11 =	simm.s32 $0x1B8A0;
	v4 =	vshll.u32 v4, $0x10;
	v8 =	vshll.u32 v8, $0x10;
	v5 =	vld [tilespmem:s12+$0xFFFFFFF0];
	v7 =	vpop (erf)  }
0x165: {  	v19 =	vld [tilespmem:s12+$0xFFFFFF90];
	v4 =	vmul.f32 v4, v8;
	v12 =	vpop (erf);
	[tilespmem:s11+$0xFFFFFF80] =	vst v7  }
0x166: {  	v14 =	vld [tilespmem:s12+$0xFFFFF5F0];
	(erf) = vpow2.f32 v1;
	v13 =	vmul.f32 v13, v7;
	v1 =	vpop (erf);
	[tilespmem:s11+$0xFFFFFF10] =	vst v12  }
0x167: {  	v9 =	vld [tilespmem:s12+$0xFFFFF590];
	[tilespmem:s11+$0x10] =	vst v1  }
0x168: {  	v21 =	vshll.u32 v17, $0x10;
	v4 =	vmul.f32 $1.442695020e+00, v4;
	v15 =	vld [tilespmem:s12+$0xFFFFFFB0];
	v10 =	vmul.f32 v10, v12;
	v12 =	vpop (erf);
	[tilespmem:s11+$0xFFFFFFC0] =	vst v13  }
0x169: {  	v20 =	vshll.u32 v5, $0x10;
	v1 =	vmul.f32 v16, v1;
	v16 =	vld [tilespmem:s12+$0xFFFFFFD0];
	v18 =	vpop (erf);
	[tilespmem:s11+$0xFFFFFF90] =	vst v12;
	v6 =	vmul.f32 v6, v12  }
0x16a: {  	v13 =	vld [tilespmem:s12+$0xFFFFF5D0];
	(erf) = vpow2.f32 v4;
	[tilespmem:s11+$0xFFFFFF50] =	vst v10;
	v10 =	vand.u32 $0xFFFF0000, v17;
	v17 =	vand.u32 $0xFFFF0000, v19;
	v12 =	vpop (erf)  }
0x16b: {  	v2 =	vmul.f32 v2, v18;
	[tilespmem:s11+$0xFFFFFF00] =	vst v18;
	v18 =	vshll.u32 v14, $0x10;
	v4 =	vmul.f32 v11, v12  }
0x16c: {  	v11 =	vand.u32 $0xFFFF0000, v9;
	[tilespmem:s11+$0xFFFFFFD0] =	vst v6;
	v6 =	vshll.u32 v19, $0x10;
	v9 =	vshll.u32 v9, $0x10  }
0x16d: {  	[tilespmem:s11+$0xFFFFFF40] =	vst v2;
	v2 =	vshll.u32 v15, $0x10;
	v15 =	vand.u32 $0xFFFF0000, v15;
	v17 =	vmul.f32 v17, v11  }
0x16e: {  	[tilespmem:s11+$0x80] =	vst v12;
	v6 =	vmul.f32 v6, v9;
	v2 =	vmul.f32 v2, v21;
	v7 =	vand.u32 $0xFFFF0000, v16  }
0x16f: {  	v15 =	vmul.f32 v15, v10;
	v23 =	vld [tilespmem:s13+$0xFFFFF5A0];
	v12 =	vand.u32 $0xFFFF0000, v13;
	[tilespmem:s11+$0xC0] =	vst v4;
	v4 =	vmul.f32 v20, v18  }
0x170: {  	v24 =	vld [tilespmem:s13+$0xFFFFFFA0];
	v22 =	vpop (erf);
	v17 =	vmul.f32 $1.442695020e+00, v17;
	v7 =	vmul.f32 v7, v12  }
0x171: {  	v3 =	vmul.f32 v3, v22;
	v2 =	vmul.f32 $1.442695020e+00, v2  }
0x172: {  	v25 =	vand.u32 $0xFFFF0000, v14;
	v19 =	vld [tilespmem:s13+$0xFFFFF5C0];
	v6 =	vmul.f32 $1.442695020e+00, v6;
	v7 =	vmul.f32 $1.442695020e+00, v7  }
0x173: {  	(erf) = vpow2.f32 v2;
	v2 =	vand.u32 $0xFFFF0000, v5;
	v5 =	vld [tilespmem:s13+$0xFFFFFFC0];
	[tilespmem:s11+$0xD0] =	vst v3;
	v3 =	vmul.f32 $1.442695020e+00, v15  }
0x174: {  	[tilespmem:s11+$0x90] =	vst v22;
	v15 =	vpop (erf);
	v22 =	vand.u32 $0xFFFF0000, v23;
	(erf) = vpow2.f32 v17;
	v2 =	vmul.f32 v2, v25  }
0x175: {  	[tilespmem:s11+$0x50] =	vst v1;
	v1 =	vand.u32 $0xFFFF0000, v24;
	v17 =	vld [tilespmem:s13+$0x0];
	v8 =	vmul.f32 v8, v15;
	(erf) = vpow2.f32 v7  }
0x176: {  	v26 =	vshll.u32 v23, $0x10;
	v7 =	vld [tilespmem:s13+$0xFFFFF600];
	v1 =	vmul.f32 v1, v22;
	(erf) = vpow2.f32 v3  }
0x177: {  	[tilespmem:s11+$0x0] =	vst v15;
	v15 =	vand.u32 $0xFFFF0000, v19;
	v2 =	vmul.f32 $1.442695020e+00, v2;
	(erf) = vpow2.f32 v6  }
0x178: {  	[tilespmem:s11+$0x40] =	vst v8;
	v1 =	vmul.f32 $1.442695020e+00, v1;
	v8 =	vshll.u32 v24, $0x10;
	v3 =	vand.u32 $0xFFFF0000, v5  }
0x179: {  	v6 =	vld [tilespmem:s13+$0xFFFFFFE0];
	v8 =	vmul.f32 v8, v26;
	v3 =	vmul.f32 v3, v15  }
0x17a: {  	v14 =	vld [tilespmem:s13+$0xFFFFF5E0];
	v20 =	vshll.u32 v17, $0x10;
	(erf) = vpow2.f32 v1;
	v1 =	vmul.f32 $1.442695020e+00, v4  }
0x17b: {  	v17 =	vand.u32 $0xFFFF0000, v17;
	v62 =	vshll.u32 v7, $0x10;
	v23 =	vmul.f32 $1.442695020e+00, v8  }
0x17c: {  	v28 =	vand.u32 $0xFFFF0000, v7;
	v3 =	vmul.f32 $1.442695020e+00, v3;
	v20 =	vmul.f32 v20, v62;
	v4 =	vpop (erf)  }
0x17d: {  	v7 =	vmul.f32 v17, v28;
	v24 =	vpop (erf);
	(erf) = vpow2.f32 v1  }
0x17e: {  	s10 =	simm.s32 $0x1BAA0;
	v1 =	vand.u32 $0xFFFF0000, v6;
	v20 =	vmul.f32 $1.442695020e+00, v20;
	v11 =	vmul.f32 v11, v24  }
0x17f: {  	v8 =	vand.u32 $0xFFFF0000, v14;
	[tilespmem:s10+$0xFFFFFF80] =	vst v4;
	v17 =	vpop (erf);
	(erf) = vpow2.f32 v3;
	v3 =	vmul.f32 v21, v4  }
0x180: {  	[tilespmem:s10+$0xFFFFFF10] =	vst v24;
	v1 =	vmul.f32 v1, v8;
	(erf) = vpow2.f32 v23  }
0x181: {  	s13 =	simm.s32 $0x15F10;
	v6 =	vshll.u32 v6, $0x10;
	v21 =	vpop (erf);
	v12 =	vmul.f32 v12, v17;
	[tilespmem:s10+$0xFFFFFFC0] =	vst v3;
	v3 =	vmul.f32 $1.442695020e+00, v7  }
0x182: {  	v27 =	vld [tilespmem:s13+$0xFFFFF5D0];
	v14 =	vshll.u32 v14, $0x10;
	[tilespmem:s10+$0x10] =	vst v17;
	v23 =	vpop (erf);
	v10 =	vmul.f32 v10, v21;
	v1 =	vmul.f32 $1.442695020e+00, v1  }
0x183: {  	v24 =	vld [tilespmem:s13+$0xFFFFFFF0];
	v9 =	vmul.f32 v9, v23;
	[tilespmem:s10+$0x50] =	vst v12;
	v12 =	vmul.f32 v6, v14  }
0x184: {  	v17 =	vld [tilespmem:s13+$0xFFFFF590];
	[tilespmem:s10+$0xFFFFFF90] =	vst v21;
	v6 =	vshll.u32 v13, $0x10;
	v13 =	vshll.u32 v19, $0x10;
	(erf) = vpow2.f32 v3  }
0x185: {  	v29 =	vld [tilespmem:s13+$0xFFFFFFB0];
	[tilespmem:s10+$0xFFFFFF50] =	vst v11;
	v3 =	vshll.u32 v5, $0x10;
	v5 =	vpop (erf);
	(erf) = vpow2.f32 v20;
	v12 =	vmul.f32 $1.442695020e+00, v12  }
0x186: {  	v7 =	vshll.u32 v16, $0x10;
	v21 =	vld [tilespmem:s13+$0xFFFFF5F0];
	[tilespmem:s11+$0xFFFFFF30] =	vst v5;
	v5 =	vmul.f32 v22, v5;
	v30 =	vmul.f32 v3, v13  }
0x187: {  	v11 =	vshll.u32 v27, $0x10;
	[tilespmem:s10+$0xFFFFFF00] =	vst v23;
	v23 =	vld [tilespmem:s13+$0xFFFFFFD0];
	(erf) = vpow2.f32 v2;
	v2 =	vmul.f32 v7, v6  }
0x188: {  	v31 =	vld [tilespmem:s13+$0xFFFFFF90];
	[tilespmem:s10+$0xFFFFFFD0] =	vst v10;
	v19 =	vshll.u32 v24, $0x10;
	v20 =	vand.u32 $0xFFFF0000, v24;
	v4 =	vpop (erf);
	(erf) = vpow2.f32 v1  }
0x189: {  	v7 =	vand.u32 $0xFFFF0000, v17;
	[tilespmem:s11+$0xFFFFFF70] =	vst v5;
	v5 =	vmul.f32 $1.442695020e+00, v30;
	v24 =	vmul.f32 $1.442695020e+00, v2;
	v16 =	vpop (erf)  }
0x18a: {  	[tilespmem:s10+$0xFFFFFF40] =	vst v9;
	v30 =	vshll.u32 v29, $0x10;
	v9 =	vmul.f32 v18, v4;
	v18 =	vld [tilespmem:s13+$0xFFFFF5B0];
	v10 =	vmul.f32 v15, v16  }
0x18b: {  	v2 =	vshll.u32 v21, $0x10;
	v1 =	vand.u32 $0xFFFF0000, v21;
	[tilespmem:s10+$0x80] =	vst v4;
	(erf) = vpow2.f32 v12  }
0x18c: {  	v3 =	vld [tilespmem:s12+$0xFFFFF5C0];
	v22 =	vand.u32 $0xFFFF0000, v23;
	v4 =	vshll.u32 v23, $0x10;
	v21 =	vpop (erf);
	(erf) = vpow2.f32 v24;
	[tilespmem:s10+$0xC0] =	vst v9  }
0x18d: {  	v12 =	vand.u32 $0xFFFF0000, v27;
	v23 =	vld [tilespmem:s12+$0xFFFFFFC0];
	[tilespmem:s11+$0xFFFFFF20] =	vst v21;
	(erf) = vpow2.f32 v5;
	v5 =	vand.u32 $0xFFFF0000, v31  }
0x18e: {  	v27 =	vand.u32 $0xFFFF0000, v29;
	v29 =	vshll.u32 v31, $0x10;
	[tilespmem:s11+$0xFFFFFFF0] =	vst v10;
	v31 =	vmul.f32 v5, v7;
	v10 =	vpop (erf)  }
0x18f: {  	v15 =	vshll.u32 v18, $0x10;
	v9 =	vand.u32 $0xFFFF0000, v18;
	v18 =	vmul.f32 v26, v21;
	v21 =	vpop (erf);
	[tilespmem:s11+$0xB0] =	vst v10  }
0x190: {  	v27 =	vmul.f32 v27, v9;
	v63 =	vmul.f32 v30, v15;
	v26 =	vpop (erf);
	[tilespmem:s11+$0xA0] =	vst v21  }
0x191: {  	v5 =	vand.u32 $0xFFFF0000, v3;
	v28 =	vmul.f32 v28, v10;
	v30 =	vmul.f32 v25, v26;
	v24 =	vpop (erf);
	v25 =	vld [tilespmem:s12+$0xFFFFF5A0];
	[tilespmem:s10+$0x90] =	vst v26  }
0x192: {  	s5 =	simm.s32 $0x8;
	s0 =	simm.s32 $0x1BAA0;
	v10 =	vshll.u32 v23, $0x10;
	v21 =	vmul.f32 v62, v21;
	v32 =	vmul.f32 $1.442695020e+00, v63;
	v26 =	vld [tilespmem:s12+$0xFFFFFFA0];
	[tilespmem:s11+$0x30] =	vst v24  }
.LBB2_9:
0x193: {  	s5 =	sadd.s32 $0x4, s5;
	v31 =	vmul.f32 $1.442695020e+00, v31;
	v19 =	vmul.f32 v19, v2;
	v23 =	vand.u32 $0xFFFF0000, v23;
	[tilespmem:s10+$0xD0] =	vst v30;
	s0 =	sadd.s32 $0x200, s0  }
0x194: {  	v17 =	vshll.u32 v17, $0x10;
	v20 =	vmul.f32 v20, v1;
	p1 =	slt.u32 s5, $0x4C;
	(erf) = vpow2.f32 v32;
	[tilespmem:s11+$0xF0] =	vst v28;
	v28 =	vpop (erf)  }
0x195: {  	v22 =	vmul.f32 v22, v12;
	v29 =	vmul.f32 v29, v17;
	[tilespmem:s11+$0xFFFFFF60] =	vst v18  }
0x196: {  	v27 =	vmul.f32 $1.442695020e+00, v27;
	v14 =	vmul.f32 v14, v28;
	v18 =	vshll.u32 v25, $0x10;
	v30 =	vpop (erf);
	[tilespmem:s11+$0x20] =	vst v28  }
0x197: {  	v22 =	vmul.f32 $1.442695020e+00, v22;
	v25 =	vand.u32 $0xFFFF0000, v25;
	v28 =	vand.u32 $0xFFFF0000, v26;
	[tilespmem:s10+$0x0] =	vst v30;
	v32 =	vld [tilespmem:s12+$0xFFFFF600]  }
0x198: {  	v26 =	vshll.u32 v26, $0x10;
	v30 =	vmul.f32 v6, v30;
	(erf) = vpow2.f32 v31;
	v31 =	vld [tilespmem:s12+$0x0];
	[tilespmem:s11+$0xFFFFFFB0] =	vst v16;
	v16 =	vpop (erf)  }
0x199: {  	v8 =	vmul.f32 v8, v24;
	v6 =	vmov v11;
	(erf) = vpow2.f32 v22;
	[tilespmem:s11+$0xFFFFFFA0] =	vst v16  }
0x19a: {  	v11 =	vmul.f32 $1.442695020e+00, v29;
	v28 =	vmul.f32 v28, v25;
	[tilespmem:s10+$0x40] =	vst v30  }
0x19b: {  	v13 =	vmul.f32 v13, v16;
	(erf) = vpow2.f32 v27;
	v24 =	vld [tilespmem:s12+$0xFFFFF5E0];
	[tilespmem:s11+$0xE0] =	vst v21  }
0x19c: {  	(erf) = vpow2.f32 v11;
	v11 =	vmul.f32 $1.442695020e+00, v28;
	v16 =	vld [tilespmem:s12+$0xFFFFFFE0];
	[tilespmem:s11+$0x70] =	vst v8;
	s12 =	smov.u32 s13  }
0x19d: {  	v8 =	vmul.f32 v23, v5;
	v22 =	vpop (erf);
	v23 =	vand.u32 $0xFFFF0000, v31;
	[tilespmem:s11+$0xFFFFFFE0] =	vst v13  }
0x19e: {  	v13 =	vmul.f32 v26, v18;
	v26 =	vshll.u32 v31, $0x10;
	(erf) = vpow2.f32 v11;
	[tilespmem:s11+$0x60] =	vst v14;
	s11 =	smov.u32 s10;
	s10 =	smov.u32 s0  }
0x19f: {  	v21 =	vshll.u32 v32, $0x10;
	v11 =	vmul.f32 $1.442695020e+00, v19;
	v14 =	vmul.f32 $1.442695020e+00, v8  }
0x1a0: {  	v19 =	vmul.f32 v26, v21;
	v13 =	vmul.f32 $1.442695020e+00, v13  }
0x1a1: {  	v26 =	vand.u32 $0xFFFF0000, v32;
	v8 =	vpop (erf);
	(erf) = vpow2.f32 v11;
	v11 =	vand.u32 $0xFFFF0000, v16  }
0x1a2: {  	v23 =	vmul.f32 v23, v26;
	[tilespmem:s0+$0xFFFFFF10] =	vst v8;
	v27 =	vmul.f32 v7, v8;
	v7 =	vpop (erf);
	v8 =	vand.u32 $0xFFFF0000, v24  }
0x1a3: {  	v16 =	vshll.u32 v16, $0x10;
	v11 =	vmul.f32 v11, v8;
	(erf) = vpow2.f32 v14  }
0x1a4: {  	v14 =	vmul.f32 v15, v22;
	[tilespmem:s0+$0x10] =	vst v7;
	v15 =	vpop (erf);
	(erf) = vpow2.f32 v13  }
0x1a5: {  	s13 =	sadd.s32 $0x80, s13;
	v19 =	vmul.f32 $1.442695020e+00, v19;
	v7 =	vmul.f32 v12, v7;
	[tilespmem:s0+$0xFFFFFF90] =	vst v15;
	v12 =	vpop (erf)  }
0x1a6: {  	v23 =	vmul.f32 $1.442695020e+00, v23;
	v28 =	vld [tilespmem:s13+$0xFFFFFFF0];
	v29 =	vmul.f32 v17, v12;
	[tilespmem:s0+$0xFFFFFFC0] =	vst v14;
	v14 =	vshll.u32 v24, $0x10  }
0x1a7: {  	v9 =	vmul.f32 v9, v15;
	v17 =	vld [tilespmem:s13+$0xFFFFF590];
	[tilespmem:s0+$0x50] =	vst v7;
	v7 =	vmul.f32 v16, v14;
	v15 =	vpop (erf)  }
0x1a8: {  	v13 =	vshll.u32 v3, $0x10;
	[tilespmem:s0+$0xFFFFFF00] =	vst v12;
	v12 =	vmul.f32 $1.442695020e+00, v20;
	(erf) = vpow2.f32 v23  }
0x1a9: {  	v11 =	vmul.f32 $1.442695020e+00, v11;
	v3 =	vld [tilespmem:s13+$0xFFFFF5F0];
	[tilespmem:s0+$0xFFFFFF80] =	vst v22;
	(erf) = vpow2.f32 v19  }
0x1aa: {  	v22 =	vld [tilespmem:s13+$0xFFFFFFD0];
	v16 =	vpop (erf);
	(erf) = vpow2.f32 v12;
	[tilespmem:s11+$0xFFFFFF30] =	vst v15;
	v12 =	vmul.f32 $1.442695020e+00, v7  }
0x1ab: {  	v4 =	vmul.f32 v4, v6;
	v23 =	vld [tilespmem:s13+$0xFFFFF5D0];
	v19 =	vshll.u32 v28, $0x10;
	[tilespmem:s0+$0x80] =	vst v16;
	(erf) = vpow2.f32 v11  }
0x1ac: {  	v15 =	vmul.f32 v25, v15;
	v20 =	vand.u32 $0xFFFF0000, v28;
	v11 =	vmul.f32 v2, v16;
	v24 =	vld [tilespmem:s13+$0xFFFFFFB0];
	[tilespmem:s0+$0xFFFFFF40] =	vst v29;
	v16 =	vpop (erf)  }
0x1ad: {  	v10 =	vmul.f32 v10, v13;
	v7 =	vand.u32 $0xFFFF0000, v17;
	v25 =	vld [tilespmem:s13+$0xFFFFF5B0];
	[tilespmem:s0+$0xFFFFFF50] =	vst v27;
	v27 =	vmul.f32 $1.442695020e+00, v4;
	v28 =	vpop (erf)  }
0x1ae: {  	v5 =	vmul.f32 v5, v16;
	v30 =	vld [tilespmem:s13+$0xFFFFFF90];
	v2 =	vshll.u32 v3, $0x10;
	v32 =	vand.u32 $0xFFFF0000, v3;
	[tilespmem:s0+$0xFFFFFFD0] =	vst v9  }
0x1af: {  	v4 =	vshll.u32 v22, $0x10;
	v22 =	vand.u32 $0xFFFF0000, v22;
	v3 =	vld [tilespmem:s12+$0xFFFFF5C0];
	[tilespmem:s0+$0xC0] =	vst v11;
	(erf) = vpow2.f32 v12  }
0x1b0: {  	v10 =	vmul.f32 $1.442695020e+00, v10;
	v11 =	vshll.u32 v23, $0x10;
	v12 =	vand.u32 $0xFFFF0000, v23;
	v23 =	vld [tilespmem:s12+$0xFFFFFFC0];
	[tilespmem:s11+$0xFFFFFF70] =	vst v15  }
0x1b1: {  	v31 =	vshll.u32 v24, $0x10;
	v24 =	vand.u32 $0xFFFF0000, v24;
	(erf) = vpow2.f32 v27;
	[tilespmem:s11+$0xFFFFFFF0] =	vst v5;
	v33 =	vpop (erf)  }
.Ltmp3:
0x1b2: {  	v18 =	vmul.f32 v18, v28;
	v15 =	vshll.u32 v25, $0x10;
	v9 =	vand.u32 $0xFFFF0000, v25;
	[tilespmem:s11+$0xFFFFFF20] =	vst v28;
	v34 =	vpop (erf);
	(pc) =	sbr.rel @p1 .LBB2_9-.Ltmp3, $4  }
0x1b3: {  	v29 =	vshll.u32 v30, $0x10;
	v27 =	vmul.f32 v24, v9;
	v28 =	vpop (erf);
	[tilespmem:s11+$0xB0] =	vst v33;
	(erf) = vpow2.f32 v10  }
0x1b4: {  	v5 =	vand.u32 $0xFFFF0000, v30;
	v10 =	vmul.f32 v31, v15;
	v30 =	vmul.f32 v1, v28;
	[tilespmem:s11+$0xA0] =	vst v34;
	v24 =	vpop (erf)  }
0x1b5: {  	v31 =	vmul.f32 v5, v7;
	v5 =	vand.u32 $0xFFFF0000, v3;
	v1 =	vmovc v32;
	v25 =	vld [tilespmem:s12+$0xFFFFF5A0];
	[tilespmem:s0+$0x90] =	vst v28;
	v28 =	vmul.f32 v26, v33  }
0x1b6: {  	v21 =	vmul.f32 v21, v34;
	v32 =	vmul.f32 $1.442695020e+00, v10;
	v10 =	vshll.u32 v23, $0x10;
	v26 =	vld [tilespmem:s12+$0xFFFFFFA0];
	[tilespmem:s11+$0x30] =	vst v24  }
0x1b7: {  	v31 =	vmul.f32 $1.442695020e+00, v31  }
0x1b8: {  	v19 =	vmul.f32 v19, v2;
	v20 =	vmul.f32 v20, v1  }
0x1b9: {  	v22 =	vmul.f32 v22, v12;
	v27 =	vmul.f32 $1.442695020e+00, v27  }
0x1ba: {  	v17 =	vshll.u32 v17, $0x10;
	v8 =	vmul.f32 v8, v24;
	v4 =	vmul.f32 v4, v11  }
0x1bb: {  	(erf) = vpow2.f32 v32;
	v59 =	vpop (erf);
	v29 =	vmul.f32 v29, v17  }
0x1bc: {  	v14 =	vmul.f32 v14, v59;
	v22 =	vmul.f32 $1.442695020e+00, v22  }
0x1bd: {  	(erf) = vpow2.f32 v31;
	v19 =	vmul.f32 $1.442695020e+00, v19  }
0x1be: {  	[tilespmem:s10+$0xD0] =	vst v30;
	v20 =	vmul.f32 $1.442695020e+00, v20;
	v4 =	vmul.f32 $1.442695020e+00, v4;
	v33 =	vpop (erf);
	v30 =	vand.u32 $0xFFFF0000, v25  }
0x1bf: {  	v60 =	vld [tilespmem:s12+$0x0];
	v29 =	vmul.f32 $1.442695020e+00, v29;
	v6 =	vmul.f32 v6, v33;
	v31 =	vand.u32 $0xFFFF0000, v26  }
0x1c0: {  	[tilespmem:s10+$0x0] =	vst v33;
	(erf) = vpow2.f32 v22;
	v22 =	vand.u32 $0xFFFF0000, v23;
	v23 =	vld [tilespmem:s12+$0xFFFFF600];
	v31 =	vmul.f32 v31, v30  }
0x1c1: {  	v26 =	vshll.u32 v26, $0x10;
	v24 =	vpop (erf);
	(erf) = vpow2.f32 v27;
	v22 =	vmul.f32 v22, v5;
	[tilespmem:s10+$0x40] =	vst v6  }
0x1c2: {  	v6 =	vshll.u32 v25, $0x10;
	v13 =	vmul.f32 v13, v24;
	(erf) = vpow2.f32 v29;
	v25 =	vld [tilespmem:s12+$0xFFFFF5E0]  }
0x1c3: {  	[tilespmem:s11+$0xF0] =	vst v28;
	v27 =	vmul.f32 $1.442695020e+00, v31;
	v29 =	vld [tilespmem:s12+$0xFFFFFFE0];
	v26 =	vmul.f32 v26, v6  }
0x1c4: {  	[tilespmem:s11+$0xFFFFFF60] =	vst v18;
	v18 =	vand.u32 $0xFFFF0000, v60;
	v31 =	vshll.u32 v60, $0x10;
	v22 =	vmul.f32 $1.442695020e+00, v22  }
0x1c5: {  	[tilespmem:s11+$0xFFFFFFB0] =	vst v16;
	(erf) = vpow2.f32 v27;
	v27 =	vshll.u32 v23, $0x10;
	v26 =	vmul.f32 $1.442695020e+00, v26  }
0x1c6: {  	[tilespmem:s11+$0xE0] =	vst v21;
	v23 =	vand.u32 $0xFFFF0000, v23;
	v28 =	vmul.f32 v31, v27;
	(erf) = vpow2.f32 v19  }
0x1c7: {  	[tilespmem:s11+$0x70] =	vst v8;
	v19 =	vpop (erf);
	v18 =	vmul.f32 v18, v23;
	(erf) = vpow2.f32 v22  }
0x1c8: {  	[tilespmem:s11+$0x60] =	vst v14;
	v15 =	vmul.f32 v15, v19;
	v31 =	vand.u32 $0xFFFF0000, v29;
	v61 =	vand.u32 $0xFFFF0000, v25  }
0x1c9: {  	[tilespmem:s11+$0xFFFFFFA0] =	vst v24;
	v16 =	vpop (erf);
	v21 =	vshll.u32 v29, $0x10;
	(erf) = vpow2.f32 v26;
	v8 =	vmul.f32 $1.442695020e+00, v28  }
0x1ca: {  	s0 =	sadd.s32 $0x200, s0;
	[tilespmem:s11+$0xFFFFFFE0] =	vst v13;
	v22 =	vshll.u32 v25, $0x10;
	v18 =	vmul.f32 $1.442695020e+00, v18;
	v31 =	vmul.f32 v31, v61  }
0x1cb: {  	[tilespmem:s0+$0xFFFFFF80] =	vst v19;
	v7 =	vmul.f32 v7, v16;
	v13 =	vmul.f32 v21, v22  }
0x1cc: {  	[tilespmem:s0+$0xFFFFFF10] =	vst v16;
	v24 =	vpop (erf);
	(erf) = vpow2.f32 v18;
	v14 =	vmul.f32 $1.442695020e+00, v31  }
0x1cd: {  	[tilespmem:s0+$0xFFFFFFC0] =	vst v15;
	v12 =	vmul.f32 v12, v24;
	(erf) = vpow2.f32 v8  }
0x1ce: {  	[tilespmem:s0+$0xFFFFFF50] =	vst v7;
	v13 =	vmul.f32 $1.442695020e+00, v13;
	v8 =	vpop (erf);
	(erf) = vpow2.f32 v20  }
0x1cf: {  	[tilespmem:s0+$0xFFFFFF90] =	vst v8;
	(erf) = vpow2.f32 v14;
	v8 =	vmul.f32 v9, v8  }
0x1d0: {  	[tilespmem:s0+$0x50] =	vst v12;
	v14 =	vpop (erf);
	(erf) = vpow2.f32 v13  }
0x1d1: {  	[tilespmem:s0+$0xFFFFFFD0] =	vst v8;
	v12 =	vpop (erf);
	(erf) = vpow2.f32 v4  }
0x1d2: {  	v13 =	vmul.f32 v17, v14;
	[tilespmem:s0+$0xFFFFFF00] =	vst v14;
	v4 =	vpop (erf)  }
0x1d3: {  	[tilespmem:s10+$0xFFFFFF30] =	vst v12;
	v14 =	vpop (erf)  }
0x1d4: {  	[tilespmem:s0+$0xFFFFFF40] =	vst v13;
	v15 =	vpop (erf)  }
0x1d5: {  	v3 =	vshll.u32 v3, $0x10;
	v2 =	vmul.f32 v2, v4;
	[tilespmem:s0+$0x80] =	vst v4;
	v4 =	vmul.f32 v30, v12;
	v12 =	vld [tilespmem:s13+$0xFFFFF5C0];
	v7 =	vpop (erf)  }
0x1d6: {  	v10 =	vmul.f32 v10, v3;
	[tilespmem:s0+$0x10] =	vst v24;
	v13 =	vld [tilespmem:s13+$0xFFFFF5A0];
	v9 =	vpop (erf)  }
0x1d7: {  	v16 =	vld [tilespmem:s13+$0xFFFFFFA0];
	v5 =	vmul.f32 v5, v14;
	[tilespmem:s0+$0xC0] =	vst v2;
	v8 =	vpop (erf)  }
0x1d8: {  	v10 =	vmul.f32 $1.442695020e+00, v10;
	[tilespmem:s10+$0xFFFFFF70] =	vst v4;
	v17 =	vpop (erf)  }
0x1d9: {  	v2 =	vld [tilespmem:s13+$0xFFFFFFC0];
	v6 =	vmul.f32 v6, v15;
	[tilespmem:s10+$0xFFFFFFF0] =	vst v5;
	v1 =	vmul.f32 v1, v8;
	v18 =	vpop (erf)  }
0x1da: {  	(erf) = vpow2.f32 v10;
	v10 =	vmul.f32 v23, v7;
	[tilespmem:s0+$0x90] =	vst v8;
	v8 =	vpop (erf)  }
0x1db: {  	v21 =	vmul.f32 v27, v9;
	[tilespmem:s0+$0xD0] =	vst v1;
	v1 =	vmul.f32 v11, v8  }
0x1dc: {  	v20 =	vand.u32 $0xFFFF0000, v12;
	v19 =	vand.u32 $0xFFFF0000, v16;
	v11 =	vand.u32 $0xFFFF0000, v13;
	[tilespmem:s0+$0x0] =	vst v8;
	v8 =	vld [tilespmem:s13+$0x0]  }
0x1dd: {  	v4 =	vshll.u32 v13, $0x10;
	v5 =	vshll.u32 v16, $0x10;
	v23 =	vld [tilespmem:s13+$0xFFFFF600];
	v19 =	vmul.f32 v19, v11;
	[tilespmem:s0+$0x40] =	vst v1  }
0x1de: {  	[tilespmem:s11+$0x20] =	vst v59;
	v5 =	vmul.f32 v5, v4;
	v13 =	vmul.f32 v22, v18;
	v1 =	vand.u32 $0xFFFF0000, v2;
	v22 =	vld [tilespmem:s13+$0xFFFFF5E0]  }
0x1df: {  	[tilespmem:s10+$0xFFFFFFB0] =	vst v14;
	v16 =	vmul.f32 $1.442695020e+00, v19;
	v19 =	vld [tilespmem:s13+$0xFFFFFFE0];
	v1 =	vmul.f32 v1, v20  }
0x1e0: {  	[tilespmem:s10+$0xFFFFFF20] =	vst v15;
	v15 =	vmul.f32 v61, v17;
	v5 =	vmul.f32 $1.442695020e+00, v5  }
0x1e1: {  	[tilespmem:s10+$0xB0] =	vst v7;
	(erf) = vpow2.f32 v16;
	v1 =	vmul.f32 $1.442695020e+00, v1  }
0x1e2: {  	[tilespmem:s10+$0xA0] =	vst v9;
	v7 =	vand.u32 $0xFFFF0000, v8;
	v8 =	vshll.u32 v8, $0x10;
	v9 =	vand.u32 $0xFFFF0000, v23  }
0x1e3: {  	[tilespmem:s10+$0xFFFFFF60] =	vst v6;
	v16 =	vshll.u32 v23, $0x10;
	v7 =	vmul.f32 v7, v9;
	(erf) = vpow2.f32 v1  }
0x1e4: {  	[tilespmem:s10+$0xF0] =	vst v10;
	v1 =	vmul.f32 v8, v16;
	v8 =	vand.u32 $0xFFFF0000, v19;
	v10 =	vand.u32 $0xFFFF0000, v22  }
0x1e5: {  	[tilespmem:s10+$0x30] =	vst v17;
	v7 =	vmul.f32 $1.442695020e+00, v7;
	(erf) = vpow2.f32 v5;
	v14 =	vshll.u32 v22, $0x10  }
0x1e6: {  	[tilespmem:s10+$0xE0] =	vst v21;
	v6 =	vmul.f32 v8, v10;
	v8 =	vshll.u32 v19, $0x10;
	v1 =	vmul.f32 $1.442695020e+00, v1  }
0x1e7: {  	[tilespmem:s10+$0x20] =	vst v18;
	(erf) = vpow2.f32 v7;
	v7 =	vmul.f32 v8, v14  }
0x1e8: {  	[tilespmem:s10+$0x70] =	vst v15;
	v5 =	vpop (erf);
	v6 =	vmul.f32 $1.442695020e+00, v6;
	(erf) = vpow2.f32 v1  }
0x1e9: {  	v2 =	vshll.u32 v2, $0x10;
	[tilespmem:s10+$0x60] =	vst v13;
	v1 =	vmul.f32 v3, v5;
	v3 =	vshll.u32 v12, $0x10  }
0x1ea: {  	[tilespmem:s10+$0xFFFFFFA0] =	vst v5;
	v2 =	vmul.f32 v2, v3;
	(erf) = vpow2.f32 v6;
	v5 =	vpop (erf)  }
0x1eb: {  	[tilespmem:s10+$0xFFFFFFE0] =	vst v1;
	v1 =	vmul.f32 v11, v5  }
0x1ec: {  	v6 =	vmul.f32 $1.442695020e+00, v7;
	v2 =	vmul.f32 $1.442695020e+00, v2;
	[tilespmem:s0+$0xFFFFFF30] =	vst v5;
	v7 =	vpop (erf)  }
0x1ed: {  	v5 =	vmul.f32 v20, v7;
	[tilespmem:s0+$0xFFFFFF70] =	vst v1  }
0x1ee: {  	(erf) = vpow2.f32 v6;
	[tilespmem:s0+$0xFFFFFFB0] =	vst v7  }
0x1ef: {  	(erf) = vpow2.f32 v2;
	v1 =	vpop (erf);
	[tilespmem:s0+$0xFFFFFFF0] =	vst v5  }
0x1f0: {  	v2 =	vpop (erf);
	[tilespmem:s0+$0xFFFFFF20] =	vst v1  }
0x1f1: {  	v1 =	vmul.f32 v4, v1;
	v5 =	vpop (erf);
	[tilespmem:s0+$0xB0] =	vst v2  }
0x1f2: {  	[tilespmem:s0+$0xA0] =	vst v5  }
0x1f3: {  	v2 =	vmul.f32 v9, v2;
	v6 =	vpop (erf);
	[tilespmem:s0+$0xFFFFFF60] =	vst v1  }
0x1f4: {  	v1 =	vmul.f32 v16, v5;
	[tilespmem:s0+$0x30] =	vst v6  }
0x1f5: {  	[tilespmem:s0+$0xF0] =	vst v2;
	v5 =	vmul.f32 v10, v6  }
0x1f6: {  	[tilespmem:s0+$0xE0] =	vst v1  }
0x1f7: {  	v2 =	vpop (erf);
	[tilespmem:s0+$0x70] =	vst v5  }
0x1f8: {  	[tilespmem:s0+$0x20] =	vst v2;
	v4 =	vpop (erf);
	v1 =	vmul.f32 v14, v2  }
0x1f9: {  	[tilespmem:s0+$0xFFFFFFA0] =	vst v4;
	v3 =	vmul.f32 v3, v4  }
0x1fa: {  	[tilespmem:s0+$0x60] =	vst v1  }
0x1fb: {  	[tilespmem:s0+$0xFFFFFFE0] =	vst v3  }
0x1fc: {  	[spmem:s3] =	stream.indirect.scatter.add.f32 [tilespmem:s15], [sflag:$0xA], $0x80, s14, s1, $0xb8;
	[tilespmem:$0x1DFA0] =	vst v63  }
0x1fd: {  	_ =	swait.ge [sflag:s31], $0x1400  }
0x1fe: {  	[sflag:s31] =	ssyncset.done $0x0  }
0x1ff: {  	[sflag:s31] =	ssyncadd.s32 $0xFFFFEC00  }
0x200: {  	_ =	swait.ge [sflag:s8], $0x2800  }
0x201: {  	[sflag:s8] =	ssyncset.done $0x0  }
0x202: {  	[sflag:s8] =	ssyncadd.s32 $0xFFFFD800  }
0x203: {  	v1 =	vld [tilespmem:$0x13E10]  }
0x204: {  	v2 =	vld [tilespmem:$0x13E20]  }
0x205: {  	v3 =	vld [tilespmem:$0x13E30]  }
0x206: {  	v4 =	vld [tilespmem:$0x13E40]  }
0x207: {  	v5 =	vld [tilespmem:$0x13E50]  }
0x208: {  	p1 =	seq.s32 s25, $0x3D;
	s0 =	rddreg [dreg:$0xa];
	[tilespmem:$0x13F00] =	vst v1  }
0x209: {  	s0 =	sadd.s32 @!p1 s28, s0;
	[tilespmem:$0x13F10] =	vst v2  }
0x20a: {  	s0 =	smul.u32 @!p1 $0x14, s0;
	[tilespmem:$0x13F20] =	vst v3  }
0x20b: {  	[tilespmem:$0x13F30] =	vst v4  }
0x20c: {  	s5 =	simm.s32 @!p1 $0x0;
	s10 =	simm.s32 @!p1 $0x13DC0;
	s0 =	sadd.s32 @!p1 s2, s0;
	[tilespmem:$0x13F40] =	vst v5  }
0x20d: {  	[tilespmem:s10], [sflag:$0x3] =	stream.linear.gather @!p1 [hbm4b:s0+s5], $0xA0, $0x38;
	[tilespmem:$0x1DFA0] =	vst v63  }
0x20e: {  	_ =	swait.ge [sflag:s23], $0xA0  }
0x20f: {  	[sflag:s23] =	ssyncset.done $0x0  }
0x210: {  	s12 =	simm.s32 $0x13FA0;
	s13 =	simm.s32 $0x17210;
	[sflag:s23] =	ssyncadd.s32 $0xFFFFFF60  }
0x211: {  	[tilespmem:s12], [sflag:$0x5] =	stream.indirect.gather [hbm4b:s16+s24], $0x20, s17, s24, $0xb8;
	[tilespmem:$0x1DFA0] =	vst v63  }
0x212: {  	v1 =	vld [tilespmem:s13+$0xFFFFFFF0]  }
0x213: {  	v2 =	vld [tilespmem:s13+$0xFFFFF590]  }
0x214: {  	v4 =	vld [tilespmem:s13+$0xFFFFFFD0]  }
0x215: {  	v5 =	vld [tilespmem:s13+$0xFFFFFFB0]  }
0x216: {  	v6 =	vld [tilespmem:s13+$0xFFFFF5B0]  }
0x217: {  	v7 =	vld [tilespmem:s13+$0xFFFFFF90];
	_ =	sdelay $0x1  }
0x218: {  	v8 =	vld [tilespmem:s13+$0xFFFFF5D0]  }
0x219: {  	v3 =	vld [tilespmem:s13+$0xFFFFF5F0]  }
0x21a: {  	v9 =	vshll.u32 v1, $0x10;
	v10 =	vand.u32 $0xFFFF0000, v2;
	v12 =	vshll.u32 v5, $0x10  }
0x21b: {  	v13 =	vshll.u32 v6, $0x10;
	v14 =	vand.u32 $0xFFFF0000, v4;
	v15 =	vand.u32 $0xFFFF0000, v7  }
0x21c: {  	v5 =	vand.u32 $0xFFFF0000, v5;
	v6 =	vand.u32 $0xFFFF0000, v6;
	v12 =	vmul.f32 v12, v13  }
0x21d: {  	v16 =	vand.u32 $0xFFFF0000, v8;
	v15 =	vmul.f32 v15, v10;
	v5 =	vmul.f32 v5, v6  }
0x21e: {  	v11 =	vshll.u32 v3, $0x10;
	v14 =	vmul.f32 v14, v16;
	v12 =	vmul.f32 $1.442695020e+00, v12  }
0x21f: {  	v7 =	vshll.u32 v7, $0x10;
	v9 =	vmul.f32 v9, v11;
	v15 =	vmul.f32 $1.442695020e+00, v15  }
0x220: {  	v2 =	vshll.u32 v2, $0x10;
	(erf) = vpow2.f32 v12;
	v12 =	vmul.f32 $1.442695020e+00, v14  }
0x221: {  	v7 =	vmul.f32 v7, v2;
	(erf) = vpow2.f32 v15  }
0x222: {  	v5 =	vmul.f32 $1.442695020e+00, v5;
	(erf) = vpow2.f32 v12  }
0x223: {  	v1 =	vand.u32 $0xFFFF0000, v1;
	v7 =	vmul.f32 $1.442695020e+00, v7  }
0x224: {  	v3 =	vand.u32 $0xFFFF0000, v3;
	(erf) = vpow2.f32 v5;
	v5 =	vmul.f32 $1.442695020e+00, v9  }
0x225: {  	v1 =	vmul.f32 v1, v3;
	(erf) = vpow2.f32 v7  }
0x226: {  	(erf) = vpow2.f32 v5  }
0x227: {  	s12 =	simm.s32 $0x17290;
	v1 =	vmul.f32 $1.442695020e+00, v1  }
0x228: {  	v17 =	vld [tilespmem:s12+$0xFFFFF5B0]  }
0x229: {  	s11 =	simm.s32 $0x190A0;
	v4 =	vshll.u32 v4, $0x10;
	v8 =	vshll.u32 v8, $0x10;
	v5 =	vld [tilespmem:s12+$0xFFFFFFF0];
	v7 =	vpop (erf)  }
0x22a: {  	v19 =	vld [tilespmem:s12+$0xFFFFFF90];
	v4 =	vmul.f32 v4, v8;
	v12 =	vpop (erf);
	[tilespmem:s11+$0xFFFFFF80] =	vst v7  }
0x22b: {  	v14 =	vld [tilespmem:s12+$0xFFFFF5F0];
	(erf) = vpow2.f32 v1;
	v13 =	vmul.f32 v13, v7;
	v1 =	vpop (erf);
	[tilespmem:s11+$0xFFFFFF10] =	vst v12  }
0x22c: {  	v9 =	vld [tilespmem:s12+$0xFFFFF590];
	[tilespmem:s11+$0x10] =	vst v1  }
0x22d: {  	v21 =	vshll.u32 v17, $0x10;
	v4 =	vmul.f32 $1.442695020e+00, v4;
	v15 =	vld [tilespmem:s12+$0xFFFFFFB0];
	v10 =	vmul.f32 v10, v12;
	v12 =	vpop (erf);
	[tilespmem:s11+$0xFFFFFFC0] =	vst v13  }
0x22e: {  	v20 =	vshll.u32 v5, $0x10;
	v1 =	vmul.f32 v16, v1;
	v16 =	vld [tilespmem:s12+$0xFFFFFFD0];
	v18 =	vpop (erf);
	[tilespmem:s11+$0xFFFFFF90] =	vst v12;
	v6 =	vmul.f32 v6, v12  }
0x22f: {  	v13 =	vld [tilespmem:s12+$0xFFFFF5D0];
	(erf) = vpow2.f32 v4;
	[tilespmem:s11+$0xFFFFFF50] =	vst v10;
	v10 =	vand.u32 $0xFFFF0000, v17;
	v17 =	vand.u32 $0xFFFF0000, v19;
	v12 =	vpop (erf)  }
0x230: {  	v2 =	vmul.f32 v2, v18;
	[tilespmem:s11+$0xFFFFFF00] =	vst v18;
	v18 =	vshll.u32 v14, $0x10;
	v4 =	vmul.f32 v11, v12  }
0x231: {  	v11 =	vand.u32 $0xFFFF0000, v9;
	[tilespmem:s11+$0xFFFFFFD0] =	vst v6;
	v6 =	vshll.u32 v19, $0x10;
	v9 =	vshll.u32 v9, $0x10  }
0x232: {  	[tilespmem:s11+$0xFFFFFF40] =	vst v2;
	v2 =	vshll.u32 v15, $0x10;
	v15 =	vand.u32 $0xFFFF0000, v15;
	v17 =	vmul.f32 v17, v11  }
0x233: {  	[tilespmem:s11+$0x80] =	vst v12;
	v6 =	vmul.f32 v6, v9;
	v2 =	vmul.f32 v2, v21;
	v7 =	vand.u32 $0xFFFF0000, v16  }
0x234: {  	v15 =	vmul.f32 v15, v10;
	v23 =	vld [tilespmem:s13+$0xFFFFF5A0];
	v12 =	vand.u32 $0xFFFF0000, v13;
	[tilespmem:s11+$0xC0] =	vst v4;
	v4 =	vmul.f32 v20, v18  }
0x235: {  	v24 =	vld [tilespmem:s13+$0xFFFFFFA0];
	v22 =	vpop (erf);
	v17 =	vmul.f32 $1.442695020e+00, v17;
	v7 =	vmul.f32 v7, v12  }
0x236: {  	v3 =	vmul.f32 v3, v22;
	v2 =	vmul.f32 $1.442695020e+00, v2  }
0x237: {  	v25 =	vand.u32 $0xFFFF0000, v14;
	v19 =	vld [tilespmem:s13+$0xFFFFF5C0];
	v6 =	vmul.f32 $1.442695020e+00, v6;
	v7 =	vmul.f32 $1.442695020e+00, v7  }
0x238: {  	(erf) = vpow2.f32 v2;
	v2 =	vand.u32 $0xFFFF0000, v5;
	v5 =	vld [tilespmem:s13+$0xFFFFFFC0];
	[tilespmem:s11+$0xD0] =	vst v3;
	v3 =	vmul.f32 $1.442695020e+00, v15  }
0x239: {  	[tilespmem:s11+$0x90] =	vst v22;
	v15 =	vpop (erf);
	v22 =	vand.u32 $0xFFFF0000, v23;
	(erf) = vpow2.f32 v17;
	v2 =	vmul.f32 v2, v25  }
0x23a: {  	[tilespmem:s11+$0x50] =	vst v1;
	v1 =	vand.u32 $0xFFFF0000, v24;
	v17 =	vld [tilespmem:s13+$0x0];
	v8 =	vmul.f32 v8, v15;
	(erf) = vpow2.f32 v7  }
0x23b: {  	v26 =	vshll.u32 v23, $0x10;
	v7 =	vld [tilespmem:s13+$0xFFFFF600];
	v1 =	vmul.f32 v1, v22;
	(erf) = vpow2.f32 v3  }
0x23c: {  	[tilespmem:s11+$0x0] =	vst v15;
	v15 =	vand.u32 $0xFFFF0000, v19;
	v2 =	vmul.f32 $1.442695020e+00, v2;
	(erf) = vpow2.f32 v6  }
0x23d: {  	[tilespmem:s11+$0x40] =	vst v8;
	v1 =	vmul.f32 $1.442695020e+00, v1;
	v8 =	vshll.u32 v24, $0x10;
	v3 =	vand.u32 $0xFFFF0000, v5  }
0x23e: {  	v6 =	vld [tilespmem:s13+$0xFFFFFFE0];
	v8 =	vmul.f32 v8, v26;
	v3 =	vmul.f32 v3, v15  }
0x23f: {  	v14 =	vld [tilespmem:s13+$0xFFFFF5E0];
	v20 =	vshll.u32 v17, $0x10;
	(erf) = vpow2.f32 v1;
	v1 =	vmul.f32 $1.442695020e+00, v4  }
0x240: {  	v17 =	vand.u32 $0xFFFF0000, v17;
	v62 =	vshll.u32 v7, $0x10;
	v23 =	vmul.f32 $1.442695020e+00, v8  }
0x241: {  	v28 =	vand.u32 $0xFFFF0000, v7;
	v3 =	vmul.f32 $1.442695020e+00, v3;
	v20 =	vmul.f32 v20, v62;
	v4 =	vpop (erf)  }
0x242: {  	v7 =	vmul.f32 v17, v28;
	v24 =	vpop (erf);
	(erf) = vpow2.f32 v1  }
0x243: {  	s10 =	simm.s32 $0x192A0;
	v1 =	vand.u32 $0xFFFF0000, v6;
	v20 =	vmul.f32 $1.442695020e+00, v20;
	v11 =	vmul.f32 v11, v24  }
0x244: {  	v8 =	vand.u32 $0xFFFF0000, v14;
	[tilespmem:s10+$0xFFFFFF80] =	vst v4;
	v17 =	vpop (erf);
	(erf) = vpow2.f32 v3;
	v3 =	vmul.f32 v21, v4  }
0x245: {  	[tilespmem:s10+$0xFFFFFF10] =	vst v24;
	v1 =	vmul.f32 v1, v8;
	(erf) = vpow2.f32 v23  }
0x246: {  	s13 =	simm.s32 $0x17310;
	v6 =	vshll.u32 v6, $0x10;
	v21 =	vpop (erf);
	v12 =	vmul.f32 v12, v17;
	[tilespmem:s10+$0xFFFFFFC0] =	vst v3;
	v3 =	vmul.f32 $1.442695020e+00, v7  }
0x247: {  	v27 =	vld [tilespmem:s13+$0xFFFFF5D0];
	v14 =	vshll.u32 v14, $0x10;
	[tilespmem:s10+$0x10] =	vst v17;
	v23 =	vpop (erf);
	v10 =	vmul.f32 v10, v21;
	v1 =	vmul.f32 $1.442695020e+00, v1  }
0x248: {  	v24 =	vld [tilespmem:s13+$0xFFFFFFF0];
	v9 =	vmul.f32 v9, v23;
	[tilespmem:s10+$0x50] =	vst v12;
	v12 =	vmul.f32 v6, v14  }
0x249: {  	v17 =	vld [tilespmem:s13+$0xFFFFF590];
	[tilespmem:s10+$0xFFFFFF90] =	vst v21;
	v6 =	vshll.u32 v13, $0x10;
	v13 =	vshll.u32 v19, $0x10;
	(erf) = vpow2.f32 v3  }
0x24a: {  	v29 =	vld [tilespmem:s13+$0xFFFFFFB0];
	[tilespmem:s10+$0xFFFFFF50] =	vst v11;
	v3 =	vshll.u32 v5, $0x10;
	v5 =	vpop (erf);
	(erf) = vpow2.f32 v20;
	v12 =	vmul.f32 $1.442695020e+00, v12  }
0x24b: {  	v7 =	vshll.u32 v16, $0x10;
	v21 =	vld [tilespmem:s13+$0xFFFFF5F0];
	[tilespmem:s11+$0xFFFFFF30] =	vst v5;
	v5 =	vmul.f32 v22, v5;
	v30 =	vmul.f32 v3, v13  }
0x24c: {  	v11 =	vshll.u32 v27, $0x10;
	[tilespmem:s10+$0xFFFFFF00] =	vst v23;
	v23 =	vld [tilespmem:s13+$0xFFFFFFD0];
	(erf) = vpow2.f32 v2;
	v2 =	vmul.f32 v7, v6  }
0x24d: {  	v31 =	vld [tilespmem:s13+$0xFFFFFF90];
	[tilespmem:s10+$0xFFFFFFD0] =	vst v10;
	v19 =	vshll.u32 v24, $0x10;
	v20 =	vand.u32 $0xFFFF0000, v24;
	v4 =	vpop (erf);
	(erf) = vpow2.f32 v1  }
0x24e: {  	v7 =	vand.u32 $0xFFFF0000, v17;
	[tilespmem:s11+$0xFFFFFF70] =	vst v5;
	v5 =	vmul.f32 $1.442695020e+00, v30;
	v24 =	vmul.f32 $1.442695020e+00, v2;
	v16 =	vpop (erf)  }
0x24f: {  	[tilespmem:s10+$0xFFFFFF40] =	vst v9;
	v30 =	vshll.u32 v29, $0x10;
	v9 =	vmul.f32 v18, v4;
	v18 =	vld [tilespmem:s13+$0xFFFFF5B0];
	v10 =	vmul.f32 v15, v16  }
0x250: {  	v2 =	vshll.u32 v21, $0x10;
	v1 =	vand.u32 $0xFFFF0000, v21;
	[tilespmem:s10+$0x80] =	vst v4;
	(erf) = vpow2.f32 v12  }
0x251: {  	v3 =	vld [tilespmem:s12+$0xFFFFF5C0];
	v22 =	vand.u32 $0xFFFF0000, v23;
	v4 =	vshll.u32 v23, $0x10;
	v21 =	vpop (erf);
	(erf) = vpow2.f32 v24;
	[tilespmem:s10+$0xC0] =	vst v9  }
0x252: {  	v12 =	vand.u32 $0xFFFF0000, v27;
	v23 =	vld [tilespmem:s12+$0xFFFFFFC0];
	[tilespmem:s11+$0xFFFFFF20] =	vst v21;
	(erf) = vpow2.f32 v5;
	v5 =	vand.u32 $0xFFFF0000, v31  }
0x253: {  	v27 =	vand.u32 $0xFFFF0000, v29;
	v29 =	vshll.u32 v31, $0x10;
	[tilespmem:s11+$0xFFFFFFF0] =	vst v10;
	v31 =	vmul.f32 v5, v7;
	v10 =	vpop (erf)  }
0x254: {  	v15 =	vshll.u32 v18, $0x10;
	v9 =	vand.u32 $0xFFFF0000, v18;
	v18 =	vmul.f32 v26, v21;
	v21 =	vpop (erf);
	[tilespmem:s11+$0xB0] =	vst v10  }
0x255: {  	v27 =	vmul.f32 v27, v9;
	v63 =	vmul.f32 v30, v15;
	v26 =	vpop (erf);
	[tilespmem:s11+$0xA0] =	vst v21  }
0x256: {  	v5 =	vand.u32 $0xFFFF0000, v3;
	v28 =	vmul.f32 v28, v10;
	v30 =	vmul.f32 v25, v26;
	v24 =	vpop (erf);
	v25 =	vld [tilespmem:s12+$0xFFFFF5A0];
	[tilespmem:s10+$0x90] =	vst v26  }
0x257: {  	s5 =	simm.s32 $0x8;
	s0 =	simm.s32 $0x192A0;
	v10 =	vshll.u32 v23, $0x10;
	v21 =	vmul.f32 v62, v21;
	v32 =	vmul.f32 $1.442695020e+00, v63;
	v26 =	vld [tilespmem:s12+$0xFFFFFFA0];
	[tilespmem:s11+$0x30] =	vst v24  }
.LBB2_11:
0x258: {  	s5 =	sadd.s32 $0x4, s5;
	v31 =	vmul.f32 $1.442695020e+00, v31;
	v19 =	vmul.f32 v19, v2;
	v23 =	vand.u32 $0xFFFF0000, v23;
	[tilespmem:s10+$0xD0] =	vst v30;
	s0 =	sadd.s32 $0x200, s0  }
0x259: {  	v17 =	vshll.u32 v17, $0x10;
	v20 =	vmul.f32 v20, v1;
	p2 =	slt.u32 s5, $0x4C;
	(erf) = vpow2.f32 v32;
	[tilespmem:s11+$0xF0] =	vst v28;
	v28 =	vpop (erf)  }
0x25a: {  	v22 =	vmul.f32 v22, v12;
	v29 =	vmul.f32 v29, v17;
	[tilespmem:s11+$0xFFFFFF60] =	vst v18  }
0x25b: {  	v27 =	vmul.f32 $1.442695020e+00, v27;
	v14 =	vmul.f32 v14, v28;
	v18 =	vshll.u32 v25, $0x10;
	v30 =	vpop (erf);
	[tilespmem:s11+$0x20] =	vst v28  }
0x25c: {  	v22 =	vmul.f32 $1.442695020e+00, v22;
	v25 =	vand.u32 $0xFFFF0000, v25;
	v28 =	vand.u32 $0xFFFF0000, v26;
	[tilespmem:s10+$0x0] =	vst v30;
	v32 =	vld [tilespmem:s12+$0xFFFFF600]  }
0x25d: {  	v26 =	vshll.u32 v26, $0x10;
	v30 =	vmul.f32 v6, v30;
	(erf) = vpow2.f32 v31;
	v31 =	vld [tilespmem:s12+$0x0];
	[tilespmem:s11+$0xFFFFFFB0] =	vst v16;
	v16 =	vpop (erf)  }
0x25e: {  	v8 =	vmul.f32 v8, v24;
	v6 =	vmov v11;
	(erf) = vpow2.f32 v22;
	[tilespmem:s11+$0xFFFFFFA0] =	vst v16  }
0x25f: {  	v11 =	vmul.f32 $1.442695020e+00, v29;
	v28 =	vmul.f32 v28, v25;
	[tilespmem:s10+$0x40] =	vst v30  }
0x260: {  	v13 =	vmul.f32 v13, v16;
	(erf) = vpow2.f32 v27;
	v24 =	vld [tilespmem:s12+$0xFFFFF5E0];
	[tilespmem:s11+$0xE0] =	vst v21  }
0x261: {  	(erf) = vpow2.f32 v11;
	v11 =	vmul.f32 $1.442695020e+00, v28;
	v16 =	vld [tilespmem:s12+$0xFFFFFFE0];
	[tilespmem:s11+$0x70] =	vst v8;
	s12 =	smov.u32 s13  }
0x262: {  	v8 =	vmul.f32 v23, v5;
	v22 =	vpop (erf);
	v23 =	vand.u32 $0xFFFF0000, v31;
	[tilespmem:s11+$0xFFFFFFE0] =	vst v13  }
0x263: {  	v13 =	vmul.f32 v26, v18;
	v26 =	vshll.u32 v31, $0x10;
	(erf) = vpow2.f32 v11;
	[tilespmem:s11+$0x60] =	vst v14;
	s11 =	smov.u32 s10;
	s10 =	smov.u32 s0  }
0x264: {  	v21 =	vshll.u32 v32, $0x10;
	v11 =	vmul.f32 $1.442695020e+00, v19;
	v14 =	vmul.f32 $1.442695020e+00, v8  }
0x265: {  	v19 =	vmul.f32 v26, v21;
	v13 =	vmul.f32 $1.442695020e+00, v13  }
0x266: {  	v26 =	vand.u32 $0xFFFF0000, v32;
	v8 =	vpop (erf);
	(erf) = vpow2.f32 v11;
	v11 =	vand.u32 $0xFFFF0000, v16  }
0x267: {  	v23 =	vmul.f32 v23, v26;
	[tilespmem:s0+$0xFFFFFF10] =	vst v8;
	v27 =	vmul.f32 v7, v8;
	v7 =	vpop (erf);
	v8 =	vand.u32 $0xFFFF0000, v24  }
0x268: {  	v16 =	vshll.u32 v16, $0x10;
	v11 =	vmul.f32 v11, v8;
	(erf) = vpow2.f32 v14  }
0x269: {  	v14 =	vmul.f32 v15, v22;
	[tilespmem:s0+$0x10] =	vst v7;
	v15 =	vpop (erf);
	(erf) = vpow2.f32 v13  }
0x26a: {  	s13 =	sadd.s32 $0x80, s13;
	v19 =	vmul.f32 $1.442695020e+00, v19;
	v7 =	vmul.f32 v12, v7;
	[tilespmem:s0+$0xFFFFFF90] =	vst v15;
	v12 =	vpop (erf)  }
0x26b: {  	v23 =	vmul.f32 $1.442695020e+00, v23;
	v28 =	vld [tilespmem:s13+$0xFFFFFFF0];
	v29 =	vmul.f32 v17, v12;
	[tilespmem:s0+$0xFFFFFFC0] =	vst v14;
	v14 =	vshll.u32 v24, $0x10  }
0x26c: {  	v9 =	vmul.f32 v9, v15;
	v17 =	vld [tilespmem:s13+$0xFFFFF590];
	[tilespmem:s0+$0x50] =	vst v7;
	v7 =	vmul.f32 v16, v14;
	v15 =	vpop (erf)  }
0x26d: {  	v13 =	vshll.u32 v3, $0x10;
	[tilespmem:s0+$0xFFFFFF00] =	vst v12;
	v12 =	vmul.f32 $1.442695020e+00, v20;
	(erf) = vpow2.f32 v23  }
0x26e: {  	v11 =	vmul.f32 $1.442695020e+00, v11;
	v3 =	vld [tilespmem:s13+$0xFFFFF5F0];
	[tilespmem:s0+$0xFFFFFF80] =	vst v22;
	(erf) = vpow2.f32 v19  }
0x26f: {  	v22 =	vld [tilespmem:s13+$0xFFFFFFD0];
	v16 =	vpop (erf);
	(erf) = vpow2.f32 v12;
	[tilespmem:s11+$0xFFFFFF30] =	vst v15;
	v12 =	vmul.f32 $1.442695020e+00, v7  }
0x270: {  	v4 =	vmul.f32 v4, v6;
	v23 =	vld [tilespmem:s13+$0xFFFFF5D0];
	v19 =	vshll.u32 v28, $0x10;
	[tilespmem:s0+$0x80] =	vst v16;
	(erf) = vpow2.f32 v11  }
0x271: {  	v15 =	vmul.f32 v25, v15;
	v20 =	vand.u32 $0xFFFF0000, v28;
	v11 =	vmul.f32 v2, v16;
	v24 =	vld [tilespmem:s13+$0xFFFFFFB0];
	[tilespmem:s0+$0xFFFFFF40] =	vst v29;
	v16 =	vpop (erf)  }
0x272: {  	v10 =	vmul.f32 v10, v13;
	v7 =	vand.u32 $0xFFFF0000, v17;
	v25 =	vld [tilespmem:s13+$0xFFFFF5B0];
	[tilespmem:s0+$0xFFFFFF50] =	vst v27;
	v27 =	vmul.f32 $1.442695020e+00, v4;
	v28 =	vpop (erf)  }
0x273: {  	v5 =	vmul.f32 v5, v16;
	v30 =	vld [tilespmem:s13+$0xFFFFFF90];
	v2 =	vshll.u32 v3, $0x10;
	v32 =	vand.u32 $0xFFFF0000, v3;
	[tilespmem:s0+$0xFFFFFFD0] =	vst v9  }
0x274: {  	v4 =	vshll.u32 v22, $0x10;
	v22 =	vand.u32 $0xFFFF0000, v22;
	v3 =	vld [tilespmem:s12+$0xFFFFF5C0];
	[tilespmem:s0+$0xC0] =	vst v11;
	(erf) = vpow2.f32 v12  }
0x275: {  	v10 =	vmul.f32 $1.442695020e+00, v10;
	v11 =	vshll.u32 v23, $0x10;
	v12 =	vand.u32 $0xFFFF0000, v23;
	v23 =	vld [tilespmem:s12+$0xFFFFFFC0];
	[tilespmem:s11+$0xFFFFFF70] =	vst v15  }
0x276: {  	v31 =	vshll.u32 v24, $0x10;
	v24 =	vand.u32 $0xFFFF0000, v24;
	(erf) = vpow2.f32 v27;
	[tilespmem:s11+$0xFFFFFFF0] =	vst v5;
	v33 =	vpop (erf)  }
.Ltmp4:
0x277: {  	v18 =	vmul.f32 v18, v28;
	v15 =	vshll.u32 v25, $0x10;
	v9 =	vand.u32 $0xFFFF0000, v25;
	[tilespmem:s11+$0xFFFFFF20] =	vst v28;
	v34 =	vpop (erf);
	(pc) =	sbr.rel @p2 .LBB2_11-.Ltmp4, $4  }
0x278: {  	v29 =	vshll.u32 v30, $0x10;
	v27 =	vmul.f32 v24, v9;
	v28 =	vpop (erf);
	[tilespmem:s11+$0xB0] =	vst v33;
	(erf) = vpow2.f32 v10  }
0x279: {  	v5 =	vand.u32 $0xFFFF0000, v30;
	v10 =	vmul.f32 v31, v15;
	v30 =	vmul.f32 v1, v28;
	[tilespmem:s11+$0xA0] =	vst v34;
	v24 =	vpop (erf)  }
0x27a: {  	v31 =	vmul.f32 v5, v7;
	v5 =	vand.u32 $0xFFFF0000, v3;
	v1 =	vmovc v32;
	v25 =	vld [tilespmem:s12+$0xFFFFF5A0];
	[tilespmem:s0+$0x90] =	vst v28;
	v28 =	vmul.f32 v26, v33  }
0x27b: {  	v21 =	vmul.f32 v21, v34;
	v32 =	vmul.f32 $1.442695020e+00, v10;
	v10 =	vshll.u32 v23, $0x10;
	v26 =	vld [tilespmem:s12+$0xFFFFFFA0];
	[tilespmem:s11+$0x30] =	vst v24  }
0x27c: {  	v31 =	vmul.f32 $1.442695020e+00, v31  }
0x27d: {  	v19 =	vmul.f32 v19, v2;
	v20 =	vmul.f32 v20, v1  }
0x27e: {  	v22 =	vmul.f32 v22, v12;
	v27 =	vmul.f32 $1.442695020e+00, v27  }
0x27f: {  	v17 =	vshll.u32 v17, $0x10;
	v8 =	vmul.f32 v8, v24;
	v4 =	vmul.f32 v4, v11  }
0x280: {  	(erf) = vpow2.f32 v32;
	v59 =	vpop (erf);
	v29 =	vmul.f32 v29, v17  }
0x281: {  	v14 =	vmul.f32 v14, v59;
	v22 =	vmul.f32 $1.442695020e+00, v22  }
0x282: {  	(erf) = vpow2.f32 v31;
	v19 =	vmul.f32 $1.442695020e+00, v19  }
0x283: {  	[tilespmem:s10+$0xD0] =	vst v30;
	v20 =	vmul.f32 $1.442695020e+00, v20;
	v4 =	vmul.f32 $1.442695020e+00, v4;
	v33 =	vpop (erf);
	v30 =	vand.u32 $0xFFFF0000, v25  }
0x284: {  	v60 =	vld [tilespmem:s12+$0x0];
	v29 =	vmul.f32 $1.442695020e+00, v29;
	v6 =	vmul.f32 v6, v33;
	v31 =	vand.u32 $0xFFFF0000, v26  }
0x285: {  	[tilespmem:s10+$0x0] =	vst v33;
	(erf) = vpow2.f32 v22;
	v22 =	vand.u32 $0xFFFF0000, v23;
	v23 =	vld [tilespmem:s12+$0xFFFFF600];
	v31 =	vmul.f32 v31, v30  }
0x286: {  	v26 =	vshll.u32 v26, $0x10;
	v24 =	vpop (erf);
	(erf) = vpow2.f32 v27;
	v22 =	vmul.f32 v22, v5;
	[tilespmem:s10+$0x40] =	vst v6  }
0x287: {  	v6 =	vshll.u32 v25, $0x10;
	v13 =	vmul.f32 v13, v24;
	(erf) = vpow2.f32 v29;
	v25 =	vld [tilespmem:s12+$0xFFFFF5E0]  }
0x288: {  	[tilespmem:s11+$0xF0] =	vst v28;
	v27 =	vmul.f32 $1.442695020e+00, v31;
	v29 =	vld [tilespmem:s12+$0xFFFFFFE0];
	v26 =	vmul.f32 v26, v6  }
0x289: {  	[tilespmem:s11+$0xFFFFFF60] =	vst v18;
	v18 =	vand.u32 $0xFFFF0000, v60;
	v31 =	vshll.u32 v60, $0x10;
	v22 =	vmul.f32 $1.442695020e+00, v22  }
0x28a: {  	[tilespmem:s11+$0xFFFFFFB0] =	vst v16;
	(erf) = vpow2.f32 v27;
	v27 =	vshll.u32 v23, $0x10;
	v26 =	vmul.f32 $1.442695020e+00, v26  }
0x28b: {  	[tilespmem:s11+$0xE0] =	vst v21;
	v23 =	vand.u32 $0xFFFF0000, v23;
	v28 =	vmul.f32 v31, v27;
	(erf) = vpow2.f32 v19  }
0x28c: {  	[tilespmem:s11+$0x70] =	vst v8;
	v19 =	vpop (erf);
	v18 =	vmul.f32 v18, v23;
	(erf) = vpow2.f32 v22  }
0x28d: {  	[tilespmem:s11+$0x60] =	vst v14;
	v15 =	vmul.f32 v15, v19;
	v31 =	vand.u32 $0xFFFF0000, v29;
	v61 =	vand.u32 $0xFFFF0000, v25  }
0x28e: {  	[tilespmem:s11+$0xFFFFFFA0] =	vst v24;
	v16 =	vpop (erf);
	v21 =	vshll.u32 v29, $0x10;
	(erf) = vpow2.f32 v26;
	v8 =	vmul.f32 $1.442695020e+00, v28  }
0x28f: {  	s0 =	sadd.s32 $0x200, s0;
	[tilespmem:s11+$0xFFFFFFE0] =	vst v13;
	v22 =	vshll.u32 v25, $0x10;
	v18 =	vmul.f32 $1.442695020e+00, v18;
	v31 =	vmul.f32 v31, v61  }
0x290: {  	[tilespmem:s0+$0xFFFFFF80] =	vst v19;
	v7 =	vmul.f32 v7, v16;
	v13 =	vmul.f32 v21, v22  }
0x291: {  	[tilespmem:s0+$0xFFFFFF10] =	vst v16;
	v24 =	vpop (erf);
	(erf) = vpow2.f32 v18;
	v14 =	vmul.f32 $1.442695020e+00, v31  }
0x292: {  	[tilespmem:s0+$0xFFFFFFC0] =	vst v15;
	v12 =	vmul.f32 v12, v24;
	(erf) = vpow2.f32 v8  }
0x293: {  	[tilespmem:s0+$0xFFFFFF50] =	vst v7;
	v13 =	vmul.f32 $1.442695020e+00, v13;
	v8 =	vpop (erf);
	(erf) = vpow2.f32 v20  }
0x294: {  	[tilespmem:s0+$0xFFFFFF90] =	vst v8;
	(erf) = vpow2.f32 v14;
	v8 =	vmul.f32 v9, v8  }
0x295: {  	[tilespmem:s0+$0x50] =	vst v12;
	v14 =	vpop (erf);
	(erf) = vpow2.f32 v13  }
0x296: {  	[tilespmem:s0+$0xFFFFFFD0] =	vst v8;
	v12 =	vpop (erf);
	(erf) = vpow2.f32 v4  }
0x297: {  	v13 =	vmul.f32 v17, v14;
	[tilespmem:s0+$0xFFFFFF00] =	vst v14;
	v4 =	vpop (erf)  }
0x298: {  	[tilespmem:s10+$0xFFFFFF30] =	vst v12;
	v14 =	vpop (erf)  }
0x299: {  	[tilespmem:s0+$0xFFFFFF40] =	vst v13;
	v15 =	vpop (erf)  }
0x29a: {  	v3 =	vshll.u32 v3, $0x10;
	v2 =	vmul.f32 v2, v4;
	[tilespmem:s0+$0x80] =	vst v4;
	v4 =	vmul.f32 v30, v12;
	v12 =	vld [tilespmem:s13+$0xFFFFF5C0];
	v7 =	vpop (erf)  }
0x29b: {  	v10 =	vmul.f32 v10, v3;
	[tilespmem:s0+$0x10] =	vst v24;
	v13 =	vld [tilespmem:s13+$0xFFFFF5A0];
	v9 =	vpop (erf)  }
0x29c: {  	v16 =	vld [tilespmem:s13+$0xFFFFFFA0];
	v5 =	vmul.f32 v5, v14;
	[tilespmem:s0+$0xC0] =	vst v2;
	v8 =	vpop (erf)  }
0x29d: {  	v10 =	vmul.f32 $1.442695020e+00, v10;
	[tilespmem:s10+$0xFFFFFF70] =	vst v4;
	v17 =	vpop (erf)  }
0x29e: {  	v2 =	vld [tilespmem:s13+$0xFFFFFFC0];
	v6 =	vmul.f32 v6, v15;
	[tilespmem:s10+$0xFFFFFFF0] =	vst v5;
	v1 =	vmul.f32 v1, v8;
	v18 =	vpop (erf)  }
0x29f: {  	(erf) = vpow2.f32 v10;
	v10 =	vmul.f32 v23, v7;
	[tilespmem:s0+$0x90] =	vst v8;
	v8 =	vpop (erf)  }
0x2a0: {  	v21 =	vmul.f32 v27, v9;
	[tilespmem:s0+$0xD0] =	vst v1;
	v1 =	vmul.f32 v11, v8  }
0x2a1: {  	v20 =	vand.u32 $0xFFFF0000, v12;
	v19 =	vand.u32 $0xFFFF0000, v16;
	v11 =	vand.u32 $0xFFFF0000, v13;
	[tilespmem:s0+$0x0] =	vst v8;
	v8 =	vld [tilespmem:s13+$0x0]  }
0x2a2: {  	v4 =	vshll.u32 v13, $0x10;
	v5 =	vshll.u32 v16, $0x10;
	v23 =	vld [tilespmem:s13+$0xFFFFF600];
	v19 =	vmul.f32 v19, v11;
	[tilespmem:s0+$0x40] =	vst v1  }
0x2a3: {  	[tilespmem:s11+$0x20] =	vst v59;
	v5 =	vmul.f32 v5, v4;
	v13 =	vmul.f32 v22, v18;
	v1 =	vand.u32 $0xFFFF0000, v2;
	v22 =	vld [tilespmem:s13+$0xFFFFF5E0]  }
0x2a4: {  	[tilespmem:s10+$0xFFFFFFB0] =	vst v14;
	v16 =	vmul.f32 $1.442695020e+00, v19;
	v19 =	vld [tilespmem:s13+$0xFFFFFFE0];
	v1 =	vmul.f32 v1, v20  }
0x2a5: {  	[tilespmem:s10+$0xFFFFFF20] =	vst v15;
	v15 =	vmul.f32 v61, v17;
	v5 =	vmul.f32 $1.442695020e+00, v5  }
0x2a6: {  	[tilespmem:s10+$0xB0] =	vst v7;
	(erf) = vpow2.f32 v16;
	v1 =	vmul.f32 $1.442695020e+00, v1  }
0x2a7: {  	[tilespmem:s10+$0xA0] =	vst v9;
	v7 =	vand.u32 $0xFFFF0000, v8;
	v8 =	vshll.u32 v8, $0x10;
	v9 =	vand.u32 $0xFFFF0000, v23  }
0x2a8: {  	[tilespmem:s10+$0xFFFFFF60] =	vst v6;
	v16 =	vshll.u32 v23, $0x10;
	v7 =	vmul.f32 v7, v9;
	(erf) = vpow2.f32 v1  }
0x2a9: {  	[tilespmem:s10+$0xF0] =	vst v10;
	v1 =	vmul.f32 v8, v16;
	v8 =	vand.u32 $0xFFFF0000, v19;
	v10 =	vand.u32 $0xFFFF0000, v22  }
0x2aa: {  	[tilespmem:s10+$0x30] =	vst v17;
	v7 =	vmul.f32 $1.442695020e+00, v7;
	(erf) = vpow2.f32 v5;
	v14 =	vshll.u32 v22, $0x10  }
0x2ab: {  	[tilespmem:s10+$0xE0] =	vst v21;
	v6 =	vmul.f32 v8, v10;
	v8 =	vshll.u32 v19, $0x10;
	v1 =	vmul.f32 $1.442695020e+00, v1  }
0x2ac: {  	[tilespmem:s10+$0x20] =	vst v18;
	(erf) = vpow2.f32 v7;
	v7 =	vmul.f32 v8, v14  }
0x2ad: {  	[tilespmem:s10+$0x70] =	vst v15;
	v5 =	vpop (erf);
	v6 =	vmul.f32 $1.442695020e+00, v6;
	(erf) = vpow2.f32 v1  }
0x2ae: {  	v2 =	vshll.u32 v2, $0x10;
	[tilespmem:s10+$0x60] =	vst v13;
	v1 =	vmul.f32 v3, v5;
	v3 =	vshll.u32 v12, $0x10  }
0x2af: {  	[tilespmem:s10+$0xFFFFFFA0] =	vst v5;
	v2 =	vmul.f32 v2, v3;
	(erf) = vpow2.f32 v6;
	v5 =	vpop (erf)  }
0x2b0: {  	[tilespmem:s10+$0xFFFFFFE0] =	vst v1;
	v1 =	vmul.f32 v11, v5  }
0x2b1: {  	v6 =	vmul.f32 $1.442695020e+00, v7;
	v2 =	vmul.f32 $1.442695020e+00, v2;
	[tilespmem:s0+$0xFFFFFF30] =	vst v5;
	v7 =	vpop (erf)  }
0x2b2: {  	v5 =	vmul.f32 v20, v7;
	[tilespmem:s0+$0xFFFFFF70] =	vst v1  }
0x2b3: {  	(erf) = vpow2.f32 v6;
	[tilespmem:s0+$0xFFFFFFB0] =	vst v7  }
0x2b4: {  	(erf) = vpow2.f32 v2;
	v1 =	vpop (erf);
	[tilespmem:s0+$0xFFFFFFF0] =	vst v5  }
0x2b5: {  	v2 =	vpop (erf);
	[tilespmem:s0+$0xFFFFFF20] =	vst v1  }
0x2b6: {  	v1 =	vmul.f32 v4, v1;
	v5 =	vpop (erf);
	[tilespmem:s0+$0xB0] =	vst v2  }
0x2b7: {  	[tilespmem:s0+$0xA0] =	vst v5  }
0x2b8: {  	v2 =	vmul.f32 v9, v2;
	v6 =	vpop (erf);
	[tilespmem:s0+$0xFFFFFF60] =	vst v1  }
0x2b9: {  	v1 =	vmul.f32 v16, v5;
	[tilespmem:s0+$0x30] =	vst v6  }
0x2ba: {  	[tilespmem:s0+$0xF0] =	vst v2;
	v5 =	vmul.f32 v10, v6  }
0x2bb: {  	[tilespmem:s0+$0xE0] =	vst v1  }
0x2bc: {  	v2 =	vpop (erf);
	[tilespmem:s0+$0x70] =	vst v5  }
0x2bd: {  	[tilespmem:s0+$0x20] =	vst v2;
	v4 =	vpop (erf);
	v1 =	vmul.f32 v14, v2  }
0x2be: {  	[tilespmem:s0+$0xFFFFFFA0] =	vst v4;
	v3 =	vmul.f32 v3, v4  }
0x2bf: {  	[tilespmem:s0+$0x60] =	vst v1  }
0x2c0: {  	s5 =	simm.s32 $0x18FA0;
	s12 =	simm.s32 $0x13F00;
	[tilespmem:s0+$0xFFFFFFE0] =	vst v3  }
0x2c1: {  	[spmem:s3] =	stream.indirect.scatter.add.f32 [tilespmem:s5], [sflag:$0x9], $0x80, s12, s1, $0xb8;
	[tilespmem:$0x1DFA0] =	vst v63  }
0x2c2: {  	_ =	swait.ge [sflag:s19], $0x1400  }
0x2c3: {  	[sflag:s19] =	ssyncset.done $0x0  }
0x2c4: {  	[sflag:s19] =	ssyncadd.s32 $0xFFFFEC00  }
0x2c5: {  	_ =	swait.ge [sflag:s20], $0x2800  }
0x2c6: {  	[sflag:s20] =	ssyncset.done $0x0  }
0x2c7: {  	[sflag:s20] =	ssyncadd.s32 $0xFFFFD800  }
0x2c8: {  	v1 =	vld [tilespmem:$0x13EB0]  }
0x2c9: {  	v2 =	vld [tilespmem:$0x13EC0]  }
0x2ca: {  	v3 =	vld [tilespmem:$0x13ED0]  }
0x2cb: {  	v4 =	vld [tilespmem:$0x13EE0]  }
0x2cc: {  	v5 =	vld [tilespmem:$0x13EF0]  }
0x2cd: {  	s0 =	rddreg [dreg:$0xb];
	[tilespmem:$0x13F50] =	vst v1  }
0x2ce: {  	s0 =	sadd.s32 @!p1 s28, s0;
	[tilespmem:$0x13F60] =	vst v2  }
0x2cf: {  	s0 =	smul.u32 @!p1 $0x14, s0;
	[tilespmem:$0x13F70] =	vst v3  }
0x2d0: {  	[tilespmem:$0x13F80] =	vst v4  }
0x2d1: {  	s10 =	simm.s32 @!p1 $0x13E60;
	s5 =	simm.s32 @!p1 $0x0;
	s0 =	sadd.s32 @!p1 s2, s0;
	[tilespmem:$0x13F90] =	vst v5  }
0x2d2: {  	[tilespmem:s10], [sflag:$0x4] =	stream.linear.gather @!p1 [hbm4b:s0+s5], $0xA0, $0x38;
	[tilespmem:$0x1DFA0] =	vst v63  }
0x2d3: {  	_ =	swait.ge [sflag:s26], $0xA0  }
0x2d4: {  	[sflag:s26] =	ssyncset.done $0x0  }
0x2d5: {  	s13 =	simm.s32 $0x153A0;
	s28 =	simm.s32 $0x18610;
	[sflag:s26] =	ssyncadd.s32 $0xFFFFFF60  }
0x2d6: {  	[tilespmem:s13], [sflag:$0x6] =	stream.indirect.gather [hbm4b:s16+s24], $0x20, s18, s24, $0xb8;
	[tilespmem:$0x1DFA0] =	vst v63  }
0x2d7: {  	v1 =	vld [tilespmem:s28+$0xFFFFFFF0]  }
0x2d8: {  	v2 =	vld [tilespmem:s28+$0xFFFFF590]  }
0x2d9: {  	v4 =	vld [tilespmem:s28+$0xFFFFFFD0]  }
0x2da: {  	v5 =	vld [tilespmem:s28+$0xFFFFFFB0]  }
0x2db: {  	v6 =	vld [tilespmem:s28+$0xFFFFF5B0]  }
0x2dc: {  	v7 =	vld [tilespmem:s28+$0xFFFFFF90];
	_ =	sdelay $0x1  }
0x2dd: {  	v8 =	vld [tilespmem:s28+$0xFFFFF5D0]  }
0x2de: {  	v3 =	vld [tilespmem:s28+$0xFFFFF5F0]  }
0x2df: {  	v9 =	vshll.u32 v1, $0x10;
	v10 =	vand.u32 $0xFFFF0000, v2;
	v12 =	vshll.u32 v5, $0x10  }
0x2e0: {  	v13 =	vshll.u32 v6, $0x10;
	v14 =	vand.u32 $0xFFFF0000, v4;
	v15 =	vand.u32 $0xFFFF0000, v7  }
0x2e1: {  	v5 =	vand.u32 $0xFFFF0000, v5;
	v6 =	vand.u32 $0xFFFF0000, v6;
	v12 =	vmul.f32 v12, v13  }
0x2e2: {  	v16 =	vand.u32 $0xFFFF0000, v8;
	v15 =	vmul.f32 v15, v10;
	v5 =	vmul.f32 v5, v6  }
0x2e3: {  	v11 =	vshll.u32 v3, $0x10;
	v14 =	vmul.f32 v14, v16;
	v12 =	vmul.f32 $1.442695020e+00, v12  }
0x2e4: {  	v7 =	vshll.u32 v7, $0x10;
	v9 =	vmul.f32 v9, v11;
	v15 =	vmul.f32 $1.442695020e+00, v15  }
0x2e5: {  	v2 =	vshll.u32 v2, $0x10;
	(erf) = vpow2.f32 v12;
	v12 =	vmul.f32 $1.442695020e+00, v14  }
0x2e6: {  	v7 =	vmul.f32 v7, v2;
	(erf) = vpow2.f32 v15  }
0x2e7: {  	v5 =	vmul.f32 $1.442695020e+00, v5;
	(erf) = vpow2.f32 v12  }
0x2e8: {  	v1 =	vand.u32 $0xFFFF0000, v1;
	v7 =	vmul.f32 $1.442695020e+00, v7  }
0x2e9: {  	v3 =	vand.u32 $0xFFFF0000, v3;
	(erf) = vpow2.f32 v5;
	v5 =	vmul.f32 $1.442695020e+00, v9  }
0x2ea: {  	v1 =	vmul.f32 v1, v3;
	(erf) = vpow2.f32 v7  }
0x2eb: {  	(erf) = vpow2.f32 v5  }
0x2ec: {  	s12 =	simm.s32 $0x18690;
	v1 =	vmul.f32 $1.442695020e+00, v1  }
0x2ed: {  	v17 =	vld [tilespmem:s12+$0xFFFFF5B0]  }
0x2ee: {  	s11 =	simm.s32 $0x1B8A0;
	v4 =	vshll.u32 v4, $0x10;
	v8 =	vshll.u32 v8, $0x10;
	v5 =	vld [tilespmem:s12+$0xFFFFFFF0];
	v7 =	vpop (erf)  }
0x2ef: {  	v19 =	vld [tilespmem:s12+$0xFFFFFF90];
	v4 =	vmul.f32 v4, v8;
	v12 =	vpop (erf);
	[tilespmem:s11+$0xFFFFFF80] =	vst v7  }
0x2f0: {  	v14 =	vld [tilespmem:s12+$0xFFFFF5F0];
	(erf) = vpow2.f32 v1;
	v13 =	vmul.f32 v13, v7;
	v1 =	vpop (erf);
	[tilespmem:s11+$0xFFFFFF10] =	vst v12  }
0x2f1: {  	v9 =	vld [tilespmem:s12+$0xFFFFF590];
	[tilespmem:s11+$0x10] =	vst v1  }
0x2f2: {  	v21 =	vshll.u32 v17, $0x10;
	v4 =	vmul.f32 $1.442695020e+00, v4;
	v15 =	vld [tilespmem:s12+$0xFFFFFFB0];
	v10 =	vmul.f32 v10, v12;
	v12 =	vpop (erf);
	[tilespmem:s11+$0xFFFFFFC0] =	vst v13  }
0x2f3: {  	v20 =	vshll.u32 v5, $0x10;
	v1 =	vmul.f32 v16, v1;
	v16 =	vld [tilespmem:s12+$0xFFFFFFD0];
	v18 =	vpop (erf);
	[tilespmem:s11+$0xFFFFFF90] =	vst v12;
	v6 =	vmul.f32 v6, v12  }
0x2f4: {  	v13 =	vld [tilespmem:s12+$0xFFFFF5D0];
	(erf) = vpow2.f32 v4;
	[tilespmem:s11+$0xFFFFFF50] =	vst v10;
	v10 =	vand.u32 $0xFFFF0000, v17;
	v17 =	vand.u32 $0xFFFF0000, v19;
	v12 =	vpop (erf)  }
0x2f5: {  	v2 =	vmul.f32 v2, v18;
	[tilespmem:s11+$0xFFFFFF00] =	vst v18;
	v18 =	vshll.u32 v14, $0x10;
	v4 =	vmul.f32 v11, v12  }
0x2f6: {  	v11 =	vand.u32 $0xFFFF0000, v9;
	[tilespmem:s11+$0xFFFFFFD0] =	vst v6;
	v6 =	vshll.u32 v19, $0x10;
	v9 =	vshll.u32 v9, $0x10  }
0x2f7: {  	[tilespmem:s11+$0xFFFFFF40] =	vst v2;
	v2 =	vshll.u32 v15, $0x10;
	v15 =	vand.u32 $0xFFFF0000, v15;
	v17 =	vmul.f32 v17, v11  }
0x2f8: {  	[tilespmem:s11+$0x80] =	vst v12;
	v6 =	vmul.f32 v6, v9;
	v2 =	vmul.f32 v2, v21;
	v7 =	vand.u32 $0xFFFF0000, v16  }
0x2f9: {  	v15 =	vmul.f32 v15, v10;
	v23 =	vld [tilespmem:s28+$0xFFFFF5A0];
	v12 =	vand.u32 $0xFFFF0000, v13;
	[tilespmem:s11+$0xC0] =	vst v4;
	v4 =	vmul.f32 v20, v18  }
0x2fa: {  	v24 =	vld [tilespmem:s28+$0xFFFFFFA0];
	v22 =	vpop (erf);
	v17 =	vmul.f32 $1.442695020e+00, v17;
	v7 =	vmul.f32 v7, v12  }
0x2fb: {  	v3 =	vmul.f32 v3, v22;
	v2 =	vmul.f32 $1.442695020e+00, v2  }
0x2fc: {  	v25 =	vand.u32 $0xFFFF0000, v14;
	v19 =	vld [tilespmem:s28+$0xFFFFF5C0];
	v6 =	vmul.f32 $1.442695020e+00, v6;
	v7 =	vmul.f32 $1.442695020e+00, v7  }
0x2fd: {  	(erf) = vpow2.f32 v2;
	v2 =	vand.u32 $0xFFFF0000, v5;
	v5 =	vld [tilespmem:s28+$0xFFFFFFC0];
	[tilespmem:s11+$0xD0] =	vst v3;
	v3 =	vmul.f32 $1.442695020e+00, v15  }
0x2fe: {  	[tilespmem:s11+$0x90] =	vst v22;
	v15 =	vpop (erf);
	v22 =	vand.u32 $0xFFFF0000, v23;
	(erf) = vpow2.f32 v17;
	v2 =	vmul.f32 v2, v25  }
0x2ff: {  	[tilespmem:s11+$0x50] =	vst v1;
	v1 =	vand.u32 $0xFFFF0000, v24;
	v17 =	vld [tilespmem:s28+$0x0];
	v8 =	vmul.f32 v8, v15;
	(erf) = vpow2.f32 v7  }
0x300: {  	v26 =	vshll.u32 v23, $0x10;
	v7 =	vld [tilespmem:s28+$0xFFFFF600];
	v1 =	vmul.f32 v1, v22;
	(erf) = vpow2.f32 v3  }
0x301: {  	[tilespmem:s11+$0x0] =	vst v15;
	v15 =	vand.u32 $0xFFFF0000, v19;
	v2 =	vmul.f32 $1.442695020e+00, v2;
	(erf) = vpow2.f32 v6  }
0x302: {  	[tilespmem:s11+$0x40] =	vst v8;
	v1 =	vmul.f32 $1.442695020e+00, v1;
	v8 =	vshll.u32 v24, $0x10;
	v3 =	vand.u32 $0xFFFF0000, v5  }
0x303: {  	v6 =	vld [tilespmem:s28+$0xFFFFFFE0];
	v8 =	vmul.f32 v8, v26;
	v3 =	vmul.f32 v3, v15  }
0x304: {  	v14 =	vld [tilespmem:s28+$0xFFFFF5E0];
	v20 =	vshll.u32 v17, $0x10;
	(erf) = vpow2.f32 v1;
	v1 =	vmul.f32 $1.442695020e+00, v4  }
0x305: {  	v17 =	vand.u32 $0xFFFF0000, v17;
	v62 =	vshll.u32 v7, $0x10;
	v23 =	vmul.f32 $1.442695020e+00, v8  }
0x306: {  	v28 =	vand.u32 $0xFFFF0000, v7;
	v3 =	vmul.f32 $1.442695020e+00, v3;
	v20 =	vmul.f32 v20, v62;
	v4 =	vpop (erf)  }
0x307: {  	v7 =	vmul.f32 v17, v28;
	v24 =	vpop (erf);
	(erf) = vpow2.f32 v1  }
0x308: {  	s10 =	simm.s32 $0x1BAA0;
	v1 =	vand.u32 $0xFFFF0000, v6;
	v20 =	vmul.f32 $1.442695020e+00, v20;
	v11 =	vmul.f32 v11, v24  }
0x309: {  	v8 =	vand.u32 $0xFFFF0000, v14;
	[tilespmem:s10+$0xFFFFFF80] =	vst v4;
	v17 =	vpop (erf);
	(erf) = vpow2.f32 v3;
	v3 =	vmul.f32 v21, v4  }
0x30a: {  	[tilespmem:s10+$0xFFFFFF10] =	vst v24;
	v1 =	vmul.f32 v1, v8;
	(erf) = vpow2.f32 v23  }
0x30b: {  	s13 =	simm.s32 $0x18710;
	v6 =	vshll.u32 v6, $0x10;
	v21 =	vpop (erf);
	v12 =	vmul.f32 v12, v17;
	[tilespmem:s10+$0xFFFFFFC0] =	vst v3;
	v3 =	vmul.f32 $1.442695020e+00, v7  }
0x30c: {  	v27 =	vld [tilespmem:s13+$0xFFFFF5D0];
	v14 =	vshll.u32 v14, $0x10;
	[tilespmem:s10+$0x10] =	vst v17;
	v23 =	vpop (erf);
	v10 =	vmul.f32 v10, v21;
	v1 =	vmul.f32 $1.442695020e+00, v1  }
0x30d: {  	v24 =	vld [tilespmem:s13+$0xFFFFFFF0];
	v9 =	vmul.f32 v9, v23;
	[tilespmem:s10+$0x50] =	vst v12;
	v12 =	vmul.f32 v6, v14  }
0x30e: {  	v17 =	vld [tilespmem:s13+$0xFFFFF590];
	[tilespmem:s10+$0xFFFFFF90] =	vst v21;
	v6 =	vshll.u32 v13, $0x10;
	v13 =	vshll.u32 v19, $0x10;
	(erf) = vpow2.f32 v3  }
0x30f: {  	v29 =	vld [tilespmem:s13+$0xFFFFFFB0];
	[tilespmem:s10+$0xFFFFFF50] =	vst v11;
	v3 =	vshll.u32 v5, $0x10;
	v5 =	vpop (erf);
	(erf) = vpow2.f32 v20;
	v12 =	vmul.f32 $1.442695020e+00, v12  }
0x310: {  	v7 =	vshll.u32 v16, $0x10;
	v21 =	vld [tilespmem:s13+$0xFFFFF5F0];
	[tilespmem:s11+$0xFFFFFF30] =	vst v5;
	v5 =	vmul.f32 v22, v5;
	v30 =	vmul.f32 v3, v13  }
0x311: {  	v11 =	vshll.u32 v27, $0x10;
	[tilespmem:s10+$0xFFFFFF00] =	vst v23;
	v23 =	vld [tilespmem:s13+$0xFFFFFFD0];
	(erf) = vpow2.f32 v2;
	v2 =	vmul.f32 v7, v6  }
0x312: {  	v31 =	vld [tilespmem:s13+$0xFFFFFF90];
	[tilespmem:s10+$0xFFFFFFD0] =	vst v10;
	v19 =	vshll.u32 v24, $0x10;
	v20 =	vand.u32 $0xFFFF0000, v24;
	v4 =	vpop (erf);
	(erf) = vpow2.f32 v1  }
0x313: {  	v7 =	vand.u32 $0xFFFF0000, v17;
	[tilespmem:s11+$0xFFFFFF70] =	vst v5;
	v5 =	vmul.f32 $1.442695020e+00, v30;
	v24 =	vmul.f32 $1.442695020e+00, v2;
	v16 =	vpop (erf)  }
0x314: {  	[tilespmem:s10+$0xFFFFFF40] =	vst v9;
	v30 =	vshll.u32 v29, $0x10;
	v9 =	vmul.f32 v18, v4;
	v18 =	vld [tilespmem:s13+$0xFFFFF5B0];
	v10 =	vmul.f32 v15, v16  }
0x315: {  	v2 =	vshll.u32 v21, $0x10;
	v1 =	vand.u32 $0xFFFF0000, v21;
	[tilespmem:s10+$0x80] =	vst v4;
	(erf) = vpow2.f32 v12  }
0x316: {  	v3 =	vld [tilespmem:s12+$0xFFFFF5C0];
	v22 =	vand.u32 $0xFFFF0000, v23;
	v4 =	vshll.u32 v23, $0x10;
	v21 =	vpop (erf);
	(erf) = vpow2.f32 v24;
	[tilespmem:s10+$0xC0] =	vst v9  }
0x317: {  	v12 =	vand.u32 $0xFFFF0000, v27;
	v23 =	vld [tilespmem:s12+$0xFFFFFFC0];
	[tilespmem:s11+$0xFFFFFF20] =	vst v21;
	(erf) = vpow2.f32 v5;
	v5 =	vand.u32 $0xFFFF0000, v31  }
0x318: {  	v27 =	vand.u32 $0xFFFF0000, v29;
	v29 =	vshll.u32 v31, $0x10;
	[tilespmem:s11+$0xFFFFFFF0] =	vst v10;
	v31 =	vmul.f32 v5, v7;
	v10 =	vpop (erf)  }
0x319: {  	v15 =	vshll.u32 v18, $0x10;
	v9 =	vand.u32 $0xFFFF0000, v18;
	v18 =	vmul.f32 v26, v21;
	v21 =	vpop (erf);
	[tilespmem:s11+$0xB0] =	vst v10  }
0x31a: {  	v27 =	vmul.f32 v27, v9;
	v63 =	vmul.f32 v30, v15;
	v26 =	vpop (erf);
	[tilespmem:s11+$0xA0] =	vst v21  }
0x31b: {  	v5 =	vand.u32 $0xFFFF0000, v3;
	v28 =	vmul.f32 v28, v10;
	v30 =	vmul.f32 v25, v26;
	v24 =	vpop (erf);
	v25 =	vld [tilespmem:s12+$0xFFFFF5A0];
	[tilespmem:s10+$0x90] =	vst v26  }
0x31c: {  	s5 =	simm.s32 $0x8;
	s0 =	simm.s32 $0x1BAA0;
	v10 =	vshll.u32 v23, $0x10;
	v21 =	vmul.f32 v62, v21;
	v32 =	vmul.f32 $1.442695020e+00, v63;
	v26 =	vld [tilespmem:s12+$0xFFFFFFA0];
	[tilespmem:s11+$0x30] =	vst v24  }
.LBB2_13:
0x31d: {  	s5 =	sadd.s32 $0x4, s5;
	v31 =	vmul.f32 $1.442695020e+00, v31;
	v19 =	vmul.f32 v19, v2;
	v23 =	vand.u32 $0xFFFF0000, v23;
	[tilespmem:s10+$0xD0] =	vst v30;
	s0 =	sadd.s32 $0x200, s0  }
0x31e: {  	v17 =	vshll.u32 v17, $0x10;
	v20 =	vmul.f32 v20, v1;
	p1 =	slt.u32 s5, $0x4C;
	(erf) = vpow2.f32 v32;
	[tilespmem:s11+$0xF0] =	vst v28;
	v28 =	vpop (erf)  }
0x31f: {  	v22 =	vmul.f32 v22, v12;
	v29 =	vmul.f32 v29, v17;
	[tilespmem:s11+$0xFFFFFF60] =	vst v18  }
0x320: {  	v27 =	vmul.f32 $1.442695020e+00, v27;
	v14 =	vmul.f32 v14, v28;
	v18 =	vshll.u32 v25, $0x10;
	v30 =	vpop (erf);
	[tilespmem:s11+$0x20] =	vst v28  }
0x321: {  	v22 =	vmul.f32 $1.442695020e+00, v22;
	v25 =	vand.u32 $0xFFFF0000, v25;
	v28 =	vand.u32 $0xFFFF0000, v26;
	[tilespmem:s10+$0x0] =	vst v30;
	v32 =	vld [tilespmem:s12+$0xFFFFF600]  }
0x322: {  	v26 =	vshll.u32 v26, $0x10;
	v30 =	vmul.f32 v6, v30;
	(erf) = vpow2.f32 v31;
	v31 =	vld [tilespmem:s12+$0x0];
	[tilespmem:s11+$0xFFFFFFB0] =	vst v16;
	v16 =	vpop (erf)  }
0x323: {  	v8 =	vmul.f32 v8, v24;
	v6 =	vmov v11;
	(erf) = vpow2.f32 v22;
	[tilespmem:s11+$0xFFFFFFA0] =	vst v16  }
0x324: {  	v11 =	vmul.f32 $1.442695020e+00, v29;
	v28 =	vmul.f32 v28, v25;
	[tilespmem:s10+$0x40] =	vst v30  }
0x325: {  	v13 =	vmul.f32 v13, v16;
	(erf) = vpow2.f32 v27;
	v24 =	vld [tilespmem:s12+$0xFFFFF5E0];
	[tilespmem:s11+$0xE0] =	vst v21  }
0x326: {  	(erf) = vpow2.f32 v11;
	v11 =	vmul.f32 $1.442695020e+00, v28;
	v16 =	vld [tilespmem:s12+$0xFFFFFFE0];
	[tilespmem:s11+$0x70] =	vst v8;
	s12 =	smov.u32 s13  }
0x327: {  	v8 =	vmul.f32 v23, v5;
	v22 =	vpop (erf);
	v23 =	vand.u32 $0xFFFF0000, v31;
	[tilespmem:s11+$0xFFFFFFE0] =	vst v13  }
0x328: {  	v13 =	vmul.f32 v26, v18;
	v26 =	vshll.u32 v31, $0x10;
	(erf) = vpow2.f32 v11;
	[tilespmem:s11+$0x60] =	vst v14;
	s11 =	smov.u32 s10;
	s10 =	smov.u32 s0  }
0x329: {  	v21 =	vshll.u32 v32, $0x10;
	v11 =	vmul.f32 $1.442695020e+00, v19;
	v14 =	vmul.f32 $1.442695020e+00, v8  }
0x32a: {  	v19 =	vmul.f32 v26, v21;
	v13 =	vmul.f32 $1.442695020e+00, v13  }
0x32b: {  	v26 =	vand.u32 $0xFFFF0000, v32;
	v8 =	vpop (erf);
	(erf) = vpow2.f32 v11;
	v11 =	vand.u32 $0xFFFF0000, v16  }
0x32c: {  	v23 =	vmul.f32 v23, v26;
	[tilespmem:s0+$0xFFFFFF10] =	vst v8;
	v27 =	vmul.f32 v7, v8;
	v7 =	vpop (erf);
	v8 =	vand.u32 $0xFFFF0000, v24  }
0x32d: {  	v16 =	vshll.u32 v16, $0x10;
	v11 =	vmul.f32 v11, v8;
	(erf) = vpow2.f32 v14  }
0x32e: {  	v14 =	vmul.f32 v15, v22;
	[tilespmem:s0+$0x10] =	vst v7;
	v15 =	vpop (erf);
	(erf) = vpow2.f32 v13  }
0x32f: {  	s13 =	sadd.s32 $0x80, s13;
	v19 =	vmul.f32 $1.442695020e+00, v19;
	v7 =	vmul.f32 v12, v7;
	[tilespmem:s0+$0xFFFFFF90] =	vst v15;
	v12 =	vpop (erf)  }
0x330: {  	v23 =	vmul.f32 $1.442695020e+00, v23;
	v28 =	vld [tilespmem:s13+$0xFFFFFFF0];
	v29 =	vmul.f32 v17, v12;
	[tilespmem:s0+$0xFFFFFFC0] =	vst v14;
	v14 =	vshll.u32 v24, $0x10  }
0x331: {  	v9 =	vmul.f32 v9, v15;
	v17 =	vld [tilespmem:s13+$0xFFFFF590];
	[tilespmem:s0+$0x50] =	vst v7;
	v7 =	vmul.f32 v16, v14;
	v15 =	vpop (erf)  }
0x332: {  	v13 =	vshll.u32 v3, $0x10;
	[tilespmem:s0+$0xFFFFFF00] =	vst v12;
	v12 =	vmul.f32 $1.442695020e+00, v20;
	(erf) = vpow2.f32 v23  }
0x333: {  	v11 =	vmul.f32 $1.442695020e+00, v11;
	v3 =	vld [tilespmem:s13+$0xFFFFF5F0];
	[tilespmem:s0+$0xFFFFFF80] =	vst v22;
	(erf) = vpow2.f32 v19  }
0x334: {  	v22 =	vld [tilespmem:s13+$0xFFFFFFD0];
	v16 =	vpop (erf);
	(erf) = vpow2.f32 v12;
	[tilespmem:s11+$0xFFFFFF30] =	vst v15;
	v12 =	vmul.f32 $1.442695020e+00, v7  }
0x335: {  	v4 =	vmul.f32 v4, v6;
	v23 =	vld [tilespmem:s13+$0xFFFFF5D0];
	v19 =	vshll.u32 v28, $0x10;
	[tilespmem:s0+$0x80] =	vst v16;
	(erf) = vpow2.f32 v11  }
0x336: {  	v15 =	vmul.f32 v25, v15;
	v20 =	vand.u32 $0xFFFF0000, v28;
	v11 =	vmul.f32 v2, v16;
	v24 =	vld [tilespmem:s13+$0xFFFFFFB0];
	[tilespmem:s0+$0xFFFFFF40] =	vst v29;
	v16 =	vpop (erf)  }
0x337: {  	v10 =	vmul.f32 v10, v13;
	v7 =	vand.u32 $0xFFFF0000, v17;
	v25 =	vld [tilespmem:s13+$0xFFFFF5B0];
	[tilespmem:s0+$0xFFFFFF50] =	vst v27;
	v27 =	vmul.f32 $1.442695020e+00, v4;
	v28 =	vpop (erf)  }
0x338: {  	v5 =	vmul.f32 v5, v16;
	v30 =	vld [tilespmem:s13+$0xFFFFFF90];
	v2 =	vshll.u32 v3, $0x10;
	v32 =	vand.u32 $0xFFFF0000, v3;
	[tilespmem:s0+$0xFFFFFFD0] =	vst v9  }
0x339: {  	v4 =	vshll.u32 v22, $0x10;
	v22 =	vand.u32 $0xFFFF0000, v22;
	v3 =	vld [tilespmem:s12+$0xFFFFF5C0];
	[tilespmem:s0+$0xC0] =	vst v11;
	(erf) = vpow2.f32 v12  }
0x33a: {  	v10 =	vmul.f32 $1.442695020e+00, v10;
	v11 =	vshll.u32 v23, $0x10;
	v12 =	vand.u32 $0xFFFF0000, v23;
	v23 =	vld [tilespmem:s12+$0xFFFFFFC0];
	[tilespmem:s11+$0xFFFFFF70] =	vst v15  }
0x33b: {  	v31 =	vshll.u32 v24, $0x10;
	v24 =	vand.u32 $0xFFFF0000, v24;
	(erf) = vpow2.f32 v27;
	[tilespmem:s11+$0xFFFFFFF0] =	vst v5;
	v33 =	vpop (erf)  }
.Ltmp5:
0x33c: {  	v18 =	vmul.f32 v18, v28;
	v15 =	vshll.u32 v25, $0x10;
	v9 =	vand.u32 $0xFFFF0000, v25;
	[tilespmem:s11+$0xFFFFFF20] =	vst v28;
	v34 =	vpop (erf);
	(pc) =	sbr.rel @p1 .LBB2_13-.Ltmp5, $4  }
0x33d: {  	v29 =	vshll.u32 v30, $0x10;
	v27 =	vmul.f32 v24, v9;
	v28 =	vpop (erf);
	[tilespmem:s11+$0xB0] =	vst v33;
	(erf) = vpow2.f32 v10  }
0x33e: {  	v5 =	vand.u32 $0xFFFF0000, v30;
	v10 =	vmul.f32 v31, v15;
	v30 =	vmul.f32 v1, v28;
	[tilespmem:s11+$0xA0] =	vst v34;
	v24 =	vpop (erf)  }
0x33f: {  	v31 =	vmul.f32 v5, v7;
	v5 =	vand.u32 $0xFFFF0000, v3;
	v1 =	vmovc v32;
	v25 =	vld [tilespmem:s12+$0xFFFFF5A0];
	[tilespmem:s0+$0x90] =	vst v28;
	v28 =	vmul.f32 v26, v33  }
0x340: {  	v21 =	vmul.f32 v21, v34;
	v32 =	vmul.f32 $1.442695020e+00, v10;
	v10 =	vshll.u32 v23, $0x10;
	v26 =	vld [tilespmem:s12+$0xFFFFFFA0];
	[tilespmem:s11+$0x30] =	vst v24  }
0x341: {  	v31 =	vmul.f32 $1.442695020e+00, v31  }
0x342: {  	v19 =	vmul.f32 v19, v2;
	v20 =	vmul.f32 v20, v1  }
0x343: {  	v22 =	vmul.f32 v22, v12;
	v27 =	vmul.f32 $1.442695020e+00, v27  }
0x344: {  	v17 =	vshll.u32 v17, $0x10;
	v8 =	vmul.f32 v8, v24;
	v4 =	vmul.f32 v4, v11  }
0x345: {  	v23 =	vand.u32 $0xFFFF0000, v23;
	(erf) = vpow2.f32 v32;
	v58 =	vpop (erf);
	v29 =	vmul.f32 v29, v17  }
0x346: {  	v23 =	vmul.f32 v23, v5;
	v14 =	vmul.f32 v14, v58  }
0x347: {  	[tilespmem:s10+$0xD0] =	vst v30;
	v22 =	vmul.f32 $1.442695020e+00, v22;
	(erf) = vpow2.f32 v31  }
0x348: {  	v60 =	vld [tilespmem:s12+$0x0];
	v19 =	vmul.f32 $1.442695020e+00, v19;
	v20 =	vmul.f32 $1.442695020e+00, v20  }
0x349: {  	[tilespmem:s11+$0xF0] =	vst v28;
	v61 =	vld [tilespmem:s12+$0xFFFFF600];
	v33 =	vpop (erf);
	v30 =	vand.u32 $0xFFFF0000, v25;
	v29 =	vmul.f32 $1.442695020e+00, v29;
	v25 =	vshll.u32 v25, $0x10  }
0x34a: {  	[tilespmem:s11+$0xFFFFFF60] =	vst v18;
	v23 =	vmul.f32 $1.442695020e+00, v23;
	v6 =	vmul.f32 v6, v33;
	v59 =	vand.u32 $0xFFFF0000, v26  }
0x34b: {  	[tilespmem:s10+$0x0] =	vst v33;
	(erf) = vpow2.f32 v22;
	v34 =	vshll.u32 v26, $0x10;
	v31 =	vmul.f32 v59, v30  }
0x34c: {  	v62 =	vpop (erf);
	(erf) = vpow2.f32 v27;
	v26 =	vmul.f32 v34, v25;
	[tilespmem:s10+$0x40] =	vst v6  }
0x34d: {  	[tilespmem:s11+$0xFFFFFFB0] =	vst v16;
	v13 =	vmul.f32 v13, v62;
	(erf) = vpow2.f32 v29;
	v37 =	vshll.u32 v60, $0x10;
	v63 =	vld [tilespmem:s12+$0xFFFFF5E0]  }
0x34e: {  	[tilespmem:s11+$0xE0] =	vst v21;
	v28 =	vshll.u32 v61, $0x10;
	v38 =	vand.u32 $0xFFFF0000, v60;
	v35 =	vmul.f32 $1.442695020e+00, v31;
	v36 =	vld [tilespmem:s12+$0xFFFFFFE0]  }
0x34f: {  	[tilespmem:s11+$0x20] =	vst v58;
	v24 =	vand.u32 $0xFFFF0000, v61;
	v26 =	vmul.f32 $1.442695020e+00, v26;
	v39 =	vmul.f32 v37, v28  }
0x350: {  	[tilespmem:s11+$0x70] =	vst v8;
	v18 =	vmul.f32 v38, v24;
	(erf) = vpow2.f32 v35  }
0x351: {  	[tilespmem:s11+$0x60] =	vst v14;
	v46 =	vmul.f32 $1.442695020e+00, v39;
	(erf) = vpow2.f32 v19  }
0x352: {  	[tilespmem:s11+$0xFFFFFFA0] =	vst v62;
	v18 =	vmul.f32 $1.442695020e+00, v18;
	v40 =	vpop (erf);
	(erf) = vpow2.f32 v23  }
0x353: {  	s0 =	sadd.s32 $0x200, s0;
	[tilespmem:s11+$0xFFFFFFE0] =	vst v13;
	v42 =	vpop (erf);
	v15 =	vmul.f32 v15, v40;
	v41 =	vand.u32 $0xFFFF0000, v36;
	v32 =	vand.u32 $0xFFFF0000, v63  }
0x354: {  	[tilespmem:s0+$0xFFFFFF80] =	vst v40;
	v44 =	vshll.u32 v36, $0x10;
	(erf) = vpow2.f32 v26;
	v7 =	vmul.f32 v7, v42  }
0x355: {  	v47 =	vshll.u32 v63, $0x10;
	[tilespmem:s0+$0xFFFFFF10] =	vst v42;
	v29 =	vmul.f32 v41, v32;
	v43 =	vpop (erf);
	(erf) = vpow2.f32 v18  }
0x356: {  	v48 =	vmul.f32 v44, v47;
	[tilespmem:s0+$0xFFFFFFC0] =	vst v15;
	(erf) = vpow2.f32 v46  }
0x357: {  	[tilespmem:s0+$0x10] =	vst v43;
	v49 =	vmul.f32 $1.442695020e+00, v29;
	(erf) = vpow2.f32 v20  }
0x358: {  	v45 =	vmul.f32 v12, v43;
	v50 =	vpop (erf);
	[tilespmem:s0+$0xFFFFFF50] =	vst v7;
	v51 =	vmul.f32 $1.442695020e+00, v48  }
0x359: {  	v4 =	vmul.f32 $1.442695020e+00, v4;
	[tilespmem:s0+$0xFFFFFF90] =	vst v50;
	v52 =	vpop (erf);
	(erf) = vpow2.f32 v49  }
0x35a: {  	[tilespmem:s0+$0x50] =	vst v45;
	v55 =	vmul.f32 v17, v52;
	(erf) = vpow2.f32 v51;
	v53 =	vpop (erf)  }
0x35b: {  	v6 =	vmul.f32 v9, v50;
	[tilespmem:s0+$0xFFFFFF00] =	vst v52;
	(erf) = vpow2.f32 v4;
	v54 =	vpop (erf)  }
0x35c: {  	[tilespmem:s0+$0xFFFFFF40] =	vst v55;
	v56 =	vpop (erf)  }
0x35d: {  	[tilespmem:s0+$0xFFFFFFD0] =	vst v6;
	v12 =	vld [tilespmem:s13+$0xFFFFF5A0];
	v57 =	vpop (erf)  }
0x35e: {  	v3 =	vshll.u32 v3, $0x10;
	[tilespmem:s10+$0xFFFFFF30] =	vst v53;
	v61 =	vld [tilespmem:s13+$0xFFFFFFA0];
	v62 =	vmul.f32 v30, v53;
	v58 =	vpop (erf)  }
0x35f: {  	v10 =	vmul.f32 v10, v3;
	v2 =	vmul.f32 v2, v54;
	[tilespmem:s0+$0x80] =	vst v54;
	v59 =	vpop (erf)  }
0x360: {  	v63 =	vld [tilespmem:s13+$0xFFFFF5C0];
	[tilespmem:s10+$0xFFFFFF70] =	vst v62;
	v60 =	vpop (erf)  }
0x361: {  	v10 =	vmul.f32 $1.442695020e+00, v10;
	[tilespmem:s0+$0xC0] =	vst v2;
	v1 =	vmul.f32 v1, v60  }
0x362: {  	v29 =	vmul.f32 v5, v56;
	v2 =	vld [tilespmem:s13+$0xFFFFFFC0];
	v30 =	vmul.f32 v25, v57;
	[tilespmem:s0+$0x90] =	vst v60;
	v26 =	vpop (erf)  }
0x363: {  	(erf) = vpow2.f32 v10;
	v34 =	vand.u32 $0xFFFF0000, v12;
	v35 =	vand.u32 $0xFFFF0000, v61;
	v27 =	vpop (erf);
	[tilespmem:s0+$0xD0] =	vst v1  }
0x364: {  	[tilespmem:s10+$0xFFFFFFB0] =	vst v56;
	v33 =	vmul.f32 v24, v58;
	v19 =	vmul.f32 v35, v34;
	v31 =	vpop (erf);
	v36 =	vld [tilespmem:s13+$0x0]  }
0x365: {  	[tilespmem:s10+$0xFFFFFF20] =	vst v57;
	v37 =	vand.u32 $0xFFFF0000, v63;
	v38 =	vmul.f32 v28, v59;
	v39 =	vld [tilespmem:s13+$0xFFFFF600];
	v1 =	vmul.f32 v11, v31  }
0x366: {  	v40 =	vshll.u32 v12, $0x10;
	v43 =	vshll.u32 v61, $0x10;
	v44 =	vmul.f32 $1.442695020e+00, v19;
	[tilespmem:s0+$0x0] =	vst v31  }
0x367: {  	v5 =	vmul.f32 v43, v40;
	v46 =	vmul.f32 v32, v26;
	[tilespmem:s0+$0x40] =	vst v1;
	v1 =	vand.u32 $0xFFFF0000, v2  }
0x368: {  	[tilespmem:s10+$0xFFFFFFF0] =	vst v29;
	(erf) = vpow2.f32 v44;
	v42 =	vld [tilespmem:s13+$0xFFFFF5E0];
	v1 =	vmul.f32 v1, v37  }
0x369: {  	[tilespmem:s10+$0xB0] =	vst v58;
	v5 =	vmul.f32 $1.442695020e+00, v5;
	v41 =	vmul.f32 v47, v27;
	v45 =	vld [tilespmem:s13+$0xFFFFFFE0]  }
0x36a: {  	[tilespmem:s10+$0xA0] =	vst v59;
	v47 =	vand.u32 $0xFFFF0000, v36;
	v48 =	vand.u32 $0xFFFF0000, v39;
	v1 =	vmul.f32 $1.442695020e+00, v1  }
0x36b: {  	[tilespmem:s10+$0xFFFFFF60] =	vst v30;
	v6 =	vshll.u32 v36, $0x10;
	v49 =	vshll.u32 v39, $0x10;
	v7 =	vmul.f32 v47, v48  }
0x36c: {  	[tilespmem:s10+$0xF0] =	vst v33;
	(erf) = vpow2.f32 v1;
	v1 =	vmul.f32 v6, v49  }
0x36d: {  	[tilespmem:s10+$0xE0] =	vst v38;
	v2 =	vshll.u32 v2, $0x10;
	v7 =	vmul.f32 $1.442695020e+00, v7;
	(erf) = vpow2.f32 v5  }
0x36e: {  	[tilespmem:s10+$0x30] =	vst v26;
	v50 =	vand.u32 $0xFFFF0000, v45;
	v51 =	vand.u32 $0xFFFF0000, v42;
	v1 =	vmul.f32 $1.442695020e+00, v1  }
0x36f: {  	[tilespmem:s10+$0x20] =	vst v27;
	v53 =	vpop (erf);
	v52 =	vshll.u32 v45, $0x10;
	v6 =	vmul.f32 v50, v51;
	(erf) = vpow2.f32 v7  }
0x370: {  	[tilespmem:s10+$0x70] =	vst v46;
	v54 =	vshll.u32 v42, $0x10;
	(erf) = vpow2.f32 v1;
	v1 =	vmul.f32 v3, v53  }
0x371: {  	[tilespmem:s10+$0x60] =	vst v41;
	v55 =	vmul.f32 v52, v54;
	v56 =	vpop (erf);
	v6 =	vmul.f32 $1.442695020e+00, v6;
	v3 =	vshll.u32 v63, $0x10  }
0x372: {  	v2 =	vmul.f32 v2, v3;
	[tilespmem:s10+$0xFFFFFFE0] =	vst v1;
	v1 =	vmul.f32 v34, v56  }
0x373: {  	[tilespmem:s10+$0xFFFFFFA0] =	vst v53;
	v57 =	vmul.f32 $1.442695020e+00, v55;
	(erf) = vpow2.f32 v6  }
0x374: {  	[tilespmem:s0+$0xFFFFFF30] =	vst v56;
	v2 =	vmul.f32 $1.442695020e+00, v2  }
0x375: {  	(erf) = vpow2.f32 v57;
	[tilespmem:s0+$0xFFFFFF70] =	vst v1;
	v58 =	vpop (erf)  }
0x376: {  	v59 =	vmul.f32 v37, v58;
	v1 =	vpop (erf);
	[tilespmem:s0+$0xFFFFFFB0] =	vst v58  }
0x377: {  	(erf) = vpow2.f32 v2;
	[tilespmem:s0+$0xFFFFFF20] =	vst v1  }
0x378: {  	v2 =	vpop (erf);
	v1 =	vmul.f32 v40, v1;
	[tilespmem:s0+$0xFFFFFFF0] =	vst v59  }
0x379: {  	[tilespmem:s0+$0xB0] =	vst v2  }
0x37a: {  	v2 =	vmul.f32 v48, v2;
	v60 =	vpop (erf);
	[tilespmem:s0+$0xFFFFFF60] =	vst v1  }
0x37b: {  	[tilespmem:s0+$0xA0] =	vst v60  }
0x37c: {  	[tilespmem:s0+$0xF0] =	vst v2;
	v1 =	vmul.f32 v49, v60;
	v61 =	vpop (erf)  }
0x37d: {  	[tilespmem:s0+$0x30] =	vst v61  }
0x37e: {  	s25 =	sadd.s32 $0x1, s25;
	v2 =	vpop (erf);
	v63 =	vmul.f32 v51, v61;
	[tilespmem:s0+$0xE0] =	vst v1  }
0x37f: {  	p1 =	sne.s32 s25, $0x3E;
	[tilespmem:s0+$0x20] =	vst v2  }
.Ltmp6:
0x380: {  	v1 =	vmul.f32 v54, v2;
	v62 =	vpop (erf);
	[tilespmem:s0+$0x70] =	vst v63;
	(pc) =	sbr.rel @p1 .LBB2_6-.Ltmp6, $4  }
0x381: {  	[tilespmem:s0+$0xFFFFFFA0] =	vst v62;
	v3 =	vmul.f32 v3, v62  }
0x382: {  	[tilespmem:s0+$0x60] =	vst v1  }
0x383: {  	[tilespmem:s0+$0xFFFFFFE0] =	vst v3  }
0x384: {  	[spmem:s3] =	stream.indirect.scatter.add.f32 [tilespmem:s15], [sflag:$0xA], $0x80, s14, s1, $0xb8;
	[tilespmem:$0x1DFA0] =	vst v63  }
0x385: {  	_ =	swait.ge [sflag:s29], $0x1400  }
0x386: {  	[sflag:s29] =	ssyncset.done $0x0  }
0x387: {  	[sflag:s29] =	ssyncadd.s32 $0xFFFFEC00  }
0x388: {  	_ =	swait.ge [sflag:s8], $0x2800  }
0x389: {  	[sflag:s8] =	ssyncset.done $0x0  }
0x38a: {  	[sflag:s8] =	ssyncadd.s32 $0xFFFFD800  }
0x38b: {  	v1 =	vld [tilespmem:$0x13CD0]  }
0x38c: {  	v2 =	vld [tilespmem:$0x13CE0]  }
0x38d: {  	v3 =	vld [tilespmem:$0x13CF0]  }
0x38e: {  	v4 =	vld [tilespmem:$0x13D00]  }
0x38f: {  	v5 =	vld [tilespmem:$0x13D10]  }
0x390: {  	[tilespmem:$0x13F00] =	vst v1  }
0x391: {  	[tilespmem:$0x13F10] =	vst v2  }
0x392: {  	[tilespmem:$0x13F20] =	vst v3  }
0x393: {  	[tilespmem:$0x13F30] =	vst v4  }
0x394: {  	s0 =	simm.s32 $0x14A10;
	[tilespmem:$0x13F40] =	vst v5  }
0x395: {  	v2 =	vld [tilespmem:s0+$0xFFFFF590]  }
0x396: {  	v4 =	vld [tilespmem:s0+$0xFFFFFFD0]  }
0x397: {  	v5 =	vld [tilespmem:s0+$0xFFFFFFB0]  }
0x398: {  	v6 =	vld [tilespmem:s0+$0xFFFFF5B0]  }
0x399: {  	v7 =	vld [tilespmem:s0+$0xFFFFFF90]  }
0x39a: {  	v8 =	vld [tilespmem:s0+$0xFFFFF5D0];
	_ =	sdelay $0x2  }
0x39b: {  	v10 =	vand.u32 $0xFFFF0000, v2;
	v12 =	vshll.u32 v5, $0x10;
	v13 =	vshll.u32 v6, $0x10  }
0x39c: {  	v1 =	vld [tilespmem:s0+$0xFFFFFFF0];
	v14 =	vand.u32 $0xFFFF0000, v4;
	v15 =	vand.u32 $0xFFFF0000, v7;
	v12 =	vmul.f32 v12, v13  }
0x39d: {  	v3 =	vld [tilespmem:s0+$0xFFFFF5F0];
	v5 =	vand.u32 $0xFFFF0000, v5;
	v16 =	vand.u32 $0xFFFF0000, v8;
	v15 =	vmul.f32 v15, v10  }
0x39e: {  	v6 =	vand.u32 $0xFFFF0000, v6;
	v14 =	vmul.f32 v14, v16;
	v12 =	vmul.f32 $1.442695020e+00, v12  }
0x39f: {  	v7 =	vshll.u32 v7, $0x10;
	v5 =	vmul.f32 v5, v6;
	v15 =	vmul.f32 $1.442695020e+00, v15  }
0x3a0: {  	v2 =	vshll.u32 v2, $0x10;
	(erf) = vpow2.f32 v12;
	v12 =	vmul.f32 $1.442695020e+00, v14  }
0x3a1: {  	v9 =	vshll.u32 v1, $0x10;
	v7 =	vmul.f32 v7, v2;
	(erf) = vpow2.f32 v15  }
0x3a2: {  	v11 =	vshll.u32 v3, $0x10;
	v5 =	vmul.f32 $1.442695020e+00, v5;
	(erf) = vpow2.f32 v12  }
0x3a3: {  	v1 =	vand.u32 $0xFFFF0000, v1;
	v9 =	vmul.f32 v9, v11  }
0x3a4: {  	v3 =	vand.u32 $0xFFFF0000, v3;
	v7 =	vmul.f32 $1.442695020e+00, v7;
	(erf) = vpow2.f32 v5  }
0x3a5: {  	v1 =	vmul.f32 v1, v3;
	v5 =	vmul.f32 $1.442695020e+00, v9  }
0x3a6: {  	(erf) = vpow2.f32 v7  }
0x3a7: {  	s12 =	simm.s32 $0x14A90;
	v1 =	vmul.f32 $1.442695020e+00, v1;
	(erf) = vpow2.f32 v5  }
0x3a8: {  	v17 =	vld [tilespmem:s12+$0xFFFFF5B0]  }
0x3a9: {  	v5 =	vld [tilespmem:s12+$0xFFFFFFF0];
	v7 =	vpop (erf)  }
0x3aa: {  	s11 =	simm.s32 $0x190A0;
	v19 =	vld [tilespmem:s12+$0xFFFFFF90];
	v4 =	vshll.u32 v4, $0x10;
	v12 =	vpop (erf)  }
0x3ab: {  	v8 =	vshll.u32 v8, $0x10;
	v14 =	vld [tilespmem:s12+$0xFFFFF5F0];
	(erf) = vpow2.f32 v1;
	v13 =	vmul.f32 v13, v7;
	v1 =	vpop (erf);
	[tilespmem:s11+$0xFFFFFF10] =	vst v12  }
0x3ac: {  	v4 =	vmul.f32 v4, v8;
	v9 =	vld [tilespmem:s12+$0xFFFFF590];
	[tilespmem:s11+$0x10] =	vst v1  }
0x3ad: {  	v15 =	vld [tilespmem:s12+$0xFFFFFFB0];
	v10 =	vmul.f32 v10, v12;
	v12 =	vpop (erf);
	[tilespmem:s11+$0xFFFFFFC0] =	vst v13  }
0x3ae: {  	v21 =	vshll.u32 v17, $0x10;
	v4 =	vmul.f32 $1.442695020e+00, v4;
	v20 =	vshll.u32 v5, $0x10;
	[tilespmem:s11+$0xFFFFFF90] =	vst v12  }
0x3af: {  	v1 =	vmul.f32 v16, v1;
	v16 =	vld [tilespmem:s12+$0xFFFFFFD0];
	v18 =	vpop (erf);
	v6 =	vmul.f32 v6, v12;
	[tilespmem:s11+$0xFFFFFF50] =	vst v10;
	v10 =	vand.u32 $0xFFFF0000, v17  }
0x3b0: {  	v13 =	vld [tilespmem:s12+$0xFFFFF5D0];
	v17 =	vand.u32 $0xFFFF0000, v19;
	v2 =	vmul.f32 v2, v18;
	v12 =	vpop (erf);
	(erf) = vpow2.f32 v4;
	[tilespmem:s11+$0xFFFFFF00] =	vst v18  }
0x3b1: {  	v18 =	vshll.u32 v14, $0x10;
	v4 =	vmul.f32 v11, v12;
	v11 =	vand.u32 $0xFFFF0000, v9;
	[tilespmem:s11+$0xFFFFFFD0] =	vst v6  }
0x3b2: {  	v6 =	vshll.u32 v19, $0x10;
	v9 =	vshll.u32 v9, $0x10;
	[tilespmem:s11+$0xFFFFFF40] =	vst v2;
	v2 =	vshll.u32 v15, $0x10  }
0x3b3: {  	[tilespmem:s11+$0xFFFFFF80] =	vst v7;
	v15 =	vand.u32 $0xFFFF0000, v15;
	v17 =	vmul.f32 v17, v11;
	v6 =	vmul.f32 v6, v9  }
0x3b4: {  	[tilespmem:s11+$0x80] =	vst v12;
	v2 =	vmul.f32 v2, v21;
	v7 =	vand.u32 $0xFFFF0000, v16;
	v15 =	vmul.f32 v15, v10;
	v23 =	vld [tilespmem:s0+$0xFFFFF5A0]  }
0x3b5: {  	v12 =	vand.u32 $0xFFFF0000, v13;
	v24 =	vld [tilespmem:s0+$0xFFFFFFA0];
	[tilespmem:s11+$0xC0] =	vst v4;
	v4 =	vmul.f32 v20, v18;
	v17 =	vmul.f32 $1.442695020e+00, v17  }
0x3b6: {  	v7 =	vmul.f32 v7, v12;
	v22 =	vpop (erf);
	v2 =	vmul.f32 $1.442695020e+00, v2  }
0x3b7: {  	v6 =	vmul.f32 $1.442695020e+00, v6;
	v3 =	vmul.f32 v3, v22  }
0x3b8: {  	v25 =	vand.u32 $0xFFFF0000, v14;
	v19 =	vld [tilespmem:s0+$0xFFFFF5C0];
	[tilespmem:s11+$0x90] =	vst v22;
	v7 =	vmul.f32 $1.442695020e+00, v7;
	(erf) = vpow2.f32 v2  }
0x3b9: {  	v2 =	vand.u32 $0xFFFF0000, v5;
	v5 =	vld [tilespmem:s0+$0xFFFFFFC0];
	[tilespmem:s11+$0xD0] =	vst v3;
	v3 =	vmul.f32 $1.442695020e+00, v15;
	v22 =	vand.u32 $0xFFFF0000, v23  }
0x3ba: {  	[tilespmem:s11+$0x50] =	vst v1;
	(erf) = vpow2.f32 v17;
	v1 =	vand.u32 $0xFFFF0000, v24;
	v2 =	vmul.f32 v2, v25  }
0x3bb: {  	v15 =	vpop (erf);
	v17 =	vld [tilespmem:s0+$0x0];
	(erf) = vpow2.f32 v7;
	v1 =	vmul.f32 v1, v22  }
0x3bc: {  	v26 =	vshll.u32 v23, $0x10;
	v7 =	vld [tilespmem:s0+$0xFFFFF600];
	v8 =	vmul.f32 v8, v15;
	(erf) = vpow2.f32 v3  }
0x3bd: {  	[tilespmem:s11+$0x0] =	vst v15;
	v15 =	vand.u32 $0xFFFF0000, v19;
	v2 =	vmul.f32 $1.442695020e+00, v2;
	(erf) = vpow2.f32 v6  }
0x3be: {  	v1 =	vmul.f32 $1.442695020e+00, v1;
	[tilespmem:s11+$0x40] =	vst v8;
	v3 =	vand.u32 $0xFFFF0000, v5;
	v8 =	vshll.u32 v24, $0x10  }
0x3bf: {  	v6 =	vld [tilespmem:s0+$0xFFFFFFE0];
	v3 =	vmul.f32 v3, v15;
	v8 =	vmul.f32 v8, v26  }
0x3c0: {  	v14 =	vld [tilespmem:s0+$0xFFFFF5E0];
	(erf) = vpow2.f32 v1;
	v1 =	vmul.f32 $1.442695020e+00, v4  }
0x3c1: {  	v20 =	vshll.u32 v17, $0x10;
	v33 =	vshll.u32 v7, $0x10;
	v17 =	vand.u32 $0xFFFF0000, v17  }
0x3c2: {  	v28 =	vand.u32 $0xFFFF0000, v7;
	v3 =	vmul.f32 $1.442695020e+00, v3;
	v20 =	vmul.f32 v20, v33  }
0x3c3: {  	v23 =	vmul.f32 $1.442695020e+00, v8;
	v7 =	vmul.f32 v17, v28;
	v4 =	vpop (erf)  }
0x3c4: {  	s10 =	simm.s32 $0x192A0;
	v24 =	vpop (erf);
	(erf) = vpow2.f32 v1;
	v20 =	vmul.f32 $1.442695020e+00, v20;
	v1 =	vand.u32 $0xFFFF0000, v6  }
0x3c5: {  	[tilespmem:s10+$0xFFFFFF80] =	vst v4;
	v11 =	vmul.f32 v11, v24;
	v8 =	vand.u32 $0xFFFF0000, v14;
	v17 =	vpop (erf);
	(erf) = vpow2.f32 v3  }
0x3c6: {  	[tilespmem:s10+$0xFFFFFF10] =	vst v24;
	v3 =	vmul.f32 v21, v4;
	v1 =	vmul.f32 v1, v8  }
0x3c7: {  	s13 =	simm.s32 $0x14B10;
	v6 =	vshll.u32 v6, $0x10;
	[tilespmem:s10+$0x10] =	vst v17;
	v21 =	vpop (erf);
	(erf) = vpow2.f32 v23;
	v12 =	vmul.f32 v12, v17  }
0x3c8: {  	v27 =	vld [tilespmem:s13+$0xFFFFF5D0];
	v14 =	vshll.u32 v14, $0x10;
	v23 =	vpop (erf);
	[tilespmem:s10+$0xFFFFFFC0] =	vst v3;
	v3 =	vmul.f32 $1.442695020e+00, v7;
	v10 =	vmul.f32 v10, v21  }
0x3c9: {  	v24 =	vld [tilespmem:s13+$0xFFFFFFF0];
	v9 =	vmul.f32 v9, v23;
	[tilespmem:s10+$0x50] =	vst v12;
	v12 =	vmul.f32 v6, v14;
	v6 =	vshll.u32 v13, $0x10  }
0x3ca: {  	v17 =	vld [tilespmem:s13+$0xFFFFF590];
	[tilespmem:s10+$0xFFFFFF90] =	vst v21;
	v1 =	vmul.f32 $1.442695020e+00, v1;
	v13 =	vshll.u32 v19, $0x10;
	(erf) = vpow2.f32 v3  }
0x3cb: {  	v29 =	vld [tilespmem:s13+$0xFFFFFFB0];
	[tilespmem:s10+$0xFFFFFF50] =	vst v11;
	v3 =	vshll.u32 v5, $0x10;
	v5 =	vpop (erf);
	(erf) = vpow2.f32 v20;
	v12 =	vmul.f32 $1.442695020e+00, v12  }
0x3cc: {  	v7 =	vshll.u32 v16, $0x10;
	v21 =	vld [tilespmem:s13+$0xFFFFF5F0];
	[tilespmem:s11+$0xFFFFFF30] =	vst v5;
	v5 =	vmul.f32 v22, v5;
	v30 =	vmul.f32 v3, v13  }
0x3cd: {  	v11 =	vshll.u32 v27, $0x10;
	[tilespmem:s10+$0xFFFFFF00] =	vst v23;
	v23 =	vld [tilespmem:s13+$0xFFFFFFD0];
	(erf) = vpow2.f32 v2;
	v2 =	vmul.f32 v7, v6  }
0x3ce: {  	v31 =	vld [tilespmem:s13+$0xFFFFFF90];
	[tilespmem:s10+$0xFFFFFFD0] =	vst v10;
	v19 =	vshll.u32 v24, $0x10;
	v20 =	vand.u32 $0xFFFF0000, v24;
	v4 =	vpop (erf);
	(erf) = vpow2.f32 v1  }
0x3cf: {  	v7 =	vand.u32 $0xFFFF0000, v17;
	[tilespmem:s11+$0xFFFFFF70] =	vst v5;
	v5 =	vmul.f32 $1.442695020e+00, v30;
	v24 =	vmul.f32 $1.442695020e+00, v2;
	v16 =	vpop (erf)  }
0x3d0: {  	[tilespmem:s10+$0xFFFFFF40] =	vst v9;
	v30 =	vshll.u32 v29, $0x10;
	v9 =	vmul.f32 v18, v4;
	v18 =	vld [tilespmem:s13+$0xFFFFF5B0];
	v10 =	vmul.f32 v15, v16  }
0x3d1: {  	v2 =	vshll.u32 v21, $0x10;
	v1 =	vand.u32 $0xFFFF0000, v21;
	[tilespmem:s10+$0x80] =	vst v4;
	(erf) = vpow2.f32 v12  }
0x3d2: {  	v3 =	vld [tilespmem:s12+$0xFFFFF5C0];
	v22 =	vand.u32 $0xFFFF0000, v23;
	v4 =	vshll.u32 v23, $0x10;
	v21 =	vpop (erf);
	(erf) = vpow2.f32 v24;
	[tilespmem:s10+$0xC0] =	vst v9  }
0x3d3: {  	v12 =	vand.u32 $0xFFFF0000, v27;
	v23 =	vld [tilespmem:s12+$0xFFFFFFC0];
	[tilespmem:s11+$0xFFFFFF20] =	vst v21;
	(erf) = vpow2.f32 v5;
	v5 =	vand.u32 $0xFFFF0000, v31  }
0x3d4: {  	v27 =	vand.u32 $0xFFFF0000, v29;
	v29 =	vshll.u32 v31, $0x10;
	[tilespmem:s11+$0xFFFFFFF0] =	vst v10;
	v31 =	vmul.f32 v5, v7;
	v10 =	vpop (erf)  }
0x3d5: {  	v15 =	vshll.u32 v18, $0x10;
	v9 =	vand.u32 $0xFFFF0000, v18;
	v18 =	vmul.f32 v26, v21;
	v21 =	vpop (erf);
	[tilespmem:s11+$0xB0] =	vst v10  }
0x3d6: {  	v27 =	vmul.f32 v27, v9;
	v32 =	vmul.f32 v30, v15;
	v26 =	vpop (erf);
	[tilespmem:s11+$0xA0] =	vst v21  }
0x3d7: {  	v5 =	vand.u32 $0xFFFF0000, v3;
	v28 =	vmul.f32 v28, v10;
	v30 =	vmul.f32 v25, v26;
	v24 =	vpop (erf);
	v25 =	vld [tilespmem:s12+$0xFFFFF5A0];
	[tilespmem:s10+$0x90] =	vst v26  }
0x3d8: {  	s5 =	simm.s32 $0x8;
	s0 =	simm.s32 $0x192A0;
	v10 =	vshll.u32 v23, $0x10;
	v21 =	vmul.f32 v33, v21;
	v32 =	vmul.f32 $1.442695020e+00, v32;
	v26 =	vld [tilespmem:s12+$0xFFFFFFA0];
	[tilespmem:s11+$0x30] =	vst v24  }
.LBB2_16:
0x3d9: {  	s5 =	sadd.s32 $0x4, s5;
	v31 =	vmul.f32 $1.442695020e+00, v31;
	v19 =	vmul.f32 v19, v2;
	v23 =	vand.u32 $0xFFFF0000, v23;
	[tilespmem:s10+$0xD0] =	vst v30;
	s0 =	sadd.s32 $0x200, s0  }
0x3da: {  	v17 =	vshll.u32 v17, $0x10;
	v20 =	vmul.f32 v20, v1;
	p1 =	slt.u32 s5, $0x4C;
	(erf) = vpow2.f32 v32;
	[tilespmem:s11+$0xF0] =	vst v28;
	v28 =	vpop (erf)  }
0x3db: {  	v22 =	vmul.f32 v22, v12;
	v29 =	vmul.f32 v29, v17;
	[tilespmem:s11+$0xFFFFFF60] =	vst v18  }
0x3dc: {  	v27 =	vmul.f32 $1.442695020e+00, v27;
	v14 =	vmul.f32 v14, v28;
	v18 =	vshll.u32 v25, $0x10;
	v30 =	vpop (erf);
	[tilespmem:s11+$0x20] =	vst v28  }
0x3dd: {  	v22 =	vmul.f32 $1.442695020e+00, v22;
	v25 =	vand.u32 $0xFFFF0000, v25;
	v28 =	vand.u32 $0xFFFF0000, v26;
	[tilespmem:s10+$0x0] =	vst v30;
	v32 =	vld [tilespmem:s12+$0xFFFFF600]  }
0x3de: {  	v26 =	vshll.u32 v26, $0x10;
	v30 =	vmul.f32 v6, v30;
	(erf) = vpow2.f32 v31;
	v31 =	vld [tilespmem:s12+$0x0];
	[tilespmem:s11+$0xFFFFFFB0] =	vst v16;
	v16 =	vpop (erf)  }
0x3df: {  	v8 =	vmul.f32 v8, v24;
	v6 =	vmov v11;
	(erf) = vpow2.f32 v22;
	[tilespmem:s11+$0xFFFFFFA0] =	vst v16  }
0x3e0: {  	v11 =	vmul.f32 $1.442695020e+00, v29;
	v28 =	vmul.f32 v28, v25;
	[tilespmem:s10+$0x40] =	vst v30  }
0x3e1: {  	v13 =	vmul.f32 v13, v16;
	(erf) = vpow2.f32 v27;
	v24 =	vld [tilespmem:s12+$0xFFFFF5E0];
	[tilespmem:s11+$0xE0] =	vst v21  }
0x3e2: {  	(erf) = vpow2.f32 v11;
	v11 =	vmul.f32 $1.442695020e+00, v28;
	v16 =	vld [tilespmem:s12+$0xFFFFFFE0];
	[tilespmem:s11+$0x70] =	vst v8;
	s12 =	smov.u32 s13  }
0x3e3: {  	v8 =	vmul.f32 v23, v5;
	v22 =	vpop (erf);
	v23 =	vand.u32 $0xFFFF0000, v31;
	[tilespmem:s11+$0xFFFFFFE0] =	vst v13  }
0x3e4: {  	v13 =	vmul.f32 v26, v18;
	v26 =	vshll.u32 v31, $0x10;
	(erf) = vpow2.f32 v11;
	[tilespmem:s11+$0x60] =	vst v14;
	s11 =	smov.u32 s10;
	s10 =	smov.u32 s0  }
0x3e5: {  	v21 =	vshll.u32 v32, $0x10;
	v11 =	vmul.f32 $1.442695020e+00, v19;
	v14 =	vmul.f32 $1.442695020e+00, v8  }
0x3e6: {  	v19 =	vmul.f32 v26, v21;
	v13 =	vmul.f32 $1.442695020e+00, v13  }
0x3e7: {  	v26 =	vand.u32 $0xFFFF0000, v32;
	v8 =	vpop (erf);
	(erf) = vpow2.f32 v11;
	v11 =	vand.u32 $0xFFFF0000, v16  }
0x3e8: {  	v23 =	vmul.f32 v23, v26;
	[tilespmem:s0+$0xFFFFFF10] =	vst v8;
	v27 =	vmul.f32 v7, v8;
	v7 =	vpop (erf);
	v8 =	vand.u32 $0xFFFF0000, v24  }
0x3e9: {  	v16 =	vshll.u32 v16, $0x10;
	v11 =	vmul.f32 v11, v8;
	(erf) = vpow2.f32 v14  }
0x3ea: {  	v14 =	vmul.f32 v15, v22;
	[tilespmem:s0+$0x10] =	vst v7;
	v15 =	vpop (erf);
	(erf) = vpow2.f32 v13  }
0x3eb: {  	s13 =	sadd.s32 $0x80, s13;
	v19 =	vmul.f32 $1.442695020e+00, v19;
	v7 =	vmul.f32 v12, v7;
	[tilespmem:s0+$0xFFFFFF90] =	vst v15;
	v12 =	vpop (erf)  }
0x3ec: {  	v23 =	vmul.f32 $1.442695020e+00, v23;
	v28 =	vld [tilespmem:s13+$0xFFFFFFF0];
	v29 =	vmul.f32 v17, v12;
	[tilespmem:s0+$0xFFFFFFC0] =	vst v14;
	v14 =	vshll.u32 v24, $0x10  }
0x3ed: {  	v9 =	vmul.f32 v9, v15;
	v17 =	vld [tilespmem:s13+$0xFFFFF590];
	[tilespmem:s0+$0x50] =	vst v7;
	v7 =	vmul.f32 v16, v14;
	v15 =	vpop (erf)  }
0x3ee: {  	v13 =	vshll.u32 v3, $0x10;
	[tilespmem:s0+$0xFFFFFF00] =	vst v12;
	v12 =	vmul.f32 $1.442695020e+00, v20;
	(erf) = vpow2.f32 v23  }
0x3ef: {  	v11 =	vmul.f32 $1.442695020e+00, v11;
	v3 =	vld [tilespmem:s13+$0xFFFFF5F0];
	[tilespmem:s0+$0xFFFFFF80] =	vst v22;
	(erf) = vpow2.f32 v19  }
0x3f0: {  	v22 =	vld [tilespmem:s13+$0xFFFFFFD0];
	v16 =	vpop (erf);
	(erf) = vpow2.f32 v12;
	[tilespmem:s11+$0xFFFFFF30] =	vst v15;
	v12 =	vmul.f32 $1.442695020e+00, v7  }
0x3f1: {  	v4 =	vmul.f32 v4, v6;
	v23 =	vld [tilespmem:s13+$0xFFFFF5D0];
	v19 =	vshll.u32 v28, $0x10;
	[tilespmem:s0+$0x80] =	vst v16;
	(erf) = vpow2.f32 v11  }
0x3f2: {  	v15 =	vmul.f32 v25, v15;
	v20 =	vand.u32 $0xFFFF0000, v28;
	v11 =	vmul.f32 v2, v16;
	v24 =	vld [tilespmem:s13+$0xFFFFFFB0];
	[tilespmem:s0+$0xFFFFFF40] =	vst v29;
	v16 =	vpop (erf)  }
0x3f3: {  	v10 =	vmul.f32 v10, v13;
	v7 =	vand.u32 $0xFFFF0000, v17;
	v25 =	vld [tilespmem:s13+$0xFFFFF5B0];
	[tilespmem:s0+$0xFFFFFF50] =	vst v27;
	v27 =	vmul.f32 $1.442695020e+00, v4;
	v28 =	vpop (erf)  }
0x3f4: {  	v5 =	vmul.f32 v5, v16;
	v30 =	vld [tilespmem:s13+$0xFFFFFF90];
	v2 =	vshll.u32 v3, $0x10;
	v32 =	vand.u32 $0xFFFF0000, v3;
	[tilespmem:s0+$0xFFFFFFD0] =	vst v9  }
0x3f5: {  	v4 =	vshll.u32 v22, $0x10;
	v22 =	vand.u32 $0xFFFF0000, v22;
	v3 =	vld [tilespmem:s12+$0xFFFFF5C0];
	[tilespmem:s0+$0xC0] =	vst v11;
	(erf) = vpow2.f32 v12  }
0x3f6: {  	v10 =	vmul.f32 $1.442695020e+00, v10;
	v11 =	vshll.u32 v23, $0x10;
	v12 =	vand.u32 $0xFFFF0000, v23;
	v23 =	vld [tilespmem:s12+$0xFFFFFFC0];
	[tilespmem:s11+$0xFFFFFF70] =	vst v15  }
0x3f7: {  	v31 =	vshll.u32 v24, $0x10;
	v24 =	vand.u32 $0xFFFF0000, v24;
	(erf) = vpow2.f32 v27;
	[tilespmem:s11+$0xFFFFFFF0] =	vst v5;
	v33 =	vpop (erf)  }
.Ltmp7:
0x3f8: {  	v18 =	vmul.f32 v18, v28;
	v15 =	vshll.u32 v25, $0x10;
	v9 =	vand.u32 $0xFFFF0000, v25;
	[tilespmem:s11+$0xFFFFFF20] =	vst v28;
	v34 =	vpop (erf);
	(pc) =	sbr.rel @p1 .LBB2_16-.Ltmp7, $4  }
0x3f9: {  	v29 =	vshll.u32 v30, $0x10;
	v27 =	vmul.f32 v24, v9;
	v28 =	vpop (erf);
	[tilespmem:s11+$0xB0] =	vst v33;
	(erf) = vpow2.f32 v10  }
0x3fa: {  	v5 =	vand.u32 $0xFFFF0000, v30;
	v10 =	vmul.f32 v31, v15;
	v30 =	vmul.f32 v1, v28;
	[tilespmem:s11+$0xA0] =	vst v34;
	v24 =	vpop (erf)  }
0x3fb: {  	v31 =	vmul.f32 v5, v7;
	v5 =	vand.u32 $0xFFFF0000, v3;
	v1 =	vmovc v32;
	v25 =	vld [tilespmem:s12+$0xFFFFF5A0];
	[tilespmem:s0+$0x90] =	vst v28;
	v28 =	vmul.f32 v26, v33  }
0x3fc: {  	v21 =	vmul.f32 v21, v34;
	v32 =	vmul.f32 $1.442695020e+00, v10;
	v10 =	vshll.u32 v23, $0x10;
	v26 =	vld [tilespmem:s12+$0xFFFFFFA0];
	[tilespmem:s11+$0x30] =	vst v24  }
0x3fd: {  	v31 =	vmul.f32 $1.442695020e+00, v31  }
0x3fe: {  	v19 =	vmul.f32 v19, v2;
	v20 =	vmul.f32 v20, v1  }
0x3ff: {  	v22 =	vmul.f32 v22, v12;
	v27 =	vmul.f32 $1.442695020e+00, v27  }
0x400: {  	v17 =	vshll.u32 v17, $0x10;
	v8 =	vmul.f32 v8, v24;
	v4 =	vmul.f32 v4, v11  }
0x401: {  	(erf) = vpow2.f32 v32;
	v59 =	vpop (erf);
	v29 =	vmul.f32 v29, v17  }
0x402: {  	v14 =	vmul.f32 v14, v59;
	v22 =	vmul.f32 $1.442695020e+00, v22  }
0x403: {  	(erf) = vpow2.f32 v31;
	v19 =	vmul.f32 $1.442695020e+00, v19  }
0x404: {  	[tilespmem:s10+$0xD0] =	vst v30;
	v20 =	vmul.f32 $1.442695020e+00, v20;
	v4 =	vmul.f32 $1.442695020e+00, v4;
	v33 =	vpop (erf);
	v30 =	vand.u32 $0xFFFF0000, v25  }
0x405: {  	v60 =	vld [tilespmem:s12+$0x0];
	v29 =	vmul.f32 $1.442695020e+00, v29;
	v6 =	vmul.f32 v6, v33;
	v31 =	vand.u32 $0xFFFF0000, v26  }
0x406: {  	[tilespmem:s10+$0x0] =	vst v33;
	(erf) = vpow2.f32 v22;
	v22 =	vand.u32 $0xFFFF0000, v23;
	v23 =	vld [tilespmem:s12+$0xFFFFF600];
	v31 =	vmul.f32 v31, v30  }
0x407: {  	v26 =	vshll.u32 v26, $0x10;
	v24 =	vpop (erf);
	(erf) = vpow2.f32 v27;
	v22 =	vmul.f32 v22, v5;
	[tilespmem:s10+$0x40] =	vst v6  }
0x408: {  	v6 =	vshll.u32 v25, $0x10;
	v13 =	vmul.f32 v13, v24;
	(erf) = vpow2.f32 v29;
	v25 =	vld [tilespmem:s12+$0xFFFFF5E0]  }
0x409: {  	[tilespmem:s11+$0xF0] =	vst v28;
	v27 =	vmul.f32 $1.442695020e+00, v31;
	v29 =	vld [tilespmem:s12+$0xFFFFFFE0];
	v26 =	vmul.f32 v26, v6  }
0x40a: {  	[tilespmem:s11+$0xFFFFFF60] =	vst v18;
	v18 =	vand.u32 $0xFFFF0000, v60;
	v31 =	vshll.u32 v60, $0x10;
	v22 =	vmul.f32 $1.442695020e+00, v22  }
0x40b: {  	[tilespmem:s11+$0xFFFFFFB0] =	vst v16;
	(erf) = vpow2.f32 v27;
	v27 =	vshll.u32 v23, $0x10;
	v26 =	vmul.f32 $1.442695020e+00, v26  }
0x40c: {  	[tilespmem:s11+$0xE0] =	vst v21;
	v23 =	vand.u32 $0xFFFF0000, v23;
	v28 =	vmul.f32 v31, v27;
	(erf) = vpow2.f32 v19  }
0x40d: {  	[tilespmem:s11+$0x70] =	vst v8;
	v19 =	vpop (erf);
	v18 =	vmul.f32 v18, v23;
	(erf) = vpow2.f32 v22  }
0x40e: {  	[tilespmem:s11+$0x60] =	vst v14;
	v15 =	vmul.f32 v15, v19;
	v31 =	vand.u32 $0xFFFF0000, v29;
	v61 =	vand.u32 $0xFFFF0000, v25  }
0x40f: {  	[tilespmem:s11+$0xFFFFFFA0] =	vst v24;
	v16 =	vpop (erf);
	v21 =	vshll.u32 v29, $0x10;
	(erf) = vpow2.f32 v26;
	v8 =	vmul.f32 $1.442695020e+00, v28  }
0x410: {  	s0 =	sadd.s32 $0x200, s0;
	[tilespmem:s11+$0xFFFFFFE0] =	vst v13;
	v22 =	vshll.u32 v25, $0x10;
	v18 =	vmul.f32 $1.442695020e+00, v18;
	v31 =	vmul.f32 v31, v61  }
0x411: {  	[tilespmem:s0+$0xFFFFFF80] =	vst v19;
	v7 =	vmul.f32 v7, v16;
	v13 =	vmul.f32 v21, v22  }
0x412: {  	[tilespmem:s0+$0xFFFFFF10] =	vst v16;
	v24 =	vpop (erf);
	(erf) = vpow2.f32 v18;
	v14 =	vmul.f32 $1.442695020e+00, v31  }
0x413: {  	[tilespmem:s0+$0xFFFFFFC0] =	vst v15;
	v12 =	vmul.f32 v12, v24;
	(erf) = vpow2.f32 v8  }
0x414: {  	[tilespmem:s0+$0xFFFFFF50] =	vst v7;
	v13 =	vmul.f32 $1.442695020e+00, v13;
	v8 =	vpop (erf);
	(erf) = vpow2.f32 v20  }
0x415: {  	[tilespmem:s0+$0xFFFFFF90] =	vst v8;
	(erf) = vpow2.f32 v14;
	v8 =	vmul.f32 v9, v8  }
0x416: {  	[tilespmem:s0+$0x50] =	vst v12;
	v14 =	vpop (erf);
	(erf) = vpow2.f32 v13  }
0x417: {  	[tilespmem:s0+$0xFFFFFFD0] =	vst v8;
	v12 =	vpop (erf);
	(erf) = vpow2.f32 v4  }
0x418: {  	v13 =	vmul.f32 v17, v14;
	[tilespmem:s0+$0xFFFFFF00] =	vst v14;
	v4 =	vpop (erf)  }
0x419: {  	[tilespmem:s10+$0xFFFFFF30] =	vst v12;
	v14 =	vpop (erf)  }
0x41a: {  	[tilespmem:s0+$0xFFFFFF40] =	vst v13;
	v15 =	vpop (erf)  }
0x41b: {  	v3 =	vshll.u32 v3, $0x10;
	v2 =	vmul.f32 v2, v4;
	[tilespmem:s0+$0x80] =	vst v4;
	v4 =	vmul.f32 v30, v12;
	v12 =	vld [tilespmem:s13+$0xFFFFF5C0];
	v7 =	vpop (erf)  }
0x41c: {  	v10 =	vmul.f32 v10, v3;
	[tilespmem:s0+$0x10] =	vst v24;
	v13 =	vld [tilespmem:s13+$0xFFFFF5A0];
	v9 =	vpop (erf)  }
0x41d: {  	v16 =	vld [tilespmem:s13+$0xFFFFFFA0];
	v5 =	vmul.f32 v5, v14;
	[tilespmem:s0+$0xC0] =	vst v2;
	v8 =	vpop (erf)  }
0x41e: {  	v10 =	vmul.f32 $1.442695020e+00, v10;
	[tilespmem:s10+$0xFFFFFF70] =	vst v4;
	v17 =	vpop (erf)  }
0x41f: {  	v2 =	vld [tilespmem:s13+$0xFFFFFFC0];
	v6 =	vmul.f32 v6, v15;
	[tilespmem:s10+$0xFFFFFFF0] =	vst v5;
	v1 =	vmul.f32 v1, v8;
	v18 =	vpop (erf)  }
0x420: {  	(erf) = vpow2.f32 v10;
	v10 =	vmul.f32 v23, v7;
	[tilespmem:s0+$0x90] =	vst v8;
	v8 =	vpop (erf)  }
0x421: {  	v21 =	vmul.f32 v27, v9;
	[tilespmem:s0+$0xD0] =	vst v1;
	v1 =	vmul.f32 v11, v8  }
0x422: {  	v20 =	vand.u32 $0xFFFF0000, v12;
	v19 =	vand.u32 $0xFFFF0000, v16;
	v11 =	vand.u32 $0xFFFF0000, v13;
	[tilespmem:s0+$0x0] =	vst v8;
	v8 =	vld [tilespmem:s13+$0x0]  }
0x423: {  	v4 =	vshll.u32 v13, $0x10;
	v5 =	vshll.u32 v16, $0x10;
	v23 =	vld [tilespmem:s13+$0xFFFFF600];
	v19 =	vmul.f32 v19, v11;
	[tilespmem:s0+$0x40] =	vst v1  }
0x424: {  	[tilespmem:s11+$0x20] =	vst v59;
	v5 =	vmul.f32 v5, v4;
	v13 =	vmul.f32 v22, v18;
	v1 =	vand.u32 $0xFFFF0000, v2;
	v22 =	vld [tilespmem:s13+$0xFFFFF5E0]  }
0x425: {  	[tilespmem:s10+$0xFFFFFFB0] =	vst v14;
	v16 =	vmul.f32 $1.442695020e+00, v19;
	v19 =	vld [tilespmem:s13+$0xFFFFFFE0];
	v1 =	vmul.f32 v1, v20  }
0x426: {  	[tilespmem:s10+$0xFFFFFF20] =	vst v15;
	v15 =	vmul.f32 v61, v17;
	v5 =	vmul.f32 $1.442695020e+00, v5  }
0x427: {  	[tilespmem:s10+$0xB0] =	vst v7;
	(erf) = vpow2.f32 v16;
	v1 =	vmul.f32 $1.442695020e+00, v1  }
0x428: {  	[tilespmem:s10+$0xA0] =	vst v9;
	v7 =	vand.u32 $0xFFFF0000, v8;
	v8 =	vshll.u32 v8, $0x10;
	v9 =	vand.u32 $0xFFFF0000, v23  }
0x429: {  	[tilespmem:s10+$0xFFFFFF60] =	vst v6;
	v16 =	vshll.u32 v23, $0x10;
	v7 =	vmul.f32 v7, v9;
	(erf) = vpow2.f32 v1  }
0x42a: {  	[tilespmem:s10+$0xF0] =	vst v10;
	v1 =	vmul.f32 v8, v16;
	v8 =	vand.u32 $0xFFFF0000, v19;
	v10 =	vand.u32 $0xFFFF0000, v22  }
0x42b: {  	[tilespmem:s10+$0x30] =	vst v17;
	v7 =	vmul.f32 $1.442695020e+00, v7;
	(erf) = vpow2.f32 v5;
	v14 =	vshll.u32 v22, $0x10  }
0x42c: {  	[tilespmem:s10+$0xE0] =	vst v21;
	v6 =	vmul.f32 v8, v10;
	v8 =	vshll.u32 v19, $0x10;
	v1 =	vmul.f32 $1.442695020e+00, v1  }
0x42d: {  	[tilespmem:s10+$0x20] =	vst v18;
	(erf) = vpow2.f32 v7;
	v7 =	vmul.f32 v8, v14  }
0x42e: {  	[tilespmem:s10+$0x70] =	vst v15;
	v5 =	vpop (erf);
	v6 =	vmul.f32 $1.442695020e+00, v6;
	(erf) = vpow2.f32 v1  }
0x42f: {  	v2 =	vshll.u32 v2, $0x10;
	[tilespmem:s10+$0x60] =	vst v13;
	v1 =	vmul.f32 v3, v5;
	v3 =	vshll.u32 v12, $0x10  }
0x430: {  	[tilespmem:s10+$0xFFFFFFA0] =	vst v5;
	v2 =	vmul.f32 v2, v3;
	(erf) = vpow2.f32 v6;
	v5 =	vpop (erf)  }
0x431: {  	[tilespmem:s10+$0xFFFFFFE0] =	vst v1;
	v1 =	vmul.f32 v11, v5  }
0x432: {  	v6 =	vmul.f32 $1.442695020e+00, v7;
	v2 =	vmul.f32 $1.442695020e+00, v2;
	[tilespmem:s0+$0xFFFFFF30] =	vst v5;
	v7 =	vpop (erf)  }
0x433: {  	v5 =	vmul.f32 v20, v7;
	[tilespmem:s0+$0xFFFFFF70] =	vst v1  }
0x434: {  	(erf) = vpow2.f32 v6;
	[tilespmem:s0+$0xFFFFFFB0] =	vst v7  }
0x435: {  	(erf) = vpow2.f32 v2;
	v1 =	vpop (erf);
	[tilespmem:s0+$0xFFFFFFF0] =	vst v5  }
0x436: {  	v2 =	vpop (erf);
	[tilespmem:s0+$0xFFFFFF20] =	vst v1  }
0x437: {  	v1 =	vmul.f32 v4, v1;
	v5 =	vpop (erf);
	[tilespmem:s0+$0xB0] =	vst v2  }
0x438: {  	[tilespmem:s0+$0xA0] =	vst v5  }
0x439: {  	v2 =	vmul.f32 v9, v2;
	v6 =	vpop (erf);
	[tilespmem:s0+$0xFFFFFF60] =	vst v1  }
0x43a: {  	v1 =	vmul.f32 v16, v5;
	[tilespmem:s0+$0x30] =	vst v6  }
0x43b: {  	[tilespmem:s0+$0xF0] =	vst v2;
	v5 =	vmul.f32 v10, v6  }
0x43c: {  	[tilespmem:s0+$0xE0] =	vst v1  }
0x43d: {  	v2 =	vpop (erf);
	[tilespmem:s0+$0x70] =	vst v5  }
0x43e: {  	[tilespmem:s0+$0x20] =	vst v2;
	v4 =	vpop (erf);
	v1 =	vmul.f32 v14, v2  }
0x43f: {  	[tilespmem:s0+$0xFFFFFFA0] =	vst v4;
	v3 =	vmul.f32 v3, v4  }
0x440: {  	[tilespmem:s0+$0x60] =	vst v1  }
0x441: {  	s25 =	simm.s32 $0x13F00;
	s5 =	simm.s32 $0x18FA0;
	[tilespmem:s0+$0xFFFFFFE0] =	vst v3  }
0x442: {  	[spmem:s3] =	stream.indirect.scatter.add.f32 [tilespmem:s5], [sflag:$0x9], $0x80, s25, s1, $0xb8;
	[tilespmem:$0x1DFA0] =	vst v63  }
0x443: {  	_ =	swait.ge [sflag:s6], $0x1400  }
0x444: {  	[sflag:s6] =	ssyncset.done $0x0  }
0x445: {  	[sflag:s6] =	ssyncadd.s32 $0xFFFFEC00  }
0x446: {  	_ =	swait.ge [sflag:s20], $0x2800  }
0x447: {  	[sflag:s20] =	ssyncset.done $0x0  }
0x448: {  	[sflag:s20] =	ssyncadd.s32 $0xFFFFD800  }
0x449: {  	v1 =	vld [tilespmem:$0x13D70]  }
0x44a: {  	v2 =	vld [tilespmem:$0x13D80]  }
0x44b: {  	v3 =	vld [tilespmem:$0x13D90]  }
0x44c: {  	v4 =	vld [tilespmem:$0x13DA0]  }
0x44d: {  	v5 =	vld [tilespmem:$0x13DB0]  }
0x44e: {  	[tilespmem:$0x13F50] =	vst v1  }
0x44f: {  	[tilespmem:$0x13F60] =	vst v2  }
0x450: {  	[tilespmem:$0x13F70] =	vst v3  }
0x451: {  	[tilespmem:$0x13F80] =	vst v4  }
0x452: {  	s28 =	simm.s32 $0x15E10;
	[tilespmem:$0x13F90] =	vst v5  }
0x453: {  	v1 =	vld [tilespmem:s28+$0xFFFFFFF0]  }
0x454: {  	v2 =	vld [tilespmem:s28+$0xFFFFF590]  }
0x455: {  	v4 =	vld [tilespmem:s28+$0xFFFFFFD0]  }
0x456: {  	v5 =	vld [tilespmem:s28+$0xFFFFFFB0]  }
0x457: {  	v6 =	vld [tilespmem:s28+$0xFFFFF5B0]  }
0x458: {  	v7 =	vld [tilespmem:s28+$0xFFFFFF90];
	_ =	sdelay $0x1  }
0x459: {  	v8 =	vld [tilespmem:s28+$0xFFFFF5D0]  }
0x45a: {  	v3 =	vld [tilespmem:s28+$0xFFFFF5F0]  }
0x45b: {  	v9 =	vshll.u32 v1, $0x10;
	v10 =	vand.u32 $0xFFFF0000, v2;
	v12 =	vshll.u32 v5, $0x10  }
0x45c: {  	v13 =	vshll.u32 v6, $0x10;
	v14 =	vand.u32 $0xFFFF0000, v4;
	v15 =	vand.u32 $0xFFFF0000, v7  }
0x45d: {  	v5 =	vand.u32 $0xFFFF0000, v5;
	v6 =	vand.u32 $0xFFFF0000, v6;
	v12 =	vmul.f32 v12, v13  }
0x45e: {  	v16 =	vand.u32 $0xFFFF0000, v8;
	v15 =	vmul.f32 v15, v10;
	v5 =	vmul.f32 v5, v6  }
0x45f: {  	v11 =	vshll.u32 v3, $0x10;
	v14 =	vmul.f32 v14, v16;
	v12 =	vmul.f32 $1.442695020e+00, v12  }
0x460: {  	v7 =	vshll.u32 v7, $0x10;
	v9 =	vmul.f32 v9, v11;
	v15 =	vmul.f32 $1.442695020e+00, v15  }
0x461: {  	v2 =	vshll.u32 v2, $0x10;
	(erf) = vpow2.f32 v12;
	v12 =	vmul.f32 $1.442695020e+00, v14  }
0x462: {  	v7 =	vmul.f32 v7, v2;
	(erf) = vpow2.f32 v15  }
0x463: {  	v5 =	vmul.f32 $1.442695020e+00, v5;
	(erf) = vpow2.f32 v12  }
0x464: {  	v1 =	vand.u32 $0xFFFF0000, v1;
	v7 =	vmul.f32 $1.442695020e+00, v7  }
0x465: {  	v3 =	vand.u32 $0xFFFF0000, v3;
	(erf) = vpow2.f32 v5;
	v5 =	vmul.f32 $1.442695020e+00, v9  }
0x466: {  	v1 =	vmul.f32 v1, v3;
	(erf) = vpow2.f32 v7  }
0x467: {  	(erf) = vpow2.f32 v5  }
0x468: {  	s12 =	simm.s32 $0x15E90;
	v1 =	vmul.f32 $1.442695020e+00, v1  }
0x469: {  	v17 =	vld [tilespmem:s12+$0xFFFFF5B0]  }
0x46a: {  	s11 =	simm.s32 $0x1B8A0;
	v4 =	vshll.u32 v4, $0x10;
	v8 =	vshll.u32 v8, $0x10;
	v5 =	vld [tilespmem:s12+$0xFFFFFFF0];
	v7 =	vpop (erf)  }
0x46b: {  	v19 =	vld [tilespmem:s12+$0xFFFFFF90];
	v4 =	vmul.f32 v4, v8;
	v12 =	vpop (erf);
	[tilespmem:s11+$0xFFFFFF80] =	vst v7  }
0x46c: {  	v14 =	vld [tilespmem:s12+$0xFFFFF5F0];
	(erf) = vpow2.f32 v1;
	v13 =	vmul.f32 v13, v7;
	v1 =	vpop (erf);
	[tilespmem:s11+$0xFFFFFF10] =	vst v12  }
0x46d: {  	v9 =	vld [tilespmem:s12+$0xFFFFF590];
	[tilespmem:s11+$0x10] =	vst v1  }
0x46e: {  	v21 =	vshll.u32 v17, $0x10;
	v4 =	vmul.f32 $1.442695020e+00, v4;
	v15 =	vld [tilespmem:s12+$0xFFFFFFB0];
	v10 =	vmul.f32 v10, v12;
	v12 =	vpop (erf);
	[tilespmem:s11+$0xFFFFFFC0] =	vst v13  }
0x46f: {  	v20 =	vshll.u32 v5, $0x10;
	v1 =	vmul.f32 v16, v1;
	v16 =	vld [tilespmem:s12+$0xFFFFFFD0];
	v18 =	vpop (erf);
	[tilespmem:s11+$0xFFFFFF90] =	vst v12;
	v6 =	vmul.f32 v6, v12  }
0x470: {  	v13 =	vld [tilespmem:s12+$0xFFFFF5D0];
	(erf) = vpow2.f32 v4;
	[tilespmem:s11+$0xFFFFFF50] =	vst v10;
	v10 =	vand.u32 $0xFFFF0000, v17;
	v17 =	vand.u32 $0xFFFF0000, v19;
	v12 =	vpop (erf)  }
0x471: {  	v2 =	vmul.f32 v2, v18;
	[tilespmem:s11+$0xFFFFFF00] =	vst v18;
	v18 =	vshll.u32 v14, $0x10;
	v4 =	vmul.f32 v11, v12  }
0x472: {  	v11 =	vand.u32 $0xFFFF0000, v9;
	[tilespmem:s11+$0xFFFFFFD0] =	vst v6;
	v6 =	vshll.u32 v19, $0x10;
	v9 =	vshll.u32 v9, $0x10  }
0x473: {  	[tilespmem:s11+$0xFFFFFF40] =	vst v2;
	v2 =	vshll.u32 v15, $0x10;
	v15 =	vand.u32 $0xFFFF0000, v15;
	v17 =	vmul.f32 v17, v11  }
0x474: {  	[tilespmem:s11+$0x80] =	vst v12;
	v6 =	vmul.f32 v6, v9;
	v2 =	vmul.f32 v2, v21;
	v7 =	vand.u32 $0xFFFF0000, v16  }
0x475: {  	v15 =	vmul.f32 v15, v10;
	v23 =	vld [tilespmem:s28+$0xFFFFF5A0];
	v12 =	vand.u32 $0xFFFF0000, v13;
	[tilespmem:s11+$0xC0] =	vst v4;
	v4 =	vmul.f32 v20, v18  }
0x476: {  	v24 =	vld [tilespmem:s28+$0xFFFFFFA0];
	v22 =	vpop (erf);
	v17 =	vmul.f32 $1.442695020e+00, v17;
	v7 =	vmul.f32 v7, v12  }
0x477: {  	v3 =	vmul.f32 v3, v22;
	v2 =	vmul.f32 $1.442695020e+00, v2  }
0x478: {  	v25 =	vand.u32 $0xFFFF0000, v14;
	v19 =	vld [tilespmem:s28+$0xFFFFF5C0];
	v6 =	vmul.f32 $1.442695020e+00, v6;
	v7 =	vmul.f32 $1.442695020e+00, v7  }
0x479: {  	(erf) = vpow2.f32 v2;
	v2 =	vand.u32 $0xFFFF0000, v5;
	v5 =	vld [tilespmem:s28+$0xFFFFFFC0];
	[tilespmem:s11+$0xD0] =	vst v3;
	v3 =	vmul.f32 $1.442695020e+00, v15  }
0x47a: {  	[tilespmem:s11+$0x90] =	vst v22;
	v15 =	vpop (erf);
	v22 =	vand.u32 $0xFFFF0000, v23;
	(erf) = vpow2.f32 v17;
	v2 =	vmul.f32 v2, v25  }
0x47b: {  	[tilespmem:s11+$0x50] =	vst v1;
	v1 =	vand.u32 $0xFFFF0000, v24;
	v17 =	vld [tilespmem:s28+$0x0];
	v8 =	vmul.f32 v8, v15;
	(erf) = vpow2.f32 v7  }
0x47c: {  	v26 =	vshll.u32 v23, $0x10;
	v7 =	vld [tilespmem:s28+$0xFFFFF600];
	v1 =	vmul.f32 v1, v22;
	(erf) = vpow2.f32 v3  }
0x47d: {  	[tilespmem:s11+$0x0] =	vst v15;
	v15 =	vand.u32 $0xFFFF0000, v19;
	v2 =	vmul.f32 $1.442695020e+00, v2;
	(erf) = vpow2.f32 v6  }
0x47e: {  	[tilespmem:s11+$0x40] =	vst v8;
	v1 =	vmul.f32 $1.442695020e+00, v1;
	v8 =	vshll.u32 v24, $0x10;
	v3 =	vand.u32 $0xFFFF0000, v5  }
0x47f: {  	v6 =	vld [tilespmem:s28+$0xFFFFFFE0];
	v8 =	vmul.f32 v8, v26;
	v3 =	vmul.f32 v3, v15  }
0x480: {  	v14 =	vld [tilespmem:s28+$0xFFFFF5E0];
	v20 =	vshll.u32 v17, $0x10;
	(erf) = vpow2.f32 v1;
	v1 =	vmul.f32 $1.442695020e+00, v4  }
0x481: {  	v17 =	vand.u32 $0xFFFF0000, v17;
	v62 =	vshll.u32 v7, $0x10;
	v23 =	vmul.f32 $1.442695020e+00, v8  }
0x482: {  	v28 =	vand.u32 $0xFFFF0000, v7;
	v3 =	vmul.f32 $1.442695020e+00, v3;
	v20 =	vmul.f32 v20, v62;
	v4 =	vpop (erf)  }
0x483: {  	v7 =	vmul.f32 v17, v28;
	v24 =	vpop (erf);
	(erf) = vpow2.f32 v1  }
0x484: {  	s10 =	simm.s32 $0x1BAA0;
	v1 =	vand.u32 $0xFFFF0000, v6;
	v20 =	vmul.f32 $1.442695020e+00, v20;
	v11 =	vmul.f32 v11, v24  }
0x485: {  	v8 =	vand.u32 $0xFFFF0000, v14;
	[tilespmem:s10+$0xFFFFFF80] =	vst v4;
	v17 =	vpop (erf);
	(erf) = vpow2.f32 v3;
	v3 =	vmul.f32 v21, v4  }
0x486: {  	[tilespmem:s10+$0xFFFFFF10] =	vst v24;
	v1 =	vmul.f32 v1, v8;
	(erf) = vpow2.f32 v23  }
0x487: {  	s13 =	simm.s32 $0x15F10;
	v6 =	vshll.u32 v6, $0x10;
	v21 =	vpop (erf);
	v12 =	vmul.f32 v12, v17;
	[tilespmem:s10+$0xFFFFFFC0] =	vst v3;
	v3 =	vmul.f32 $1.442695020e+00, v7  }
0x488: {  	v27 =	vld [tilespmem:s13+$0xFFFFF5D0];
	v14 =	vshll.u32 v14, $0x10;
	[tilespmem:s10+$0x10] =	vst v17;
	v23 =	vpop (erf);
	v10 =	vmul.f32 v10, v21;
	v1 =	vmul.f32 $1.442695020e+00, v1  }
0x489: {  	v24 =	vld [tilespmem:s13+$0xFFFFFFF0];
	v9 =	vmul.f32 v9, v23;
	[tilespmem:s10+$0x50] =	vst v12;
	v12 =	vmul.f32 v6, v14  }
0x48a: {  	v17 =	vld [tilespmem:s13+$0xFFFFF590];
	[tilespmem:s10+$0xFFFFFF90] =	vst v21;
	v6 =	vshll.u32 v13, $0x10;
	v13 =	vshll.u32 v19, $0x10;
	(erf) = vpow2.f32 v3  }
0x48b: {  	v29 =	vld [tilespmem:s13+$0xFFFFFFB0];
	[tilespmem:s10+$0xFFFFFF50] =	vst v11;
	v3 =	vshll.u32 v5, $0x10;
	v5 =	vpop (erf);
	(erf) = vpow2.f32 v20;
	v12 =	vmul.f32 $1.442695020e+00, v12  }
0x48c: {  	v7 =	vshll.u32 v16, $0x10;
	v21 =	vld [tilespmem:s13+$0xFFFFF5F0];
	[tilespmem:s11+$0xFFFFFF30] =	vst v5;
	v5 =	vmul.f32 v22, v5;
	v30 =	vmul.f32 v3, v13  }
0x48d: {  	v11 =	vshll.u32 v27, $0x10;
	[tilespmem:s10+$0xFFFFFF00] =	vst v23;
	v23 =	vld [tilespmem:s13+$0xFFFFFFD0];
	(erf) = vpow2.f32 v2;
	v2 =	vmul.f32 v7, v6  }
0x48e: {  	v31 =	vld [tilespmem:s13+$0xFFFFFF90];
	[tilespmem:s10+$0xFFFFFFD0] =	vst v10;
	v19 =	vshll.u32 v24, $0x10;
	v20 =	vand.u32 $0xFFFF0000, v24;
	v4 =	vpop (erf);
	(erf) = vpow2.f32 v1  }
0x48f: {  	v7 =	vand.u32 $0xFFFF0000, v17;
	[tilespmem:s11+$0xFFFFFF70] =	vst v5;
	v5 =	vmul.f32 $1.442695020e+00, v30;
	v24 =	vmul.f32 $1.442695020e+00, v2;
	v16 =	vpop (erf)  }
0x490: {  	[tilespmem:s10+$0xFFFFFF40] =	vst v9;
	v30 =	vshll.u32 v29, $0x10;
	v9 =	vmul.f32 v18, v4;
	v18 =	vld [tilespmem:s13+$0xFFFFF5B0];
	v10 =	vmul.f32 v15, v16  }
0x491: {  	v2 =	vshll.u32 v21, $0x10;
	v1 =	vand.u32 $0xFFFF0000, v21;
	[tilespmem:s10+$0x80] =	vst v4;
	(erf) = vpow2.f32 v12  }
0x492: {  	v3 =	vld [tilespmem:s12+$0xFFFFF5C0];
	v22 =	vand.u32 $0xFFFF0000, v23;
	v4 =	vshll.u32 v23, $0x10;
	v21 =	vpop (erf);
	(erf) = vpow2.f32 v24;
	[tilespmem:s10+$0xC0] =	vst v9  }
0x493: {  	v12 =	vand.u32 $0xFFFF0000, v27;
	v23 =	vld [tilespmem:s12+$0xFFFFFFC0];
	[tilespmem:s11+$0xFFFFFF20] =	vst v21;
	(erf) = vpow2.f32 v5;
	v5 =	vand.u32 $0xFFFF0000, v31  }
0x494: {  	v27 =	vand.u32 $0xFFFF0000, v29;
	v29 =	vshll.u32 v31, $0x10;
	[tilespmem:s11+$0xFFFFFFF0] =	vst v10;
	v31 =	vmul.f32 v5, v7;
	v10 =	vpop (erf)  }
0x495: {  	v15 =	vshll.u32 v18, $0x10;
	v9 =	vand.u32 $0xFFFF0000, v18;
	v18 =	vmul.f32 v26, v21;
	v21 =	vpop (erf);
	[tilespmem:s11+$0xB0] =	vst v10  }
0x496: {  	v27 =	vmul.f32 v27, v9;
	v63 =	vmul.f32 v30, v15;
	v26 =	vpop (erf);
	[tilespmem:s11+$0xA0] =	vst v21  }
0x497: {  	v5 =	vand.u32 $0xFFFF0000, v3;
	v28 =	vmul.f32 v28, v10;
	v30 =	vmul.f32 v25, v26;
	v24 =	vpop (erf);
	v25 =	vld [tilespmem:s12+$0xFFFFF5A0];
	[tilespmem:s10+$0x90] =	vst v26  }
0x498: {  	s0 =	simm.s32 $0x1BAA0;
	s5 =	simm.s32 $0x8;
	v10 =	vshll.u32 v23, $0x10;
	v21 =	vmul.f32 v62, v21;
	v32 =	vmul.f32 $1.442695020e+00, v63;
	v26 =	vld [tilespmem:s12+$0xFFFFFFA0];
	[tilespmem:s11+$0x30] =	vst v24  }
.LBB2_18:
0x499: {  	s5 =	sadd.s32 $0x4, s5;
	v31 =	vmul.f32 $1.442695020e+00, v31;
	v19 =	vmul.f32 v19, v2;
	v23 =	vand.u32 $0xFFFF0000, v23;
	[tilespmem:s10+$0xD0] =	vst v30;
	s0 =	sadd.s32 $0x200, s0  }
0x49a: {  	v17 =	vshll.u32 v17, $0x10;
	v20 =	vmul.f32 v20, v1;
	p1 =	slt.u32 s5, $0x4C;
	(erf) = vpow2.f32 v32;
	[tilespmem:s11+$0xF0] =	vst v28;
	v28 =	vpop (erf)  }
0x49b: {  	v22 =	vmul.f32 v22, v12;
	v29 =	vmul.f32 v29, v17;
	[tilespmem:s11+$0xFFFFFF60] =	vst v18  }
0x49c: {  	v27 =	vmul.f32 $1.442695020e+00, v27;
	v14 =	vmul.f32 v14, v28;
	v18 =	vshll.u32 v25, $0x10;
	v30 =	vpop (erf);
	[tilespmem:s11+$0x20] =	vst v28  }
0x49d: {  	v22 =	vmul.f32 $1.442695020e+00, v22;
	v25 =	vand.u32 $0xFFFF0000, v25;
	v28 =	vand.u32 $0xFFFF0000, v26;
	[tilespmem:s10+$0x0] =	vst v30;
	v32 =	vld [tilespmem:s12+$0xFFFFF600]  }
0x49e: {  	v26 =	vshll.u32 v26, $0x10;
	v30 =	vmul.f32 v6, v30;
	(erf) = vpow2.f32 v31;
	v31 =	vld [tilespmem:s12+$0x0];
	[tilespmem:s11+$0xFFFFFFB0] =	vst v16;
	v16 =	vpop (erf)  }
0x49f: {  	v8 =	vmul.f32 v8, v24;
	v6 =	vmov v11;
	(erf) = vpow2.f32 v22;
	[tilespmem:s11+$0xFFFFFFA0] =	vst v16  }
0x4a0: {  	v11 =	vmul.f32 $1.442695020e+00, v29;
	v28 =	vmul.f32 v28, v25;
	[tilespmem:s10+$0x40] =	vst v30  }
0x4a1: {  	v13 =	vmul.f32 v13, v16;
	(erf) = vpow2.f32 v27;
	v24 =	vld [tilespmem:s12+$0xFFFFF5E0];
	[tilespmem:s11+$0xE0] =	vst v21  }
0x4a2: {  	(erf) = vpow2.f32 v11;
	v11 =	vmul.f32 $1.442695020e+00, v28;
	v16 =	vld [tilespmem:s12+$0xFFFFFFE0];
	[tilespmem:s11+$0x70] =	vst v8;
	s12 =	smov.u32 s13  }
0x4a3: {  	v8 =	vmul.f32 v23, v5;
	v22 =	vpop (erf);
	v23 =	vand.u32 $0xFFFF0000, v31;
	[tilespmem:s11+$0xFFFFFFE0] =	vst v13  }
0x4a4: {  	v13 =	vmul.f32 v26, v18;
	v26 =	vshll.u32 v31, $0x10;
	(erf) = vpow2.f32 v11;
	[tilespmem:s11+$0x60] =	vst v14;
	s11 =	smov.u32 s10;
	s10 =	smov.u32 s0  }
0x4a5: {  	v21 =	vshll.u32 v32, $0x10;
	v11 =	vmul.f32 $1.442695020e+00, v19;
	v14 =	vmul.f32 $1.442695020e+00, v8  }
0x4a6: {  	v19 =	vmul.f32 v26, v21;
	v13 =	vmul.f32 $1.442695020e+00, v13  }
0x4a7: {  	v26 =	vand.u32 $0xFFFF0000, v32;
	v8 =	vpop (erf);
	(erf) = vpow2.f32 v11;
	v11 =	vand.u32 $0xFFFF0000, v16  }
0x4a8: {  	v23 =	vmul.f32 v23, v26;
	[tilespmem:s0+$0xFFFFFF10] =	vst v8;
	v27 =	vmul.f32 v7, v8;
	v7 =	vpop (erf);
	v8 =	vand.u32 $0xFFFF0000, v24  }
0x4a9: {  	v16 =	vshll.u32 v16, $0x10;
	v11 =	vmul.f32 v11, v8;
	(erf) = vpow2.f32 v14  }
0x4aa: {  	v14 =	vmul.f32 v15, v22;
	[tilespmem:s0+$0x10] =	vst v7;
	v15 =	vpop (erf);
	(erf) = vpow2.f32 v13  }
0x4ab: {  	s13 =	sadd.s32 $0x80, s13;
	v19 =	vmul.f32 $1.442695020e+00, v19;
	v7 =	vmul.f32 v12, v7;
	[tilespmem:s0+$0xFFFFFF90] =	vst v15;
	v12 =	vpop (erf)  }
0x4ac: {  	v23 =	vmul.f32 $1.442695020e+00, v23;
	v28 =	vld [tilespmem:s13+$0xFFFFFFF0];
	v29 =	vmul.f32 v17, v12;
	[tilespmem:s0+$0xFFFFFFC0] =	vst v14;
	v14 =	vshll.u32 v24, $0x10  }
0x4ad: {  	v9 =	vmul.f32 v9, v15;
	v17 =	vld [tilespmem:s13+$0xFFFFF590];
	[tilespmem:s0+$0x50] =	vst v7;
	v7 =	vmul.f32 v16, v14;
	v15 =	vpop (erf)  }
0x4ae: {  	v13 =	vshll.u32 v3, $0x10;
	[tilespmem:s0+$0xFFFFFF00] =	vst v12;
	v12 =	vmul.f32 $1.442695020e+00, v20;
	(erf) = vpow2.f32 v23  }
0x4af: {  	v11 =	vmul.f32 $1.442695020e+00, v11;
	v3 =	vld [tilespmem:s13+$0xFFFFF5F0];
	[tilespmem:s0+$0xFFFFFF80] =	vst v22;
	(erf) = vpow2.f32 v19  }
0x4b0: {  	v22 =	vld [tilespmem:s13+$0xFFFFFFD0];
	v16 =	vpop (erf);
	(erf) = vpow2.f32 v12;
	[tilespmem:s11+$0xFFFFFF30] =	vst v15;
	v12 =	vmul.f32 $1.442695020e+00, v7  }
0x4b1: {  	v4 =	vmul.f32 v4, v6;
	v23 =	vld [tilespmem:s13+$0xFFFFF5D0];
	v19 =	vshll.u32 v28, $0x10;
	[tilespmem:s0+$0x80] =	vst v16;
	(erf) = vpow2.f32 v11  }
0x4b2: {  	v15 =	vmul.f32 v25, v15;
	v20 =	vand.u32 $0xFFFF0000, v28;
	v11 =	vmul.f32 v2, v16;
	v24 =	vld [tilespmem:s13+$0xFFFFFFB0];
	[tilespmem:s0+$0xFFFFFF40] =	vst v29;
	v16 =	vpop (erf)  }
0x4b3: {  	v10 =	vmul.f32 v10, v13;
	v7 =	vand.u32 $0xFFFF0000, v17;
	v25 =	vld [tilespmem:s13+$0xFFFFF5B0];
	[tilespmem:s0+$0xFFFFFF50] =	vst v27;
	v27 =	vmul.f32 $1.442695020e+00, v4;
	v28 =	vpop (erf)  }
0x4b4: {  	v5 =	vmul.f32 v5, v16;
	v30 =	vld [tilespmem:s13+$0xFFFFFF90];
	v2 =	vshll.u32 v3, $0x10;
	v32 =	vand.u32 $0xFFFF0000, v3;
	[tilespmem:s0+$0xFFFFFFD0] =	vst v9  }
0x4b5: {  	v4 =	vshll.u32 v22, $0x10;
	v22 =	vand.u32 $0xFFFF0000, v22;
	v3 =	vld [tilespmem:s12+$0xFFFFF5C0];
	[tilespmem:s0+$0xC0] =	vst v11;
	(erf) = vpow2.f32 v12  }
0x4b6: {  	v10 =	vmul.f32 $1.442695020e+00, v10;
	v11 =	vshll.u32 v23, $0x10;
	v12 =	vand.u32 $0xFFFF0000, v23;
	v23 =	vld [tilespmem:s12+$0xFFFFFFC0];
	[tilespmem:s11+$0xFFFFFF70] =	vst v15  }
0x4b7: {  	v31 =	vshll.u32 v24, $0x10;
	v24 =	vand.u32 $0xFFFF0000, v24;
	(erf) = vpow2.f32 v27;
	[tilespmem:s11+$0xFFFFFFF0] =	vst v5;
	v33 =	vpop (erf)  }
.Ltmp8:
0x4b8: {  	v18 =	vmul.f32 v18, v28;
	v15 =	vshll.u32 v25, $0x10;
	v9 =	vand.u32 $0xFFFF0000, v25;
	[tilespmem:s11+$0xFFFFFF20] =	vst v28;
	v34 =	vpop (erf);
	(pc) =	sbr.rel @p1 .LBB2_18-.Ltmp8, $4  }
0x4b9: {  	v29 =	vshll.u32 v30, $0x10;
	v27 =	vmul.f32 v24, v9;
	v28 =	vpop (erf);
	[tilespmem:s11+$0xB0] =	vst v33;
	(erf) = vpow2.f32 v10  }
0x4ba: {  	v5 =	vand.u32 $0xFFFF0000, v30;
	v10 =	vmul.f32 v31, v15;
	v30 =	vmul.f32 v1, v28;
	[tilespmem:s11+$0xA0] =	vst v34;
	v24 =	vpop (erf)  }
0x4bb: {  	v31 =	vmul.f32 v5, v7;
	v5 =	vand.u32 $0xFFFF0000, v3;
	v1 =	vmovc v32;
	v25 =	vld [tilespmem:s12+$0xFFFFF5A0];
	[tilespmem:s0+$0x90] =	vst v28;
	v28 =	vmul.f32 v26, v33  }
0x4bc: {  	v21 =	vmul.f32 v21, v34;
	v32 =	vmul.f32 $1.442695020e+00, v10;
	v10 =	vshll.u32 v23, $0x10;
	v26 =	vld [tilespmem:s12+$0xFFFFFFA0];
	[tilespmem:s11+$0x30] =	vst v24  }
0x4bd: {  	v31 =	vmul.f32 $1.442695020e+00, v31  }
0x4be: {  	v19 =	vmul.f32 v19, v2;
	v20 =	vmul.f32 v20, v1  }
0x4bf: {  	v22 =	vmul.f32 v22, v12;
	v27 =	vmul.f32 $1.442695020e+00, v27  }
0x4c0: {  	v17 =	vshll.u32 v17, $0x10;
	v8 =	vmul.f32 v8, v24;
	v4 =	vmul.f32 v4, v11  }
0x4c1: {  	v23 =	vand.u32 $0xFFFF0000, v23;
	(erf) = vpow2.f32 v32;
	v58 =	vpop (erf);
	v29 =	vmul.f32 v29, v17  }
0x4c2: {  	v23 =	vmul.f32 v23, v5;
	v14 =	vmul.f32 v14, v58  }
0x4c3: {  	[tilespmem:s10+$0xD0] =	vst v30;
	v22 =	vmul.f32 $1.442695020e+00, v22;
	(erf) = vpow2.f32 v31  }
0x4c4: {  	v60 =	vld [tilespmem:s12+$0x0];
	v19 =	vmul.f32 $1.442695020e+00, v19;
	v20 =	vmul.f32 $1.442695020e+00, v20  }
0x4c5: {  	[tilespmem:s11+$0xF0] =	vst v28;
	v61 =	vld [tilespmem:s12+$0xFFFFF600];
	v33 =	vpop (erf);
	v30 =	vand.u32 $0xFFFF0000, v25;
	v29 =	vmul.f32 $1.442695020e+00, v29;
	v25 =	vshll.u32 v25, $0x10  }
0x4c6: {  	[tilespmem:s11+$0xFFFFFF60] =	vst v18;
	v23 =	vmul.f32 $1.442695020e+00, v23;
	v6 =	vmul.f32 v6, v33;
	v59 =	vand.u32 $0xFFFF0000, v26  }
0x4c7: {  	[tilespmem:s10+$0x0] =	vst v33;
	(erf) = vpow2.f32 v22;
	v34 =	vshll.u32 v26, $0x10;
	v31 =	vmul.f32 v59, v30  }
0x4c8: {  	v62 =	vpop (erf);
	(erf) = vpow2.f32 v27;
	v26 =	vmul.f32 v34, v25;
	[tilespmem:s10+$0x40] =	vst v6  }
0x4c9: {  	[tilespmem:s11+$0xFFFFFFB0] =	vst v16;
	v13 =	vmul.f32 v13, v62;
	(erf) = vpow2.f32 v29;
	v37 =	vshll.u32 v60, $0x10;
	v63 =	vld [tilespmem:s12+$0xFFFFF5E0]  }
0x4ca: {  	[tilespmem:s11+$0xE0] =	vst v21;
	v28 =	vshll.u32 v61, $0x10;
	v38 =	vand.u32 $0xFFFF0000, v60;
	v35 =	vmul.f32 $1.442695020e+00, v31;
	v36 =	vld [tilespmem:s12+$0xFFFFFFE0]  }
0x4cb: {  	[tilespmem:s11+$0x20] =	vst v58;
	v24 =	vand.u32 $0xFFFF0000, v61;
	v26 =	vmul.f32 $1.442695020e+00, v26;
	v39 =	vmul.f32 v37, v28  }
0x4cc: {  	[tilespmem:s11+$0x70] =	vst v8;
	v18 =	vmul.f32 v38, v24;
	(erf) = vpow2.f32 v35  }
0x4cd: {  	[tilespmem:s11+$0x60] =	vst v14;
	v46 =	vmul.f32 $1.442695020e+00, v39;
	(erf) = vpow2.f32 v19  }
0x4ce: {  	[tilespmem:s11+$0xFFFFFFA0] =	vst v62;
	v18 =	vmul.f32 $1.442695020e+00, v18;
	v40 =	vpop (erf);
	(erf) = vpow2.f32 v23  }
0x4cf: {  	s0 =	sadd.s32 $0x200, s0;
	[tilespmem:s11+$0xFFFFFFE0] =	vst v13;
	v42 =	vpop (erf);
	v15 =	vmul.f32 v15, v40;
	v41 =	vand.u32 $0xFFFF0000, v36;
	v32 =	vand.u32 $0xFFFF0000, v63  }
0x4d0: {  	[tilespmem:s0+$0xFFFFFF80] =	vst v40;
	v44 =	vshll.u32 v36, $0x10;
	(erf) = vpow2.f32 v26;
	v7 =	vmul.f32 v7, v42  }
0x4d1: {  	v47 =	vshll.u32 v63, $0x10;
	[tilespmem:s0+$0xFFFFFF10] =	vst v42;
	v29 =	vmul.f32 v41, v32;
	v43 =	vpop (erf);
	(erf) = vpow2.f32 v18  }
0x4d2: {  	v48 =	vmul.f32 v44, v47;
	[tilespmem:s0+$0xFFFFFFC0] =	vst v15;
	(erf) = vpow2.f32 v46  }
0x4d3: {  	[tilespmem:s0+$0x10] =	vst v43;
	v49 =	vmul.f32 $1.442695020e+00, v29;
	(erf) = vpow2.f32 v20  }
0x4d4: {  	v45 =	vmul.f32 v12, v43;
	v50 =	vpop (erf);
	[tilespmem:s0+$0xFFFFFF50] =	vst v7;
	v51 =	vmul.f32 $1.442695020e+00, v48  }
0x4d5: {  	v4 =	vmul.f32 $1.442695020e+00, v4;
	[tilespmem:s0+$0xFFFFFF90] =	vst v50;
	v52 =	vpop (erf);
	(erf) = vpow2.f32 v49  }
0x4d6: {  	[tilespmem:s0+$0x50] =	vst v45;
	v55 =	vmul.f32 v17, v52;
	(erf) = vpow2.f32 v51;
	v53 =	vpop (erf)  }
0x4d7: {  	v6 =	vmul.f32 v9, v50;
	[tilespmem:s0+$0xFFFFFF00] =	vst v52;
	(erf) = vpow2.f32 v4;
	v54 =	vpop (erf)  }
0x4d8: {  	[tilespmem:s0+$0xFFFFFF40] =	vst v55;
	v56 =	vpop (erf)  }
0x4d9: {  	[tilespmem:s0+$0xFFFFFFD0] =	vst v6;
	v12 =	vld [tilespmem:s13+$0xFFFFF5A0];
	v57 =	vpop (erf)  }
0x4da: {  	v3 =	vshll.u32 v3, $0x10;
	[tilespmem:s10+$0xFFFFFF30] =	vst v53;
	v61 =	vld [tilespmem:s13+$0xFFFFFFA0];
	v62 =	vmul.f32 v30, v53;
	v58 =	vpop (erf)  }
0x4db: {  	v10 =	vmul.f32 v10, v3;
	v2 =	vmul.f32 v2, v54;
	[tilespmem:s0+$0x80] =	vst v54;
	v59 =	vpop (erf)  }
0x4dc: {  	v63 =	vld [tilespmem:s13+$0xFFFFF5C0];
	[tilespmem:s10+$0xFFFFFF70] =	vst v62;
	v60 =	vpop (erf)  }
0x4dd: {  	v10 =	vmul.f32 $1.442695020e+00, v10;
	[tilespmem:s0+$0xC0] =	vst v2;
	v1 =	vmul.f32 v1, v60  }
0x4de: {  	v29 =	vmul.f32 v5, v56;
	v2 =	vld [tilespmem:s13+$0xFFFFFFC0];
	v30 =	vmul.f32 v25, v57;
	[tilespmem:s0+$0x90] =	vst v60;
	v26 =	vpop (erf)  }
0x4df: {  	(erf) = vpow2.f32 v10;
	v34 =	vand.u32 $0xFFFF0000, v12;
	v35 =	vand.u32 $0xFFFF0000, v61;
	v27 =	vpop (erf);
	[tilespmem:s0+$0xD0] =	vst v1  }
0x4e0: {  	[tilespmem:s10+$0xFFFFFFB0] =	vst v56;
	v33 =	vmul.f32 v24, v58;
	v19 =	vmul.f32 v35, v34;
	v31 =	vpop (erf);
	v36 =	vld [tilespmem:s13+$0x0]  }
0x4e1: {  	[tilespmem:s10+$0xFFFFFF20] =	vst v57;
	v37 =	vand.u32 $0xFFFF0000, v63;
	v38 =	vmul.f32 v28, v59;
	v39 =	vld [tilespmem:s13+$0xFFFFF600];
	v1 =	vmul.f32 v11, v31  }
0x4e2: {  	v40 =	vshll.u32 v12, $0x10;
	v43 =	vshll.u32 v61, $0x10;
	v44 =	vmul.f32 $1.442695020e+00, v19;
	[tilespmem:s0+$0x0] =	vst v31  }
0x4e3: {  	v5 =	vmul.f32 v43, v40;
	v46 =	vmul.f32 v32, v26;
	[tilespmem:s0+$0x40] =	vst v1;
	v1 =	vand.u32 $0xFFFF0000, v2  }
0x4e4: {  	[tilespmem:s10+$0xFFFFFFF0] =	vst v29;
	(erf) = vpow2.f32 v44;
	v42 =	vld [tilespmem:s13+$0xFFFFF5E0];
	v1 =	vmul.f32 v1, v37  }
0x4e5: {  	[tilespmem:s10+$0xB0] =	vst v58;
	v5 =	vmul.f32 $1.442695020e+00, v5;
	v41 =	vmul.f32 v47, v27;
	v45 =	vld [tilespmem:s13+$0xFFFFFFE0]  }
0x4e6: {  	[tilespmem:s10+$0xA0] =	vst v59;
	v47 =	vand.u32 $0xFFFF0000, v36;
	v48 =	vand.u32 $0xFFFF0000, v39;
	v1 =	vmul.f32 $1.442695020e+00, v1  }
0x4e7: {  	[tilespmem:s10+$0xFFFFFF60] =	vst v30;
	v6 =	vshll.u32 v36, $0x10;
	v49 =	vshll.u32 v39, $0x10;
	v7 =	vmul.f32 v47, v48  }
0x4e8: {  	[tilespmem:s10+$0xF0] =	vst v33;
	(erf) = vpow2.f32 v1;
	v1 =	vmul.f32 v6, v49  }
0x4e9: {  	[tilespmem:s10+$0xE0] =	vst v38;
	v2 =	vshll.u32 v2, $0x10;
	v7 =	vmul.f32 $1.442695020e+00, v7;
	(erf) = vpow2.f32 v5  }
0x4ea: {  	[tilespmem:s10+$0x30] =	vst v26;
	v50 =	vand.u32 $0xFFFF0000, v45;
	v51 =	vand.u32 $0xFFFF0000, v42;
	v1 =	vmul.f32 $1.442695020e+00, v1  }
0x4eb: {  	[tilespmem:s10+$0x20] =	vst v27;
	v53 =	vpop (erf);
	v52 =	vshll.u32 v45, $0x10;
	v6 =	vmul.f32 v50, v51;
	(erf) = vpow2.f32 v7  }
0x4ec: {  	[tilespmem:s10+$0x70] =	vst v46;
	v54 =	vshll.u32 v42, $0x10;
	(erf) = vpow2.f32 v1;
	v1 =	vmul.f32 v3, v53  }
0x4ed: {  	[tilespmem:s10+$0x60] =	vst v41;
	v55 =	vmul.f32 v52, v54;
	v56 =	vpop (erf);
	v6 =	vmul.f32 $1.442695020e+00, v6;
	v3 =	vshll.u32 v63, $0x10  }
0x4ee: {  	v2 =	vmul.f32 v2, v3;
	[tilespmem:s10+$0xFFFFFFE0] =	vst v1;
	v1 =	vmul.f32 v34, v56  }
0x4ef: {  	[tilespmem:s10+$0xFFFFFFA0] =	vst v53;
	v57 =	vmul.f32 $1.442695020e+00, v55;
	(erf) = vpow2.f32 v6  }
0x4f0: {  	[tilespmem:s0+$0xFFFFFF30] =	vst v56;
	v2 =	vmul.f32 $1.442695020e+00, v2  }
0x4f1: {  	(erf) = vpow2.f32 v57;
	[tilespmem:s0+$0xFFFFFF70] =	vst v1;
	v58 =	vpop (erf)  }
0x4f2: {  	v59 =	vmul.f32 v37, v58;
	v1 =	vpop (erf);
	[tilespmem:s0+$0xFFFFFFB0] =	vst v58  }
0x4f3: {  	(erf) = vpow2.f32 v2;
	[tilespmem:s0+$0xFFFFFF20] =	vst v1  }
0x4f4: {  	v2 =	vpop (erf);
	v1 =	vmul.f32 v40, v1;
	[tilespmem:s0+$0xFFFFFFF0] =	vst v59  }
0x4f5: {  	[tilespmem:s0+$0xB0] =	vst v2  }
0x4f6: {  	v2 =	vmul.f32 v48, v2;
	v60 =	vpop (erf);
	[tilespmem:s0+$0xFFFFFF60] =	vst v1  }
0x4f7: {  	[tilespmem:s0+$0xA0] =	vst v60  }
0x4f8: {  	[tilespmem:s0+$0xF0] =	vst v2;
	v1 =	vmul.f32 v49, v60;
	v61 =	vpop (erf)  }
0x4f9: {  	[tilespmem:s0+$0x30] =	vst v61  }
0x4fa: {  	v2 =	vpop (erf);
	v63 =	vmul.f32 v51, v61;
	[tilespmem:s0+$0xE0] =	vst v1  }
0x4fb: {  	[tilespmem:s0+$0x20] =	vst v2  }
0x4fc: {  	v1 =	vmul.f32 v54, v2;
	v62 =	vpop (erf);
	[tilespmem:s0+$0x70] =	vst v63  }
0x4fd: {  	[tilespmem:s0+$0xFFFFFFA0] =	vst v62;
	v3 =	vmul.f32 v3, v62  }
0x4fe: {  	[tilespmem:s0+$0x60] =	vst v1  }
0x4ff: {  	[tilespmem:s0+$0xFFFFFFE0] =	vst v3  }
0x500: {  	[spmem:s3] =	stream.indirect.scatter.add.f32 [tilespmem:s15], [sflag:$0xA], $0x80, s14, s1, $0xb8;
	[tilespmem:$0x1DFA0] =	vst v63  }
0x501: {  	_ =	swait.ge [sflag:s8], $0x2800  }
0x502: {  	[sflag:s8] =	ssyncset.done $0x0  }
0x503: {  	[sflag:s8] =	ssyncadd.s32 $0xFFFFD800  }
0x504: {  	_ =	swait.ge [sflag:s20], $0x2800  }
0x505: {  	[sflag:s20] =	ssyncset.done $0x0  }
0x506: {  	s0 =	stileid.u32;
	[sflag:s20] =	ssyncadd.s32 $0xFFFFD800  }
0x507: {  	s0 =	sshll.u32 @!p0 s0, $0x6;
	[bflag:$0x0] =	sbarrier.arrive $0xFFFF  }
0x508: {  	s5 =	sshrl.u32 @!p0 s9, $0x3;
	s0 =	sor.u32 @!p0 $0x1C0B, s0;
	s10 =	rddreg [dreg:$0xc]  }
0x509: {  	[hbm:s10], [sflag:s0] =	dma.local @!p0 [spmem:s5], $0x3E80  }
0x50a: {  	s0 =	simm.s32 @!p0 $0xB  }
0x50b: {  	_ =	swait.ge @!p0 [sflag:s0], $0x3E80  }
0x50c: {  	s25 =	rddreg [dreg:$0xe]  }
0x50d: {  	s28 =	rddreg [dreg:$0xd];
	s10 =	sadd.s32 $0x1, s25  }
0x50e: {  	p1 =	sne.s32 s10, s28  }
.Ltmp9:
0x50f: {  	_ = 	snop;
	(pc) =	sbr.rel @p1 .LBB2_1-.Ltmp9, $3  }
0x510: {  	_ =	sdelay $0x1  }
0x511: {  	[sflag:s0] =	ssyncset.done @!p0 $0x0  }
0x512: {  	[sflag:s0] =	ssyncadd.s32 @!p0 $0xFFFFC180  }
0x513: {  	_ =	sfence.sel $0x180000  }
0x514: {  	[bflag:$0x0] =	sbarrier.arrive $0xFFFF  }
0x515: {  	_ =	strace $0x90000047  }
0x516: {  	s0 =	stileid.u32;
	[bflag:$0x2] =	sbarrier.arrive $0xFFFF  }
0x517: {  	p0 =	sne.s32 s0, $0x0;
	s0 =	rddreg [dreg:$0x3]  }
0x518: {  	s0 =	sadd.s32 @!p0 $0x100000, s0  }
0x519: {  	[sflag:s0] =	ssyncadd.tile.s32 @!p0 $0x1;
	_ =	shalt  }
.Lfunc_end2:
_tile_overlayer_lowered:
.L_overlay_start_2:
0x51a: {  	(tag) =	ssettag $0x2  }
0x51b: {  	s0 =	rddreg [dreg:$0x0];
	s2 =	stileid.u32  }
0x51c: {  	s1 =	rddreg [dreg:$0x1];
	p0 =	sne.s32 s2, $0x0  }
0x51d: {  	s3 =	rddreg [dreg:$0x2];
	[bflag:$0x3] =	sbarrier.arrive $0xFFFF;
	s2 =	simm.s32 @!p0 $0x1C0B  }
0x51e: {  	[timem:s3], [sflag:s2] =	dma.local @!p0 [hbm:s0], s1  }
0x51f: {  	s0 =	simm.s32 @!p0 $0xB  }
0x520: {  	_ =	swait.ge @!p0 [sflag:s0], s1  }
0x521: {  	s1 =	ssub.s32 @!p0 $0x0, s1;
	[sflag:s0] =	ssyncset.done @!p0 $0x0  }
0x522: {  	[sflag:s0] =	ssyncadd.s32 @!p0 s1  }
0x523: {  	[bflag:$0x3] =	sbarrier.arrive $0xFFFF  }
0x524: {  	_ =	shalt  }

</sc_bundles>
